<compile_context>
chip_gen: v7x
topology: tpu7x:2x2x1
jax: 0.10.2.dev20260603
libtpu: 0.0.44.dev20260713+nightly
codegen_flags: <defaults>
</compile_context>

<pallas_src>
import jax
import jax.numpy as jnp
from jax import lax
from jax.experimental import pallas as pl
from jax.experimental.pallas import tpu as pltpu
from jax.experimental.pallas import tpu_sc as plsc

N = 10000
E = 320000
F = 128
C = 47

NC = 2
NS = 16
NW = NC * NS
EW = E // NW
CHUNK = 80
NCHUNK = EW // CHUNK
SUB = 25
NSUB = NCHUNK // SUB
NSUBC = 5
CPS = EW // NSUBC
NPAD = 10240
RPT = NPAD // NS

_mesh = plsc.VectorSubcoreMesh(core_axis_name="c", subcore_axis_name="s",
                               num_cores=NC, num_subcores=NS)


def _make_agg():
    scratch = [
        pltpu.VMEM((SUB, CHUNK), jnp.int32),
        pltpu.VMEM((SUB, CHUNK), jnp.int32),
        pltpu.VMEM((CHUNK, F), jnp.float32),
        pltpu.VMEM((CHUNK, F), jnp.float32),
        pltpu.VMEM_SHARED((NPAD, F), jnp.float32),
        pltpu.SemaphoreType.DMA,
        pltpu.SemaphoreType.DMA,
    ]

    def body(table, src3, dst3, zrow, out_sum, src_v, dst_v, buf0, buf1,
             acc, sem0, sem1):
        c = lax.axis_index("c")
        s = lax.axis_index("s")
        wid = c * NS + s
        pltpu.sync_copy(zrow, buf0)
        for k in range(RPT // CHUNK):
            pltpu.sync_copy(buf0, acc.at[pl.ds(s * RPT + k * CHUNK, CHUNK)])
        plsc.subcore_barrier()

        def step(j, carry):
            @pl.when(j % 2 == 0)
            def _():
                pltpu.make_async_copy(
                    table.at[src_v.at[j]], buf0, sem0).wait()

                @pl.when(j < SUB - 1)
                def _():
                    pltpu.async_copy(
                        table.at[src_v.at[j + 1]], buf1, sem1)

                pltpu.sync_copy(buf0, acc.at[dst_v.at[j]], add=True)

            @pl.when(j % 2 == 1)
            def _():
                pltpu.make_async_copy(
                    table.at[src_v.at[j]], buf1, sem1).wait()

                @pl.when(j < SUB - 1)
                def _():
                    pltpu.async_copy(
                        table.at[src_v.at[j + 1]], buf0, sem0)

                pltpu.sync_copy(buf1, acc.at[dst_v.at[j]], add=True)

            return carry

        def super_step(o, carry):
            pltpu.sync_copy(src3.at[wid, o], src_v)
            pltpu.sync_copy(dst3.at[wid, o], dst_v)
            pltpu.async_copy(table.at[src_v.at[0]], buf0, sem0)
            return lax.fori_loop(0, SUB, step, carry)

        lax.fori_loop(0, NSUB, super_step, 0)
        plsc.subcore_barrier()
        for k in range(RPT // CHUNK):
            pltpu.sync_copy(acc.at[pl.ds(s * RPT + k * CHUNK, CHUNK)], buf0)
            pltpu.sync_copy(
                buf0, out_sum.at[c, pl.ds(s * RPT + k * CHUNK, CHUNK)])

    return pl.kernel(
        body,
        out_type=jax.ShapeDtypeStruct((NC, NPAD, F), jnp.float32),
        mesh=_mesh, scratch_types=scratch)


_agg = _make_agg()


def _make_count():
    scratch = [
        pltpu.VMEM((CPS,), jnp.int32),
        pltpu.VMEM((NPAD,), jnp.float32),
        pltpu.VMEM((NPAD,), jnp.float32),
        pltpu.VMEM_SHARED((NS * NPAD,), jnp.float32),
    ]

    def body(dstf, zpriv, out, dst_v, cnt_priv, gbuf, cshared):
        c = lax.axis_index("c")
        s = lax.axis_index("s")
        wid = c * NS + s
        pltpu.sync_copy(zpriv, cnt_priv)
        one16 = jnp.ones((16,), jnp.float32)

        def step(i, carry):
            idx = dst_v[pl.ds(i * 16, 16)]
            plsc.addupdate_scatter(cnt_priv, [idx], one16)
            return carry

        def super_step(o, carry):
            pltpu.sync_copy(dstf.at[pl.ds(wid * EW + o * CPS, CPS)], dst_v)
            lax.fori_loop(0, CPS // 16, step, carry)
            return carry

        lax.fori_loop(0, NSUBC, super_step, 0)
        for r in range(NS):
            pltpu.sync_copy(cnt_priv.at[pl.ds(r * RPT, RPT)],
                            cshared.at[pl.ds((s * NS + r) * RPT, RPT)])
        plsc.subcore_barrier()
        for t in range(NS):
            pltpu.sync_copy(cshared.at[pl.ds((t * NS + s) * RPT, RPT)],
                            gbuf.at[pl.ds(t * RPT, RPT)])

        def red(i, carry):
            v = gbuf[pl.ds(i * 16, 16)]
            for t in range(1, NS):
                v = v + gbuf[pl.ds(t * RPT + i * 16, 16)]
            cnt_priv[pl.ds(i * 16, 16)] = v
            return carry

        lax.fori_loop(0, RPT // 16, red, 0)
        pltpu.sync_copy(cnt_priv.at[pl.ds(0, RPT)],
                        out.at[pl.ds(c * NPAD + s * RPT, RPT)])

    return pl.kernel(
        body,
        out_type=jax.ShapeDtypeStruct((NC * NPAD,), jnp.float32),
        mesh=_mesh,
        compiler_params=pltpu.CompilerParams(needs_layout_passes=False),
        scratch_types=scratch)


_count = _make_count()


_BLK = 1024


def _linear_body(x_ref, wt_ref, b_ref, o_ref):
    o_ref[...] = (jnp.dot(x_ref[...], wt_ref[...],
                          preferred_element_type=jnp.float32) + b_ref[...])


def _linear(x, wt, b):
    return pl.pallas_call(
        _linear_body,
        grid=(NPAD // _BLK,),
        in_specs=[pl.BlockSpec((_BLK, F), lambda i: (i, 0)),
                  pl.BlockSpec((F, F), lambda i: (0, 0)),
                  pl.BlockSpec((1, F), lambda i: (0, 0))],
        out_specs=pl.BlockSpec((_BLK, F), lambda i: (i, 0)),
        out_shape=jax.ShapeDtypeStruct((NPAD, F), jnp.float32),
    )(x, wt, b)


def _mean_mm(p_ref, cnt_ref, h_ref, wlt_ref, bl_ref, wrt_ref):
    pm = p_ref[...]
    cm = cnt_ref[...]
    cnt = (cm[0] + cm[1])[:, None]
    mean = (pm[0] + pm[1]) / jnp.clip(cnt, 1.0, None)
    return (jnp.dot(mean, wlt_ref[...], preferred_element_type=jnp.float32)
            + bl_ref[...]
            + jnp.dot(h_ref[...], wrt_ref[...],
                      preferred_element_type=jnp.float32))


def _combine_mid_body(p_ref, cnt_ref, h_ref, wlt_ref, bl_ref, wrt_ref, o_ref):
    o_ref[...] = jnp.maximum(
        _mean_mm(p_ref, cnt_ref, h_ref, wlt_ref, bl_ref, wrt_ref), 0.0)


def _combine_last_body(p_ref, cnt_ref, h_ref, wlt_ref, bl_ref, wrt_ref,
                       wpt_ref, bp_ref, o_ref):
    h2 = jnp.maximum(
        _mean_mm(p_ref, cnt_ref, h_ref, wlt_ref, bl_ref, wrt_ref), 0.0)
    logits = (jnp.dot(h2, wpt_ref[...], preferred_element_type=jnp.float32)
              + bp_ref[...])
    m = jnp.max(logits, axis=-1, keepdims=True)
    sh = logits - m
    o_ref[...] = sh - jnp.log(jnp.sum(jnp.exp(sh), axis=-1, keepdims=True))


_SPECS_MID = [pl.BlockSpec((NC, _BLK, F), lambda i: (0, i, 0)),
              pl.BlockSpec((NC, _BLK), lambda i: (0, i)),
              pl.BlockSpec((_BLK, F), lambda i: (i, 0)),
              pl.BlockSpec((F, F), lambda i: (0, 0)),
              pl.BlockSpec((1, F), lambda i: (0, 0)),
              pl.BlockSpec((F, F), lambda i: (0, 0))]


def _combine_mid(p, cnt, h, wlt, bl, wrt):
    return pl.pallas_call(
        _combine_mid_body,
        grid=(NPAD // _BLK,),
        in_specs=_SPECS_MID,
        out_specs=pl.BlockSpec((_BLK, F), lambda i: (i, 0)),
        out_shape=jax.ShapeDtypeStruct((NPAD, F), jnp.float32),
    )(p, cnt, h, wlt, bl, wrt)


def _combine_last(p, cnt, h, wlt, bl, wrt, wpt, bp):
    return pl.pallas_call(
        _combine_last_body,
        grid=(NPAD // _BLK,),
        in_specs=_SPECS_MID + [pl.BlockSpec((F, F), lambda i: (0, 0)),
                               pl.BlockSpec((1, F), lambda i: (0, 0))],
        out_specs=pl.BlockSpec((_BLK, F), lambda i: (i, 0)),
        out_shape=jax.ShapeDtypeStruct((NPAD, F), jnp.float32),
    )(p, cnt, h, wlt, bl, wrt, wpt, bp)


def kernel(x, edge_index, W_pre, b_pre, Wl1, bl1, Wr1, Wl2, bl2, Wr2,
           W_post, b_post):
    src3 = edge_index[0].reshape(NW, NSUB, SUB, CHUNK)
    dst3 = edge_index[1].reshape(NW, NSUB, SUB, CHUNK)
    dstf = edge_index[1]
    zrow = jnp.zeros((CHUNK, F), jnp.float32)
    zpriv = jnp.zeros((NPAD,), jnp.float32)

    x_pad = jnp.pad(x, ((0, NPAD - N), (0, 0)))
    wpt = jnp.pad(W_post.T, ((0, 0), (0, F - C)))
    bp = jnp.pad(b_post, (0, F - C), constant_values=-1e30)

    cnt = _count(dstf, zpriv).reshape(NC, NPAD)
    h0 = _linear(x_pad, W_pre.T, b_pre[None])
    s1 = _agg(h0, src3, dst3, zrow)
    h1 = _combine_mid(s1, cnt, h0, Wl1.T, bl1[None], Wr1.T)
    s2 = _agg(h1, src3, dst3, zrow)
    out = _combine_last(s2, cnt, h1, Wl2.T, bl2[None], Wr2.T, wpt, bp[None])
    return out[:N, :C]

# --- scband reference (transcript-rebuilt; emitter-appended) ---
"""Pipeline reference for scband-sagenode-clf-31722628448446 (READ-ONLY COPY).

The authoritative reference and input builder live on the scoring server;
editing this copy changes nothing except your own understanding.
"""

import jax, jax.numpy as jnp
import numpy as np

N = 10000
E = 320000
NFEAT = 128
NHID = 128
NCLASS = 47


def sage_conv(x, src, dst, Wl, bl, Wr, n_nodes):
    # PyG SAGEConv (aggr='mean', root_weight=True):
    # out = lin_l(mean_{j in N(i)} x_j) + lin_r(x_i)
    msg = x[src]
    summed = jax.ops.segment_sum(msg, dst, num_segments=n_nodes)
    cnt = jax.ops.segment_sum(jnp.ones((dst.shape[0],), dtype=x.dtype), dst, num_segments=n_nodes)
    mean = summed / jnp.clip(cnt, 1.0, None)[:, None]
    return mean @ Wl.T + bl + x @ Wr.T


def log_softmax(x, axis=-1):
    m = jnp.max(x, axis=axis, keepdims=True)
    s = x - m
    return s - jnp.log(jnp.sum(jnp.exp(s), axis=axis, keepdims=True))


def setup_inputs(seed: int = 0) -> dict:
    key = jax.random.key(seed)
    ks = jax.random.split(key, 14)
    x = jax.random.normal(ks[0], (N, NFEAT), dtype=jnp.float32)
    edge_index = jax.random.randint(ks[1], (2, E), 0, N, dtype=jnp.int32)
    s_pre = 1.0 / np.sqrt(NFEAT)
    s_hid = 1.0 / np.sqrt(NHID)
    W_pre = jax.random.uniform(ks[2], (NHID, NFEAT), jnp.float32, -s_pre, s_pre)
    b_pre = jax.random.uniform(ks[3], (NHID,), jnp.float32, -s_pre, s_pre)
    Wl1 = jax.random.uniform(ks[4], (NHID, NHID), jnp.float32, -s_hid, s_hid)
    bl1 = jax.random.uniform(ks[5], (NHID,), jnp.float32, -s_hid, s_hid)
    Wr1 = jax.random.uniform(ks[6], (NHID, NHID), jnp.float32, -s_hid, s_hid)
    Wl2 = jax.random.uniform(ks[7], (NHID, NHID), jnp.float32, -s_hid, s_hid)
    bl2 = jax.random.uniform(ks[8], (NHID,), jnp.float32, -s_hid, s_hid)
    Wr2 = jax.random.uniform(ks[9], (NHID, NHID), jnp.float32, -s_hid, s_hid)
    W_post = jax.random.uniform(ks[10], (NCLASS, NHID), jnp.float32, -s_hid, s_hid)
    b_post = jax.random.uniform(ks[11], (NCLASS,), jnp.float32, -s_hid, s_hid)
    return {"x": x, "edge_index": edge_index, "W_pre": W_pre, "b_pre": b_pre,
            "Wl1": Wl1, "bl1": bl1, "Wr1": Wr1, "Wl2": Wl2, "bl2": bl2, "Wr2": Wr2,
            "W_post": W_post, "b_post": b_post}


def reference(x, edge_index, W_pre, b_pre, Wl1, bl1, Wr1, Wl2, bl2, Wr2, W_post, b_post):
    src = edge_index[0]
    dst = edge_index[1]
    h = x @ W_pre.T + b_pre
    h = sage_conv(h, src, dst, Wl1, bl1, Wr1, N)
    h = jax.nn.relu(h)
    # dropout: eval mode -> identity
    h = sage_conv(h, src, dst, Wl2, bl2, Wr2, N)
    h = jax.nn.relu(h)
    logits = h @ W_post.T + b_post
    return log_softmax(logits, axis=1)

if __name__ == "__main__":
    import jax
    _d = setup_inputs()
    print(jax.jit(kernel)(*tuple(_d.values())))

</pallas_src>

<mosaic_0001>
#map = affine_map<(d0, d1) -> (0)>
module attributes {stable_mosaic.version = 14 : i64} {
  func.func @body(%arg0: i32, %arg1: i32, %arg2: memref<320000xi32, #tpu.memory_space<hbm>>, %arg3: memref<10240xf32, #tpu.memory_space<hbm>>, %arg4: memref<20480xf32, #tpu.memory_space<hbm>>, %arg5: memref<2000xi32, #tpu.memory_space<vmem>>, %arg6: memref<10240xf32, #tpu.memory_space<vmem>>, %arg7: memref<10240xf32, #tpu.memory_space<vmem>>, %arg8: memref<163840xf32, #tpu.memory_space<vmem_shared>>) attributes {dimension_semantics = [#tpu.dimension_semantics<core_parallel>, #tpu.dimension_semantics<subcore_parallel>], iteration_bounds = array<i64: 2, 16>, scalar_prefetch = 0 : i64, scratch_operands = 4 : i64, tpu.core_type = #tpu.core_type<sc_vector_subcore>, window_params = [{transform_indices = #map}, {transform_indices = #map}, {transform_indices = #map}]} {
    %mul3A = arith.constant 16 : i32
    %mul3A_0 = arith.muli %arg0, %mul3A : i32
    %add3A = arith.addi %mul3A_0, %arg1 : i32
    "tpu.region"() ({
      %run_scoped3A = tpu.sem_alloc : memref<!tpu.dma_semaphore, #tpu.memory_space<semaphore_mem>>
      tpu.enqueue_dma source(%arg3 : memref<10240xf32, #tpu.memory_space<hbm>>) target(%arg6 : memref<10240xf32, #tpu.memory_space<vmem>>) target_semaphore(%run_scoped3A : memref<!tpu.dma_semaphore, #tpu.memory_space<semaphore_mem>>)
      tpu.wait_dma2 semaphore(%run_scoped3A : memref<!tpu.dma_semaphore, #tpu.memory_space<semaphore_mem>>) src(%arg3 : memref<10240xf32, #tpu.memory_space<hbm>>) dst(%arg6 : memref<10240xf32, #tpu.memory_space<vmem>>)
      tpu.yield
    }) : () -> ()
    %broadcast_in_dim3A = arith.constant 1.000000e+00 : f32
    %broadcast_in_dim3A_1 = vector.broadcast %broadcast_in_dim3A : f32 to vector<16xf32>
    %scan3A = arith.constant 0 : i32
    %scan3A_2 = arith.constant 0 : i32
    %scan3A_3 = arith.constant 5 : i32
    %scan3A_4 = arith.addi %scan3A_2, %scan3A_3 : i32
    %scan3A_5 = arith.constant 1 : i32
    scf.for %scan3A_178 = %scan3A_2 to %scan3A_4 step %scan3A_5  : i32 {
      %mul3A_179 = arith.constant 10000 : i32
      %mul3A_180 = arith.muli %add3A, %mul3A_179 : i32
      %mul3A_181 = arith.constant 2000 : i32
      %mul3A_182 = arith.muli %scan3A_178, %mul3A_181 : i32
      %add3A_183 = arith.addi %mul3A_180, %mul3A_182 : i32
      "tpu.region"() ({
        %run_scoped3A = tpu.sem_alloc : memref<!tpu.dma_semaphore, #tpu.memory_space<semaphore_mem>>
        %dma_start3A = tpu.memref_slice %arg2[%add3A_183] : memref<320000xi32, #tpu.memory_space<hbm>> -> memref<2000xi32, #tpu.memory_space<hbm>>
        %dma_start3A_189 = tpu.memref_slice %arg2[%add3A_183] : memref<320000xi32, #tpu.memory_space<hbm>> -> memref<2000xi32, #tpu.memory_space<hbm>>
        tpu.enqueue_dma source(%dma_start3A_189 : memref<2000xi32, #tpu.memory_space<hbm>>) target(%arg5 : memref<2000xi32, #tpu.memory_space<vmem>>) target_semaphore(%run_scoped3A : memref<!tpu.dma_semaphore, #tpu.memory_space<semaphore_mem>>)
        %dma_wait3A = tpu.memref_slice %arg2[%add3A_183] : memref<320000xi32, #tpu.memory_space<hbm>> -> memref<2000xi32, #tpu.memory_space<hbm>>
        %dma_wait3A_190 = tpu.memref_slice %arg2[%add3A_183] : memref<320000xi32, #tpu.memory_space<hbm>> -> memref<2000xi32, #tpu.memory_space<hbm>>
        tpu.wait_dma2 semaphore(%run_scoped3A : memref<!tpu.dma_semaphore, #tpu.memory_space<semaphore_mem>>) src(%dma_wait3A_190 : memref<2000xi32, #tpu.memory_space<hbm>>) dst(%arg5 : memref<2000xi32, #tpu.memory_space<vmem>>)
        tpu.yield
      }) : () -> ()
      %scan3A_184 = arith.constant 0 : i32
      %scan3A_185 = arith.constant 125 : i32
      %scan3A_186 = arith.addi %scan3A_184, %scan3A_185 : i32
      %scan3A_187 = arith.constant 1 : i32
      scf.for %scan3A_189 = %scan3A_184 to %scan3A_186 step %scan3A_187  : i32 {
        %mul3A_190 = arith.constant 16 : i32
        %mul3A_191 = arith.muli %scan3A_189, %mul3A_190 : i32
        %get3A = arith.index_cast %mul3A_191 : i32 to index
        %get3A_192 = tpu.vector_load %arg5[%get3A] {strides = array<i32>} : memref<2000xi32, #tpu.memory_space<vmem>>, vector<16xi32>,
        tpu.vector_store_idx %arg6[%get3A_192], %broadcast_in_dim3A_1 {add = true} : memref<10240xf32, #tpu.memory_space<vmem>>[vector<16xi32>], vector<16xf32>,
      }
      %scan3A_188 = arith.constant 125 : i32
    }
    %scan3A_6 = arith.constant 5 : i32
    %mul3A_7 = arith.constant 16 : i32
    %mul3A_8 = arith.muli %arg1, %mul3A_7 : i32
    %add3A_9 = arith.constant 0 : i32
    %add3A_10 = arith.addi %mul3A_8, %add3A_9 : i32
    %mul3A_11 = arith.constant 640 : i32
    %mul3A_12 = arith.muli %add3A_10, %mul3A_11 : i32
    "tpu.region"() ({
      %run_scoped3A = tpu.sem_alloc : memref<!tpu.dma_semaphore, #tpu.memory_space<semaphore_mem>>
      %dma_start3A = arith.constant 0 : i32
      %dma_start3A_178 = tpu.memref_slice %arg6[%dma_start3A] : memref<10240xf32, #tpu.memory_space<vmem>> -> memref<640xf32, #tpu.memory_space<vmem>>
      %dma_start3A_179 = tpu.memref_slice %arg8[%mul3A_12] : memref<163840xf32, #tpu.memory_space<vmem_shared>> -> memref<640xf32, #tpu.memory_space<vmem_shared>>
      %dma_start3A_180 = tpu.memref_slice %arg8[%mul3A_12] : memref<163840xf32, #tpu.memory_space<vmem_shared>> -> memref<640xf32, #tpu.memory_space<vmem_shared>>
      %dma_start3A_181 = arith.constant 0 : i32
      %dma_start3A_182 = tpu.memref_slice %arg6[%dma_start3A_181] : memref<10240xf32, #tpu.memory_space<vmem>> -> memref<640xf32, #tpu.memory_space<vmem>>
      tpu.enqueue_dma source(%dma_start3A_182 : memref<640xf32, #tpu.memory_space<vmem>>) target(%dma_start3A_180 : memref<640xf32, #tpu.memory_space<vmem_shared>>) target_semaphore(%run_scoped3A : memref<!tpu.dma_semaphore, #tpu.memory_space<semaphore_mem>>)
      %dma_wait3A = arith.constant 0 : i32
      %dma_wait3A_183 = tpu.memref_slice %arg6[%dma_wait3A] : memref<10240xf32, #tpu.memory_space<vmem>> -> memref<640xf32, #tpu.memory_space<vmem>>
      %dma_wait3A_184 = tpu.memref_slice %arg8[%mul3A_12] : memref<163840xf32, #tpu.memory_space<vmem_shared>> -> memref<640xf32, #tpu.memory_space<vmem_shared>>
      %dma_wait3A_185 = tpu.memref_slice %arg8[%mul3A_12] : memref<163840xf32, #tpu.memory_space<vmem_shared>> -> memref<640xf32, #tpu.memory_space<vmem_shared>>
      %dma_wait3A_186 = arith.constant 0 : i32
      %dma_wait3A_187 = tpu.memref_slice %arg6[%dma_wait3A_186] : memref<10240xf32, #tpu.memory_space<vmem>> -> memref<640xf32, #tpu.memory_space<vmem>>
      tpu.wait_dma2 semaphore(%run_scoped3A : memref<!tpu.dma_semaphore, #tpu.memory_space<semaphore_mem>>) src(%dma_wait3A_187 : memref<640xf32, #tpu.memory_space<vmem>>) dst(%dma_wait3A_185 : memref<640xf32, #tpu.memory_space<vmem_shared>>)
      tpu.yield
    }) : () -> ()
    %mul3A_13 = arith.constant 16 : i32
    %mul3A_14 = arith.muli %arg1, %mul3A_13 : i32
    %add3A_15 = arith.constant 1 : i32
    %add3A_16 = arith.addi %mul3A_14, %add3A_15 : i32
    %mul3A_17 = arith.constant 640 : i32
    %mul3A_18 = arith.muli %add3A_16, %mul3A_17 : i32
    "tpu.region"() ({
      %run_scoped3A = tpu.sem_alloc : memref<!tpu.dma_semaphore, #tpu.memory_space<semaphore_mem>>
      %dma_start3A = arith.constant 640 : i32
      %dma_start3A_178 = tpu.memref_slice %arg6[%dma_start3A] : memref<10240xf32, #tpu.memory_space<vmem>> -> memref<640xf32, #tpu.memory_space<vmem>>
      %dma_start3A_179 = tpu.memref_slice %arg8[%mul3A_18] : memref<163840xf32, #tpu.memory_space<vmem_shared>> -> memref<640xf32, #tpu.memory_space<vmem_shared>>
      %dma_start3A_180 = tpu.memref_slice %arg8[%mul3A_18] : memref<163840xf32, #tpu.memory_space<vmem_shared>> -> memref<640xf32, #tpu.memory_space<vmem_shared>>
      %dma_start3A_181 = arith.constant 640 : i32
      %dma_start3A_182 = tpu.memref_slice %arg6[%dma_start3A_181] : memref<10240xf32, #tpu.memory_space<vmem>> -> memref<640xf32, #tpu.memory_space<vmem>>
      tpu.enqueue_dma source(%dma_start3A_182 : memref<640xf32, #tpu.memory_space<vmem>>) target(%dma_start3A_180 : memref<640xf32, #tpu.memory_space<vmem_shared>>) target_semaphore(%run_scoped3A : memref<!tpu.dma_semaphore, #tpu.memory_space<semaphore_mem>>)
      %dma_wait3A = arith.constant 640 : i32
      %dma_wait3A_183 = tpu.memref_slice %arg6[%dma_wait3A] : memref<10240xf32, #tpu.memory_space<vmem>> -> memref<640xf32, #tpu.memory_space<vmem>>
      %dma_wait3A_184 = tpu.memref_slice %arg8[%mul3A_18] : memref<163840xf32, #tpu.memory_space<vmem_shared>> -> memref<640xf32, #tpu.memory_space<vmem_shared>>
      %dma_wait3A_185 = tpu.memref_slice %arg8[%mul3A_18] : memref<163840xf32, #tpu.memory_space<vmem_shared>> -> memref<640xf32, #tpu.memory_space<vmem_shared>>
      %dma_wait3A_186 = arith.constant 640 : i32
      %dma_wait3A_187 = tpu.memref_slice %arg6[%dma_wait3A_186] : memref<10240xf32, #tpu.memory_space<vmem>> -> memref<640xf32, #tpu.memory_space<vmem>>
      tpu.wait_dma2 semaphore(%run_scoped3A : memref<!tpu.dma_semaphore, #tpu.memory_space<semaphore_mem>>) src(%dma_wait3A_187 : memref<640xf32, #tpu.memory_space<vmem>>) dst(%dma_wait3A_185 : memref<640xf32, #tpu.memory_space<vmem_shared>>)
      tpu.yield
    }) : () -> ()
    %mul3A_19 = arith.constant 16 : i32
    %mul3A_20 = arith.muli %arg1, %mul3A_19 : i32
    %add3A_21 = arith.constant 2 : i32
    %add3A_22 = arith.addi %mul3A_20, %add3A_21 : i32
    %mul3A_23 = arith.constant 640 : i32
    %mul3A_24 = arith.muli %add3A_22, %mul3A_23 : i32
    "tpu.region"() ({
      %run_scoped3A = tpu.sem_alloc : memref<!tpu.dma_semaphore, #tpu.memory_space<semaphore_mem>>
      %dma_start3A = arith.constant 1280 : i32
      %dma_start3A_178 = tpu.memref_slice %arg6[%dma_start3A] : memref<10240xf32, #tpu.memory_space<vmem>> -> memref<640xf32, #tpu.memory_space<vmem>>
      %dma_start3A_179 = tpu.memref_slice %arg8[%mul3A_24] : memref<163840xf32, #tpu.memory_space<vmem_shared>> -> memref<640xf32, #tpu.memory_space<vmem_shared>>
      %dma_start3A_180 = tpu.memref_slice %arg8[%mul3A_24] : memref<163840xf32, #tpu.memory_space<vmem_shared>> -> memref<640xf32, #tpu.memory_space<vmem_shared>>
      %dma_start3A_181 = arith.constant 1280 : i32
      %dma_start3A_182 = tpu.memref_slice %arg6[%dma_start3A_181] : memref<10240xf32, #tpu.memory_space<vmem>> -> memref<640xf32, #tpu.memory_space<vmem>>
      tpu.enqueue_dma source(%dma_start3A_182 : memref<640xf32, #tpu.memory_space<vmem>>) target(%dma_start3A_180 : memref<640xf32, #tpu.memory_space<vmem_shared>>) target_semaphore(%run_scoped3A : memref<!tpu.dma_semaphore, #tpu.memory_space<semaphore_mem>>)
      %dma_wait3A = arith.constant 1280 : i32
      %dma_wait3A_183 = tpu.memref_slice %arg6[%dma_wait3A] : memref<10240xf32, #tpu.memory_space<vmem>> -> memref<640xf32, #tpu.memory_space<vmem>>
      %dma_wait3A_184 = tpu.memref_slice %arg8[%mul3A_24] : memref<163840xf32, #tpu.memory_space<vmem_shared>> -> memref<640xf32, #tpu.memory_space<vmem_shared>>
      %dma_wait3A_185 = tpu.memref_slice %arg8[%mul3A_24] : memref<163840xf32, #tpu.memory_space<vmem_shared>> -> memref<640xf32, #tpu.memory_space<vmem_shared>>
      %dma_wait3A_186 = arith.constant 1280 : i32
      %dma_wait3A_187 = tpu.memref_slice %arg6[%dma_wait3A_186] : memref<10240xf32, #tpu.memory_space<vmem>> -> memref<640xf32, #tpu.memory_space<vmem>>
      tpu.wait_dma2 semaphore(%run_scoped3A : memref<!tpu.dma_semaphore, #tpu.memory_space<semaphore_mem>>) src(%dma_wait3A_187 : memref<640xf32, #tpu.memory_space<vmem>>) dst(%dma_wait3A_185 : memref<640xf32, #tpu.memory_space<vmem_shared>>)
      tpu.yield
    }) : () -> ()
    %mul3A_25 = arith.constant 16 : i32
    %mul3A_26 = arith.muli %arg1, %mul3A_25 : i32
    %add3A_27 = arith.constant 3 : i32
    %add3A_28 = arith.addi %mul3A_26, %add3A_27 : i32
    %mul3A_29 = arith.constant 640 : i32
    %mul3A_30 = arith.muli %add3A_28, %mul3A_29 : i32
    "tpu.region"() ({
      %run_scoped3A = tpu.sem_alloc : memref<!tpu.dma_semaphore, #tpu.memory_space<semaphore_mem>>
      %dma_start3A = arith.constant 1920 : i32
      %dma_start3A_178 = tpu.memref_slice %arg6[%dma_start3A] : memref<10240xf32, #tpu.memory_space<vmem>> -> memref<640xf32, #tpu.memory_space<vmem>>
      %dma_start3A_179 = tpu.memref_slice %arg8[%mul3A_30] : memref<163840xf32, #tpu.memory_space<vmem_shared>> -> memref<640xf32, #tpu.memory_space<vmem_shared>>
      %dma_start3A_180 = tpu.memref_slice %arg8[%mul3A_30] : memref<163840xf32, #tpu.memory_space<vmem_shared>> -> memref<640xf32, #tpu.memory_space<vmem_shared>>
      %dma_start3A_181 = arith.constant 1920 : i32
      %dma_start3A_182 = tpu.memref_slice %arg6[%dma_start3A_181] : memref<10240xf32, #tpu.memory_space<vmem>> -> memref<640xf32, #tpu.memory_space<vmem>>
      tpu.enqueue_dma source(%dma_start3A_182 : memref<640xf32, #tpu.memory_space<vmem>>) target(%dma_start3A_180 : memref<640xf32, #tpu.memory_space<vmem_shared>>) target_semaphore(%run_scoped3A : memref<!tpu.dma_semaphore, #tpu.memory_space<semaphore_mem>>)
      %dma_wait3A = arith.constant 1920 : i32
      %dma_wait3A_183 = tpu.memref_slice %arg6[%dma_wait3A] : memref<10240xf32, #tpu.memory_space<vmem>> -> memref<640xf32, #tpu.memory_space<vmem>>
      %dma_wait3A_184 = tpu.memref_slice %arg8[%mul3A_30] : memref<163840xf32, #tpu.memory_space<vmem_shared>> -> memref<640xf32, #tpu.memory_space<vmem_shared>>
      %dma_wait3A_185 = tpu.memref_slice %arg8[%mul3A_30] : memref<163840xf32, #tpu.memory_space<vmem_shared>> -> memref<640xf32, #tpu.memory_space<vmem_shared>>
      %dma_wait3A_186 = arith.constant 1920 : i32
      %dma_wait3A_187 = tpu.memref_slice %arg6[%dma_wait3A_186] : memref<10240xf32, #tpu.memory_space<vmem>> -> memref<640xf32, #tpu.memory_space<vmem>>
      tpu.wait_dma2 semaphore(%run_scoped3A : memref<!tpu.dma_semaphore, #tpu.memory_space<semaphore_mem>>) src(%dma_wait3A_187 : memref<640xf32, #tpu.memory_space<vmem>>) dst(%dma_wait3A_185 : memref<640xf32, #tpu.memory_space<vmem_shared>>)
      tpu.yield
    }) : () -> ()
    %mul3A_31 = arith.constant 16 : i32
    %mul3A_32 = arith.muli %arg1, %mul3A_31 : i32
    %add3A_33 = arith.constant 4 : i32
    %add3A_34 = arith.addi %mul3A_32, %add3A_33 : i32
    %mul3A_35 = arith.constant 640 : i32
    %mul3A_36 = arith.muli %add3A_34, %mul3A_35 : i32
    "tpu.region"() ({
      %run_scoped3A = tpu.sem_alloc : memref<!tpu.dma_semaphore, #tpu.memory_space<semaphore_mem>>
      %dma_start3A = arith.constant 2560 : i32
      %dma_start3A_178 = tpu.memref_slice %arg6[%dma_start3A] : memref<10240xf32, #tpu.memory_space<vmem>> -> memref<640xf32, #tpu.memory_space<vmem>>
      %dma_start3A_179 = tpu.memref_slice %arg8[%mul3A_36] : memref<163840xf32, #tpu.memory_space<vmem_shared>> -> memref<640xf32, #tpu.memory_space<vmem_shared>>
      %dma_start3A_180 = tpu.memref_slice %arg8[%mul3A_36] : memref<163840xf32, #tpu.memory_space<vmem_shared>> -> memref<640xf32, #tpu.memory_space<vmem_shared>>
      %dma_start3A_181 = arith.constant 2560 : i32
      %dma_start3A_182 = tpu.memref_slice %arg6[%dma_start3A_181] : memref<10240xf32, #tpu.memory_space<vmem>> -> memref<640xf32, #tpu.memory_space<vmem>>
      tpu.enqueue_dma source(%dma_start3A_182 : memref<640xf32, #tpu.memory_space<vmem>>) target(%dma_start3A_180 : memref<640xf32, #tpu.memory_space<vmem_shared>>) target_semaphore(%run_scoped3A : memref<!tpu.dma_semaphore, #tpu.memory_space<semaphore_mem>>)
      %dma_wait3A = arith.constant 2560 : i32
      %dma_wait3A_183 = tpu.memref_slice %arg6[%dma_wait3A] : memref<10240xf32, #tpu.memory_space<vmem>> -> memref<640xf32, #tpu.memory_space<vmem>>
      %dma_wait3A_184 = tpu.memref_slice %arg8[%mul3A_36] : memref<163840xf32, #tpu.memory_space<vmem_shared>> -> memref<640xf32, #tpu.memory_space<vmem_shared>>
      %dma_wait3A_185 = tpu.memref_slice %arg8[%mul3A_36] : memref<163840xf32, #tpu.memory_space<vmem_shared>> -> memref<640xf32, #tpu.memory_space<vmem_shared>>
      %dma_wait3A_186 = arith.constant 2560 : i32
      %dma_wait3A_187 = tpu.memref_slice %arg6[%dma_wait3A_186] : memref<10240xf32, #tpu.memory_space<vmem>> -> memref<640xf32, #tpu.memory_space<vmem>>
      tpu.wait_dma2 semaphore(%run_scoped3A : memref<!tpu.dma_semaphore, #tpu.memory_space<semaphore_mem>>) src(%dma_wait3A_187 : memref<640xf32, #tpu.memory_space<vmem>>) dst(%dma_wait3A_185 : memref<640xf32, #tpu.memory_space<vmem_shared>>)
      tpu.yield
    }) : () -> ()
    %mul3A_37 = arith.constant 16 : i32
    %mul3A_38 = arith.muli %arg1, %mul3A_37 : i32
    %add3A_39 = arith.constant 5 : i32
    %add3A_40 = arith.addi %mul3A_38, %add3A_39 : i32
    %mul3A_41 = arith.constant 640 : i32
    %mul3A_42 = arith.muli %add3A_40, %mul3A_41 : i32
    "tpu.region"() ({
      %run_scoped3A = tpu.sem_alloc : memref<!tpu.dma_semaphore, #tpu.memory_space<semaphore_mem>>
      %dma_start3A = arith.constant 3200 : i32
      %dma_start3A_178 = tpu.memref_slice %arg6[%dma_start3A] : memref<10240xf32, #tpu.memory_space<vmem>> -> memref<640xf32, #tpu.memory_space<vmem>>
      %dma_start3A_179 = tpu.memref_slice %arg8[%mul3A_42] : memref<163840xf32, #tpu.memory_space<vmem_shared>> -> memref<640xf32, #tpu.memory_space<vmem_shared>>
      %dma_start3A_180 = tpu.memref_slice %arg8[%mul3A_42] : memref<163840xf32, #tpu.memory_space<vmem_shared>> -> memref<640xf32, #tpu.memory_space<vmem_shared>>
      %dma_start3A_181 = arith.constant 3200 : i32
      %dma_start3A_182 = tpu.memref_slice %arg6[%dma_start3A_181] : memref<10240xf32, #tpu.memory_space<vmem>> -> memref<640xf32, #tpu.memory_space<vmem>>
      tpu.enqueue_dma source(%dma_start3A_182 : memref<640xf32, #tpu.memory_space<vmem>>) target(%dma_start3A_180 : memref<640xf32, #tpu.memory_space<vmem_shared>>) target_semaphore(%run_scoped3A : memref<!tpu.dma_semaphore, #tpu.memory_space<semaphore_mem>>)
      %dma_wait3A = arith.constant 3200 : i32
      %dma_wait3A_183 = tpu.memref_slice %arg6[%dma_wait3A] : memref<10240xf32, #tpu.memory_space<vmem>> -> memref<640xf32, #tpu.memory_space<vmem>>
      %dma_wait3A_184 = tpu.memref_slice %arg8[%mul3A_42] : memref<163840xf32, #tpu.memory_space<vmem_shared>> -> memref<640xf32, #tpu.memory_space<vmem_shared>>
      %dma_wait3A_185 = tpu.memref_slice %arg8[%mul3A_42] : memref<163840xf32, #tpu.memory_space<vmem_shared>> -> memref<640xf32, #tpu.memory_space<vmem_shared>>
      %dma_wait3A_186 = arith.constant 3200 : i32
      %dma_wait3A_187 = tpu.memref_slice %arg6[%dma_wait3A_186] : memref<10240xf32, #tpu.memory_space<vmem>> -> memref<640xf32, #tpu.memory_space<vmem>>
      tpu.wait_dma2 semaphore(%run_scoped3A : memref<!tpu.dma_semaphore, #tpu.memory_space<semaphore_mem>>) src(%dma_wait3A_187 : memref<640xf32, #tpu.memory_space<vmem>>) dst(%dma_wait3A_185 : memref<640xf32, #tpu.memory_space<vmem_shared>>)
      tpu.yield
    }) : () -> ()
    %mul3A_43 = arith.constant 16 : i32
    %mul3A_44 = arith.muli %arg1, %mul3A_43 : i32
    %add3A_45 = arith.constant 6 : i32
    %add3A_46 = arith.addi %mul3A_44, %add3A_45 : i32
    %mul3A_47 = arith.constant 640 : i32
    %mul3A_48 = arith.muli %add3A_46, %mul3A_47 : i32
    "tpu.region"() ({
      %run_scoped3A = tpu.sem_alloc : memref<!tpu.dma_semaphore, #tpu.memory_space<semaphore_mem>>
      %dma_start3A = arith.constant 3840 : i32
      %dma_start3A_178 = tpu.memref_slice %arg6[%dma_start3A] : memref<10240xf32, #tpu.memory_space<vmem>> -> memref<640xf32, #tpu.memory_space<vmem>>
      %dma_start3A_179 = tpu.memref_slice %arg8[%mul3A_48] : memref<163840xf32, #tpu.memory_space<vmem_shared>> -> memref<640xf32, #tpu.memory_space<vmem_shared>>
      %dma_start3A_180 = tpu.memref_slice %arg8[%mul3A_48] : memref<163840xf32, #tpu.memory_space<vmem_shared>> -> memref<640xf32, #tpu.memory_space<vmem_shared>>
      %dma_start3A_181 = arith.constant 3840 : i32
      %dma_start3A_182 = tpu.memref_slice %arg6[%dma_start3A_181] : memref<10240xf32, #tpu.memory_space<vmem>> -> memref<640xf32, #tpu.memory_space<vmem>>
      tpu.enqueue_dma source(%dma_start3A_182 : memref<640xf32, #tpu.memory_space<vmem>>) target(%dma_start3A_180 : memref<640xf32, #tpu.memory_space<vmem_shared>>) target_semaphore(%run_scoped3A : memref<!tpu.dma_semaphore, #tpu.memory_space<semaphore_mem>>)
      %dma_wait3A = arith.constant 3840 : i32
      %dma_wait3A_183 = tpu.memref_slice %arg6[%dma_wait3A] : memref<10240xf32, #tpu.memory_space<vmem>> -> memref<640xf32, #tpu.memory_space<vmem>>
      %dma_wait3A_184 = tpu.memref_slice %arg8[%mul3A_48] : memref<163840xf32, #tpu.memory_space<vmem_shared>> -> memref<640xf32, #tpu.memory_space<vmem_shared>>
      %dma_wait3A_185 = tpu.memref_slice %arg8[%mul3A_48] : memref<163840xf32, #tpu.memory_space<vmem_shared>> -> memref<640xf32, #tpu.memory_space<vmem_shared>>
      %dma_wait3A_186 = arith.constant 3840 : i32
      %dma_wait3A_187 = tpu.memref_slice %arg6[%dma_wait3A_186] : memref<10240xf32, #tpu.memory_space<vmem>> -> memref<640xf32, #tpu.memory_space<vmem>>
      tpu.wait_dma2 semaphore(%run_scoped3A : memref<!tpu.dma_semaphore, #tpu.memory_space<semaphore_mem>>) src(%dma_wait3A_187 : memref<640xf32, #tpu.memory_space<vmem>>) dst(%dma_wait3A_185 : memref<640xf32, #tpu.memory_space<vmem_shared>>)
      tpu.yield
    }) : () -> ()
    %mul3A_49 = arith.constant 16 : i32
    %mul3A_50 = arith.muli %arg1, %mul3A_49 : i32
    %add3A_51 = arith.constant 7 : i32
    %add3A_52 = arith.addi %mul3A_50, %add3A_51 : i32
    %mul3A_53 = arith.constant 640 : i32
    %mul3A_54 = arith.muli %add3A_52, %mul3A_53 : i32
    "tpu.region"() ({
      %run_scoped3A = tpu.sem_alloc : memref<!tpu.dma_semaphore, #tpu.memory_space<semaphore_mem>>
      %dma_start3A = arith.constant 4480 : i32
      %dma_start3A_178 = tpu.memref_slice %arg6[%dma_start3A] : memref<10240xf32, #tpu.memory_space<vmem>> -> memref<640xf32, #tpu.memory_space<vmem>>
      %dma_start3A_179 = tpu.memref_slice %arg8[%mul3A_54] : memref<163840xf32, #tpu.memory_space<vmem_shared>> -> memref<640xf32, #tpu.memory_space<vmem_shared>>
      %dma_start3A_180 = tpu.memref_slice %arg8[%mul3A_54] : memref<163840xf32, #tpu.memory_space<vmem_shared>> -> memref<640xf32, #tpu.memory_space<vmem_shared>>
      %dma_start3A_181 = arith.constant 4480 : i32
      %dma_start3A_182 = tpu.memref_slice %arg6[%dma_start3A_181] : memref<10240xf32, #tpu.memory_space<vmem>> -> memref<640xf32, #tpu.memory_space<vmem>>
      tpu.enqueue_dma source(%dma_start3A_182 : memref<640xf32, #tpu.memory_space<vmem>>) target(%dma_start3A_180 : memref<640xf32, #tpu.memory_space<vmem_shared>>) target_semaphore(%run_scoped3A : memref<!tpu.dma_semaphore, #tpu.memory_space<semaphore_mem>>)
      %dma_wait3A = arith.constant 4480 : i32
      %dma_wait3A_183 = tpu.memref_slice %arg6[%dma_wait3A] : memref<10240xf32, #tpu.memory_space<vmem>> -> memref<640xf32, #tpu.memory_space<vmem>>
      %dma_wait3A_184 = tpu.memref_slice %arg8[%mul3A_54] : memref<163840xf32, #tpu.memory_space<vmem_shared>> -> memref<640xf32, #tpu.memory_space<vmem_shared>>
      %dma_wait3A_185 = tpu.memref_slice %arg8[%mul3A_54] : memref<163840xf32, #tpu.memory_space<vmem_shared>> -> memref<640xf32, #tpu.memory_space<vmem_shared>>
      %dma_wait3A_186 = arith.constant 4480 : i32
      %dma_wait3A_187 = tpu.memref_slice %arg6[%dma_wait3A_186] : memref<10240xf32, #tpu.memory_space<vmem>> -> memref<640xf32, #tpu.memory_space<vmem>>
      tpu.wait_dma2 semaphore(%run_scoped3A : memref<!tpu.dma_semaphore, #tpu.memory_space<semaphore_mem>>) src(%dma_wait3A_187 : memref<640xf32, #tpu.memory_space<vmem>>) dst(%dma_wait3A_185 : memref<640xf32, #tpu.memory_space<vmem_shared>>)
      tpu.yield
    }) : () -> ()
    %mul3A_55 = arith.constant 16 : i32
    %mul3A_56 = arith.muli %arg1, %mul3A_55 : i32
    %add3A_57 = arith.constant 8 : i32
    %add3A_58 = arith.addi %mul3A_56, %add3A_57 : i32
    %mul3A_59 = arith.constant 640 : i32
    %mul3A_60 = arith.muli %add3A_58, %mul3A_59 : i32
    "tpu.region"() ({
      %run_scoped3A = tpu.sem_alloc : memref<!tpu.dma_semaphore, #tpu.memory_space<semaphore_mem>>
      %dma_start3A = arith.constant 5120 : i32
      %dma_start3A_178 = tpu.memref_slice %arg6[%dma_start3A] : memref<10240xf32, #tpu.memory_space<vmem>> -> memref<640xf32, #tpu.memory_space<vmem>>
      %dma_start3A_179 = tpu.memref_slice %arg8[%mul3A_60] : memref<163840xf32, #tpu.memory_space<vmem_shared>> -> memref<640xf32, #tpu.memory_space<vmem_shared>>
      %dma_start3A_180 = tpu.memref_slice %arg8[%mul3A_60] : memref<163840xf32, #tpu.memory_space<vmem_shared>> -> memref<640xf32, #tpu.memory_space<vmem_shared>>
      %dma_start3A_181 = arith.constant 5120 : i32
      %dma_start3A_182 = tpu.memref_slice %arg6[%dma_start3A_181] : memref<10240xf32, #tpu.memory_space<vmem>> -> memref<640xf32, #tpu.memory_space<vmem>>
      tpu.enqueue_dma source(%dma_start3A_182 : memref<640xf32, #tpu.memory_space<vmem>>) target(%dma_start3A_180 : memref<640xf32, #tpu.memory_space<vmem_shared>>) target_semaphore(%run_scoped3A : memref<!tpu.dma_semaphore, #tpu.memory_space<semaphore_mem>>)
      %dma_wait3A = arith.constant 5120 : i32
      %dma_wait3A_183 = tpu.memref_slice %arg6[%dma_wait3A] : memref<10240xf32, #tpu.memory_space<vmem>> -> memref<640xf32, #tpu.memory_space<vmem>>
      %dma_wait3A_184 = tpu.memref_slice %arg8[%mul3A_60] : memref<163840xf32, #tpu.memory_space<vmem_shared>> -> memref<640xf32, #tpu.memory_space<vmem_shared>>
      %dma_wait3A_185 = tpu.memref_slice %arg8[%mul3A_60] : memref<163840xf32, #tpu.memory_space<vmem_shared>> -> memref<640xf32, #tpu.memory_space<vmem_shared>>
      %dma_wait3A_186 = arith.constant 5120 : i32
      %dma_wait3A_187 = tpu.memref_slice %arg6[%dma_wait3A_186] : memref<10240xf32, #tpu.memory_space<vmem>> -> memref<640xf32, #tpu.memory_space<vmem>>
      tpu.wait_dma2 semaphore(%run_scoped3A : memref<!tpu.dma_semaphore, #tpu.memory_space<semaphore_mem>>) src(%dma_wait3A_187 : memref<640xf32, #tpu.memory_space<vmem>>) dst(%dma_wait3A_185 : memref<640xf32, #tpu.memory_space<vmem_shared>>)
      tpu.yield
    }) : () -> ()
    %mul3A_61 = arith.constant 16 : i32
    %mul3A_62 = arith.muli %arg1, %mul3A_61 : i32
    %add3A_63 = arith.constant 9 : i32
    %add3A_64 = arith.addi %mul3A_62, %add3A_63 : i32
    %mul3A_65 = arith.constant 640 : i32
    %mul3A_66 = arith.muli %add3A_64, %mul3A_65 : i32
    "tpu.region"() ({
      %run_scoped3A = tpu.sem_alloc : memref<!tpu.dma_semaphore, #tpu.memory_space<semaphore_mem>>
      %dma_start3A = arith.constant 5760 : i32
      %dma_start3A_178 = tpu.memref_slice %arg6[%dma_start3A] : memref<10240xf32, #tpu.memory_space<vmem>> -> memref<640xf32, #tpu.memory_space<vmem>>
      %dma_start3A_179 = tpu.memref_slice %arg8[%mul3A_66] : memref<163840xf32, #tpu.memory_space<vmem_shared>> -> memref<640xf32, #tpu.memory_space<vmem_shared>>
      %dma_start3A_180 = tpu.memref_slice %arg8[%mul3A_66] : memref<163840xf32, #tpu.memory_space<vmem_shared>> -> memref<640xf32, #tpu.memory_space<vmem_shared>>
      %dma_start3A_181 = arith.constant 5760 : i32
      %dma_start3A_182 = tpu.memref_slice %arg6[%dma_start3A_181] : memref<10240xf32, #tpu.memory_space<vmem>> -> memref<640xf32, #tpu.memory_space<vmem>>
      tpu.enqueue_dma source(%dma_start3A_182 : memref<640xf32, #tpu.memory_space<vmem>>) target(%dma_start3A_180 : memref<640xf32, #tpu.memory_space<vmem_shared>>) target_semaphore(%run_scoped3A : memref<!tpu.dma_semaphore, #tpu.memory_space<semaphore_mem>>)
      %dma_wait3A = arith.constant 5760 : i32
      %dma_wait3A_183 = tpu.memref_slice %arg6[%dma_wait3A] : memref<10240xf32, #tpu.memory_space<vmem>> -> memref<640xf32, #tpu.memory_space<vmem>>
      %dma_wait3A_184 = tpu.memref_slice %arg8[%mul3A_66] : memref<163840xf32, #tpu.memory_space<vmem_shared>> -> memref<640xf32, #tpu.memory_space<vmem_shared>>
      %dma_wait3A_185 = tpu.memref_slice %arg8[%mul3A_66] : memref<163840xf32, #tpu.memory_space<vmem_shared>> -> memref<640xf32, #tpu.memory_space<vmem_shared>>
      %dma_wait3A_186 = arith.constant 5760 : i32
      %dma_wait3A_187 = tpu.memref_slice %arg6[%dma_wait3A_186] : memref<10240xf32, #tpu.memory_space<vmem>> -> memref<640xf32, #tpu.memory_space<vmem>>
      tpu.wait_dma2 semaphore(%run_scoped3A : memref<!tpu.dma_semaphore, #tpu.memory_space<semaphore_mem>>) src(%dma_wait3A_187 : memref<640xf32, #tpu.memory_space<vmem>>) dst(%dma_wait3A_185 : memref<640xf32, #tpu.memory_space<vmem_shared>>)
      tpu.yield
    }) : () -> ()
    %mul3A_67 = arith.constant 16 : i32
    %mul3A_68 = arith.muli %arg1, %mul3A_67 : i32
    %add3A_69 = arith.constant 10 : i32
    %add3A_70 = arith.addi %mul3A_68, %add3A_69 : i32
    %mul3A_71 = arith.constant 640 : i32
    %mul3A_72 = arith.muli %add3A_70, %mul3A_71 : i32
    "tpu.region"() ({
      %run_scoped3A = tpu.sem_alloc : memref<!tpu.dma_semaphore, #tpu.memory_space<semaphore_mem>>
      %dma_start3A = arith.constant 6400 : i32
      %dma_start3A_178 = tpu.memref_slice %arg6[%dma_start3A] : memref<10240xf32, #tpu.memory_space<vmem>> -> memref<640xf32, #tpu.memory_space<vmem>>
      %dma_start3A_179 = tpu.memref_slice %arg8[%mul3A_72] : memref<163840xf32, #tpu.memory_space<vmem_shared>> -> memref<640xf32, #tpu.memory_space<vmem_shared>>
      %dma_start3A_180 = tpu.memref_slice %arg8[%mul3A_72] : memref<163840xf32, #tpu.memory_space<vmem_shared>> -> memref<640xf32, #tpu.memory_space<vmem_shared>>
      %dma_start3A_181 = arith.constant 6400 : i32
      %dma_start3A_182 = tpu.memref_slice %arg6[%dma_start3A_181] : memref<10240xf32, #tpu.memory_space<vmem>> -> memref<640xf32, #tpu.memory_space<vmem>>
      tpu.enqueue_dma source(%dma_start3A_182 : memref<640xf32, #tpu.memory_space<vmem>>) target(%dma_start3A_180 : memref<640xf32, #tpu.memory_space<vmem_shared>>) target_semaphore(%run_scoped3A : memref<!tpu.dma_semaphore, #tpu.memory_space<semaphore_mem>>)
      %dma_wait3A = arith.constant 6400 : i32
      %dma_wait3A_183 = tpu.memref_slice %arg6[%dma_wait3A] : memref<10240xf32, #tpu.memory_space<vmem>> -> memref<640xf32, #tpu.memory_space<vmem>>
      %dma_wait3A_184 = tpu.memref_slice %arg8[%mul3A_72] : memref<163840xf32, #tpu.memory_space<vmem_shared>> -> memref<640xf32, #tpu.memory_space<vmem_shared>>
      %dma_wait3A_185 = tpu.memref_slice %arg8[%mul3A_72] : memref<163840xf32, #tpu.memory_space<vmem_shared>> -> memref<640xf32, #tpu.memory_space<vmem_shared>>
      %dma_wait3A_186 = arith.constant 6400 : i32
      %dma_wait3A_187 = tpu.memref_slice %arg6[%dma_wait3A_186] : memref<10240xf32, #tpu.memory_space<vmem>> -> memref<640xf32, #tpu.memory_space<vmem>>
      tpu.wait_dma2 semaphore(%run_scoped3A : memref<!tpu.dma_semaphore, #tpu.memory_space<semaphore_mem>>) src(%dma_wait3A_187 : memref<640xf32, #tpu.memory_space<vmem>>) dst(%dma_wait3A_185 : memref<640xf32, #tpu.memory_space<vmem_shared>>)
      tpu.yield
    }) : () -> ()
    %mul3A_73 = arith.constant 16 : i32
    %mul3A_74 = arith.muli %arg1, %mul3A_73 : i32
    %add3A_75 = arith.constant 11 : i32
    %add3A_76 = arith.addi %mul3A_74, %add3A_75 : i32
    %mul3A_77 = arith.constant 640 : i32
    %mul3A_78 = arith.muli %add3A_76, %mul3A_77 : i32
    "tpu.region"() ({
      %run_scoped3A = tpu.sem_alloc : memref<!tpu.dma_semaphore, #tpu.memory_space<semaphore_mem>>
      %dma_start3A = arith.constant 7040 : i32
      %dma_start3A_178 = tpu.memref_slice %arg6[%dma_start3A] : memref<10240xf32, #tpu.memory_space<vmem>> -> memref<640xf32, #tpu.memory_space<vmem>>
      %dma_start3A_179 = tpu.memref_slice %arg8[%mul3A_78] : memref<163840xf32, #tpu.memory_space<vmem_shared>> -> memref<640xf32, #tpu.memory_space<vmem_shared>>
      %dma_start3A_180 = tpu.memref_slice %arg8[%mul3A_78] : memref<163840xf32, #tpu.memory_space<vmem_shared>> -> memref<640xf32, #tpu.memory_space<vmem_shared>>
      %dma_start3A_181 = arith.constant 7040 : i32
      %dma_start3A_182 = tpu.memref_slice %arg6[%dma_start3A_181] : memref<10240xf32, #tpu.memory_space<vmem>> -> memref<640xf32, #tpu.memory_space<vmem>>
      tpu.enqueue_dma source(%dma_start3A_182 : memref<640xf32, #tpu.memory_space<vmem>>) target(%dma_start3A_180 : memref<640xf32, #tpu.memory_space<vmem_shared>>) target_semaphore(%run_scoped3A : memref<!tpu.dma_semaphore, #tpu.memory_space<semaphore_mem>>)
      %dma_wait3A = arith.constant 7040 : i32
      %dma_wait3A_183 = tpu.memref_slice %arg6[%dma_wait3A] : memref<10240xf32, #tpu.memory_space<vmem>> -> memref<640xf32, #tpu.memory_space<vmem>>
      %dma_wait3A_184 = tpu.memref_slice %arg8[%mul3A_78] : memref<163840xf32, #tpu.memory_space<vmem_shared>> -> memref<640xf32, #tpu.memory_space<vmem_shared>>
      %dma_wait3A_185 = tpu.memref_slice %arg8[%mul3A_78] : memref<163840xf32, #tpu.memory_space<vmem_shared>> -> memref<640xf32, #tpu.memory_space<vmem_shared>>
      %dma_wait3A_186 = arith.constant 7040 : i32
      %dma_wait3A_187 = tpu.memref_slice %arg6[%dma_wait3A_186] : memref<10240xf32, #tpu.memory_space<vmem>> -> memref<640xf32, #tpu.memory_space<vmem>>
      tpu.wait_dma2 semaphore(%run_scoped3A : memref<!tpu.dma_semaphore, #tpu.memory_space<semaphore_mem>>) src(%dma_wait3A_187 : memref<640xf32, #tpu.memory_space<vmem>>) dst(%dma_wait3A_185 : memref<640xf32, #tpu.memory_space<vmem_shared>>)
      tpu.yield
    }) : () -> ()
    %mul3A_79 = arith.constant 16 : i32
    %mul3A_80 = arith.muli %arg1, %mul3A_79 : i32
    %add3A_81 = arith.constant 12 : i32
    %add3A_82 = arith.addi %mul3A_80, %add3A_81 : i32
    %mul3A_83 = arith.constant 640 : i32
    %mul3A_84 = arith.muli %add3A_82, %mul3A_83 : i32
    "tpu.region"() ({
      %run_scoped3A = tpu.sem_alloc : memref<!tpu.dma_semaphore, #tpu.memory_space<semaphore_mem>>
      %dma_start3A = arith.constant 7680 : i32
      %dma_start3A_178 = tpu.memref_slice %arg6[%dma_start3A] : memref<10240xf32, #tpu.memory_space<vmem>> -> memref<640xf32, #tpu.memory_space<vmem>>
      %dma_start3A_179 = tpu.memref_slice %arg8[%mul3A_84] : memref<163840xf32, #tpu.memory_space<vmem_shared>> -> memref<640xf32, #tpu.memory_space<vmem_shared>>
      %dma_start3A_180 = tpu.memref_slice %arg8[%mul3A_84] : memref<163840xf32, #tpu.memory_space<vmem_shared>> -> memref<640xf32, #tpu.memory_space<vmem_shared>>
      %dma_start3A_181 = arith.constant 7680 : i32
      %dma_start3A_182 = tpu.memref_slice %arg6[%dma_start3A_181] : memref<10240xf32, #tpu.memory_space<vmem>> -> memref<640xf32, #tpu.memory_space<vmem>>
      tpu.enqueue_dma source(%dma_start3A_182 : memref<640xf32, #tpu.memory_space<vmem>>) target(%dma_start3A_180 : memref<640xf32, #tpu.memory_space<vmem_shared>>) target_semaphore(%run_scoped3A : memref<!tpu.dma_semaphore, #tpu.memory_space<semaphore_mem>>)
      %dma_wait3A = arith.constant 7680 : i32
      %dma_wait3A_183 = tpu.memref_slice %arg6[%dma_wait3A] : memref<10240xf32, #tpu.memory_space<vmem>> -> memref<640xf32, #tpu.memory_space<vmem>>
      %dma_wait3A_184 = tpu.memref_slice %arg8[%mul3A_84] : memref<163840xf32, #tpu.memory_space<vmem_shared>> -> memref<640xf32, #tpu.memory_space<vmem_shared>>
      %dma_wait3A_185 = tpu.memref_slice %arg8[%mul3A_84] : memref<163840xf32, #tpu.memory_space<vmem_shared>> -> memref<640xf32, #tpu.memory_space<vmem_shared>>
      %dma_wait3A_186 = arith.constant 7680 : i32
      %dma_wait3A_187 = tpu.memref_slice %arg6[%dma_wait3A_186] : memref<10240xf32, #tpu.memory_space<vmem>> -> memref<640xf32, #tpu.memory_space<vmem>>
      tpu.wait_dma2 semaphore(%run_scoped3A : memref<!tpu.dma_semaphore, #tpu.memory_space<semaphore_mem>>) src(%dma_wait3A_187 : memref<640xf32, #tpu.memory_space<vmem>>) dst(%dma_wait3A_185 : memref<640xf32, #tpu.memory_space<vmem_shared>>)
      tpu.yield
    }) : () -> ()
    %mul3A_85 = arith.constant 16 : i32
    %mul3A_86 = arith.muli %arg1, %mul3A_85 : i32
    %add3A_87 = arith.constant 13 : i32
    %add3A_88 = arith.addi %mul3A_86, %add3A_87 : i32
    %mul3A_89 = arith.constant 640 : i32
    %mul3A_90 = arith.muli %add3A_88, %mul3A_89 : i32
    "tpu.region"() ({
      %run_scoped3A = tpu.sem_alloc : memref<!tpu.dma_semaphore, #tpu.memory_space<semaphore_mem>>
      %dma_start3A = arith.constant 8320 : i32
      %dma_start3A_178 = tpu.memref_slice %arg6[%dma_start3A] : memref<10240xf32, #tpu.memory_space<vmem>> -> memref<640xf32, #tpu.memory_space<vmem>>
      %dma_start3A_179 = tpu.memref_slice %arg8[%mul3A_90] : memref<163840xf32, #tpu.memory_space<vmem_shared>> -> memref<640xf32, #tpu.memory_space<vmem_shared>>
      %dma_start3A_180 = tpu.memref_slice %arg8[%mul3A_90] : memref<163840xf32, #tpu.memory_space<vmem_shared>> -> memref<640xf32, #tpu.memory_space<vmem_shared>>
      %dma_start3A_181 = arith.constant 8320 : i32
      %dma_start3A_182 = tpu.memref_slice %arg6[%dma_start3A_181] : memref<10240xf32, #tpu.memory_space<vmem>> -> memref<640xf32, #tpu.memory_space<vmem>>
      tpu.enqueue_dma source(%dma_start3A_182 : memref<640xf32, #tpu.memory_space<vmem>>) target(%dma_start3A_180 : memref<640xf32, #tpu.memory_space<vmem_shared>>) target_semaphore(%run_scoped3A : memref<!tpu.dma_semaphore, #tpu.memory_space<semaphore_mem>>)
      %dma_wait3A = arith.constant 8320 : i32
      %dma_wait3A_183 = tpu.memref_slice %arg6[%dma_wait3A] : memref<10240xf32, #tpu.memory_space<vmem>> -> memref<640xf32, #tpu.memory_space<vmem>>
      %dma_wait3A_184 = tpu.memref_slice %arg8[%mul3A_90] : memref<163840xf32, #tpu.memory_space<vmem_shared>> -> memref<640xf32, #tpu.memory_space<vmem_shared>>
      %dma_wait3A_185 = tpu.memref_slice %arg8[%mul3A_90] : memref<163840xf32, #tpu.memory_space<vmem_shared>> -> memref<640xf32, #tpu.memory_space<vmem_shared>>
      %dma_wait3A_186 = arith.constant 8320 : i32
      %dma_wait3A_187 = tpu.memref_slice %arg6[%dma_wait3A_186] : memref<10240xf32, #tpu.memory_space<vmem>> -> memref<640xf32, #tpu.memory_space<vmem>>
      tpu.wait_dma2 semaphore(%run_scoped3A : memref<!tpu.dma_semaphore, #tpu.memory_space<semaphore_mem>>) src(%dma_wait3A_187 : memref<640xf32, #tpu.memory_space<vmem>>) dst(%dma_wait3A_185 : memref<640xf32, #tpu.memory_space<vmem_shared>>)
      tpu.yield
    }) : () -> ()
    %mul3A_91 = arith.constant 16 : i32
    %mul3A_92 = arith.muli %arg1, %mul3A_91 : i32
    %add3A_93 = arith.constant 14 : i32
    %add3A_94 = arith.addi %mul3A_92, %add3A_93 : i32
    %mul3A_95 = arith.constant 640 : i32
    %mul3A_96 = arith.muli %add3A_94, %mul3A_95 : i32
    "tpu.region"() ({
      %run_scoped3A = tpu.sem_alloc : memref<!tpu.dma_semaphore, #tpu.memory_space<semaphore_mem>>
      %dma_start3A = arith.constant 8960 : i32
      %dma_start3A_178 = tpu.memref_slice %arg6[%dma_start3A] : memref<10240xf32, #tpu.memory_space<vmem>> -> memref<640xf32, #tpu.memory_space<vmem>>
      %dma_start3A_179 = tpu.memref_slice %arg8[%mul3A_96] : memref<163840xf32, #tpu.memory_space<vmem_shared>> -> memref<640xf32, #tpu.memory_space<vmem_shared>>
      %dma_start3A_180 = tpu.memref_slice %arg8[%mul3A_96] : memref<163840xf32, #tpu.memory_space<vmem_shared>> -> memref<640xf32, #tpu.memory_space<vmem_shared>>
      %dma_start3A_181 = arith.constant 8960 : i32
      %dma_start3A_182 = tpu.memref_slice %arg6[%dma_start3A_181] : memref<10240xf32, #tpu.memory_space<vmem>> -> memref<640xf32, #tpu.memory_space<vmem>>
      tpu.enqueue_dma source(%dma_start3A_182 : memref<640xf32, #tpu.memory_space<vmem>>) target(%dma_start3A_180 : memref<640xf32, #tpu.memory_space<vmem_shared>>) target_semaphore(%run_scoped3A : memref<!tpu.dma_semaphore, #tpu.memory_space<semaphore_mem>>)
      %dma_wait3A = arith.constant 8960 : i32
      %dma_wait3A_183 = tpu.memref_slice %arg6[%dma_wait3A] : memref<10240xf32, #tpu.memory_space<vmem>> -> memref<640xf32, #tpu.memory_space<vmem>>
      %dma_wait3A_184 = tpu.memref_slice %arg8[%mul3A_96] : memref<163840xf32, #tpu.memory_space<vmem_shared>> -> memref<640xf32, #tpu.memory_space<vmem_shared>>
      %dma_wait3A_185 = tpu.memref_slice %arg8[%mul3A_96] : memref<163840xf32, #tpu.memory_space<vmem_shared>> -> memref<640xf32, #tpu.memory_space<vmem_shared>>
      %dma_wait3A_186 = arith.constant 8960 : i32
      %dma_wait3A_187 = tpu.memref_slice %arg6[%dma_wait3A_186] : memref<10240xf32, #tpu.memory_space<vmem>> -> memref<640xf32, #tpu.memory_space<vmem>>
      tpu.wait_dma2 semaphore(%run_scoped3A : memref<!tpu.dma_semaphore, #tpu.memory_space<semaphore_mem>>) src(%dma_wait3A_187 : memref<640xf32, #tpu.memory_space<vmem>>) dst(%dma_wait3A_185 : memref<640xf32, #tpu.memory_space<vmem_shared>>)
      tpu.yield
    }) : () -> ()
    %mul3A_97 = arith.constant 16 : i32
    %mul3A_98 = arith.muli %arg1, %mul3A_97 : i32
    %add3A_99 = arith.constant 15 : i32
    %add3A_100 = arith.addi %mul3A_98, %add3A_99 : i32
    %mul3A_101 = arith.constant 640 : i32
    %mul3A_102 = arith.muli %add3A_100, %mul3A_101 : i32
    "tpu.region"() ({
      %run_scoped3A = tpu.sem_alloc : memref<!tpu.dma_semaphore, #tpu.memory_space<semaphore_mem>>
      %dma_start3A = arith.constant 9600 : i32
      %dma_start3A_178 = tpu.memref_slice %arg6[%dma_start3A] : memref<10240xf32, #tpu.memory_space<vmem>> -> memref<640xf32, #tpu.memory_space<vmem>>
      %dma_start3A_179 = tpu.memref_slice %arg8[%mul3A_102] : memref<163840xf32, #tpu.memory_space<vmem_shared>> -> memref<640xf32, #tpu.memory_space<vmem_shared>>
      %dma_start3A_180 = tpu.memref_slice %arg8[%mul3A_102] : memref<163840xf32, #tpu.memory_space<vmem_shared>> -> memref<640xf32, #tpu.memory_space<vmem_shared>>
      %dma_start3A_181 = arith.constant 9600 : i32
      %dma_start3A_182 = tpu.memref_slice %arg6[%dma_start3A_181] : memref<10240xf32, #tpu.memory_space<vmem>> -> memref<640xf32, #tpu.memory_space<vmem>>
      tpu.enqueue_dma source(%dma_start3A_182 : memref<640xf32, #tpu.memory_space<vmem>>) target(%dma_start3A_180 : memref<640xf32, #tpu.memory_space<vmem_shared>>) target_semaphore(%run_scoped3A : memref<!tpu.dma_semaphore, #tpu.memory_space<semaphore_mem>>)
      %dma_wait3A = arith.constant 9600 : i32
      %dma_wait3A_183 = tpu.memref_slice %arg6[%dma_wait3A] : memref<10240xf32, #tpu.memory_space<vmem>> -> memref<640xf32, #tpu.memory_space<vmem>>
      %dma_wait3A_184 = tpu.memref_slice %arg8[%mul3A_102] : memref<163840xf32, #tpu.memory_space<vmem_shared>> -> memref<640xf32, #tpu.memory_space<vmem_shared>>
      %dma_wait3A_185 = tpu.memref_slice %arg8[%mul3A_102] : memref<163840xf32, #tpu.memory_space<vmem_shared>> -> memref<640xf32, #tpu.memory_space<vmem_shared>>
      %dma_wait3A_186 = arith.constant 9600 : i32
      %dma_wait3A_187 = tpu.memref_slice %arg6[%dma_wait3A_186] : memref<10240xf32, #tpu.memory_space<vmem>> -> memref<640xf32, #tpu.memory_space<vmem>>
      tpu.wait_dma2 semaphore(%run_scoped3A : memref<!tpu.dma_semaphore, #tpu.memory_space<semaphore_mem>>) src(%dma_wait3A_187 : memref<640xf32, #tpu.memory_space<vmem>>) dst(%dma_wait3A_185 : memref<640xf32, #tpu.memory_space<vmem_shared>>)
      tpu.yield
    }) : () -> ()
    %barrier3A = arith.constant 0 : index
    tpu.barrier barrier_id(%barrier3A)
    %add3A_103 = arith.constant 0 : i32
    %add3A_104 = arith.addi %add3A_103, %arg1 : i32
    %mul3A_105 = arith.constant 640 : i32
    %mul3A_106 = arith.muli %add3A_104, %mul3A_105 : i32
    "tpu.region"() ({
      %run_scoped3A = tpu.sem_alloc : memref<!tpu.dma_semaphore, #tpu.memory_space<semaphore_mem>>
      %dma_start3A = arith.constant 0 : i32
      %dma_start3A_178 = tpu.memref_slice %arg7[%dma_start3A] : memref<10240xf32, #tpu.memory_space<vmem>> -> memref<640xf32, #tpu.memory_space<vmem>>
      %dma_start3A_179 = tpu.memref_slice %arg8[%mul3A_106] : memref<163840xf32, #tpu.memory_space<vmem_shared>> -> memref<640xf32, #tpu.memory_space<vmem_shared>>
      %dma_start3A_180 = arith.constant 0 : i32
      %dma_start3A_181 = tpu.memref_slice %arg7[%dma_start3A_180] : memref<10240xf32, #tpu.memory_space<vmem>> -> memref<640xf32, #tpu.memory_space<vmem>>
      %dma_start3A_182 = tpu.memref_slice %arg8[%mul3A_106] : memref<163840xf32, #tpu.memory_space<vmem_shared>> -> memref<640xf32, #tpu.memory_space<vmem_shared>>
      tpu.enqueue_dma source(%dma_start3A_182 : memref<640xf32, #tpu.memory_space<vmem_shared>>) target(%dma_start3A_181 : memref<640xf32, #tpu.memory_space<vmem>>) target_semaphore(%run_scoped3A : memref<!tpu.dma_semaphore, #tpu.memory_space<semaphore_mem>>)
      %dma_wait3A = arith.constant 0 : i32
      %dma_wait3A_183 = tpu.memref_slice %arg7[%dma_wait3A] : memref<10240xf32, #tpu.memory_space<vmem>> -> memref<640xf32, #tpu.memory_space<vmem>>
      %dma_wait3A_184 = tpu.memref_slice %arg8[%mul3A_106] : memref<163840xf32, #tpu.memory_space<vmem_shared>> -> memref<640xf32, #tpu.memory_space<vmem_shared>>
      %dma_wait3A_185 = arith.constant 0 : i32
      %dma_wait3A_186 = tpu.memref_slice %arg7[%dma_wait3A_185] : memref<10240xf32, #tpu.memory_space<vmem>> -> memref<640xf32, #tpu.memory_space<vmem>>
      %dma_wait3A_187 = tpu.memref_slice %arg8[%mul3A_106] : memref<163840xf32, #tpu.memory_space<vmem_shared>> -> memref<640xf32, #tpu.memory_space<vmem_shared>>
      tpu.wait_dma2 semaphore(%run_scoped3A : memref<!tpu.dma_semaphore, #tpu.memory_space<semaphore_mem>>) src(%dma_wait3A_187 : memref<640xf32, #tpu.memory_space<vmem_shared>>) dst(%dma_wait3A_186 : memref<640xf32, #tpu.memory_space<vmem>>)
      tpu.yield
    }) : () -> ()
    %add3A_107 = arith.constant 16 : i32
    %add3A_108 = arith.addi %add3A_107, %arg1 : i32
    %mul3A_109 = arith.constant 640 : i32
    %mul3A_110 = arith.muli %add3A_108, %mul3A_109 : i32
    "tpu.region"() ({
      %run_scoped3A = tpu.sem_alloc : memref<!tpu.dma_semaphore, #tpu.memory_space<semaphore_mem>>
      %dma_start3A = arith.constant 640 : i32
      %dma_start3A_178 = tpu.memref_slice %arg7[%dma_start3A] : memref<10240xf32, #tpu.memory_space<vmem>> -> memref<640xf32, #tpu.memory_space<vmem>>
      %dma_start3A_179 = tpu.memref_slice %arg8[%mul3A_110] : memref<163840xf32, #tpu.memory_space<vmem_shared>> -> memref<640xf32, #tpu.memory_space<vmem_shared>>
      %dma_start3A_180 = arith.constant 640 : i32
      %dma_start3A_181 = tpu.memref_slice %arg7[%dma_start3A_180] : memref<10240xf32, #tpu.memory_space<vmem>> -> memref<640xf32, #tpu.memory_space<vmem>>
      %dma_start3A_182 = tpu.memref_slice %arg8[%mul3A_110] : memref<163840xf32, #tpu.memory_space<vmem_shared>> -> memref<640xf32, #tpu.memory_space<vmem_shared>>
      tpu.enqueue_dma source(%dma_start3A_182 : memref<640xf32, #tpu.memory_space<vmem_shared>>) target(%dma_start3A_181 : memref<640xf32, #tpu.memory_space<vmem>>) target_semaphore(%run_scoped3A : memref<!tpu.dma_semaphore, #tpu.memory_space<semaphore_mem>>)
      %dma_wait3A = arith.constant 640 : i32
      %dma_wait3A_183 = tpu.memref_slice %arg7[%dma_wait3A] : memref<10240xf32, #tpu.memory_space<vmem>> -> memref<640xf32, #tpu.memory_space<vmem>>
      %dma_wait3A_184 = tpu.memref_slice %arg8[%mul3A_110] : memref<163840xf32, #tpu.memory_space<vmem_shared>> -> memref<640xf32, #tpu.memory_space<vmem_shared>>
      %dma_wait3A_185 = arith.constant 640 : i32
      %dma_wait3A_186 = tpu.memref_slice %arg7[%dma_wait3A_185] : memref<10240xf32, #tpu.memory_space<vmem>> -> memref<640xf32, #tpu.memory_space<vmem>>
      %dma_wait3A_187 = tpu.memref_slice %arg8[%mul3A_110] : memref<163840xf32, #tpu.memory_space<vmem_shared>> -> memref<640xf32, #tpu.memory_space<vmem_shared>>
      tpu.wait_dma2 semaphore(%run_scoped3A : memref<!tpu.dma_semaphore, #tpu.memory_space<semaphore_mem>>) src(%dma_wait3A_187 : memref<640xf32, #tpu.memory_space<vmem_shared>>) dst(%dma_wait3A_186 : memref<640xf32, #tpu.memory_space<vmem>>)
      tpu.yield
    }) : () -> ()
    %add3A_111 = arith.constant 32 : i32
    %add3A_112 = arith.addi %add3A_111, %arg1 : i32
    %mul3A_113 = arith.constant 640 : i32
    %mul3A_114 = arith.muli %add3A_112, %mul3A_113 : i32
    "tpu.region"() ({
      %run_scoped3A = tpu.sem_alloc : memref<!tpu.dma_semaphore, #tpu.memory_space<semaphore_mem>>
      %dma_start3A = arith.constant 1280 : i32
      %dma_start3A_178 = tpu.memref_slice %arg7[%dma_start3A] : memref<10240xf32, #tpu.memory_space<vmem>> -> memref<640xf32, #tpu.memory_space<vmem>>
      %dma_start3A_179 = tpu.memref_slice %arg8[%mul3A_114] : memref<163840xf32, #tpu.memory_space<vmem_shared>> -> memref<640xf32, #tpu.memory_space<vmem_shared>>
      %dma_start3A_180 = arith.constant 1280 : i32
      %dma_start3A_181 = tpu.memref_slice %arg7[%dma_start3A_180] : memref<10240xf32, #tpu.memory_space<vmem>> -> memref<640xf32, #tpu.memory_space<vmem>>
      %dma_start3A_182 = tpu.memref_slice %arg8[%mul3A_114] : memref<163840xf32, #tpu.memory_space<vmem_shared>> -> memref<640xf32, #tpu.memory_space<vmem_shared>>
      tpu.enqueue_dma source(%dma_start3A_182 : memref<640xf32, #tpu.memory_space<vmem_shared>>) target(%dma_start3A_181 : memref<640xf32, #tpu.memory_space<vmem>>) target_semaphore(%run_scoped3A : memref<!tpu.dma_semaphore, #tpu.memory_space<semaphore_mem>>)
      %dma_wait3A = arith.constant 1280 : i32
      %dma_wait3A_183 = tpu.memref_slice %arg7[%dma_wait3A] : memref<10240xf32, #tpu.memory_space<vmem>> -> memref<640xf32, #tpu.memory_space<vmem>>
      %dma_wait3A_184 = tpu.memref_slice %arg8[%mul3A_114] : memref<163840xf32, #tpu.memory_space<vmem_shared>> -> memref<640xf32, #tpu.memory_space<vmem_shared>>
      %dma_wait3A_185 = arith.constant 1280 : i32
      %dma_wait3A_186 = tpu.memref_slice %arg7[%dma_wait3A_185] : memref<10240xf32, #tpu.memory_space<vmem>> -> memref<640xf32, #tpu.memory_space<vmem>>
      %dma_wait3A_187 = tpu.memref_slice %arg8[%mul3A_114] : memref<163840xf32, #tpu.memory_space<vmem_shared>> -> memref<640xf32, #tpu.memory_space<vmem_shared>>
      tpu.wait_dma2 semaphore(%run_scoped3A : memref<!tpu.dma_semaphore, #tpu.memory_space<semaphore_mem>>) src(%dma_wait3A_187 : memref<640xf32, #tpu.memory_space<vmem_shared>>) dst(%dma_wait3A_186 : memref<640xf32, #tpu.memory_space<vmem>>)
      tpu.yield
    }) : () -> ()
    %add3A_115 = arith.constant 48 : i32
    %add3A_116 = arith.addi %add3A_115, %arg1 : i32
    %mul3A_117 = arith.constant 640 : i32
    %mul3A_118 = arith.muli %add3A_116, %mul3A_117 : i32
    "tpu.region"() ({
      %run_scoped3A = tpu.sem_alloc : memref<!tpu.dma_semaphore, #tpu.memory_space<semaphore_mem>>
      %dma_start3A = arith.constant 1920 : i32
      %dma_start3A_178 = tpu.memref_slice %arg7[%dma_start3A] : memref<10240xf32, #tpu.memory_space<vmem>> -> memref<640xf32, #tpu.memory_space<vmem>>
      %dma_start3A_179 = tpu.memref_slice %arg8[%mul3A_118] : memref<163840xf32, #tpu.memory_space<vmem_shared>> -> memref<640xf32, #tpu.memory_space<vmem_shared>>
      %dma_start3A_180 = arith.constant 1920 : i32
      %dma_start3A_181 = tpu.memref_slice %arg7[%dma_start3A_180] : memref<10240xf32, #tpu.memory_space<vmem>> -> memref<640xf32, #tpu.memory_space<vmem>>
      %dma_start3A_182 = tpu.memref_slice %arg8[%mul3A_118] : memref<163840xf32, #tpu.memory_space<vmem_shared>> -> memref<640xf32, #tpu.memory_space<vmem_shared>>
      tpu.enqueue_dma source(%dma_start3A_182 : memref<640xf32, #tpu.memory_space<vmem_shared>>) target(%dma_start3A_181 : memref<640xf32, #tpu.memory_space<vmem>>) target_semaphore(%run_scoped3A : memref<!tpu.dma_semaphore, #tpu.memory_space<semaphore_mem>>)
      %dma_wait3A = arith.constant 1920 : i32
      %dma_wait3A_183 = tpu.memref_slice %arg7[%dma_wait3A] : memref<10240xf32, #tpu.memory_space<vmem>> -> memref<640xf32, #tpu.memory_space<vmem>>
      %dma_wait3A_184 = tpu.memref_slice %arg8[%mul3A_118] : memref<163840xf32, #tpu.memory_space<vmem_shared>> -> memref<640xf32, #tpu.memory_space<vmem_shared>>
      %dma_wait3A_185 = arith.constant 1920 : i32
      %dma_wait3A_186 = tpu.memref_slice %arg7[%dma_wait3A_185] : memref<10240xf32, #tpu.memory_space<vmem>> -> memref<640xf32, #tpu.memory_space<vmem>>
      %dma_wait3A_187 = tpu.memref_slice %arg8[%mul3A_118] : memref<163840xf32, #tpu.memory_space<vmem_shared>> -> memref<640xf32, #tpu.memory_space<vmem_shared>>
      tpu.wait_dma2 semaphore(%run_scoped3A : memref<!tpu.dma_semaphore, #tpu.memory_space<semaphore_mem>>) src(%dma_wait3A_187 : memref<640xf32, #tpu.memory_space<vmem_shared>>) dst(%dma_wait3A_186 : memref<640xf32, #tpu.memory_space<vmem>>)
      tpu.yield
    }) : () -> ()
    %add3A_119 = arith.constant 64 : i32
    %add3A_120 = arith.addi %add3A_119, %arg1 : i32
    %mul3A_121 = arith.constant 640 : i32
    %mul3A_122 = arith.muli %add3A_120, %mul3A_121 : i32
    "tpu.region"() ({
      %run_scoped3A = tpu.sem_alloc : memref<!tpu.dma_semaphore, #tpu.memory_space<semaphore_mem>>
      %dma_start3A = arith.constant 2560 : i32
      %dma_start3A_178 = tpu.memref_slice %arg7[%dma_start3A] : memref<10240xf32, #tpu.memory_space<vmem>> -> memref<640xf32, #tpu.memory_space<vmem>>
      %dma_start3A_179 = tpu.memref_slice %arg8[%mul3A_122] : memref<163840xf32, #tpu.memory_space<vmem_shared>> -> memref<640xf32, #tpu.memory_space<vmem_shared>>
      %dma_start3A_180 = arith.constant 2560 : i32
      %dma_start3A_181 = tpu.memref_slice %arg7[%dma_start3A_180] : memref<10240xf32, #tpu.memory_space<vmem>> -> memref<640xf32, #tpu.memory_space<vmem>>
      %dma_start3A_182 = tpu.memref_slice %arg8[%mul3A_122] : memref<163840xf32, #tpu.memory_space<vmem_shared>> -> memref<640xf32, #tpu.memory_space<vmem_shared>>
      tpu.enqueue_dma source(%dma_start3A_182 : memref<640xf32, #tpu.memory_space<vmem_shared>>) target(%dma_start3A_181 : memref<640xf32, #tpu.memory_space<vmem>>) target_semaphore(%run_scoped3A : memref<!tpu.dma_semaphore, #tpu.memory_space<semaphore_mem>>)
      %dma_wait3A = arith.constant 2560 : i32
      %dma_wait3A_183 = tpu.memref_slice %arg7[%dma_wait3A] : memref<10240xf32, #tpu.memory_space<vmem>> -> memref<640xf32, #tpu.memory_space<vmem>>
      %dma_wait3A_184 = tpu.memref_slice %arg8[%mul3A_122] : memref<163840xf32, #tpu.memory_space<vmem_shared>> -> memref<640xf32, #tpu.memory_space<vmem_shared>>
      %dma_wait3A_185 = arith.constant 2560 : i32
      %dma_wait3A_186 = tpu.memref_slice %arg7[%dma_wait3A_185] : memref<10240xf32, #tpu.memory_space<vmem>> -> memref<640xf32, #tpu.memory_space<vmem>>
      %dma_wait3A_187 = tpu.memref_slice %arg8[%mul3A_122] : memref<163840xf32, #tpu.memory_space<vmem_shared>> -> memref<640xf32, #tpu.memory_space<vmem_shared>>
      tpu.wait_dma2 semaphore(%run_scoped3A : memref<!tpu.dma_semaphore, #tpu.memory_space<semaphore_mem>>) src(%dma_wait3A_187 : memref<640xf32, #tpu.memory_space<vmem_shared>>) dst(%dma_wait3A_186 : memref<640xf32, #tpu.memory_space<vmem>>)
      tpu.yield
    }) : () -> ()
    %add3A_123 = arith.constant 80 : i32
    %add3A_124 = arith.addi %add3A_123, %arg1 : i32
    %mul3A_125 = arith.constant 640 : i32
    %mul3A_126 = arith.muli %add3A_124, %mul3A_125 : i32
    "tpu.region"() ({
      %run_scoped3A = tpu.sem_alloc : memref<!tpu.dma_semaphore, #tpu.memory_space<semaphore_mem>>
      %dma_start3A = arith.constant 3200 : i32
      %dma_start3A_178 = tpu.memref_slice %arg7[%dma_start3A] : memref<10240xf32, #tpu.memory_space<vmem>> -> memref<640xf32, #tpu.memory_space<vmem>>
      %dma_start3A_179 = tpu.memref_slice %arg8[%mul3A_126] : memref<163840xf32, #tpu.memory_space<vmem_shared>> -> memref<640xf32, #tpu.memory_space<vmem_shared>>
      %dma_start3A_180 = arith.constant 3200 : i32
      %dma_start3A_181 = tpu.memref_slice %arg7[%dma_start3A_180] : memref<10240xf32, #tpu.memory_space<vmem>> -> memref<640xf32, #tpu.memory_space<vmem>>
      %dma_start3A_182 = tpu.memref_slice %arg8[%mul3A_126] : memref<163840xf32, #tpu.memory_space<vmem_shared>> -> memref<640xf32, #tpu.memory_space<vmem_shared>>
      tpu.enqueue_dma source(%dma_start3A_182 : memref<640xf32, #tpu.memory_space<vmem_shared>>) target(%dma_start3A_181 : memref<640xf32, #tpu.memory_space<vmem>>) target_semaphore(%run_scoped3A : memref<!tpu.dma_semaphore, #tpu.memory_space<semaphore_mem>>)
      %dma_wait3A = arith.constant 3200 : i32
      %dma_wait3A_183 = tpu.memref_slice %arg7[%dma_wait3A] : memref<10240xf32, #tpu.memory_space<vmem>> -> memref<640xf32, #tpu.memory_space<vmem>>
      %dma_wait3A_184 = tpu.memref_slice %arg8[%mul3A_126] : memref<163840xf32, #tpu.memory_space<vmem_shared>> -> memref<640xf32, #tpu.memory_space<vmem_shared>>
      %dma_wait3A_185 = arith.constant 3200 : i32
      %dma_wait3A_186 = tpu.memref_slice %arg7[%dma_wait3A_185] : memref<10240xf32, #tpu.memory_space<vmem>> -> memref<640xf32, #tpu.memory_space<vmem>>
      %dma_wait3A_187 = tpu.memref_slice %arg8[%mul3A_126] : memref<163840xf32, #tpu.memory_space<vmem_shared>> -> memref<640xf32, #tpu.memory_space<vmem_shared>>
      tpu.wait_dma2 semaphore(%run_scoped3A : memref<!tpu.dma_semaphore, #tpu.memory_space<semaphore_mem>>) src(%dma_wait3A_187 : memref<640xf32, #tpu.memory_space<vmem_shared>>) dst(%dma_wait3A_186 : memref<640xf32, #tpu.memory_space<vmem>>)
      tpu.yield
    }) : () -> ()
    %add3A_127 = arith.constant 96 : i32
    %add3A_128 = arith.addi %add3A_127, %arg1 : i32
    %mul3A_129 = arith.constant 640 : i32
    %mul3A_130 = arith.muli %add3A_128, %mul3A_129 : i32
    "tpu.region"() ({
      %run_scoped3A = tpu.sem_alloc : memref<!tpu.dma_semaphore, #tpu.memory_space<semaphore_mem>>
      %dma_start3A = arith.constant 3840 : i32
      %dma_start3A_178 = tpu.memref_slice %arg7[%dma_start3A] : memref<10240xf32, #tpu.memory_space<vmem>> -> memref<640xf32, #tpu.memory_space<vmem>>
      %dma_start3A_179 = tpu.memref_slice %arg8[%mul3A_130] : memref<163840xf32, #tpu.memory_space<vmem_shared>> -> memref<640xf32, #tpu.memory_space<vmem_shared>>
      %dma_start3A_180 = arith.constant 3840 : i32
      %dma_start3A_181 = tpu.memref_slice %arg7[%dma_start3A_180] : memref<10240xf32, #tpu.memory_space<vmem>> -> memref<640xf32, #tpu.memory_space<vmem>>
      %dma_start3A_182 = tpu.memref_slice %arg8[%mul3A_130] : memref<163840xf32, #tpu.memory_space<vmem_shared>> -> memref<640xf32, #tpu.memory_space<vmem_shared>>
      tpu.enqueue_dma source(%dma_start3A_182 : memref<640xf32, #tpu.memory_space<vmem_shared>>) target(%dma_start3A_181 : memref<640xf32, #tpu.memory_space<vmem>>) target_semaphore(%run_scoped3A : memref<!tpu.dma_semaphore, #tpu.memory_space<semaphore_mem>>)
      %dma_wait3A = arith.constant 3840 : i32
      %dma_wait3A_183 = tpu.memref_slice %arg7[%dma_wait3A] : memref<10240xf32, #tpu.memory_space<vmem>> -> memref<640xf32, #tpu.memory_space<vmem>>
      %dma_wait3A_184 = tpu.memref_slice %arg8[%mul3A_130] : memref<163840xf32, #tpu.memory_space<vmem_shared>> -> memref<640xf32, #tpu.memory_space<vmem_shared>>
      %dma_wait3A_185 = arith.constant 3840 : i32
      %dma_wait3A_186 = tpu.memref_slice %arg7[%dma_wait3A_185] : memref<10240xf32, #tpu.memory_space<vmem>> -> memref<640xf32, #tpu.memory_space<vmem>>
      %dma_wait3A_187 = tpu.memref_slice %arg8[%mul3A_130] : memref<163840xf32, #tpu.memory_space<vmem_shared>> -> memref<640xf32, #tpu.memory_space<vmem_shared>>
      tpu.wait_dma2 semaphore(%run_scoped3A : memref<!tpu.dma_semaphore, #tpu.memory_space<semaphore_mem>>) src(%dma_wait3A_187 : memref<640xf32, #tpu.memory_space<vmem_shared>>) dst(%dma_wait3A_186 : memref<640xf32, #tpu.memory_space<vmem>>)
      tpu.yield
    }) : () -> ()
    %add3A_131 = arith.constant 112 : i32
    %add3A_132 = arith.addi %add3A_131, %arg1 : i32
    %mul3A_133 = arith.constant 640 : i32
    %mul3A_134 = arith.muli %add3A_132, %mul3A_133 : i32
    "tpu.region"() ({
      %run_scoped3A = tpu.sem_alloc : memref<!tpu.dma_semaphore, #tpu.memory_space<semaphore_mem>>
      %dma_start3A = arith.constant 4480 : i32
      %dma_start3A_178 = tpu.memref_slice %arg7[%dma_start3A] : memref<10240xf32, #tpu.memory_space<vmem>> -> memref<640xf32, #tpu.memory_space<vmem>>
      %dma_start3A_179 = tpu.memref_slice %arg8[%mul3A_134] : memref<163840xf32, #tpu.memory_space<vmem_shared>> -> memref<640xf32, #tpu.memory_space<vmem_shared>>
      %dma_start3A_180 = arith.constant 4480 : i32
      %dma_start3A_181 = tpu.memref_slice %arg7[%dma_start3A_180] : memref<10240xf32, #tpu.memory_space<vmem>> -> memref<640xf32, #tpu.memory_space<vmem>>
      %dma_start3A_182 = tpu.memref_slice %arg8[%mul3A_134] : memref<163840xf32, #tpu.memory_space<vmem_shared>> -> memref<640xf32, #tpu.memory_space<vmem_shared>>
      tpu.enqueue_dma source(%dma_start3A_182 : memref<640xf32, #tpu.memory_space<vmem_shared>>) target(%dma_start3A_181 : memref<640xf32, #tpu.memory_space<vmem>>) target_semaphore(%run_scoped3A : memref<!tpu.dma_semaphore, #tpu.memory_space<semaphore_mem>>)
      %dma_wait3A = arith.constant 4480 : i32
      %dma_wait3A_183 = tpu.memref_slice %arg7[%dma_wait3A] : memref<10240xf32, #tpu.memory_space<vmem>> -> memref<640xf32, #tpu.memory_space<vmem>>
      %dma_wait3A_184 = tpu.memref_slice %arg8[%mul3A_134] : memref<163840xf32, #tpu.memory_space<vmem_shared>> -> memref<640xf32, #tpu.memory_space<vmem_shared>>
      %dma_wait3A_185 = arith.constant 4480 : i32
      %dma_wait3A_186 = tpu.memref_slice %arg7[%dma_wait3A_185] : memref<10240xf32, #tpu.memory_space<vmem>> -> memref<640xf32, #tpu.memory_space<vmem>>
      %dma_wait3A_187 = tpu.memref_slice %arg8[%mul3A_134] : memref<163840xf32, #tpu.memory_space<vmem_shared>> -> memref<640xf32, #tpu.memory_space<vmem_shared>>
      tpu.wait_dma2 semaphore(%run_scoped3A : memref<!tpu.dma_semaphore, #tpu.memory_space<semaphore_mem>>) src(%dma_wait3A_187 : memref<640xf32, #tpu.memory_space<vmem_shared>>) dst(%dma_wait3A_186 : memref<640xf32, #tpu.memory_space<vmem>>)
      tpu.yield
    }) : () -> ()
    %add3A_135 = arith.constant 128 : i32
    %add3A_136 = arith.addi %add3A_135, %arg1 : i32
    %mul3A_137 = arith.constant 640 : i32
    %mul3A_138 = arith.muli %add3A_136, %mul3A_137 : i32
    "tpu.region"() ({
      %run_scoped3A = tpu.sem_alloc : memref<!tpu.dma_semaphore, #tpu.memory_space<semaphore_mem>>
      %dma_start3A = arith.constant 5120 : i32
      %dma_start3A_178 = tpu.memref_slice %arg7[%dma_start3A] : memref<10240xf32, #tpu.memory_space<vmem>> -> memref<640xf32, #tpu.memory_space<vmem>>
      %dma_start3A_179 = tpu.memref_slice %arg8[%mul3A_138] : memref<163840xf32, #tpu.memory_space<vmem_shared>> -> memref<640xf32, #tpu.memory_space<vmem_shared>>
      %dma_start3A_180 = arith.constant 5120 : i32
      %dma_start3A_181 = tpu.memref_slice %arg7[%dma_start3A_180] : memref<10240xf32, #tpu.memory_space<vmem>> -> memref<640xf32, #tpu.memory_space<vmem>>
      %dma_start3A_182 = tpu.memref_slice %arg8[%mul3A_138] : memref<163840xf32, #tpu.memory_space<vmem_shared>> -> memref<640xf32, #tpu.memory_space<vmem_shared>>
      tpu.enqueue_dma source(%dma_start3A_182 : memref<640xf32, #tpu.memory_space<vmem_shared>>) target(%dma_start3A_181 : memref<640xf32, #tpu.memory_space<vmem>>) target_semaphore(%run_scoped3A : memref<!tpu.dma_semaphore, #tpu.memory_space<semaphore_mem>>)
      %dma_wait3A = arith.constant 5120 : i32
      %dma_wait3A_183 = tpu.memref_slice %arg7[%dma_wait3A] : memref<10240xf32, #tpu.memory_space<vmem>> -> memref<640xf32, #tpu.memory_space<vmem>>
      %dma_wait3A_184 = tpu.memref_slice %arg8[%mul3A_138] : memref<163840xf32, #tpu.memory_space<vmem_shared>> -> memref<640xf32, #tpu.memory_space<vmem_shared>>
      %dma_wait3A_185 = arith.constant 5120 : i32
      %dma_wait3A_186 = tpu.memref_slice %arg7[%dma_wait3A_185] : memref<10240xf32, #tpu.memory_space<vmem>> -> memref<640xf32, #tpu.memory_space<vmem>>
      %dma_wait3A_187 = tpu.memref_slice %arg8[%mul3A_138] : memref<163840xf32, #tpu.memory_space<vmem_shared>> -> memref<640xf32, #tpu.memory_space<vmem_shared>>
      tpu.wait_dma2 semaphore(%run_scoped3A : memref<!tpu.dma_semaphore, #tpu.memory_space<semaphore_mem>>) src(%dma_wait3A_187 : memref<640xf32, #tpu.memory_space<vmem_shared>>) dst(%dma_wait3A_186 : memref<640xf32, #tpu.memory_space<vmem>>)
      tpu.yield
    }) : () -> ()
    %add3A_139 = arith.constant 144 : i32
    %add3A_140 = arith.addi %add3A_139, %arg1 : i32
    %mul3A_141 = arith.constant 640 : i32
    %mul3A_142 = arith.muli %add3A_140, %mul3A_141 : i32
    "tpu.region"() ({
      %run_scoped3A = tpu.sem_alloc : memref<!tpu.dma_semaphore, #tpu.memory_space<semaphore_mem>>
      %dma_start3A = arith.constant 5760 : i32
      %dma_start3A_178 = tpu.memref_slice %arg7[%dma_start3A] : memref<10240xf32, #tpu.memory_space<vmem>> -> memref<640xf32, #tpu.memory_space<vmem>>
      %dma_start3A_179 = tpu.memref_slice %arg8[%mul3A_142] : memref<163840xf32, #tpu.memory_space<vmem_shared>> -> memref<640xf32, #tpu.memory_space<vmem_shared>>
      %dma_start3A_180 = arith.constant 5760 : i32
      %dma_start3A_181 = tpu.memref_slice %arg7[%dma_start3A_180] : memref<10240xf32, #tpu.memory_space<vmem>> -> memref<640xf32, #tpu.memory_space<vmem>>
      %dma_start3A_182 = tpu.memref_slice %arg8[%mul3A_142] : memref<163840xf32, #tpu.memory_space<vmem_shared>> -> memref<640xf32, #tpu.memory_space<vmem_shared>>
      tpu.enqueue_dma source(%dma_start3A_182 : memref<640xf32, #tpu.memory_space<vmem_shared>>) target(%dma_start3A_181 : memref<640xf32, #tpu.memory_space<vmem>>) target_semaphore(%run_scoped3A : memref<!tpu.dma_semaphore, #tpu.memory_space<semaphore_mem>>)
      %dma_wait3A = arith.constant 5760 : i32
      %dma_wait3A_183 = tpu.memref_slice %arg7[%dma_wait3A] : memref<10240xf32, #tpu.memory_space<vmem>> -> memref<640xf32, #tpu.memory_space<vmem>>
      %dma_wait3A_184 = tpu.memref_slice %arg8[%mul3A_142] : memref<163840xf32, #tpu.memory_space<vmem_shared>> -> memref<640xf32, #tpu.memory_space<vmem_shared>>
      %dma_wait3A_185 = arith.constant 5760 : i32
      %dma_wait3A_186 = tpu.memref_slice %arg7[%dma_wait3A_185] : memref<10240xf32, #tpu.memory_space<vmem>> -> memref<640xf32, #tpu.memory_space<vmem>>
      %dma_wait3A_187 = tpu.memref_slice %arg8[%mul3A_142] : memref<163840xf32, #tpu.memory_space<vmem_shared>> -> memref<640xf32, #tpu.memory_space<vmem_shared>>
      tpu.wait_dma2 semaphore(%run_scoped3A : memref<!tpu.dma_semaphore, #tpu.memory_space<semaphore_mem>>) src(%dma_wait3A_187 : memref<640xf32, #tpu.memory_space<vmem_shared>>) dst(%dma_wait3A_186 : memref<640xf32, #tpu.memory_space<vmem>>)
      tpu.yield
    }) : () -> ()
    %add3A_143 = arith.constant 160 : i32
    %add3A_144 = arith.addi %add3A_143, %arg1 : i32
    %mul3A_145 = arith.constant 640 : i32
    %mul3A_146 = arith.muli %add3A_144, %mul3A_145 : i32
    "tpu.region"() ({
      %run_scoped3A = tpu.sem_alloc : memref<!tpu.dma_semaphore, #tpu.memory_space<semaphore_mem>>
      %dma_start3A = arith.constant 6400 : i32
      %dma_start3A_178 = tpu.memref_slice %arg7[%dma_start3A] : memref<10240xf32, #tpu.memory_space<vmem>> -> memref<640xf32, #tpu.memory_space<vmem>>
      %dma_start3A_179 = tpu.memref_slice %arg8[%mul3A_146] : memref<163840xf32, #tpu.memory_space<vmem_shared>> -> memref<640xf32, #tpu.memory_space<vmem_shared>>
      %dma_start3A_180 = arith.constant 6400 : i32
      %dma_start3A_181 = tpu.memref_slice %arg7[%dma_start3A_180] : memref<10240xf32, #tpu.memory_space<vmem>> -> memref<640xf32, #tpu.memory_space<vmem>>
      %dma_start3A_182 = tpu.memref_slice %arg8[%mul3A_146] : memref<163840xf32, #tpu.memory_space<vmem_shared>> -> memref<640xf32, #tpu.memory_space<vmem_shared>>
      tpu.enqueue_dma source(%dma_start3A_182 : memref<640xf32, #tpu.memory_space<vmem_shared>>) target(%dma_start3A_181 : memref<640xf32, #tpu.memory_space<vmem>>) target_semaphore(%run_scoped3A : memref<!tpu.dma_semaphore, #tpu.memory_space<semaphore_mem>>)
      %dma_wait3A = arith.constant 6400 : i32
      %dma_wait3A_183 = tpu.memref_slice %arg7[%dma_wait3A] : memref<10240xf32, #tpu.memory_space<vmem>> -> memref<640xf32, #tpu.memory_space<vmem>>
      %dma_wait3A_184 = tpu.memref_slice %arg8[%mul3A_146] : memref<163840xf32, #tpu.memory_space<vmem_shared>> -> memref<640xf32, #tpu.memory_space<vmem_shared>>
      %dma_wait3A_185 = arith.constant 6400 : i32
      %dma_wait3A_186 = tpu.memref_slice %arg7[%dma_wait3A_185] : memref<10240xf32, #tpu.memory_space<vmem>> -> memref<640xf32, #tpu.memory_space<vmem>>
      %dma_wait3A_187 = tpu.memref_slice %arg8[%mul3A_146] : memref<163840xf32, #tpu.memory_space<vmem_shared>> -> memref<640xf32, #tpu.memory_space<vmem_shared>>
      tpu.wait_dma2 semaphore(%run_scoped3A : memref<!tpu.dma_semaphore, #tpu.memory_space<semaphore_mem>>) src(%dma_wait3A_187 : memref<640xf32, #tpu.memory_space<vmem_shared>>) dst(%dma_wait3A_186 : memref<640xf32, #tpu.memory_space<vmem>>)
      tpu.yield
    }) : () -> ()
    %add3A_147 = arith.constant 176 : i32
    %add3A_148 = arith.addi %add3A_147, %arg1 : i32
    %mul3A_149 = arith.constant 640 : i32
    %mul3A_150 = arith.muli %add3A_148, %mul3A_149 : i32
    "tpu.region"() ({
      %run_scoped3A = tpu.sem_alloc : memref<!tpu.dma_semaphore, #tpu.memory_space<semaphore_mem>>
      %dma_start3A = arith.constant 7040 : i32
      %dma_start3A_178 = tpu.memref_slice %arg7[%dma_start3A] : memref<10240xf32, #tpu.memory_space<vmem>> -> memref<640xf32, #tpu.memory_space<vmem>>
      %dma_start3A_179 = tpu.memref_slice %arg8[%mul3A_150] : memref<163840xf32, #tpu.memory_space<vmem_shared>> -> memref<640xf32, #tpu.memory_space<vmem_shared>>
      %dma_start3A_180 = arith.constant 7040 : i32
      %dma_start3A_181 = tpu.memref_slice %arg7[%dma_start3A_180] : memref<10240xf32, #tpu.memory_space<vmem>> -> memref<640xf32, #tpu.memory_space<vmem>>
      %dma_start3A_182 = tpu.memref_slice %arg8[%mul3A_150] : memref<163840xf32, #tpu.memory_space<vmem_shared>> -> memref<640xf32, #tpu.memory_space<vmem_shared>>
      tpu.enqueue_dma source(%dma_start3A_182 : memref<640xf32, #tpu.memory_space<vmem_shared>>) target(%dma_start3A_181 : memref<640xf32, #tpu.memory_space<vmem>>) target_semaphore(%run_scoped3A : memref<!tpu.dma_semaphore, #tpu.memory_space<semaphore_mem>>)
      %dma_wait3A = arith.constant 7040 : i32
      %dma_wait3A_183 = tpu.memref_slice %arg7[%dma_wait3A] : memref<10240xf32, #tpu.memory_space<vmem>> -> memref<640xf32, #tpu.memory_space<vmem>>
      %dma_wait3A_184 = tpu.memref_slice %arg8[%mul3A_150] : memref<163840xf32, #tpu.memory_space<vmem_shared>> -> memref<640xf32, #tpu.memory_space<vmem_shared>>
      %dma_wait3A_185 = arith.constant 7040 : i32
      %dma_wait3A_186 = tpu.memref_slice %arg7[%dma_wait3A_185] : memref<10240xf32, #tpu.memory_space<vmem>> -> memref<640xf32, #tpu.memory_space<vmem>>
      %dma_wait3A_187 = tpu.memref_slice %arg8[%mul3A_150] : memref<163840xf32, #tpu.memory_space<vmem_shared>> -> memref<640xf32, #tpu.memory_space<vmem_shared>>
      tpu.wait_dma2 semaphore(%run_scoped3A : memref<!tpu.dma_semaphore, #tpu.memory_space<semaphore_mem>>) src(%dma_wait3A_187 : memref<640xf32, #tpu.memory_space<vmem_shared>>) dst(%dma_wait3A_186 : memref<640xf32, #tpu.memory_space<vmem>>)
      tpu.yield
    }) : () -> ()
    %add3A_151 = arith.constant 192 : i32
    %add3A_152 = arith.addi %add3A_151, %arg1 : i32
    %mul3A_153 = arith.constant 640 : i32
    %mul3A_154 = arith.muli %add3A_152, %mul3A_153 : i32
    "tpu.region"() ({
      %run_scoped3A = tpu.sem_alloc : memref<!tpu.dma_semaphore, #tpu.memory_space<semaphore_mem>>
      %dma_start3A = arith.constant 7680 : i32
      %dma_start3A_178 = tpu.memref_slice %arg7[%dma_start3A] : memref<10240xf32, #tpu.memory_space<vmem>> -> memref<640xf32, #tpu.memory_space<vmem>>
      %dma_start3A_179 = tpu.memref_slice %arg8[%mul3A_154] : memref<163840xf32, #tpu.memory_space<vmem_shared>> -> memref<640xf32, #tpu.memory_space<vmem_shared>>
      %dma_start3A_180 = arith.constant 7680 : i32
      %dma_start3A_181 = tpu.memref_slice %arg7[%dma_start3A_180] : memref<10240xf32, #tpu.memory_space<vmem>> -> memref<640xf32, #tpu.memory_space<vmem>>
      %dma_start3A_182 = tpu.memref_slice %arg8[%mul3A_154] : memref<163840xf32, #tpu.memory_space<vmem_shared>> -> memref<640xf32, #tpu.memory_space<vmem_shared>>
      tpu.enqueue_dma source(%dma_start3A_182 : memref<640xf32, #tpu.memory_space<vmem_shared>>) target(%dma_start3A_181 : memref<640xf32, #tpu.memory_space<vmem>>) target_semaphore(%run_scoped3A : memref<!tpu.dma_semaphore, #tpu.memory_space<semaphore_mem>>)
      %dma_wait3A = arith.constant 7680 : i32
      %dma_wait3A_183 = tpu.memref_slice %arg7[%dma_wait3A] : memref<10240xf32, #tpu.memory_space<vmem>> -> memref<640xf32, #tpu.memory_space<vmem>>
      %dma_wait3A_184 = tpu.memref_slice %arg8[%mul3A_154] : memref<163840xf32, #tpu.memory_space<vmem_shared>> -> memref<640xf32, #tpu.memory_space<vmem_shared>>
      %dma_wait3A_185 = arith.constant 7680 : i32
      %dma_wait3A_186 = tpu.memref_slice %arg7[%dma_wait3A_185] : memref<10240xf32, #tpu.memory_space<vmem>> -> memref<640xf32, #tpu.memory_space<vmem>>
      %dma_wait3A_187 = tpu.memref_slice %arg8[%mul3A_154] : memref<163840xf32, #tpu.memory_space<vmem_shared>> -> memref<640xf32, #tpu.memory_space<vmem_shared>>
      tpu.wait_dma2 semaphore(%run_scoped3A : memref<!tpu.dma_semaphore, #tpu.memory_space<semaphore_mem>>) src(%dma_wait3A_187 : memref<640xf32, #tpu.memory_space<vmem_shared>>) dst(%dma_wait3A_186 : memref<640xf32, #tpu.memory_space<vmem>>)
      tpu.yield
    }) : () -> ()
    %add3A_155 = arith.constant 208 : i32
    %add3A_156 = arith.addi %add3A_155, %arg1 : i32
    %mul3A_157 = arith.constant 640 : i32
    %mul3A_158 = arith.muli %add3A_156, %mul3A_157 : i32
    "tpu.region"() ({
      %run_scoped3A = tpu.sem_alloc : memref<!tpu.dma_semaphore, #tpu.memory_space<semaphore_mem>>
      %dma_start3A = arith.constant 8320 : i32
      %dma_start3A_178 = tpu.memref_slice %arg7[%dma_start3A] : memref<10240xf32, #tpu.memory_space<vmem>> -> memref<640xf32, #tpu.memory_space<vmem>>
      %dma_start3A_179 = tpu.memref_slice %arg8[%mul3A_158] : memref<163840xf32, #tpu.memory_space<vmem_shared>> -> memref<640xf32, #tpu.memory_space<vmem_shared>>
      %dma_start3A_180 = arith.constant 8320 : i32
      %dma_start3A_181 = tpu.memref_slice %arg7[%dma_start3A_180] : memref<10240xf32, #tpu.memory_space<vmem>> -> memref<640xf32, #tpu.memory_space<vmem>>
      %dma_start3A_182 = tpu.memref_slice %arg8[%mul3A_158] : memref<163840xf32, #tpu.memory_space<vmem_shared>> -> memref<640xf32, #tpu.memory_space<vmem_shared>>
      tpu.enqueue_dma source(%dma_start3A_182 : memref<640xf32, #tpu.memory_space<vmem_shared>>) target(%dma_start3A_181 : memref<640xf32, #tpu.memory_space<vmem>>) target_semaphore(%run_scoped3A : memref<!tpu.dma_semaphore, #tpu.memory_space<semaphore_mem>>)
      %dma_wait3A = arith.constant 8320 : i32
      %dma_wait3A_183 = tpu.memref_slice %arg7[%dma_wait3A] : memref<10240xf32, #tpu.memory_space<vmem>> -> memref<640xf32, #tpu.memory_space<vmem>>
      %dma_wait3A_184 = tpu.memref_slice %arg8[%mul3A_158] : memref<163840xf32, #tpu.memory_space<vmem_shared>> -> memref<640xf32, #tpu.memory_space<vmem_shared>>
      %dma_wait3A_185 = arith.constant 8320 : i32
      %dma_wait3A_186 = tpu.memref_slice %arg7[%dma_wait3A_185] : memref<10240xf32, #tpu.memory_space<vmem>> -> memref<640xf32, #tpu.memory_space<vmem>>
      %dma_wait3A_187 = tpu.memref_slice %arg8[%mul3A_158] : memref<163840xf32, #tpu.memory_space<vmem_shared>> -> memref<640xf32, #tpu.memory_space<vmem_shared>>
      tpu.wait_dma2 semaphore(%run_scoped3A : memref<!tpu.dma_semaphore, #tpu.memory_space<semaphore_mem>>) src(%dma_wait3A_187 : memref<640xf32, #tpu.memory_space<vmem_shared>>) dst(%dma_wait3A_186 : memref<640xf32, #tpu.memory_space<vmem>>)
      tpu.yield
    }) : () -> ()
    %add3A_159 = arith.constant 224 : i32
    %add3A_160 = arith.addi %add3A_159, %arg1 : i32
    %mul3A_161 = arith.constant 640 : i32
    %mul3A_162 = arith.muli %add3A_160, %mul3A_161 : i32
    "tpu.region"() ({
      %run_scoped3A = tpu.sem_alloc : memref<!tpu.dma_semaphore, #tpu.memory_space<semaphore_mem>>
      %dma_start3A = arith.constant 8960 : i32
      %dma_start3A_178 = tpu.memref_slice %arg7[%dma_start3A] : memref<10240xf32, #tpu.memory_space<vmem>> -> memref<640xf32, #tpu.memory_space<vmem>>
      %dma_start3A_179 = tpu.memref_slice %arg8[%mul3A_162] : memref<163840xf32, #tpu.memory_space<vmem_shared>> -> memref<640xf32, #tpu.memory_space<vmem_shared>>
      %dma_start3A_180 = arith.constant 8960 : i32
      %dma_start3A_181 = tpu.memref_slice %arg7[%dma_start3A_180] : memref<10240xf32, #tpu.memory_space<vmem>> -> memref<640xf32, #tpu.memory_space<vmem>>
      %dma_start3A_182 = tpu.memref_slice %arg8[%mul3A_162] : memref<163840xf32, #tpu.memory_space<vmem_shared>> -> memref<640xf32, #tpu.memory_space<vmem_shared>>
      tpu.enqueue_dma source(%dma_start3A_182 : memref<640xf32, #tpu.memory_space<vmem_shared>>) target(%dma_start3A_181 : memref<640xf32, #tpu.memory_space<vmem>>) target_semaphore(%run_scoped3A : memref<!tpu.dma_semaphore, #tpu.memory_space<semaphore_mem>>)
      %dma_wait3A = arith.constant 8960 : i32
      %dma_wait3A_183 = tpu.memref_slice %arg7[%dma_wait3A] : memref<10240xf32, #tpu.memory_space<vmem>> -> memref<640xf32, #tpu.memory_space<vmem>>
      %dma_wait3A_184 = tpu.memref_slice %arg8[%mul3A_162] : memref<163840xf32, #tpu.memory_space<vmem_shared>> -> memref<640xf32, #tpu.memory_space<vmem_shared>>
      %dma_wait3A_185 = arith.constant 8960 : i32
      %dma_wait3A_186 = tpu.memref_slice %arg7[%dma_wait3A_185] : memref<10240xf32, #tpu.memory_space<vmem>> -> memref<640xf32, #tpu.memory_space<vmem>>
      %dma_wait3A_187 = tpu.memref_slice %arg8[%mul3A_162] : memref<163840xf32, #tpu.memory_space<vmem_shared>> -> memref<640xf32, #tpu.memory_space<vmem_shared>>
      tpu.wait_dma2 semaphore(%run_scoped3A : memref<!tpu.dma_semaphore, #tpu.memory_space<semaphore_mem>>) src(%dma_wait3A_187 : memref<640xf32, #tpu.memory_space<vmem_shared>>) dst(%dma_wait3A_186 : memref<640xf32, #tpu.memory_space<vmem>>)
      tpu.yield
    }) : () -> ()
    %add3A_163 = arith.constant 240 : i32
    %add3A_164 = arith.addi %add3A_163, %arg1 : i32
    %mul3A_165 = arith.constant 640 : i32
    %mul3A_166 = arith.muli %add3A_164, %mul3A_165 : i32
    "tpu.region"() ({
      %run_scoped3A = tpu.sem_alloc : memref<!tpu.dma_semaphore, #tpu.memory_space<semaphore_mem>>
      %dma_start3A = arith.constant 9600 : i32
      %dma_start3A_178 = tpu.memref_slice %arg7[%dma_start3A] : memref<10240xf32, #tpu.memory_space<vmem>> -> memref<640xf32, #tpu.memory_space<vmem>>
      %dma_start3A_179 = tpu.memref_slice %arg8[%mul3A_166] : memref<163840xf32, #tpu.memory_space<vmem_shared>> -> memref<640xf32, #tpu.memory_space<vmem_shared>>
      %dma_start3A_180 = arith.constant 9600 : i32
      %dma_start3A_181 = tpu.memref_slice %arg7[%dma_start3A_180] : memref<10240xf32, #tpu.memory_space<vmem>> -> memref<640xf32, #tpu.memory_space<vmem>>
      %dma_start3A_182 = tpu.memref_slice %arg8[%mul3A_166] : memref<163840xf32, #tpu.memory_space<vmem_shared>> -> memref<640xf32, #tpu.memory_space<vmem_shared>>
      tpu.enqueue_dma source(%dma_start3A_182 : memref<640xf32, #tpu.memory_space<vmem_shared>>) target(%dma_start3A_181 : memref<640xf32, #tpu.memory_space<vmem>>) target_semaphore(%run_scoped3A : memref<!tpu.dma_semaphore, #tpu.memory_space<semaphore_mem>>)
      %dma_wait3A = arith.constant 9600 : i32
      %dma_wait3A_183 = tpu.memref_slice %arg7[%dma_wait3A] : memref<10240xf32, #tpu.memory_space<vmem>> -> memref<640xf32, #tpu.memory_space<vmem>>
      %dma_wait3A_184 = tpu.memref_slice %arg8[%mul3A_166] : memref<163840xf32, #tpu.memory_space<vmem_shared>> -> memref<640xf32, #tpu.memory_space<vmem_shared>>
      %dma_wait3A_185 = arith.constant 9600 : i32
      %dma_wait3A_186 = tpu.memref_slice %arg7[%dma_wait3A_185] : memref<10240xf32, #tpu.memory_space<vmem>> -> memref<640xf32, #tpu.memory_space<vmem>>
      %dma_wait3A_187 = tpu.memref_slice %arg8[%mul3A_166] : memref<163840xf32, #tpu.memory_space<vmem_shared>> -> memref<640xf32, #tpu.memory_space<vmem_shared>>
      tpu.wait_dma2 semaphore(%run_scoped3A : memref<!tpu.dma_semaphore, #tpu.memory_space<semaphore_mem>>) src(%dma_wait3A_187 : memref<640xf32, #tpu.memory_space<vmem_shared>>) dst(%dma_wait3A_186 : memref<640xf32, #tpu.memory_space<vmem>>)
      tpu.yield
    }) : () -> ()
    %scan3A_167 = arith.constant 0 : i32
    %scan3A_168 = arith.constant 0 : i32
    %scan3A_169 = arith.constant 40 : i32
    %scan3A_170 = arith.addi %scan3A_168, %scan3A_169 : i32
    %scan3A_171 = arith.constant 1 : i32
    scf.for %scan3A_178 = %scan3A_168 to %scan3A_170 step %scan3A_171  : i32 {
      %mul3A_179 = arith.constant 16 : i32
      %mul3A_180 = arith.muli %scan3A_178, %mul3A_179 : i32
      %get3A = arith.index_cast %mul3A_180 : i32 to index
      %get3A_181 = tpu.vector_load %arg7[%get3A] {strides = array<i32>} : memref<10240xf32, #tpu.memory_space<vmem>>, vector<16xf32>,
      %mul3A_182 = arith.constant 16 : i32
      %mul3A_183 = arith.muli %scan3A_178, %mul3A_182 : i32
      %add3A_184 = arith.constant 640 : i32
      %add3A_185 = arith.addi %add3A_184, %mul3A_183 : i32
      %get3A_186 = arith.index_cast %add3A_185 : i32 to index
      %get3A_187 = tpu.vector_load %arg7[%get3A_186] {strides = array<i32>} : memref<10240xf32, #tpu.memory_space<vmem>>, vector<16xf32>,
      %add3A_188 = arith.addf %get3A_181, %get3A_187 : vector<16xf32>
      %mul3A_189 = arith.constant 16 : i32
      %mul3A_190 = arith.muli %scan3A_178, %mul3A_189 : i32
      %add3A_191 = arith.constant 1280 : i32
      %add3A_192 = arith.addi %add3A_191, %mul3A_190 : i32
      %get3A_193 = arith.index_cast %add3A_192 : i32 to index
      %get3A_194 = tpu.vector_load %arg7[%get3A_193] {strides = array<i32>} : memref<10240xf32, #tpu.memory_space<vmem>>, vector<16xf32>,
      %add3A_195 = arith.addf %add3A_188, %get3A_194 : vector<16xf32>
      %mul3A_196 = arith.constant 16 : i32
      %mul3A_197 = arith.muli %scan3A_178, %mul3A_196 : i32
      %add3A_198 = arith.constant 1920 : i32
      %add3A_199 = arith.addi %add3A_198, %mul3A_197 : i32
      %get3A_200 = arith.index_cast %add3A_199 : i32 to index
      %get3A_201 = tpu.vector_load %arg7[%get3A_200] {strides = array<i32>} : memref<10240xf32, #tpu.memory_space<vmem>>, vector<16xf32>,
      %add3A_202 = arith.addf %add3A_195, %get3A_201 : vector<16xf32>
      %mul3A_203 = arith.constant 16 : i32
      %mul3A_204 = arith.muli %scan3A_178, %mul3A_203 : i32
      %add3A_205 = arith.constant 2560 : i32
      %add3A_206 = arith.addi %add3A_205, %mul3A_204 : i32
      %get3A_207 = arith.index_cast %add3A_206 : i32 to index
      %get3A_208 = tpu.vector_load %arg7[%get3A_207] {strides = array<i32>} : memref<10240xf32, #tpu.memory_space<vmem>>, vector<16xf32>,
      %add3A_209 = arith.addf %add3A_202, %get3A_208 : vector<16xf32>
      %mul3A_210 = arith.constant 16 : i32
      %mul3A_211 = arith.muli %scan3A_178, %mul3A_210 : i32
      %add3A_212 = arith.constant 3200 : i32
      %add3A_213 = arith.addi %add3A_212, %mul3A_211 : i32
      %get3A_214 = arith.index_cast %add3A_213 : i32 to index
      %get3A_215 = tpu.vector_load %arg7[%get3A_214] {strides = array<i32>} : memref<10240xf32, #tpu.memory_space<vmem>>, vector<16xf32>,
      %add3A_216 = arith.addf %add3A_209, %get3A_215 : vector<16xf32>
      %mul3A_217 = arith.constant 16 : i32
      %mul3A_218 = arith.muli %scan3A_178, %mul3A_217 : i32
      %add3A_219 = arith.constant 3840 : i32
      %add3A_220 = arith.addi %add3A_219, %mul3A_218 : i32
      %get3A_221 = arith.index_cast %add3A_220 : i32 to index
      %get3A_222 = tpu.vector_load %arg7[%get3A_221] {strides = array<i32>} : memref<10240xf32, #tpu.memory_space<vmem>>, vector<16xf32>,
      %add3A_223 = arith.addf %add3A_216, %get3A_222 : vector<16xf32>
      %mul3A_224 = arith.constant 16 : i32
      %mul3A_225 = arith.muli %scan3A_178, %mul3A_224 : i32
      %add3A_226 = arith.constant 4480 : i32
      %add3A_227 = arith.addi %add3A_226, %mul3A_225 : i32
      %get3A_228 = arith.index_cast %add3A_227 : i32 to index
      %get3A_229 = tpu.vector_load %arg7[%get3A_228] {strides = array<i32>} : memref<10240xf32, #tpu.memory_space<vmem>>, vector<16xf32>,
      %add3A_230 = arith.addf %add3A_223, %get3A_229 : vector<16xf32>
      %mul3A_231 = arith.constant 16 : i32
      %mul3A_232 = arith.muli %scan3A_178, %mul3A_231 : i32
      %add3A_233 = arith.constant 5120 : i32
      %add3A_234 = arith.addi %add3A_233, %mul3A_232 : i32
      %get3A_235 = arith.index_cast %add3A_234 : i32 to index
      %get3A_236 = tpu.vector_load %arg7[%get3A_235] {strides = array<i32>} : memref<10240xf32, #tpu.memory_space<vmem>>, vector<16xf32>,
      %add3A_237 = arith.addf %add3A_230, %get3A_236 : vector<16xf32>
      %mul3A_238 = arith.constant 16 : i32
      %mul3A_239 = arith.muli %scan3A_178, %mul3A_238 : i32
      %add3A_240 = arith.constant 5760 : i32
      %add3A_241 = arith.addi %add3A_240, %mul3A_239 : i32
      %get3A_242 = arith.index_cast %add3A_241 : i32 to index
      %get3A_243 = tpu.vector_load %arg7[%get3A_242] {strides = array<i32>} : memref<10240xf32, #tpu.memory_space<vmem>>, vector<16xf32>,
      %add3A_244 = arith.addf %add3A_237, %get3A_243 : vector<16xf32>
      %mul3A_245 = arith.constant 16 : i32
      %mul3A_246 = arith.muli %scan3A_178, %mul3A_245 : i32
      %add3A_247 = arith.constant 6400 : i32
      %add3A_248 = arith.addi %add3A_247, %mul3A_246 : i32
      %get3A_249 = arith.index_cast %add3A_248 : i32 to index
      %get3A_250 = tpu.vector_load %arg7[%get3A_249] {strides = array<i32>} : memref<10240xf32, #tpu.memory_space<vmem>>, vector<16xf32>,
      %add3A_251 = arith.addf %add3A_244, %get3A_250 : vector<16xf32>
      %mul3A_252 = arith.constant 16 : i32
      %mul3A_253 = arith.muli %scan3A_178, %mul3A_252 : i32
      %add3A_254 = arith.constant 7040 : i32
      %add3A_255 = arith.addi %add3A_254, %mul3A_253 : i32
      %get3A_256 = arith.index_cast %add3A_255 : i32 to index
      %get3A_257 = tpu.vector_load %arg7[%get3A_256] {strides = array<i32>} : memref<10240xf32, #tpu.memory_space<vmem>>, vector<16xf32>,
      %add3A_258 = arith.addf %add3A_251, %get3A_257 : vector<16xf32>
      %mul3A_259 = arith.constant 16 : i32
      %mul3A_260 = arith.muli %scan3A_178, %mul3A_259 : i32
      %add3A_261 = arith.constant 7680 : i32
      %add3A_262 = arith.addi %add3A_261, %mul3A_260 : i32
      %get3A_263 = arith.index_cast %add3A_262 : i32 to index
      %get3A_264 = tpu.vector_load %arg7[%get3A_263] {strides = array<i32>} : memref<10240xf32, #tpu.memory_space<vmem>>, vector<16xf32>,
      %add3A_265 = arith.addf %add3A_258, %get3A_264 : vector<16xf32>
      %mul3A_266 = arith.constant 16 : i32
      %mul3A_267 = arith.muli %scan3A_178, %mul3A_266 : i32
      %add3A_268 = arith.constant 8320 : i32
      %add3A_269 = arith.addi %add3A_268, %mul3A_267 : i32
      %get3A_270 = arith.index_cast %add3A_269 : i32 to index
      %get3A_271 = tpu.vector_load %arg7[%get3A_270] {strides = array<i32>} : memref<10240xf32, #tpu.memory_space<vmem>>, vector<16xf32>,
      %add3A_272 = arith.addf %add3A_265, %get3A_271 : vector<16xf32>
      %mul3A_273 = arith.constant 16 : i32
      %mul3A_274 = arith.muli %scan3A_178, %mul3A_273 : i32
      %add3A_275 = arith.constant 8960 : i32
      %add3A_276 = arith.addi %add3A_275, %mul3A_274 : i32
      %get3A_277 = arith.index_cast %add3A_276 : i32 to index
      %get3A_278 = tpu.vector_load %arg7[%get3A_277] {strides = array<i32>} : memref<10240xf32, #tpu.memory_space<vmem>>, vector<16xf32>,
      %add3A_279 = arith.addf %add3A_272, %get3A_278 : vector<16xf32>
      %mul3A_280 = arith.constant 16 : i32
      %mul3A_281 = arith.muli %scan3A_178, %mul3A_280 : i32
      %add3A_282 = arith.constant 9600 : i32
      %add3A_283 = arith.addi %add3A_282, %mul3A_281 : i32
      %get3A_284 = arith.index_cast %add3A_283 : i32 to index
      %get3A_285 = tpu.vector_load %arg7[%get3A_284] {strides = array<i32>} : memref<10240xf32, #tpu.memory_space<vmem>>, vector<16xf32>,
      %add3A_286 = arith.addf %add3A_279, %get3A_285 : vector<16xf32>
      %mul3A_287 = arith.constant 16 : i32
      %mul3A_288 = arith.muli %scan3A_178, %mul3A_287 : i32
      %swap3A = arith.index_cast %mul3A_288 : i32 to index
      %swap3A_289 = tpu.vector_load %arg6[%swap3A] {strides = array<i32>} : memref<10240xf32, #tpu.memory_space<vmem>>, vector<16xf32>,
      tpu.vector_store %arg6[%swap3A], %add3A_286 {strides = array<i32>} : memref<10240xf32, #tpu.memory_space<vmem>>, vector<16xf32>,
    }
    %scan3A_172 = arith.constant 40 : i32
    %mul3A_173 = arith.constant 10240 : i32
    %mul3A_174 = arith.muli %arg0, %mul3A_173 : i32
    %mul3A_175 = arith.constant 640 : i32
    %mul3A_176 = arith.muli %arg1, %mul3A_175 : i32
    %add3A_177 = arith.addi %mul3A_174, %mul3A_176 : i32
    "tpu.region"() ({
      %run_scoped3A = tpu.sem_alloc : memref<!tpu.dma_semaphore, #tpu.memory_space<semaphore_mem>>
      %dma_start3A = arith.constant 0 : i32
      %dma_start3A_178 = tpu.memref_slice %arg6[%dma_start3A] : memref<10240xf32, #tpu.memory_space<vmem>> -> memref<640xf32, #tpu.memory_space<vmem>>
      %dma_start3A_179 = tpu.memref_slice %arg4[%add3A_177] : memref<20480xf32, #tpu.memory_space<hbm>> -> memref<640xf32, #tpu.memory_space<hbm>>
      %dma_start3A_180 = tpu.memref_slice %arg4[%add3A_177] : memref<20480xf32, #tpu.memory_space<hbm>> -> memref<640xf32, #tpu.memory_space<hbm>>
      %dma_start3A_181 = arith.constant 0 : i32
      %dma_start3A_182 = tpu.memref_slice %arg6[%dma_start3A_181] : memref<10240xf32, #tpu.memory_space<vmem>> -> memref<640xf32, #tpu.memory_space<vmem>>
      tpu.enqueue_dma source(%dma_start3A_182 : memref<640xf32, #tpu.memory_space<vmem>>) target(%dma_start3A_180 : memref<640xf32, #tpu.memory_space<hbm>>) target_semaphore(%run_scoped3A : memref<!tpu.dma_semaphore, #tpu.memory_space<semaphore_mem>>)
      %dma_wait3A = arith.constant 0 : i32
      %dma_wait3A_183 = tpu.memref_slice %arg6[%dma_wait3A] : memref<10240xf32, #tpu.memory_space<vmem>> -> memref<640xf32, #tpu.memory_space<vmem>>
      %dma_wait3A_184 = tpu.memref_slice %arg4[%add3A_177] : memref<20480xf32, #tpu.memory_space<hbm>> -> memref<640xf32, #tpu.memory_space<hbm>>
      %dma_wait3A_185 = tpu.memref_slice %arg4[%add3A_177] : memref<20480xf32, #tpu.memory_space<hbm>> -> memref<640xf32, #tpu.memory_space<hbm>>
      %dma_wait3A_186 = arith.constant 0 : i32
      %dma_wait3A_187 = tpu.memref_slice %arg6[%dma_wait3A_186] : memref<10240xf32, #tpu.memory_space<vmem>> -> memref<640xf32, #tpu.memory_space<vmem>>
      tpu.wait_dma2 semaphore(%run_scoped3A : memref<!tpu.dma_semaphore, #tpu.memory_space<semaphore_mem>>) src(%dma_wait3A_187 : memref<640xf32, #tpu.memory_space<vmem>>) dst(%dma_wait3A_185 : memref<640xf32, #tpu.memory_space<hbm>>)
      tpu.yield
    }) : () -> ()
    return
  }
}

#map = affine_map<(d0, d1) -> (0, 0)>
#map1 = affine_map<(d0, d1) -> (0, 0, 0, 0)>
#map2 = affine_map<(d0, d1) -> (0, 0, 0)>
module attributes {stable_mosaic.version = 14 : i64} {
  func.func @body(%arg0: i32, %arg1: i32, %arg2: memref<10240x128xf32, #tpu.memory_space<hbm>>, %arg3: memref<32x5x25x80xi32, #tpu.memory_space<hbm>>, %arg4: memref<32x5x25x80xi32, #tpu.memory_space<hbm>>, %arg5: memref<80x128xf32, #tpu.memory_space<hbm>>, %arg6: memref<2x10240x128xf32, #tpu.memory_space<hbm>>, %arg7: memref<25x80xi32, #tpu.memory_space<vmem>>, %arg8: memref<25x80xi32, #tpu.memory_space<vmem>>, %arg9: memref<80x128xf32, #tpu.memory_space<vmem>>, %arg10: memref<80x128xf32, #tpu.memory_space<vmem>>, %arg11: memref<10240x128xf32, #tpu.memory_space<vmem_shared>>, %arg12: memref<!tpu.dma_semaphore, #tpu.memory_space<semaphore_mem>>, %arg13: memref<!tpu.dma_semaphore, #tpu.memory_space<semaphore_mem>>) attributes {dimension_semantics = [#tpu.dimension_semantics<core_parallel>, #tpu.dimension_semantics<subcore_parallel>], iteration_bounds = array<i64: 2, 16>, scalar_prefetch = 0 : i64, scratch_operands = 7 : i64, tpu.core_type = #tpu.core_type<sc_vector_subcore>, window_params = [{transform_indices = #map}, {transform_indices = #map1}, {transform_indices = #map1}, {transform_indices = #map}, {transform_indices = #map2}]} {
    %mul3A = arith.constant 16 : i32
    %mul3A_0 = arith.muli %arg0, %mul3A : i32
    %add3A = arith.addi %mul3A_0, %arg1 : i32
    "tpu.region"() ({
      %run_scoped3A = tpu.sem_alloc : memref<!tpu.dma_semaphore, #tpu.memory_space<semaphore_mem>>
      tpu.enqueue_dma source(%arg5 : memref<80x128xf32, #tpu.memory_space<hbm>>) target(%arg9 : memref<80x128xf32, #tpu.memory_space<vmem>>) target_semaphore(%run_scoped3A : memref<!tpu.dma_semaphore, #tpu.memory_space<semaphore_mem>>)
      tpu.wait_dma2 semaphore(%run_scoped3A : memref<!tpu.dma_semaphore, #tpu.memory_space<semaphore_mem>>) src(%arg5 : memref<80x128xf32, #tpu.memory_space<hbm>>) dst(%arg9 : memref<80x128xf32, #tpu.memory_space<vmem>>)
      tpu.yield
    }) : () -> ()
    %mul3A_1 = arith.constant 640 : i32
    %mul3A_2 = arith.muli %arg1, %mul3A_1 : i32
    %add3A_3 = arith.constant 0 : i32
    %add3A_4 = arith.addi %mul3A_2, %add3A_3 : i32
    "tpu.region"() ({
      %run_scoped3A = tpu.sem_alloc : memref<!tpu.dma_semaphore, #tpu.memory_space<semaphore_mem>>
      %dma_start3A = arith.constant 0 : i32
      %dma_start3A_103 = tpu.memref_slice %arg11[%add3A_4, %dma_start3A] : memref<10240x128xf32, #tpu.memory_space<vmem_shared>> -> memref<80x128xf32, #tpu.memory_space<vmem_shared>>
      %dma_start3A_104 = arith.constant 0 : i32
      %dma_start3A_105 = tpu.memref_slice %arg11[%add3A_4, %dma_start3A_104] : memref<10240x128xf32, #tpu.memory_space<vmem_shared>> -> memref<80x128xf32, #tpu.memory_space<vmem_shared>>
      tpu.enqueue_dma source(%arg9 : memref<80x128xf32, #tpu.memory_space<vmem>>) target(%dma_start3A_105 : memref<80x128xf32, #tpu.memory_space<vmem_shared>>) target_semaphore(%run_scoped3A : memref<!tpu.dma_semaphore, #tpu.memory_space<semaphore_mem>>)
      %dma_wait3A = arith.constant 0 : i32
      %dma_wait3A_106 = tpu.memref_slice %arg11[%add3A_4, %dma_wait3A] : memref<10240x128xf32, #tpu.memory_space<vmem_shared>> -> memref<80x128xf32, #tpu.memory_space<vmem_shared>>
      %dma_wait3A_107 = arith.constant 0 : i32
      %dma_wait3A_108 = tpu.memref_slice %arg11[%add3A_4, %dma_wait3A_107] : memref<10240x128xf32, #tpu.memory_space<vmem_shared>> -> memref<80x128xf32, #tpu.memory_space<vmem_shared>>
      tpu.wait_dma2 semaphore(%run_scoped3A : memref<!tpu.dma_semaphore, #tpu.memory_space<semaphore_mem>>) src(%arg9 : memref<80x128xf32, #tpu.memory_space<vmem>>) dst(%dma_wait3A_108 : memref<80x128xf32, #tpu.memory_space<vmem_shared>>)
      tpu.yield
    }) : () -> ()
    %mul3A_5 = arith.constant 640 : i32
    %mul3A_6 = arith.muli %arg1, %mul3A_5 : i32
    %add3A_7 = arith.constant 80 : i32
    %add3A_8 = arith.addi %mul3A_6, %add3A_7 : i32
    "tpu.region"() ({
      %run_scoped3A = tpu.sem_alloc : memref<!tpu.dma_semaphore, #tpu.memory_space<semaphore_mem>>
      %dma_start3A = arith.constant 0 : i32
      %dma_start3A_103 = tpu.memref_slice %arg11[%add3A_8, %dma_start3A] : memref<10240x128xf32, #tpu.memory_space<vmem_shared>> -> memref<80x128xf32, #tpu.memory_space<vmem_shared>>
      %dma_start3A_104 = arith.constant 0 : i32
      %dma_start3A_105 = tpu.memref_slice %arg11[%add3A_8, %dma_start3A_104] : memref<10240x128xf32, #tpu.memory_space<vmem_shared>> -> memref<80x128xf32, #tpu.memory_space<vmem_shared>>
      tpu.enqueue_dma source(%arg9 : memref<80x128xf32, #tpu.memory_space<vmem>>) target(%dma_start3A_105 : memref<80x128xf32, #tpu.memory_space<vmem_shared>>) target_semaphore(%run_scoped3A : memref<!tpu.dma_semaphore, #tpu.memory_space<semaphore_mem>>)
      %dma_wait3A = arith.constant 0 : i32
      %dma_wait3A_106 = tpu.memref_slice %arg11[%add3A_8, %dma_wait3A] : memref<10240x128xf32, #tpu.memory_space<vmem_shared>> -> memref<80x128xf32, #tpu.memory_space<vmem_shared>>
      %dma_wait3A_107 = arith.constant 0 : i32
      %dma_wait3A_108 = tpu.memref_slice %arg11[%add3A_8, %dma_wait3A_107] : memref<10240x128xf32, #tpu.memory_space<vmem_shared>> -> memref<80x128xf32, #tpu.memory_space<vmem_shared>>
      tpu.wait_dma2 semaphore(%run_scoped3A : memref<!tpu.dma_semaphore, #tpu.memory_space<semaphore_mem>>) src(%arg9 : memref<80x128xf32, #tpu.memory_space<vmem>>) dst(%dma_wait3A_108 : memref<80x128xf32, #tpu.memory_space<vmem_shared>>)
      tpu.yield
    }) : () -> ()
    %mul3A_9 = arith.constant 640 : i32
    %mul3A_10 = arith.muli %arg1, %mul3A_9 : i32
    %add3A_11 = arith.constant 160 : i32
    %add3A_12 = arith.addi %mul3A_10, %add3A_11 : i32
    "tpu.region"() ({
      %run_scoped3A = tpu.sem_alloc : memref<!tpu.dma_semaphore, #tpu.memory_space<semaphore_mem>>
      %dma_start3A = arith.constant 0 : i32
      %dma_start3A_103 = tpu.memref_slice %arg11[%add3A_12, %dma_start3A] : memref<10240x128xf32, #tpu.memory_space<vmem_shared>> -> memref<80x128xf32, #tpu.memory_space<vmem_shared>>
      %dma_start3A_104 = arith.constant 0 : i32
      %dma_start3A_105 = tpu.memref_slice %arg11[%add3A_12, %dma_start3A_104] : memref<10240x128xf32, #tpu.memory_space<vmem_shared>> -> memref<80x128xf32, #tpu.memory_space<vmem_shared>>
      tpu.enqueue_dma source(%arg9 : memref<80x128xf32, #tpu.memory_space<vmem>>) target(%dma_start3A_105 : memref<80x128xf32, #tpu.memory_space<vmem_shared>>) target_semaphore(%run_scoped3A : memref<!tpu.dma_semaphore, #tpu.memory_space<semaphore_mem>>)
      %dma_wait3A = arith.constant 0 : i32
      %dma_wait3A_106 = tpu.memref_slice %arg11[%add3A_12, %dma_wait3A] : memref<10240x128xf32, #tpu.memory_space<vmem_shared>> -> memref<80x128xf32, #tpu.memory_space<vmem_shared>>
      %dma_wait3A_107 = arith.constant 0 : i32
      %dma_wait3A_108 = tpu.memref_slice %arg11[%add3A_12, %dma_wait3A_107] : memref<10240x128xf32, #tpu.memory_space<vmem_shared>> -> memref<80x128xf32, #tpu.memory_space<vmem_shared>>
      tpu.wait_dma2 semaphore(%run_scoped3A : memref<!tpu.dma_semaphore, #tpu.memory_space<semaphore_mem>>) src(%arg9 : memref<80x128xf32, #tpu.memory_space<vmem>>) dst(%dma_wait3A_108 : memref<80x128xf32, #tpu.memory_space<vmem_shared>>)
      tpu.yield
    }) : () -> ()
    %mul3A_13 = arith.constant 640 : i32
    %mul3A_14 = arith.muli %arg1, %mul3A_13 : i32
    %add3A_15 = arith.constant 240 : i32
    %add3A_16 = arith.addi %mul3A_14, %add3A_15 : i32
    "tpu.region"() ({
      %run_scoped3A = tpu.sem_alloc : memref<!tpu.dma_semaphore, #tpu.memory_space<semaphore_mem>>
      %dma_start3A = arith.constant 0 : i32
      %dma_start3A_103 = tpu.memref_slice %arg11[%add3A_16, %dma_start3A] : memref<10240x128xf32, #tpu.memory_space<vmem_shared>> -> memref<80x128xf32, #tpu.memory_space<vmem_shared>>
      %dma_start3A_104 = arith.constant 0 : i32
      %dma_start3A_105 = tpu.memref_slice %arg11[%add3A_16, %dma_start3A_104] : memref<10240x128xf32, #tpu.memory_space<vmem_shared>> -> memref<80x128xf32, #tpu.memory_space<vmem_shared>>
      tpu.enqueue_dma source(%arg9 : memref<80x128xf32, #tpu.memory_space<vmem>>) target(%dma_start3A_105 : memref<80x128xf32, #tpu.memory_space<vmem_shared>>) target_semaphore(%run_scoped3A : memref<!tpu.dma_semaphore, #tpu.memory_space<semaphore_mem>>)
      %dma_wait3A = arith.constant 0 : i32
      %dma_wait3A_106 = tpu.memref_slice %arg11[%add3A_16, %dma_wait3A] : memref<10240x128xf32, #tpu.memory_space<vmem_shared>> -> memref<80x128xf32, #tpu.memory_space<vmem_shared>>
      %dma_wait3A_107 = arith.constant 0 : i32
      %dma_wait3A_108 = tpu.memref_slice %arg11[%add3A_16, %dma_wait3A_107] : memref<10240x128xf32, #tpu.memory_space<vmem_shared>> -> memref<80x128xf32, #tpu.memory_space<vmem_shared>>
      tpu.wait_dma2 semaphore(%run_scoped3A : memref<!tpu.dma_semaphore, #tpu.memory_space<semaphore_mem>>) src(%arg9 : memref<80x128xf32, #tpu.memory_space<vmem>>) dst(%dma_wait3A_108 : memref<80x128xf32, #tpu.memory_space<vmem_shared>>)
      tpu.yield
    }) : () -> ()
    %mul3A_17 = arith.constant 640 : i32
    %mul3A_18 = arith.muli %arg1, %mul3A_17 : i32
    %add3A_19 = arith.constant 320 : i32
    %add3A_20 = arith.addi %mul3A_18, %add3A_19 : i32
    "tpu.region"() ({
      %run_scoped3A = tpu.sem_alloc : memref<!tpu.dma_semaphore, #tpu.memory_space<semaphore_mem>>
      %dma_start3A = arith.constant 0 : i32
      %dma_start3A_103 = tpu.memref_slice %arg11[%add3A_20, %dma_start3A] : memref<10240x128xf32, #tpu.memory_space<vmem_shared>> -> memref<80x128xf32, #tpu.memory_space<vmem_shared>>
      %dma_start3A_104 = arith.constant 0 : i32
      %dma_start3A_105 = tpu.memref_slice %arg11[%add3A_20, %dma_start3A_104] : memref<10240x128xf32, #tpu.memory_space<vmem_shared>> -> memref<80x128xf32, #tpu.memory_space<vmem_shared>>
      tpu.enqueue_dma source(%arg9 : memref<80x128xf32, #tpu.memory_space<vmem>>) target(%dma_start3A_105 : memref<80x128xf32, #tpu.memory_space<vmem_shared>>) target_semaphore(%run_scoped3A : memref<!tpu.dma_semaphore, #tpu.memory_space<semaphore_mem>>)
      %dma_wait3A = arith.constant 0 : i32
      %dma_wait3A_106 = tpu.memref_slice %arg11[%add3A_20, %dma_wait3A] : memref<10240x128xf32, #tpu.memory_space<vmem_shared>> -> memref<80x128xf32, #tpu.memory_space<vmem_shared>>
      %dma_wait3A_107 = arith.constant 0 : i32
      %dma_wait3A_108 = tpu.memref_slice %arg11[%add3A_20, %dma_wait3A_107] : memref<10240x128xf32, #tpu.memory_space<vmem_shared>> -> memref<80x128xf32, #tpu.memory_space<vmem_shared>>
      tpu.wait_dma2 semaphore(%run_scoped3A : memref<!tpu.dma_semaphore, #tpu.memory_space<semaphore_mem>>) src(%arg9 : memref<80x128xf32, #tpu.memory_space<vmem>>) dst(%dma_wait3A_108 : memref<80x128xf32, #tpu.memory_space<vmem_shared>>)
      tpu.yield
    }) : () -> ()
    %mul3A_21 = arith.constant 640 : i32
    %mul3A_22 = arith.muli %arg1, %mul3A_21 : i32
    %add3A_23 = arith.constant 400 : i32
    %add3A_24 = arith.addi %mul3A_22, %add3A_23 : i32
    "tpu.region"() ({
      %run_scoped3A = tpu.sem_alloc : memref<!tpu.dma_semaphore, #tpu.memory_space<semaphore_mem>>
      %dma_start3A = arith.constant 0 : i32
      %dma_start3A_103 = tpu.memref_slice %arg11[%add3A_24, %dma_start3A] : memref<10240x128xf32, #tpu.memory_space<vmem_shared>> -> memref<80x128xf32, #tpu.memory_space<vmem_shared>>
      %dma_start3A_104 = arith.constant 0 : i32
      %dma_start3A_105 = tpu.memref_slice %arg11[%add3A_24, %dma_start3A_104] : memref<10240x128xf32, #tpu.memory_space<vmem_shared>> -> memref<80x128xf32, #tpu.memory_space<vmem_shared>>
      tpu.enqueue_dma source(%arg9 : memref<80x128xf32, #tpu.memory_space<vmem>>) target(%dma_start3A_105 : memref<80x128xf32, #tpu.memory_space<vmem_shared>>) target_semaphore(%run_scoped3A : memref<!tpu.dma_semaphore, #tpu.memory_space<semaphore_mem>>)
      %dma_wait3A = arith.constant 0 : i32
      %dma_wait3A_106 = tpu.memref_slice %arg11[%add3A_24, %dma_wait3A] : memref<10240x128xf32, #tpu.memory_space<vmem_shared>> -> memref<80x128xf32, #tpu.memory_space<vmem_shared>>
      %dma_wait3A_107 = arith.constant 0 : i32
      %dma_wait3A_108 = tpu.memref_slice %arg11[%add3A_24, %dma_wait3A_107] : memref<10240x128xf32, #tpu.memory_space<vmem_shared>> -> memref<80x128xf32, #tpu.memory_space<vmem_shared>>
      tpu.wait_dma2 semaphore(%run_scoped3A : memref<!tpu.dma_semaphore, #tpu.memory_space<semaphore_mem>>) src(%arg9 : memref<80x128xf32, #tpu.memory_space<vmem>>) dst(%dma_wait3A_108 : memref<80x128xf32, #tpu.memory_space<vmem_shared>>)
      tpu.yield
    }) : () -> ()
    %mul3A_25 = arith.constant 640 : i32
    %mul3A_26 = arith.muli %arg1, %mul3A_25 : i32
    %add3A_27 = arith.constant 480 : i32
    %add3A_28 = arith.addi %mul3A_26, %add3A_27 : i32
    "tpu.region"() ({
      %run_scoped3A = tpu.sem_alloc : memref<!tpu.dma_semaphore, #tpu.memory_space<semaphore_mem>>
      %dma_start3A = arith.constant 0 : i32
      %dma_start3A_103 = tpu.memref_slice %arg11[%add3A_28, %dma_start3A] : memref<10240x128xf32, #tpu.memory_space<vmem_shared>> -> memref<80x128xf32, #tpu.memory_space<vmem_shared>>
      %dma_start3A_104 = arith.constant 0 : i32
      %dma_start3A_105 = tpu.memref_slice %arg11[%add3A_28, %dma_start3A_104] : memref<10240x128xf32, #tpu.memory_space<vmem_shared>> -> memref<80x128xf32, #tpu.memory_space<vmem_shared>>
      tpu.enqueue_dma source(%arg9 : memref<80x128xf32, #tpu.memory_space<vmem>>) target(%dma_start3A_105 : memref<80x128xf32, #tpu.memory_space<vmem_shared>>) target_semaphore(%run_scoped3A : memref<!tpu.dma_semaphore, #tpu.memory_space<semaphore_mem>>)
      %dma_wait3A = arith.constant 0 : i32
      %dma_wait3A_106 = tpu.memref_slice %arg11[%add3A_28, %dma_wait3A] : memref<10240x128xf32, #tpu.memory_space<vmem_shared>> -> memref<80x128xf32, #tpu.memory_space<vmem_shared>>
      %dma_wait3A_107 = arith.constant 0 : i32
      %dma_wait3A_108 = tpu.memref_slice %arg11[%add3A_28, %dma_wait3A_107] : memref<10240x128xf32, #tpu.memory_space<vmem_shared>> -> memref<80x128xf32, #tpu.memory_space<vmem_shared>>
      tpu.wait_dma2 semaphore(%run_scoped3A : memref<!tpu.dma_semaphore, #tpu.memory_space<semaphore_mem>>) src(%arg9 : memref<80x128xf32, #tpu.memory_space<vmem>>) dst(%dma_wait3A_108 : memref<80x128xf32, #tpu.memory_space<vmem_shared>>)
      tpu.yield
    }) : () -> ()
    %mul3A_29 = arith.constant 640 : i32
    %mul3A_30 = arith.muli %arg1, %mul3A_29 : i32
    %add3A_31 = arith.constant 560 : i32
    %add3A_32 = arith.addi %mul3A_30, %add3A_31 : i32
    "tpu.region"() ({
      %run_scoped3A = tpu.sem_alloc : memref<!tpu.dma_semaphore, #tpu.memory_space<semaphore_mem>>
      %dma_start3A = arith.constant 0 : i32
      %dma_start3A_103 = tpu.memref_slice %arg11[%add3A_32, %dma_start3A] : memref<10240x128xf32, #tpu.memory_space<vmem_shared>> -> memref<80x128xf32, #tpu.memory_space<vmem_shared>>
      %dma_start3A_104 = arith.constant 0 : i32
      %dma_start3A_105 = tpu.memref_slice %arg11[%add3A_32, %dma_start3A_104] : memref<10240x128xf32, #tpu.memory_space<vmem_shared>> -> memref<80x128xf32, #tpu.memory_space<vmem_shared>>
      tpu.enqueue_dma source(%arg9 : memref<80x128xf32, #tpu.memory_space<vmem>>) target(%dma_start3A_105 : memref<80x128xf32, #tpu.memory_space<vmem_shared>>) target_semaphore(%run_scoped3A : memref<!tpu.dma_semaphore, #tpu.memory_space<semaphore_mem>>)
      %dma_wait3A = arith.constant 0 : i32
      %dma_wait3A_106 = tpu.memref_slice %arg11[%add3A_32, %dma_wait3A] : memref<10240x128xf32, #tpu.memory_space<vmem_shared>> -> memref<80x128xf32, #tpu.memory_space<vmem_shared>>
      %dma_wait3A_107 = arith.constant 0 : i32
      %dma_wait3A_108 = tpu.memref_slice %arg11[%add3A_32, %dma_wait3A_107] : memref<10240x128xf32, #tpu.memory_space<vmem_shared>> -> memref<80x128xf32, #tpu.memory_space<vmem_shared>>
      tpu.wait_dma2 semaphore(%run_scoped3A : memref<!tpu.dma_semaphore, #tpu.memory_space<semaphore_mem>>) src(%arg9 : memref<80x128xf32, #tpu.memory_space<vmem>>) dst(%dma_wait3A_108 : memref<80x128xf32, #tpu.memory_space<vmem_shared>>)
      tpu.yield
    }) : () -> ()
    %barrier3A = arith.constant 0 : index
    tpu.barrier barrier_id(%barrier3A)
    %scan3A = arith.constant 0 : i32
    %scan3A_33 = arith.constant 0 : i32
    %scan3A_34 = arith.constant 5 : i32
    %scan3A_35 = arith.addi %scan3A_33, %scan3A_34 : i32
    %scan3A_36 = arith.constant 1 : i32
    scf.for %scan3A_103 = %scan3A_33 to %scan3A_35 step %scan3A_36  : i32 {
      "tpu.region"() ({
        %run_scoped3A = tpu.sem_alloc : memref<!tpu.dma_semaphore, #tpu.memory_space<semaphore_mem>>
        %dma_start3A_115 = arith.constant 0 : i32
        %dma_start3A_116 = arith.constant 0 : i32
        %dma_start3A_117 = tpu.memref_slice %arg3[%add3A, %scan3A_103, %dma_start3A_115, %dma_start3A_116] : memref<32x5x25x80xi32, #tpu.memory_space<hbm>> -> memref<1x1x25x80xi32, #tpu.memory_space<hbm>>
        %dma_start3A_118 = tpu.memref_squeeze %dma_start3A_117 : memref<1x1x25x80xi32, #tpu.memory_space<hbm>> -> memref<25x80xi32, #tpu.memory_space<hbm>>
        %dma_start3A_119 = arith.constant 0 : i32
        %dma_start3A_120 = arith.constant 0 : i32
        %dma_start3A_121 = tpu.memref_slice %arg3[%add3A, %scan3A_103, %dma_start3A_119, %dma_start3A_120] : memref<32x5x25x80xi32, #tpu.memory_space<hbm>> -> memref<1x1x25x80xi32, #tpu.memory_space<hbm>>
        %dma_start3A_122 = tpu.memref_squeeze %dma_start3A_121 : memref<1x1x25x80xi32, #tpu.memory_space<hbm>> -> memref<25x80xi32, #tpu.memory_space<hbm>>
        tpu.enqueue_dma source(%dma_start3A_122 : memref<25x80xi32, #tpu.memory_space<hbm>>) target(%arg7 : memref<25x80xi32, #tpu.memory_space<vmem>>) target_semaphore(%run_scoped3A : memref<!tpu.dma_semaphore, #tpu.memory_space<semaphore_mem>>)
        %dma_wait3A = arith.constant 0 : i32
        %dma_wait3A_123 = arith.constant 0 : i32
        %dma_wait3A_124 = tpu.memref_slice %arg3[%add3A, %scan3A_103, %dma_wait3A, %dma_wait3A_123] : memref<32x5x25x80xi32, #tpu.memory_space<hbm>> -> memref<1x1x25x80xi32, #tpu.memory_space<hbm>>
        %dma_wait3A_125 = tpu.memref_squeeze %dma_wait3A_124 : memref<1x1x25x80xi32, #tpu.memory_space<hbm>> -> memref<25x80xi32, #tpu.memory_space<hbm>>
        %dma_wait3A_126 = arith.constant 0 : i32
        %dma_wait3A_127 = arith.constant 0 : i32
        %dma_wait3A_128 = tpu.memref_slice %arg3[%add3A, %scan3A_103, %dma_wait3A_126, %dma_wait3A_127] : memref<32x5x25x80xi32, #tpu.memory_space<hbm>> -> memref<1x1x25x80xi32, #tpu.memory_space<hbm>>
        %dma_wait3A_129 = tpu.memref_squeeze %dma_wait3A_128 : memref<1x1x25x80xi32, #tpu.memory_space<hbm>> -> memref<25x80xi32, #tpu.memory_space<hbm>>
        tpu.wait_dma2 semaphore(%run_scoped3A : memref<!tpu.dma_semaphore, #tpu.memory_space<semaphore_mem>>) src(%dma_wait3A_129 : memref<25x80xi32, #tpu.memory_space<hbm>>) dst(%arg7 : memref<25x80xi32, #tpu.memory_space<vmem>>)
        tpu.yield
      }) : () -> ()
      "tpu.region"() ({
        %run_scoped3A = tpu.sem_alloc : memref<!tpu.dma_semaphore, #tpu.memory_space<semaphore_mem>>
        %dma_start3A_115 = arith.constant 0 : i32
        %dma_start3A_116 = arith.constant 0 : i32
        %dma_start3A_117 = tpu.memref_slice %arg4[%add3A, %scan3A_103, %dma_start3A_115, %dma_start3A_116] : memref<32x5x25x80xi32, #tpu.memory_space<hbm>> -> memref<1x1x25x80xi32, #tpu.memory_space<hbm>>
        %dma_start3A_118 = tpu.memref_squeeze %dma_start3A_117 : memref<1x1x25x80xi32, #tpu.memory_space<hbm>> -> memref<25x80xi32, #tpu.memory_space<hbm>>
        %dma_start3A_119 = arith.constant 0 : i32
        %dma_start3A_120 = arith.constant 0 : i32
        %dma_start3A_121 = tpu.memref_slice %arg4[%add3A, %scan3A_103, %dma_start3A_119, %dma_start3A_120] : memref<32x5x25x80xi32, #tpu.memory_space<hbm>> -> memref<1x1x25x80xi32, #tpu.memory_space<hbm>>
        %dma_start3A_122 = tpu.memref_squeeze %dma_start3A_121 : memref<1x1x25x80xi32, #tpu.memory_space<hbm>> -> memref<25x80xi32, #tpu.memory_space<hbm>>
        tpu.enqueue_dma source(%dma_start3A_122 : memref<25x80xi32, #tpu.memory_space<hbm>>) target(%arg8 : memref<25x80xi32, #tpu.memory_space<vmem>>) target_semaphore(%run_scoped3A : memref<!tpu.dma_semaphore, #tpu.memory_space<semaphore_mem>>)
        %dma_wait3A = arith.constant 0 : i32
        %dma_wait3A_123 = arith.constant 0 : i32
        %dma_wait3A_124 = tpu.memref_slice %arg4[%add3A, %scan3A_103, %dma_wait3A, %dma_wait3A_123] : memref<32x5x25x80xi32, #tpu.memory_space<hbm>> -> memref<1x1x25x80xi32, #tpu.memory_space<hbm>>
        %dma_wait3A_125 = tpu.memref_squeeze %dma_wait3A_124 : memref<1x1x25x80xi32, #tpu.memory_space<hbm>> -> memref<25x80xi32, #tpu.memory_space<hbm>>
        %dma_wait3A_126 = arith.constant 0 : i32
        %dma_wait3A_127 = arith.constant 0 : i32
        %dma_wait3A_128 = tpu.memref_slice %arg4[%add3A, %scan3A_103, %dma_wait3A_126, %dma_wait3A_127] : memref<32x5x25x80xi32, #tpu.memory_space<hbm>> -> memref<1x1x25x80xi32, #tpu.memory_space<hbm>>
        %dma_wait3A_129 = tpu.memref_squeeze %dma_wait3A_128 : memref<1x1x25x80xi32, #tpu.memory_space<hbm>> -> memref<25x80xi32, #tpu.memory_space<hbm>>
        tpu.wait_dma2 semaphore(%run_scoped3A : memref<!tpu.dma_semaphore, #tpu.memory_space<semaphore_mem>>) src(%dma_wait3A_129 : memref<25x80xi32, #tpu.memory_space<hbm>>) dst(%arg8 : memref<25x80xi32, #tpu.memory_space<vmem>>)
        tpu.yield
      }) : () -> ()
      %dma_start3A = arith.constant 0 : i32
      %dma_start3A_104 = arith.constant 0 : i32
      %dma_start3A_105 = tpu.memref_slice %arg7[%dma_start3A, %dma_start3A_104] : memref<25x80xi32, #tpu.memory_space<vmem>> -> memref<1x80xi32, #tpu.memory_space<vmem>>
      %dma_start3A_106 = tpu.memref_squeeze %dma_start3A_105 : memref<1x80xi32, #tpu.memory_space<vmem>> -> memref<80xi32, #tpu.memory_space<vmem>>
      %dma_start3A_107 = arith.constant 0 : i32
      %dma_start3A_108 = arith.constant 0 : i32
      %dma_start3A_109 = tpu.memref_slice %arg2[%dma_start3A_107, %dma_start3A_108] : memref<10240x128xf32, #tpu.memory_space<hbm>> -> memref<10240x128xf32, #tpu.memory_space<hbm>>
      tpu.enqueue_indirect_dma source(%dma_start3A_109 : memref<10240x128xf32, #tpu.memory_space<hbm>>) target(%arg9 : memref<80x128xf32, #tpu.memory_space<vmem>>) offsets(%dma_start3A_106 : memref<80xi32, #tpu.memory_space<vmem>>) semaphore(%arg12 : memref<!tpu.dma_semaphore, #tpu.memory_space<semaphore_mem>>)
      %scan3A_110 = arith.constant 0 : i32
      %scan3A_111 = arith.constant 25 : i32
      %scan3A_112 = arith.addi %scan3A_110, %scan3A_111 : i32
      %scan3A_113 = arith.constant 1 : i32
      scf.for %scan3A_115 = %scan3A_110 to %scan3A_112 step %scan3A_113  : i32 {
        %jit3A = arith.constant 2 : i32
        %eq3A = arith.constant 0 : i32
        %eq3A_116 = arith.cmpi eq, %jit3A, %eq3A : i32
        %jit3A_117 = arith.constant 1 : i32
        %select_n3A = arith.select %eq3A_116, %jit3A_117, %jit3A : i32
        %rem3A = arith.remsi %scan3A_115, %select_n3A : i32
        %ne3A = arith.constant 0 : i32
        %ne3A_118 = arith.cmpi ne, %rem3A, %ne3A : i32
        %lt3A = arith.constant 0 : i32
        %lt3A_119 = arith.cmpi slt, %rem3A, %lt3A : i32
        %lt3A_120 = arith.constant 0 : i32
        %lt3A_121 = arith.cmpi slt, %select_n3A, %lt3A_120 : i32
        %ne3A_122 = arith.xori %lt3A_119, %lt3A_121 : i1
        %and3A = arith.andi %ne3A_122, %ne3A_118 : i1
        %add3A_123 = arith.addi %rem3A, %select_n3A : i32
        %select_n3A_124 = arith.select %and3A, %add3A_123, %rem3A : i32
        %eq3A_125 = arith.constant 0 : i32
        %eq3A_126 = arith.cmpi eq, %select_n3A_124, %eq3A_125 : i32
        %convert_element_type3A = arith.extui %eq3A_126 : i1 to i32
        %cond3A = arith.constant 0 : i32
        %cond3A_127 = arith.cmpi ne, %convert_element_type3A, %cond3A : i32
        scf.if %cond3A_127 {
          %dma_wait3A = arith.constant 0 : i32
          %dma_wait3A_149 = tpu.memref_slice %arg7[%scan3A_115, %dma_wait3A] : memref<25x80xi32, #tpu.memory_space<vmem>> -> memref<1x80xi32, #tpu.memory_space<vmem>>
          %dma_wait3A_150 = tpu.memref_squeeze %dma_wait3A_149 : memref<1x80xi32, #tpu.memory_space<vmem>> -> memref<80xi32, #tpu.memory_space<vmem>>
          %dma_wait3A_151 = arith.constant 0 : i32
          %dma_wait3A_152 = arith.constant 0 : i32
          %dma_wait3A_153 = tpu.memref_slice %arg2[%dma_wait3A_151, %dma_wait3A_152] : memref<10240x128xf32, #tpu.memory_space<hbm>> -> memref<10240x128xf32, #tpu.memory_space<hbm>>
          tpu.wait_indirect_dma semaphore(%arg12 : memref<!tpu.dma_semaphore, #tpu.memory_space<semaphore_mem>>) src(%dma_wait3A_153 : memref<10240x128xf32, #tpu.memory_space<hbm>>) dst(%arg9 : memref<80x128xf32, #tpu.memory_space<vmem>>)
          %lt3A_154 = arith.constant 24 : i32
          %lt3A_155 = arith.cmpi slt, %scan3A_115, %lt3A_154 : i32
          %convert_element_type3A_156 = arith.extui %lt3A_155 : i1 to i32
          %cond3A_157 = arith.constant 0 : i32
          %cond3A_158 = arith.cmpi ne, %convert_element_type3A_156, %cond3A_157 : i32
          scf.if %cond3A_158 {
            %add3A_159 = arith.constant 1 : i32
            %add3A_160 = arith.addi %scan3A_115, %add3A_159 : i32
            %dma_start3A_161 = arith.constant 0 : i32
            %dma_start3A_162 = tpu.memref_slice %arg7[%add3A_160, %dma_start3A_161] : memref<25x80xi32, #tpu.memory_space<vmem>> -> memref<1x80xi32, #tpu.memory_space<vmem>>
            %dma_start3A_163 = tpu.memref_squeeze %dma_start3A_162 : memref<1x80xi32, #tpu.memory_space<vmem>> -> memref<80xi32, #tpu.memory_space<vmem>>
            %dma_start3A_164 = arith.constant 0 : i32
            %dma_start3A_165 = arith.constant 0 : i32
            %dma_start3A_166 = tpu.memref_slice %arg2[%dma_start3A_164, %dma_start3A_165] : memref<10240x128xf32, #tpu.memory_space<hbm>> -> memref<10240x128xf32, #tpu.memory_space<hbm>>
            tpu.enqueue_indirect_dma source(%dma_start3A_166 : memref<10240x128xf32, #tpu.memory_space<hbm>>) target(%arg10 : memref<80x128xf32, #tpu.memory_space<vmem>>) offsets(%dma_start3A_163 : memref<80xi32, #tpu.memory_space<vmem>>) semaphore(%arg13 : memref<!tpu.dma_semaphore, #tpu.memory_space<semaphore_mem>>)
          } else {
          }
          "tpu.region"() ({
            %run_scoped3A = tpu.sem_alloc : memref<!tpu.dma_semaphore, #tpu.memory_space<semaphore_mem>>
            %dma_start3A_159 = arith.constant 0 : i32
            %dma_start3A_160 = tpu.memref_slice %arg8[%scan3A_115, %dma_start3A_159] : memref<25x80xi32, #tpu.memory_space<vmem>> -> memref<1x80xi32, #tpu.memory_space<vmem>>
            %dma_start3A_161 = tpu.memref_squeeze %dma_start3A_160 : memref<1x80xi32, #tpu.memory_space<vmem>> -> memref<80xi32, #tpu.memory_space<vmem>>
            %dma_start3A_162 = arith.constant 0 : i32
            %dma_start3A_163 = arith.constant 0 : i32
            %dma_start3A_164 = tpu.memref_slice %arg11[%dma_start3A_162, %dma_start3A_163] : memref<10240x128xf32, #tpu.memory_space<vmem_shared>> -> memref<10240x128xf32, #tpu.memory_space<vmem_shared>>
            tpu.enqueue_indirect_dma source(%arg9 : memref<80x128xf32, #tpu.memory_space<vmem>>) target(%dma_start3A_164 : memref<10240x128xf32, #tpu.memory_space<vmem_shared>>) offsets(%dma_start3A_161 : memref<80xi32, #tpu.memory_space<vmem>>) semaphore(%run_scoped3A : memref<!tpu.dma_semaphore, #tpu.memory_space<semaphore_mem>>) {add = true}
            %dma_wait3A_165 = arith.constant 0 : i32
            %dma_wait3A_166 = tpu.memref_slice %arg8[%scan3A_115, %dma_wait3A_165] : memref<25x80xi32, #tpu.memory_space<vmem>> -> memref<1x80xi32, #tpu.memory_space<vmem>>
            %dma_wait3A_167 = tpu.memref_squeeze %dma_wait3A_166 : memref<1x80xi32, #tpu.memory_space<vmem>> -> memref<80xi32, #tpu.memory_space<vmem>>
            %dma_wait3A_168 = arith.constant 0 : i32
            %dma_wait3A_169 = arith.constant 0 : i32
            %dma_wait3A_170 = tpu.memref_slice %arg11[%dma_wait3A_168, %dma_wait3A_169] : memref<10240x128xf32, #tpu.memory_space<vmem_shared>> -> memref<10240x128xf32, #tpu.memory_space<vmem_shared>>
            tpu.wait_indirect_dma semaphore(%run_scoped3A : memref<!tpu.dma_semaphore, #tpu.memory_space<semaphore_mem>>) src(%arg9 : memref<80x128xf32, #tpu.memory_space<vmem>>) dst(%dma_wait3A_170 : memref<10240x128xf32, #tpu.memory_space<vmem_shared>>)
            tpu.yield
          }) : () -> ()
        } else {
        }
        %jit3A_128 = arith.constant 2 : i32
        %eq3A_129 = arith.constant 0 : i32
        %eq3A_130 = arith.cmpi eq, %jit3A_128, %eq3A_129 : i32
        %jit3A_131 = arith.constant 1 : i32
        %select_n3A_132 = arith.select %eq3A_130, %jit3A_131, %jit3A_128 : i32
        %rem3A_133 = arith.remsi %scan3A_115, %select_n3A_132 : i32
        %ne3A_134 = arith.constant 0 : i32
        %ne3A_135 = arith.cmpi ne, %rem3A_133, %ne3A_134 : i32
        %lt3A_136 = arith.constant 0 : i32
        %lt3A_137 = arith.cmpi slt, %rem3A_133, %lt3A_136 : i32
        %lt3A_138 = arith.constant 0 : i32
        %lt3A_139 = arith.cmpi slt, %select_n3A_132, %lt3A_138 : i32
        %ne3A_140 = arith.xori %lt3A_137, %lt3A_139 : i1
        %and3A_141 = arith.andi %ne3A_140, %ne3A_135 : i1
        %add3A_142 = arith.addi %rem3A_133, %select_n3A_132 : i32
        %select_n3A_143 = arith.select %and3A_141, %add3A_142, %rem3A_133 : i32
        %eq3A_144 = arith.constant 1 : i32
        %eq3A_145 = arith.cmpi eq, %select_n3A_143, %eq3A_144 : i32
        %convert_element_type3A_146 = arith.extui %eq3A_145 : i1 to i32
        %cond3A_147 = arith.constant 0 : i32
        %cond3A_148 = arith.cmpi ne, %convert_element_type3A_146, %cond3A_147 : i32
        scf.if %cond3A_148 {
          %dma_wait3A = arith.constant 0 : i32
          %dma_wait3A_149 = tpu.memref_slice %arg7[%scan3A_115, %dma_wait3A] : memref<25x80xi32, #tpu.memory_space<vmem>> -> memref<1x80xi32, #tpu.memory_space<vmem>>
          %dma_wait3A_150 = tpu.memref_squeeze %dma_wait3A_149 : memref<1x80xi32, #tpu.memory_space<vmem>> -> memref<80xi32, #tpu.memory_space<vmem>>
          %dma_wait3A_151 = arith.constant 0 : i32
          %dma_wait3A_152 = arith.constant 0 : i32
          %dma_wait3A_153 = tpu.memref_slice %arg2[%dma_wait3A_151, %dma_wait3A_152] : memref<10240x128xf32, #tpu.memory_space<hbm>> -> memref<10240x128xf32, #tpu.memory_space<hbm>>
          tpu.wait_indirect_dma semaphore(%arg13 : memref<!tpu.dma_semaphore, #tpu.memory_space<semaphore_mem>>) src(%dma_wait3A_153 : memref<10240x128xf32, #tpu.memory_space<hbm>>) dst(%arg10 : memref<80x128xf32, #tpu.memory_space<vmem>>)
          %lt3A_154 = arith.constant 24 : i32
          %lt3A_155 = arith.cmpi slt, %scan3A_115, %lt3A_154 : i32
          %convert_element_type3A_156 = arith.extui %lt3A_155 : i1 to i32
          %cond3A_157 = arith.constant 0 : i32
          %cond3A_158 = arith.cmpi ne, %convert_element_type3A_156, %cond3A_157 : i32
          scf.if %cond3A_158 {
            %add3A_159 = arith.constant 1 : i32
            %add3A_160 = arith.addi %scan3A_115, %add3A_159 : i32
            %dma_start3A_161 = arith.constant 0 : i32
            %dma_start3A_162 = tpu.memref_slice %arg7[%add3A_160, %dma_start3A_161] : memref<25x80xi32, #tpu.memory_space<vmem>> -> memref<1x80xi32, #tpu.memory_space<vmem>>
            %dma_start3A_163 = tpu.memref_squeeze %dma_start3A_162 : memref<1x80xi32, #tpu.memory_space<vmem>> -> memref<80xi32, #tpu.memory_space<vmem>>
            %dma_start3A_164 = arith.constant 0 : i32
            %dma_start3A_165 = arith.constant 0 : i32
            %dma_start3A_166 = tpu.memref_slice %arg2[%dma_start3A_164, %dma_start3A_165] : memref<10240x128xf32, #tpu.memory_space<hbm>> -> memref<10240x128xf32, #tpu.memory_space<hbm>>
            tpu.enqueue_indirect_dma source(%dma_start3A_166 : memref<10240x128xf32, #tpu.memory_space<hbm>>) target(%arg9 : memref<80x128xf32, #tpu.memory_space<vmem>>) offsets(%dma_start3A_163 : memref<80xi32, #tpu.memory_space<vmem>>) semaphore(%arg12 : memref<!tpu.dma_semaphore, #tpu.memory_space<semaphore_mem>>)
          } else {
          }
          "tpu.region"() ({
            %run_scoped3A = tpu.sem_alloc : memref<!tpu.dma_semaphore, #tpu.memory_space<semaphore_mem>>
            %dma_start3A_159 = arith.constant 0 : i32
            %dma_start3A_160 = tpu.memref_slice %arg8[%scan3A_115, %dma_start3A_159] : memref<25x80xi32, #tpu.memory_space<vmem>> -> memref<1x80xi32, #tpu.memory_space<vmem>>
            %dma_start3A_161 = tpu.memref_squeeze %dma_start3A_160 : memref<1x80xi32, #tpu.memory_space<vmem>> -> memref<80xi32, #tpu.memory_space<vmem>>
            %dma_start3A_162 = arith.constant 0 : i32
            %dma_start3A_163 = arith.constant 0 : i32
            %dma_start3A_164 = tpu.memref_slice %arg11[%dma_start3A_162, %dma_start3A_163] : memref<10240x128xf32, #tpu.memory_space<vmem_shared>> -> memref<10240x128xf32, #tpu.memory_space<vmem_shared>>
            tpu.enqueue_indirect_dma source(%arg10 : memref<80x128xf32, #tpu.memory_space<vmem>>) target(%dma_start3A_164 : memref<10240x128xf32, #tpu.memory_space<vmem_shared>>) offsets(%dma_start3A_161 : memref<80xi32, #tpu.memory_space<vmem>>) semaphore(%run_scoped3A : memref<!tpu.dma_semaphore, #tpu.memory_space<semaphore_mem>>) {add = true}
            %dma_wait3A_165 = arith.constant 0 : i32
            %dma_wait3A_166 = tpu.memref_slice %arg8[%scan3A_115, %dma_wait3A_165] : memref<25x80xi32, #tpu.memory_space<vmem>> -> memref<1x80xi32, #tpu.memory_space<vmem>>
            %dma_wait3A_167 = tpu.memref_squeeze %dma_wait3A_166 : memref<1x80xi32, #tpu.memory_space<vmem>> -> memref<80xi32, #tpu.memory_space<vmem>>
            %dma_wait3A_168 = arith.constant 0 : i32
            %dma_wait3A_169 = arith.constant 0 : i32
            %dma_wait3A_170 = tpu.memref_slice %arg11[%dma_wait3A_168, %dma_wait3A_169] : memref<10240x128xf32, #tpu.memory_space<vmem_shared>> -> memref<10240x128xf32, #tpu.memory_space<vmem_shared>>
            tpu.wait_indirect_dma semaphore(%run_scoped3A : memref<!tpu.dma_semaphore, #tpu.memory_space<semaphore_mem>>) src(%arg10 : memref<80x128xf32, #tpu.memory_space<vmem>>) dst(%dma_wait3A_170 : memref<10240x128xf32, #tpu.memory_space<vmem_shared>>)
            tpu.yield
          }) : () -> ()
        } else {
        }
      }
      %scan3A_114 = arith.constant 25 : i32
    }
    %scan3A_37 = arith.constant 5 : i32
    %barrier3A_38 = arith.constant 0 : index
    tpu.barrier barrier_id(%barrier3A_38)
    %mul3A_39 = arith.constant 640 : i32
    %mul3A_40 = arith.muli %arg1, %mul3A_39 : i32
    %add3A_41 = arith.constant 0 : i32
    %add3A_42 = arith.addi %mul3A_40, %add3A_41 : i32
    "tpu.region"() ({
      %run_scoped3A = tpu.sem_alloc : memref<!tpu.dma_semaphore, #tpu.memory_space<semaphore_mem>>
      %dma_start3A = arith.constant 0 : i32
      %dma_start3A_103 = tpu.memref_slice %arg11[%add3A_42, %dma_start3A] : memref<10240x128xf32, #tpu.memory_space<vmem_shared>> -> memref<80x128xf32, #tpu.memory_space<vmem_shared>>
      %dma_start3A_104 = arith.constant 0 : i32
      %dma_start3A_105 = tpu.memref_slice %arg11[%add3A_42, %dma_start3A_104] : memref<10240x128xf32, #tpu.memory_space<vmem_shared>> -> memref<80x128xf32, #tpu.memory_space<vmem_shared>>
      tpu.enqueue_dma source(%dma_start3A_105 : memref<80x128xf32, #tpu.memory_space<vmem_shared>>) target(%arg9 : memref<80x128xf32, #tpu.memory_space<vmem>>) target_semaphore(%run_scoped3A : memref<!tpu.dma_semaphore, #tpu.memory_space<semaphore_mem>>)
      %dma_wait3A = arith.constant 0 : i32
      %dma_wait3A_106 = tpu.memref_slice %arg11[%add3A_42, %dma_wait3A] : memref<10240x128xf32, #tpu.memory_space<vmem_shared>> -> memref<80x128xf32, #tpu.memory_space<vmem_shared>>
      %dma_wait3A_107 = arith.constant 0 : i32
      %dma_wait3A_108 = tpu.memref_slice %arg11[%add3A_42, %dma_wait3A_107] : memref<10240x128xf32, #tpu.memory_space<vmem_shared>> -> memref<80x128xf32, #tpu.memory_space<vmem_shared>>
      tpu.wait_dma2 semaphore(%run_scoped3A : memref<!tpu.dma_semaphore, #tpu.memory_space<semaphore_mem>>) src(%dma_wait3A_108 : memref<80x128xf32, #tpu.memory_space<vmem_shared>>) dst(%arg9 : memref<80x128xf32, #tpu.memory_space<vmem>>)
      tpu.yield
    }) : () -> ()
    %mul3A_43 = arith.constant 640 : i32
    %mul3A_44 = arith.muli %arg1, %mul3A_43 : i32
    %add3A_45 = arith.constant 0 : i32
    %add3A_46 = arith.addi %mul3A_44, %add3A_45 : i32
    "tpu.region"() ({
      %run_scoped3A = tpu.sem_alloc : memref<!tpu.dma_semaphore, #tpu.memory_space<semaphore_mem>>
      %dma_start3A = arith.constant 0 : i32
      %dma_start3A_103 = tpu.memref_slice %arg6[%arg0, %add3A_46, %dma_start3A] : memref<2x10240x128xf32, #tpu.memory_space<hbm>> -> memref<1x80x128xf32, #tpu.memory_space<hbm>>
      %dma_start3A_104 = tpu.memref_squeeze %dma_start3A_103 : memref<1x80x128xf32, #tpu.memory_space<hbm>> -> memref<80x128xf32, #tpu.memory_space<hbm>>
      %dma_start3A_105 = arith.constant 0 : i32
      %dma_start3A_106 = tpu.memref_slice %arg6[%arg0, %add3A_46, %dma_start3A_105] : memref<2x10240x128xf32, #tpu.memory_space<hbm>> -> memref<1x80x128xf32, #tpu.memory_space<hbm>>
      %dma_start3A_107 = tpu.memref_squeeze %dma_start3A_106 : memref<1x80x128xf32, #tpu.memory_space<hbm>> -> memref<80x128xf32, #tpu.memory_space<hbm>>
      tpu.enqueue_dma source(%arg9 : memref<80x128xf32, #tpu.memory_space<vmem>>) target(%dma_start3A_107 : memref<80x128xf32, #tpu.memory_space<hbm>>) target_semaphore(%run_scoped3A : memref<!tpu.dma_semaphore, #tpu.memory_space<semaphore_mem>>)
      %dma_wait3A = arith.constant 0 : i32
      %dma_wait3A_108 = tpu.memref_slice %arg6[%arg0, %add3A_46, %dma_wait3A] : memref<2x10240x128xf32, #tpu.memory_space<hbm>> -> memref<1x80x128xf32, #tpu.memory_space<hbm>>
      %dma_wait3A_109 = tpu.memref_squeeze %dma_wait3A_108 : memref<1x80x128xf32, #tpu.memory_space<hbm>> -> memref<80x128xf32, #tpu.memory_space<hbm>>
      %dma_wait3A_110 = arith.constant 0 : i32
      %dma_wait3A_111 = tpu.memref_slice %arg6[%arg0, %add3A_46, %dma_wait3A_110] : memref<2x10240x128xf32, #tpu.memory_space<hbm>> -> memref<1x80x128xf32, #tpu.memory_space<hbm>>
      %dma_wait3A_112 = tpu.memref_squeeze %dma_wait3A_111 : memref<1x80x128xf32, #tpu.memory_space<hbm>> -> memref<80x128xf32, #tpu.memory_space<hbm>>
      tpu.wait_dma2 semaphore(%run_scoped3A : memref<!tpu.dma_semaphore, #tpu.memory_space<semaphore_mem>>) src(%arg9 : memref<80x128xf32, #tpu.memory_space<vmem>>) dst(%dma_wait3A_112 : memref<80x128xf32, #tpu.memory_space<hbm>>)
      tpu.yield
    }) : () -> ()
    %mul3A_47 = arith.constant 640 : i32
    %mul3A_48 = arith.muli %arg1, %mul3A_47 : i32
    %add3A_49 = arith.constant 80 : i32
    %add3A_50 = arith.addi %mul3A_48, %add3A_49 : i32
    "tpu.region"() ({
      %run_scoped3A = tpu.sem_alloc : memref<!tpu.dma_semaphore, #tpu.memory_space<semaphore_mem>>
      %dma_start3A = arith.constant 0 : i32
      %dma_start3A_103 = tpu.memref_slice %arg11[%add3A_50, %dma_start3A] : memref<10240x128xf32, #tpu.memory_space<vmem_shared>> -> memref<80x128xf32, #tpu.memory_space<vmem_shared>>
      %dma_start3A_104 = arith.constant 0 : i32
      %dma_start3A_105 = tpu.memref_slice %arg11[%add3A_50, %dma_start3A_104] : memref<10240x128xf32, #tpu.memory_space<vmem_shared>> -> memref<80x128xf32, #tpu.memory_space<vmem_shared>>
      tpu.enqueue_dma source(%dma_start3A_105 : memref<80x128xf32, #tpu.memory_space<vmem_shared>>) target(%arg9 : memref<80x128xf32, #tpu.memory_space<vmem>>) target_semaphore(%run_scoped3A : memref<!tpu.dma_semaphore, #tpu.memory_space<semaphore_mem>>)
      %dma_wait3A = arith.constant 0 : i32
      %dma_wait3A_106 = tpu.memref_slice %arg11[%add3A_50, %dma_wait3A] : memref<10240x128xf32, #tpu.memory_space<vmem_shared>> -> memref<80x128xf32, #tpu.memory_space<vmem_shared>>
      %dma_wait3A_107 = arith.constant 0 : i32
      %dma_wait3A_108 = tpu.memref_slice %arg11[%add3A_50, %dma_wait3A_107] : memref<10240x128xf32, #tpu.memory_space<vmem_shared>> -> memref<80x128xf32, #tpu.memory_space<vmem_shared>>
      tpu.wait_dma2 semaphore(%run_scoped3A : memref<!tpu.dma_semaphore, #tpu.memory_space<semaphore_mem>>) src(%dma_wait3A_108 : memref<80x128xf32, #tpu.memory_space<vmem_shared>>) dst(%arg9 : memref<80x128xf32, #tpu.memory_space<vmem>>)
      tpu.yield
    }) : () -> ()
    %mul3A_51 = arith.constant 640 : i32
    %mul3A_52 = arith.muli %arg1, %mul3A_51 : i32
    %add3A_53 = arith.constant 80 : i32
    %add3A_54 = arith.addi %mul3A_52, %add3A_53 : i32
    "tpu.region"() ({
      %run_scoped3A = tpu.sem_alloc : memref<!tpu.dma_semaphore, #tpu.memory_space<semaphore_mem>>
      %dma_start3A = arith.constant 0 : i32
      %dma_start3A_103 = tpu.memref_slice %arg6[%arg0, %add3A_54, %dma_start3A] : memref<2x10240x128xf32, #tpu.memory_space<hbm>> -> memref<1x80x128xf32, #tpu.memory_space<hbm>>
      %dma_start3A_104 = tpu.memref_squeeze %dma_start3A_103 : memref<1x80x128xf32, #tpu.memory_space<hbm>> -> memref<80x128xf32, #tpu.memory_space<hbm>>
      %dma_start3A_105 = arith.constant 0 : i32
      %dma_start3A_106 = tpu.memref_slice %arg6[%arg0, %add3A_54, %dma_start3A_105] : memref<2x10240x128xf32, #tpu.memory_space<hbm>> -> memref<1x80x128xf32, #tpu.memory_space<hbm>>
      %dma_start3A_107 = tpu.memref_squeeze %dma_start3A_106 : memref<1x80x128xf32, #tpu.memory_space<hbm>> -> memref<80x128xf32, #tpu.memory_space<hbm>>
      tpu.enqueue_dma source(%arg9 : memref<80x128xf32, #tpu.memory_space<vmem>>) target(%dma_start3A_107 : memref<80x128xf32, #tpu.memory_space<hbm>>) target_semaphore(%run_scoped3A : memref<!tpu.dma_semaphore, #tpu.memory_space<semaphore_mem>>)
      %dma_wait3A = arith.constant 0 : i32
      %dma_wait3A_108 = tpu.memref_slice %arg6[%arg0, %add3A_54, %dma_wait3A] : memref<2x10240x128xf32, #tpu.memory_space<hbm>> -> memref<1x80x128xf32, #tpu.memory_space<hbm>>
      %dma_wait3A_109 = tpu.memref_squeeze %dma_wait3A_108 : memref<1x80x128xf32, #tpu.memory_space<hbm>> -> memref<80x128xf32, #tpu.memory_space<hbm>>
      %dma_wait3A_110 = arith.constant 0 : i32
      %dma_wait3A_111 = tpu.memref_slice %arg6[%arg0, %add3A_54, %dma_wait3A_110] : memref<2x10240x128xf32, #tpu.memory_space<hbm>> -> memref<1x80x128xf32, #tpu.memory_space<hbm>>
      %dma_wait3A_112 = tpu.memref_squeeze %dma_wait3A_111 : memref<1x80x128xf32, #tpu.memory_space<hbm>> -> memref<80x128xf32, #tpu.memory_space<hbm>>
      tpu.wait_dma2 semaphore(%run_scoped3A : memref<!tpu.dma_semaphore, #tpu.memory_space<semaphore_mem>>) src(%arg9 : memref<80x128xf32, #tpu.memory_space<vmem>>) dst(%dma_wait3A_112 : memref<80x128xf32, #tpu.memory_space<hbm>>)
      tpu.yield
    }) : () -> ()
    %mul3A_55 = arith.constant 640 : i32
    %mul3A_56 = arith.muli %arg1, %mul3A_55 : i32
    %add3A_57 = arith.constant 160 : i32
    %add3A_58 = arith.addi %mul3A_56, %add3A_57 : i32
    "tpu.region"() ({
      %run_scoped3A = tpu.sem_alloc : memref<!tpu.dma_semaphore, #tpu.memory_space<semaphore_mem>>
      %dma_start3A = arith.constant 0 : i32
      %dma_start3A_103 = tpu.memref_slice %arg11[%add3A_58, %dma_start3A] : memref<10240x128xf32, #tpu.memory_space<vmem_shared>> -> memref<80x128xf32, #tpu.memory_space<vmem_shared>>
      %dma_start3A_104 = arith.constant 0 : i32
      %dma_start3A_105 = tpu.memref_slice %arg11[%add3A_58, %dma_start3A_104] : memref<10240x128xf32, #tpu.memory_space<vmem_shared>> -> memref<80x128xf32, #tpu.memory_space<vmem_shared>>
      tpu.enqueue_dma source(%dma_start3A_105 : memref<80x128xf32, #tpu.memory_space<vmem_shared>>) target(%arg9 : memref<80x128xf32, #tpu.memory_space<vmem>>) target_semaphore(%run_scoped3A : memref<!tpu.dma_semaphore, #tpu.memory_space<semaphore_mem>>)
      %dma_wait3A = arith.constant 0 : i32
      %dma_wait3A_106 = tpu.memref_slice %arg11[%add3A_58, %dma_wait3A] : memref<10240x128xf32, #tpu.memory_space<vmem_shared>> -> memref<80x128xf32, #tpu.memory_space<vmem_shared>>
      %dma_wait3A_107 = arith.constant 0 : i32
      %dma_wait3A_108 = tpu.memref_slice %arg11[%add3A_58, %dma_wait3A_107] : memref<10240x128xf32, #tpu.memory_space<vmem_shared>> -> memref<80x128xf32, #tpu.memory_space<vmem_shared>>
      tpu.wait_dma2 semaphore(%run_scoped3A : memref<!tpu.dma_semaphore, #tpu.memory_space<semaphore_mem>>) src(%dma_wait3A_108 : memref<80x128xf32, #tpu.memory_space<vmem_shared>>) dst(%arg9 : memref<80x128xf32, #tpu.memory_space<vmem>>)
      tpu.yield
    }) : () -> ()
    %mul3A_59 = arith.constant 640 : i32
    %mul3A_60 = arith.muli %arg1, %mul3A_59 : i32
    %add3A_61 = arith.constant 160 : i32
    %add3A_62 = arith.addi %mul3A_60, %add3A_61 : i32
    "tpu.region"() ({
      %run_scoped3A = tpu.sem_alloc : memref<!tpu.dma_semaphore, #tpu.memory_space<semaphore_mem>>
      %dma_start3A = arith.constant 0 : i32
      %dma_start3A_103 = tpu.memref_slice %arg6[%arg0, %add3A_62, %dma_start3A] : memref<2x10240x128xf32, #tpu.memory_space<hbm>> -> memref<1x80x128xf32, #tpu.memory_space<hbm>>
      %dma_start3A_104 = tpu.memref_squeeze %dma_start3A_103 : memref<1x80x128xf32, #tpu.memory_space<hbm>> -> memref<80x128xf32, #tpu.memory_space<hbm>>
      %dma_start3A_105 = arith.constant 0 : i32
      %dma_start3A_106 = tpu.memref_slice %arg6[%arg0, %add3A_62, %dma_start3A_105] : memref<2x10240x128xf32, #tpu.memory_space<hbm>> -> memref<1x80x128xf32, #tpu.memory_space<hbm>>
      %dma_start3A_107 = tpu.memref_squeeze %dma_start3A_106 : memref<1x80x128xf32, #tpu.memory_space<hbm>> -> memref<80x128xf32, #tpu.memory_space<hbm>>
      tpu.enqueue_dma source(%arg9 : memref<80x128xf32, #tpu.memory_space<vmem>>) target(%dma_start3A_107 : memref<80x128xf32, #tpu.memory_space<hbm>>) target_semaphore(%run_scoped3A : memref<!tpu.dma_semaphore, #tpu.memory_space<semaphore_mem>>)
      %dma_wait3A = arith.constant 0 : i32
      %dma_wait3A_108 = tpu.memref_slice %arg6[%arg0, %add3A_62, %dma_wait3A] : memref<2x10240x128xf32, #tpu.memory_space<hbm>> -> memref<1x80x128xf32, #tpu.memory_space<hbm>>
      %dma_wait3A_109 = tpu.memref_squeeze %dma_wait3A_108 : memref<1x80x128xf32, #tpu.memory_space<hbm>> -> memref<80x128xf32, #tpu.memory_space<hbm>>
      %dma_wait3A_110 = arith.constant 0 : i32
      %dma_wait3A_111 = tpu.memref_slice %arg6[%arg0, %add3A_62, %dma_wait3A_110] : memref<2x10240x128xf32, #tpu.memory_space<hbm>> -> memref<1x80x128xf32, #tpu.memory_space<hbm>>
      %dma_wait3A_112 = tpu.memref_squeeze %dma_wait3A_111 : memref<1x80x128xf32, #tpu.memory_space<hbm>> -> memref<80x128xf32, #tpu.memory_space<hbm>>
      tpu.wait_dma2 semaphore(%run_scoped3A : memref<!tpu.dma_semaphore, #tpu.memory_space<semaphore_mem>>) src(%arg9 : memref<80x128xf32, #tpu.memory_space<vmem>>) dst(%dma_wait3A_112 : memref<80x128xf32, #tpu.memory_space<hbm>>)
      tpu.yield
    }) : () -> ()
    %mul3A_63 = arith.constant 640 : i32
    %mul3A_64 = arith.muli %arg1, %mul3A_63 : i32
    %add3A_65 = arith.constant 240 : i32
    %add3A_66 = arith.addi %mul3A_64, %add3A_65 : i32
    "tpu.region"() ({
      %run_scoped3A = tpu.sem_alloc : memref<!tpu.dma_semaphore, #tpu.memory_space<semaphore_mem>>
      %dma_start3A = arith.constant 0 : i32
      %dma_start3A_103 = tpu.memref_slice %arg11[%add3A_66, %dma_start3A] : memref<10240x128xf32, #tpu.memory_space<vmem_shared>> -> memref<80x128xf32, #tpu.memory_space<vmem_shared>>
      %dma_start3A_104 = arith.constant 0 : i32
      %dma_start3A_105 = tpu.memref_slice %arg11[%add3A_66, %dma_start3A_104] : memref<10240x128xf32, #tpu.memory_space<vmem_shared>> -> memref<80x128xf32, #tpu.memory_space<vmem_shared>>
      tpu.enqueue_dma source(%dma_start3A_105 : memref<80x128xf32, #tpu.memory_space<vmem_shared>>) target(%arg9 : memref<80x128xf32, #tpu.memory_space<vmem>>) target_semaphore(%run_scoped3A : memref<!tpu.dma_semaphore, #tpu.memory_space<semaphore_mem>>)
      %dma_wait3A = arith.constant 0 : i32
      %dma_wait3A_106 = tpu.memref_slice %arg11[%add3A_66, %dma_wait3A] : memref<10240x128xf32, #tpu.memory_space<vmem_shared>> -> memref<80x128xf32, #tpu.memory_space<vmem_shared>>
      %dma_wait3A_107 = arith.constant 0 : i32
      %dma_wait3A_108 = tpu.memref_slice %arg11[%add3A_66, %dma_wait3A_107] : memref<10240x128xf32, #tpu.memory_space<vmem_shared>> -> memref<80x128xf32, #tpu.memory_space<vmem_shared>>
      tpu.wait_dma2 semaphore(%run_scoped3A : memref<!tpu.dma_semaphore, #tpu.memory_space<semaphore_mem>>) src(%dma_wait3A_108 : memref<80x128xf32, #tpu.memory_space<vmem_shared>>) dst(%arg9 : memref<80x128xf32, #tpu.memory_space<vmem>>)
      tpu.yield
    }) : () -> ()
    %mul3A_67 = arith.constant 640 : i32
    %mul3A_68 = arith.muli %arg1, %mul3A_67 : i32
    %add3A_69 = arith.constant 240 : i32
    %add3A_70 = arith.addi %mul3A_68, %add3A_69 : i32
    "tpu.region"() ({
      %run_scoped3A = tpu.sem_alloc : memref<!tpu.dma_semaphore, #tpu.memory_space<semaphore_mem>>
      %dma_start3A = arith.constant 0 : i32
      %dma_start3A_103 = tpu.memref_slice %arg6[%arg0, %add3A_70, %dma_start3A] : memref<2x10240x128xf32, #tpu.memory_space<hbm>> -> memref<1x80x128xf32, #tpu.memory_space<hbm>>
      %dma_start3A_104 = tpu.memref_squeeze %dma_start3A_103 : memref<1x80x128xf32, #tpu.memory_space<hbm>> -> memref<80x128xf32, #tpu.memory_space<hbm>>
      %dma_start3A_105 = arith.constant 0 : i32
      %dma_start3A_106 = tpu.memref_slice %arg6[%arg0, %add3A_70, %dma_start3A_105] : memref<2x10240x128xf32, #tpu.memory_space<hbm>> -> memref<1x80x128xf32, #tpu.memory_space<hbm>>
      %dma_start3A_107 = tpu.memref_squeeze %dma_start3A_106 : memref<1x80x128xf32, #tpu.memory_space<hbm>> -> memref<80x128xf32, #tpu.memory_space<hbm>>
      tpu.enqueue_dma source(%arg9 : memref<80x128xf32, #tpu.memory_space<vmem>>) target(%dma_start3A_107 : memref<80x128xf32, #tpu.memory_space<hbm>>) target_semaphore(%run_scoped3A : memref<!tpu.dma_semaphore, #tpu.memory_space<semaphore_mem>>)
      %dma_wait3A = arith.constant 0 : i32
      %dma_wait3A_108 = tpu.memref_slice %arg6[%arg0, %add3A_70, %dma_wait3A] : memref<2x10240x128xf32, #tpu.memory_space<hbm>> -> memref<1x80x128xf32, #tpu.memory_space<hbm>>
      %dma_wait3A_109 = tpu.memref_squeeze %dma_wait3A_108 : memref<1x80x128xf32, #tpu.memory_space<hbm>> -> memref<80x128xf32, #tpu.memory_space<hbm>>
      %dma_wait3A_110 = arith.constant 0 : i32
      %dma_wait3A_111 = tpu.memref_slice %arg6[%arg0, %add3A_70, %dma_wait3A_110] : memref<2x10240x128xf32, #tpu.memory_space<hbm>> -> memref<1x80x128xf32, #tpu.memory_space<hbm>>
      %dma_wait3A_112 = tpu.memref_squeeze %dma_wait3A_111 : memref<1x80x128xf32, #tpu.memory_space<hbm>> -> memref<80x128xf32, #tpu.memory_space<hbm>>
      tpu.wait_dma2 semaphore(%run_scoped3A : memref<!tpu.dma_semaphore, #tpu.memory_space<semaphore_mem>>) src(%arg9 : memref<80x128xf32, #tpu.memory_space<vmem>>) dst(%dma_wait3A_112 : memref<80x128xf32, #tpu.memory_space<hbm>>)
      tpu.yield
    }) : () -> ()
    %mul3A_71 = arith.constant 640 : i32
    %mul3A_72 = arith.muli %arg1, %mul3A_71 : i32
    %add3A_73 = arith.constant 320 : i32
    %add3A_74 = arith.addi %mul3A_72, %add3A_73 : i32
    "tpu.region"() ({
      %run_scoped3A = tpu.sem_alloc : memref<!tpu.dma_semaphore, #tpu.memory_space<semaphore_mem>>
      %dma_start3A = arith.constant 0 : i32
      %dma_start3A_103 = tpu.memref_slice %arg11[%add3A_74, %dma_start3A] : memref<10240x128xf32, #tpu.memory_space<vmem_shared>> -> memref<80x128xf32, #tpu.memory_space<vmem_shared>>
      %dma_start3A_104 = arith.constant 0 : i32
      %dma_start3A_105 = tpu.memref_slice %arg11[%add3A_74, %dma_start3A_104] : memref<10240x128xf32, #tpu.memory_space<vmem_shared>> -> memref<80x128xf32, #tpu.memory_space<vmem_shared>>
      tpu.enqueue_dma source(%dma_start3A_105 : memref<80x128xf32, #tpu.memory_space<vmem_shared>>) target(%arg9 : memref<80x128xf32, #tpu.memory_space<vmem>>) target_semaphore(%run_scoped3A : memref<!tpu.dma_semaphore, #tpu.memory_space<semaphore_mem>>)
      %dma_wait3A = arith.constant 0 : i32
      %dma_wait3A_106 = tpu.memref_slice %arg11[%add3A_74, %dma_wait3A] : memref<10240x128xf32, #tpu.memory_space<vmem_shared>> -> memref<80x128xf32, #tpu.memory_space<vmem_shared>>
      %dma_wait3A_107 = arith.constant 0 : i32
      %dma_wait3A_108 = tpu.memref_slice %arg11[%add3A_74, %dma_wait3A_107] : memref<10240x128xf32, #tpu.memory_space<vmem_shared>> -> memref<80x128xf32, #tpu.memory_space<vmem_shared>>
      tpu.wait_dma2 semaphore(%run_scoped3A : memref<!tpu.dma_semaphore, #tpu.memory_space<semaphore_mem>>) src(%dma_wait3A_108 : memref<80x128xf32, #tpu.memory_space<vmem_shared>>) dst(%arg9 : memref<80x128xf32, #tpu.memory_space<vmem>>)
      tpu.yield
    }) : () -> ()
    %mul3A_75 = arith.constant 640 : i32
    %mul3A_76 = arith.muli %arg1, %mul3A_75 : i32
    %add3A_77 = arith.constant 320 : i32
    %add3A_78 = arith.addi %mul3A_76, %add3A_77 : i32
    "tpu.region"() ({
      %run_scoped3A = tpu.sem_alloc : memref<!tpu.dma_semaphore, #tpu.memory_space<semaphore_mem>>
      %dma_start3A = arith.constant 0 : i32
      %dma_start3A_103 = tpu.memref_slice %arg6[%arg0, %add3A_78, %dma_start3A] : memref<2x10240x128xf32, #tpu.memory_space<hbm>> -> memref<1x80x128xf32, #tpu.memory_space<hbm>>
      %dma_start3A_104 = tpu.memref_squeeze %dma_start3A_103 : memref<1x80x128xf32, #tpu.memory_space<hbm>> -> memref<80x128xf32, #tpu.memory_space<hbm>>
      %dma_start3A_105 = arith.constant 0 : i32
      %dma_start3A_106 = tpu.memref_slice %arg6[%arg0, %add3A_78, %dma_start3A_105] : memref<2x10240x128xf32, #tpu.memory_space<hbm>> -> memref<1x80x128xf32, #tpu.memory_space<hbm>>
      %dma_start3A_107 = tpu.memref_squeeze %dma_start3A_106 : memref<1x80x128xf32, #tpu.memory_space<hbm>> -> memref<80x128xf32, #tpu.memory_space<hbm>>
      tpu.enqueue_dma source(%arg9 : memref<80x128xf32, #tpu.memory_space<vmem>>) target(%dma_start3A_107 : memref<80x128xf32, #tpu.memory_space<hbm>>) target_semaphore(%run_scoped3A : memref<!tpu.dma_semaphore, #tpu.memory_space<semaphore_mem>>)
      %dma_wait3A = arith.constant 0 : i32
      %dma_wait3A_108 = tpu.memref_slice %arg6[%arg0, %add3A_78, %dma_wait3A] : memref<2x10240x128xf32, #tpu.memory_space<hbm>> -> memref<1x80x128xf32, #tpu.memory_space<hbm>>
      %dma_wait3A_109 = tpu.memref_squeeze %dma_wait3A_108 : memref<1x80x128xf32, #tpu.memory_space<hbm>> -> memref<80x128xf32, #tpu.memory_space<hbm>>
      %dma_wait3A_110 = arith.constant 0 : i32
      %dma_wait3A_111 = tpu.memref_slice %arg6[%arg0, %add3A_78, %dma_wait3A_110] : memref<2x10240x128xf32, #tpu.memory_space<hbm>> -> memref<1x80x128xf32, #tpu.memory_space<hbm>>
      %dma_wait3A_112 = tpu.memref_squeeze %dma_wait3A_111 : memref<1x80x128xf32, #tpu.memory_space<hbm>> -> memref<80x128xf32, #tpu.memory_space<hbm>>
      tpu.wait_dma2 semaphore(%run_scoped3A : memref<!tpu.dma_semaphore, #tpu.memory_space<semaphore_mem>>) src(%arg9 : memref<80x128xf32, #tpu.memory_space<vmem>>) dst(%dma_wait3A_112 : memref<80x128xf32, #tpu.memory_space<hbm>>)
      tpu.yield
    }) : () -> ()
    %mul3A_79 = arith.constant 640 : i32
    %mul3A_80 = arith.muli %arg1, %mul3A_79 : i32
    %add3A_81 = arith.constant 400 : i32
    %add3A_82 = arith.addi %mul3A_80, %add3A_81 : i32
    "tpu.region"() ({
      %run_scoped3A = tpu.sem_alloc : memref<!tpu.dma_semaphore, #tpu.memory_space<semaphore_mem>>
      %dma_start3A = arith.constant 0 : i32
      %dma_start3A_103 = tpu.memref_slice %arg11[%add3A_82, %dma_start3A] : memref<10240x128xf32, #tpu.memory_space<vmem_shared>> -> memref<80x128xf32, #tpu.memory_space<vmem_shared>>
      %dma_start3A_104 = arith.constant 0 : i32
      %dma_start3A_105 = tpu.memref_slice %arg11[%add3A_82, %dma_start3A_104] : memref<10240x128xf32, #tpu.memory_space<vmem_shared>> -> memref<80x128xf32, #tpu.memory_space<vmem_shared>>
      tpu.enqueue_dma source(%dma_start3A_105 : memref<80x128xf32, #tpu.memory_space<vmem_shared>>) target(%arg9 : memref<80x128xf32, #tpu.memory_space<vmem>>) target_semaphore(%run_scoped3A : memref<!tpu.dma_semaphore, #tpu.memory_space<semaphore_mem>>)
      %dma_wait3A = arith.constant 0 : i32
      %dma_wait3A_106 = tpu.memref_slice %arg11[%add3A_82, %dma_wait3A] : memref<10240x128xf32, #tpu.memory_space<vmem_shared>> -> memref<80x128xf32, #tpu.memory_space<vmem_shared>>
      %dma_wait3A_107 = arith.constant 0 : i32
      %dma_wait3A_108 = tpu.memref_slice %arg11[%add3A_82, %dma_wait3A_107] : memref<10240x128xf32, #tpu.memory_space<vmem_shared>> -> memref<80x128xf32, #tpu.memory_space<vmem_shared>>
      tpu.wait_dma2 semaphore(%run_scoped3A : memref<!tpu.dma_semaphore, #tpu.memory_space<semaphore_mem>>) src(%dma_wait3A_108 : memref<80x128xf32, #tpu.memory_space<vmem_shared>>) dst(%arg9 : memref<80x128xf32, #tpu.memory_space<vmem>>)
      tpu.yield
    }) : () -> ()
    %mul3A_83 = arith.constant 640 : i32
    %mul3A_84 = arith.muli %arg1, %mul3A_83 : i32
    %add3A_85 = arith.constant 400 : i32
    %add3A_86 = arith.addi %mul3A_84, %add3A_85 : i32
    "tpu.region"() ({
      %run_scoped3A = tpu.sem_alloc : memref<!tpu.dma_semaphore, #tpu.memory_space<semaphore_mem>>
      %dma_start3A = arith.constant 0 : i32
      %dma_start3A_103 = tpu.memref_slice %arg6[%arg0, %add3A_86, %dma_start3A] : memref<2x10240x128xf32, #tpu.memory_space<hbm>> -> memref<1x80x128xf32, #tpu.memory_space<hbm>>
      %dma_start3A_104 = tpu.memref_squeeze %dma_start3A_103 : memref<1x80x128xf32, #tpu.memory_space<hbm>> -> memref<80x128xf32, #tpu.memory_space<hbm>>
      %dma_start3A_105 = arith.constant 0 : i32
      %dma_start3A_106 = tpu.memref_slice %arg6[%arg0, %add3A_86, %dma_start3A_105] : memref<2x10240x128xf32, #tpu.memory_space<hbm>> -> memref<1x80x128xf32, #tpu.memory_space<hbm>>
      %dma_start3A_107 = tpu.memref_squeeze %dma_start3A_106 : memref<1x80x128xf32, #tpu.memory_space<hbm>> -> memref<80x128xf32, #tpu.memory_space<hbm>>
      tpu.enqueue_dma source(%arg9 : memref<80x128xf32, #tpu.memory_space<vmem>>) target(%dma_start3A_107 : memref<80x128xf32, #tpu.memory_space<hbm>>) target_semaphore(%run_scoped3A : memref<!tpu.dma_semaphore, #tpu.memory_space<semaphore_mem>>)
      %dma_wait3A = arith.constant 0 : i32
      %dma_wait3A_108 = tpu.memref_slice %arg6[%arg0, %add3A_86, %dma_wait3A] : memref<2x10240x128xf32, #tpu.memory_space<hbm>> -> memref<1x80x128xf32, #tpu.memory_space<hbm>>
      %dma_wait3A_109 = tpu.memref_squeeze %dma_wait3A_108 : memref<1x80x128xf32, #tpu.memory_space<hbm>> -> memref<80x128xf32, #tpu.memory_space<hbm>>
      %dma_wait3A_110 = arith.constant 0 : i32
      %dma_wait3A_111 = tpu.memref_slice %arg6[%arg0, %add3A_86, %dma_wait3A_110] : memref<2x10240x128xf32, #tpu.memory_space<hbm>> -> memref<1x80x128xf32, #tpu.memory_space<hbm>>
      %dma_wait3A_112 = tpu.memref_squeeze %dma_wait3A_111 : memref<1x80x128xf32, #tpu.memory_space<hbm>> -> memref<80x128xf32, #tpu.memory_space<hbm>>
      tpu.wait_dma2 semaphore(%run_scoped3A : memref<!tpu.dma_semaphore, #tpu.memory_space<semaphore_mem>>) src(%arg9 : memref<80x128xf32, #tpu.memory_space<vmem>>) dst(%dma_wait3A_112 : memref<80x128xf32, #tpu.memory_space<hbm>>)
      tpu.yield
    }) : () -> ()
    %mul3A_87 = arith.constant 640 : i32
    %mul3A_88 = arith.muli %arg1, %mul3A_87 : i32
    %add3A_89 = arith.constant 480 : i32
    %add3A_90 = arith.addi %mul3A_88, %add3A_89 : i32
    "tpu.region"() ({
      %run_scoped3A = tpu.sem_alloc : memref<!tpu.dma_semaphore, #tpu.memory_space<semaphore_mem>>
      %dma_start3A = arith.constant 0 : i32
      %dma_start3A_103 = tpu.memref_slice %arg11[%add3A_90, %dma_start3A] : memref<10240x128xf32, #tpu.memory_space<vmem_shared>> -> memref<80x128xf32, #tpu.memory_space<vmem_shared>>
      %dma_start3A_104 = arith.constant 0 : i32
      %dma_start3A_105 = tpu.memref_slice %arg11[%add3A_90, %dma_start3A_104] : memref<10240x128xf32, #tpu.memory_space<vmem_shared>> -> memref<80x128xf32, #tpu.memory_space<vmem_shared>>
      tpu.enqueue_dma source(%dma_start3A_105 : memref<80x128xf32, #tpu.memory_space<vmem_shared>>) target(%arg9 : memref<80x128xf32, #tpu.memory_space<vmem>>) target_semaphore(%run_scoped3A : memref<!tpu.dma_semaphore, #tpu.memory_space<semaphore_mem>>)
      %dma_wait3A = arith.constant 0 : i32
      %dma_wait3A_106 = tpu.memref_slice %arg11[%add3A_90, %dma_wait3A] : memref<10240x128xf32, #tpu.memory_space<vmem_shared>> -> memref<80x128xf32, #tpu.memory_space<vmem_shared>>
      %dma_wait3A_107 = arith.constant 0 : i32
      %dma_wait3A_108 = tpu.memref_slice %arg11[%add3A_90, %dma_wait3A_107] : memref<10240x128xf32, #tpu.memory_space<vmem_shared>> -> memref<80x128xf32, #tpu.memory_space<vmem_shared>>
      tpu.wait_dma2 semaphore(%run_scoped3A : memref<!tpu.dma_semaphore, #tpu.memory_space<semaphore_mem>>) src(%dma_wait3A_108 : memref<80x128xf32, #tpu.memory_space<vmem_shared>>) dst(%arg9 : memref<80x128xf32, #tpu.memory_space<vmem>>)
      tpu.yield
    }) : () -> ()
    %mul3A_91 = arith.constant 640 : i32
    %mul3A_92 = arith.muli %arg1, %mul3A_91 : i32
    %add3A_93 = arith.constant 480 : i32
    %add3A_94 = arith.addi %mul3A_92, %add3A_93 : i32
    "tpu.region"() ({
      %run_scoped3A = tpu.sem_alloc : memref<!tpu.dma_semaphore, #tpu.memory_space<semaphore_mem>>
      %dma_start3A = arith.constant 0 : i32
      %dma_start3A_103 = tpu.memref_slice %arg6[%arg0, %add3A_94, %dma_start3A] : memref<2x10240x128xf32, #tpu.memory_space<hbm>> -> memref<1x80x128xf32, #tpu.memory_space<hbm>>
      %dma_start3A_104 = tpu.memref_squeeze %dma_start3A_103 : memref<1x80x128xf32, #tpu.memory_space<hbm>> -> memref<80x128xf32, #tpu.memory_space<hbm>>
      %dma_start3A_105 = arith.constant 0 : i32
      %dma_start3A_106 = tpu.memref_slice %arg6[%arg0, %add3A_94, %dma_start3A_105] : memref<2x10240x128xf32, #tpu.memory_space<hbm>> -> memref<1x80x128xf32, #tpu.memory_space<hbm>>
      %dma_start3A_107 = tpu.memref_squeeze %dma_start3A_106 : memref<1x80x128xf32, #tpu.memory_space<hbm>> -> memref<80x128xf32, #tpu.memory_space<hbm>>
      tpu.enqueue_dma source(%arg9 : memref<80x128xf32, #tpu.memory_space<vmem>>) target(%dma_start3A_107 : memref<80x128xf32, #tpu.memory_space<hbm>>) target_semaphore(%run_scoped3A : memref<!tpu.dma_semaphore, #tpu.memory_space<semaphore_mem>>)
      %dma_wait3A = arith.constant 0 : i32
      %dma_wait3A_108 = tpu.memref_slice %arg6[%arg0, %add3A_94, %dma_wait3A] : memref<2x10240x128xf32, #tpu.memory_space<hbm>> -> memref<1x80x128xf32, #tpu.memory_space<hbm>>
      %dma_wait3A_109 = tpu.memref_squeeze %dma_wait3A_108 : memref<1x80x128xf32, #tpu.memory_space<hbm>> -> memref<80x128xf32, #tpu.memory_space<hbm>>
      %dma_wait3A_110 = arith.constant 0 : i32
      %dma_wait3A_111 = tpu.memref_slice %arg6[%arg0, %add3A_94, %dma_wait3A_110] : memref<2x10240x128xf32, #tpu.memory_space<hbm>> -> memref<1x80x128xf32, #tpu.memory_space<hbm>>
      %dma_wait3A_112 = tpu.memref_squeeze %dma_wait3A_111 : memref<1x80x128xf32, #tpu.memory_space<hbm>> -> memref<80x128xf32, #tpu.memory_space<hbm>>
      tpu.wait_dma2 semaphore(%run_scoped3A : memref<!tpu.dma_semaphore, #tpu.memory_space<semaphore_mem>>) src(%arg9 : memref<80x128xf32, #tpu.memory_space<vmem>>) dst(%dma_wait3A_112 : memref<80x128xf32, #tpu.memory_space<hbm>>)
      tpu.yield
    }) : () -> ()
    %mul3A_95 = arith.constant 640 : i32
    %mul3A_96 = arith.muli %arg1, %mul3A_95 : i32
    %add3A_97 = arith.constant 560 : i32
    %add3A_98 = arith.addi %mul3A_96, %add3A_97 : i32
    "tpu.region"() ({
      %run_scoped3A = tpu.sem_alloc : memref<!tpu.dma_semaphore, #tpu.memory_space<semaphore_mem>>
      %dma_start3A = arith.constant 0 : i32
      %dma_start3A_103 = tpu.memref_slice %arg11[%add3A_98, %dma_start3A] : memref<10240x128xf32, #tpu.memory_space<vmem_shared>> -> memref<80x128xf32, #tpu.memory_space<vmem_shared>>
      %dma_start3A_104 = arith.constant 0 : i32
      %dma_start3A_105 = tpu.memref_slice %arg11[%add3A_98, %dma_start3A_104] : memref<10240x128xf32, #tpu.memory_space<vmem_shared>> -> memref<80x128xf32, #tpu.memory_space<vmem_shared>>
      tpu.enqueue_dma source(%dma_start3A_105 : memref<80x128xf32, #tpu.memory_space<vmem_shared>>) target(%arg9 : memref<80x128xf32, #tpu.memory_space<vmem>>) target_semaphore(%run_scoped3A : memref<!tpu.dma_semaphore, #tpu.memory_space<semaphore_mem>>)
      %dma_wait3A = arith.constant 0 : i32
      %dma_wait3A_106 = tpu.memref_slice %arg11[%add3A_98, %dma_wait3A] : memref<10240x128xf32, #tpu.memory_space<vmem_shared>> -> memref<80x128xf32, #tpu.memory_space<vmem_shared>>
      %dma_wait3A_107 = arith.constant 0 : i32
      %dma_wait3A_108 = tpu.memref_slice %arg11[%add3A_98, %dma_wait3A_107] : memref<10240x128xf32, #tpu.memory_space<vmem_shared>> -> memref<80x128xf32, #tpu.memory_space<vmem_shared>>
      tpu.wait_dma2 semaphore(%run_scoped3A : memref<!tpu.dma_semaphore, #tpu.memory_space<semaphore_mem>>) src(%dma_wait3A_108 : memref<80x128xf32, #tpu.memory_space<vmem_shared>>) dst(%arg9 : memref<80x128xf32, #tpu.memory_space<vmem>>)
      tpu.yield
    }) : () -> ()
    %mul3A_99 = arith.constant 640 : i32
    %mul3A_100 = arith.muli %arg1, %mul3A_99 : i32
    %add3A_101 = arith.constant 560 : i32
    %add3A_102 = arith.addi %mul3A_100, %add3A_101 : i32
    "tpu.region"() ({
      %run_scoped3A = tpu.sem_alloc : memref<!tpu.dma_semaphore, #tpu.memory_space<semaphore_mem>>
      %dma_start3A = arith.constant 0 : i32
      %dma_start3A_103 = tpu.memref_slice %arg6[%arg0, %add3A_102, %dma_start3A] : memref<2x10240x128xf32, #tpu.memory_space<hbm>> -> memref<1x80x128xf32, #tpu.memory_space<hbm>>
      %dma_start3A_104 = tpu.memref_squeeze %dma_start3A_103 : memref<1x80x128xf32, #tpu.memory_space<hbm>> -> memref<80x128xf32, #tpu.memory_space<hbm>>
      %dma_start3A_105 = arith.constant 0 : i32
      %dma_start3A_106 = tpu.memref_slice %arg6[%arg0, %add3A_102, %dma_start3A_105] : memref<2x10240x128xf32, #tpu.memory_space<hbm>> -> memref<1x80x128xf32, #tpu.memory_space<hbm>>
      %dma_start3A_107 = tpu.memref_squeeze %dma_start3A_106 : memref<1x80x128xf32, #tpu.memory_space<hbm>> -> memref<80x128xf32, #tpu.memory_space<hbm>>
      tpu.enqueue_dma source(%arg9 : memref<80x128xf32, #tpu.memory_space<vmem>>) target(%dma_start3A_107 : memref<80x128xf32, #tpu.memory_space<hbm>>) target_semaphore(%run_scoped3A : memref<!tpu.dma_semaphore, #tpu.memory_space<semaphore_mem>>)
      %dma_wait3A = arith.constant 0 : i32
      %dma_wait3A_108 = tpu.memref_slice %arg6[%arg0, %add3A_102, %dma_wait3A] : memref<2x10240x128xf32, #tpu.memory_space<hbm>> -> memref<1x80x128xf32, #tpu.memory_space<hbm>>
      %dma_wait3A_109 = tpu.memref_squeeze %dma_wait3A_108 : memref<1x80x128xf32, #tpu.memory_space<hbm>> -> memref<80x128xf32, #tpu.memory_space<hbm>>
      %dma_wait3A_110 = arith.constant 0 : i32
      %dma_wait3A_111 = tpu.memref_slice %arg6[%arg0, %add3A_102, %dma_wait3A_110] : memref<2x10240x128xf32, #tpu.memory_space<hbm>> -> memref<1x80x128xf32, #tpu.memory_space<hbm>>
      %dma_wait3A_112 = tpu.memref_squeeze %dma_wait3A_111 : memref<1x80x128xf32, #tpu.memory_space<hbm>> -> memref<80x128xf32, #tpu.memory_space<hbm>>
      tpu.wait_dma2 semaphore(%run_scoped3A : memref<!tpu.dma_semaphore, #tpu.memory_space<semaphore_mem>>) src(%arg9 : memref<80x128xf32, #tpu.memory_space<vmem>>) dst(%dma_wait3A_112 : memref<80x128xf32, #tpu.memory_space<hbm>>)
      tpu.yield
    }) : () -> ()
    return
  }
}

#map = affine_map<(d0, d1) -> (0, 0)>
#map1 = affine_map<(d0, d1) -> (0, 0, 0, 0)>
#map2 = affine_map<(d0, d1) -> (0, 0, 0)>
module attributes {stable_mosaic.version = 14 : i64} {
  func.func @body(%arg0: i32, %arg1: i32, %arg2: memref<10240x128xf32, #tpu.memory_space<hbm>>, %arg3: memref<32x5x25x80xi32, #tpu.memory_space<hbm>>, %arg4: memref<32x5x25x80xi32, #tpu.memory_space<hbm>>, %arg5: memref<80x128xf32, #tpu.memory_space<hbm>>, %arg6: memref<2x10240x128xf32, #tpu.memory_space<hbm>>, %arg7: memref<25x80xi32, #tpu.memory_space<vmem>>, %arg8: memref<25x80xi32, #tpu.memory_space<vmem>>, %arg9: memref<80x128xf32, #tpu.memory_space<vmem>>, %arg10: memref<80x128xf32, #tpu.memory_space<vmem>>, %arg11: memref<10240x128xf32, #tpu.memory_space<vmem_shared>>, %arg12: memref<!tpu.dma_semaphore, #tpu.memory_space<semaphore_mem>>, %arg13: memref<!tpu.dma_semaphore, #tpu.memory_space<semaphore_mem>>) attributes {dimension_semantics = [#tpu.dimension_semantics<core_parallel>, #tpu.dimension_semantics<subcore_parallel>], iteration_bounds = array<i64: 2, 16>, scalar_prefetch = 0 : i64, scratch_operands = 7 : i64, tpu.core_type = #tpu.core_type<sc_vector_subcore>, window_params = [{transform_indices = #map}, {transform_indices = #map1}, {transform_indices = #map1}, {transform_indices = #map}, {transform_indices = #map2}]} {
    %mul3A = arith.constant 16 : i32
    %mul3A_0 = arith.muli %arg0, %mul3A : i32
    %add3A = arith.addi %mul3A_0, %arg1 : i32
    "tpu.region"() ({
      %run_scoped3A = tpu.sem_alloc : memref<!tpu.dma_semaphore, #tpu.memory_space<semaphore_mem>>
      tpu.enqueue_dma source(%arg5 : memref<80x128xf32, #tpu.memory_space<hbm>>) target(%arg9 : memref<80x128xf32, #tpu.memory_space<vmem>>) target_semaphore(%run_scoped3A : memref<!tpu.dma_semaphore, #tpu.memory_space<semaphore_mem>>)
      tpu.wait_dma2 semaphore(%run_scoped3A : memref<!tpu.dma_semaphore, #tpu.memory_space<semaphore_mem>>) src(%arg5 : memref<80x128xf32, #tpu.memory_space<hbm>>) dst(%arg9 : memref<80x128xf32, #tpu.memory_space<vmem>>)
      tpu.yield
    }) : () -> ()
    %mul3A_1 = arith.constant 640 : i32
    %mul3A_2 = arith.muli %arg1, %mul3A_1 : i32
    %add3A_3 = arith.constant 0 : i32
    %add3A_4 = arith.addi %mul3A_2, %add3A_3 : i32
    "tpu.region"() ({
      %run_scoped3A = tpu.sem_alloc : memref<!tpu.dma_semaphore, #tpu.memory_space<semaphore_mem>>
      %dma_start3A = arith.constant 0 : i32
      %dma_start3A_103 = tpu.memref_slice %arg11[%add3A_4, %dma_start3A] : memref<10240x128xf32, #tpu.memory_space<vmem_shared>> -> memref<80x128xf32, #tpu.memory_space<vmem_shared>>
      %dma_start3A_104 = arith.constant 0 : i32
      %dma_start3A_105 = tpu.memref_slice %arg11[%add3A_4, %dma_start3A_104] : memref<10240x128xf32, #tpu.memory_space<vmem_shared>> -> memref<80x128xf32, #tpu.memory_space<vmem_shared>>
      tpu.enqueue_dma source(%arg9 : memref<80x128xf32, #tpu.memory_space<vmem>>) target(%dma_start3A_105 : memref<80x128xf32, #tpu.memory_space<vmem_shared>>) target_semaphore(%run_scoped3A : memref<!tpu.dma_semaphore, #tpu.memory_space<semaphore_mem>>)
      %dma_wait3A = arith.constant 0 : i32
      %dma_wait3A_106 = tpu.memref_slice %arg11[%add3A_4, %dma_wait3A] : memref<10240x128xf32, #tpu.memory_space<vmem_shared>> -> memref<80x128xf32, #tpu.memory_space<vmem_shared>>
      %dma_wait3A_107 = arith.constant 0 : i32
      %dma_wait3A_108 = tpu.memref_slice %arg11[%add3A_4, %dma_wait3A_107] : memref<10240x128xf32, #tpu.memory_space<vmem_shared>> -> memref<80x128xf32, #tpu.memory_space<vmem_shared>>
      tpu.wait_dma2 semaphore(%run_scoped3A : memref<!tpu.dma_semaphore, #tpu.memory_space<semaphore_mem>>) src(%arg9 : memref<80x128xf32, #tpu.memory_space<vmem>>) dst(%dma_wait3A_108 : memref<80x128xf32, #tpu.memory_space<vmem_shared>>)
      tpu.yield
    }) : () -> ()
    %mul3A_5 = arith.constant 640 : i32
    %mul3A_6 = arith.muli %arg1, %mul3A_5 : i32
    %add3A_7 = arith.constant 80 : i32
    %add3A_8 = arith.addi %mul3A_6, %add3A_7 : i32
    "tpu.region"() ({
      %run_scoped3A = tpu.sem_alloc : memref<!tpu.dma_semaphore, #tpu.memory_space<semaphore_mem>>
      %dma_start3A = arith.constant 0 : i32
      %dma_start3A_103 = tpu.memref_slice %arg11[%add3A_8, %dma_start3A] : memref<10240x128xf32, #tpu.memory_space<vmem_shared>> -> memref<80x128xf32, #tpu.memory_space<vmem_shared>>
      %dma_start3A_104 = arith.constant 0 : i32
      %dma_start3A_105 = tpu.memref_slice %arg11[%add3A_8, %dma_start3A_104] : memref<10240x128xf32, #tpu.memory_space<vmem_shared>> -> memref<80x128xf32, #tpu.memory_space<vmem_shared>>
      tpu.enqueue_dma source(%arg9 : memref<80x128xf32, #tpu.memory_space<vmem>>) target(%dma_start3A_105 : memref<80x128xf32, #tpu.memory_space<vmem_shared>>) target_semaphore(%run_scoped3A : memref<!tpu.dma_semaphore, #tpu.memory_space<semaphore_mem>>)
      %dma_wait3A = arith.constant 0 : i32
      %dma_wait3A_106 = tpu.memref_slice %arg11[%add3A_8, %dma_wait3A] : memref<10240x128xf32, #tpu.memory_space<vmem_shared>> -> memref<80x128xf32, #tpu.memory_space<vmem_shared>>
      %dma_wait3A_107 = arith.constant 0 : i32
      %dma_wait3A_108 = tpu.memref_slice %arg11[%add3A_8, %dma_wait3A_107] : memref<10240x128xf32, #tpu.memory_space<vmem_shared>> -> memref<80x128xf32, #tpu.memory_space<vmem_shared>>
      tpu.wait_dma2 semaphore(%run_scoped3A : memref<!tpu.dma_semaphore, #tpu.memory_space<semaphore_mem>>) src(%arg9 : memref<80x128xf32, #tpu.memory_space<vmem>>) dst(%dma_wait3A_108 : memref<80x128xf32, #tpu.memory_space<vmem_shared>>)
      tpu.yield
    }) : () -> ()
    %mul3A_9 = arith.constant 640 : i32
    %mul3A_10 = arith.muli %arg1, %mul3A_9 : i32
    %add3A_11 = arith.constant 160 : i32
    %add3A_12 = arith.addi %mul3A_10, %add3A_11 : i32
    "tpu.region"() ({
      %run_scoped3A = tpu.sem_alloc : memref<!tpu.dma_semaphore, #tpu.memory_space<semaphore_mem>>
      %dma_start3A = arith.constant 0 : i32
      %dma_start3A_103 = tpu.memref_slice %arg11[%add3A_12, %dma_start3A] : memref<10240x128xf32, #tpu.memory_space<vmem_shared>> -> memref<80x128xf32, #tpu.memory_space<vmem_shared>>
      %dma_start3A_104 = arith.constant 0 : i32
      %dma_start3A_105 = tpu.memref_slice %arg11[%add3A_12, %dma_start3A_104] : memref<10240x128xf32, #tpu.memory_space<vmem_shared>> -> memref<80x128xf32, #tpu.memory_space<vmem_shared>>
      tpu.enqueue_dma source(%arg9 : memref<80x128xf32, #tpu.memory_space<vmem>>) target(%dma_start3A_105 : memref<80x128xf32, #tpu.memory_space<vmem_shared>>) target_semaphore(%run_scoped3A : memref<!tpu.dma_semaphore, #tpu.memory_space<semaphore_mem>>)
      %dma_wait3A = arith.constant 0 : i32
      %dma_wait3A_106 = tpu.memref_slice %arg11[%add3A_12, %dma_wait3A] : memref<10240x128xf32, #tpu.memory_space<vmem_shared>> -> memref<80x128xf32, #tpu.memory_space<vmem_shared>>
      %dma_wait3A_107 = arith.constant 0 : i32
      %dma_wait3A_108 = tpu.memref_slice %arg11[%add3A_12, %dma_wait3A_107] : memref<10240x128xf32, #tpu.memory_space<vmem_shared>> -> memref<80x128xf32, #tpu.memory_space<vmem_shared>>
      tpu.wait_dma2 semaphore(%run_scoped3A : memref<!tpu.dma_semaphore, #tpu.memory_space<semaphore_mem>>) src(%arg9 : memref<80x128xf32, #tpu.memory_space<vmem>>) dst(%dma_wait3A_108 : memref<80x128xf32, #tpu.memory_space<vmem_shared>>)
      tpu.yield
    }) : () -> ()
    %mul3A_13 = arith.constant 640 : i32
    %mul3A_14 = arith.muli %arg1, %mul3A_13 : i32
    %add3A_15 = arith.constant 240 : i32
    %add3A_16 = arith.addi %mul3A_14, %add3A_15 : i32
    "tpu.region"() ({
      %run_scoped3A = tpu.sem_alloc : memref<!tpu.dma_semaphore, #tpu.memory_space<semaphore_mem>>
      %dma_start3A = arith.constant 0 : i32
      %dma_start3A_103 = tpu.memref_slice %arg11[%add3A_16, %dma_start3A] : memref<10240x128xf32, #tpu.memory_space<vmem_shared>> -> memref<80x128xf32, #tpu.memory_space<vmem_shared>>
      %dma_start3A_104 = arith.constant 0 : i32
      %dma_start3A_105 = tpu.memref_slice %arg11[%add3A_16, %dma_start3A_104] : memref<10240x128xf32, #tpu.memory_space<vmem_shared>> -> memref<80x128xf32, #tpu.memory_space<vmem_shared>>
      tpu.enqueue_dma source(%arg9 : memref<80x128xf32, #tpu.memory_space<vmem>>) target(%dma_start3A_105 : memref<80x128xf32, #tpu.memory_space<vmem_shared>>) target_semaphore(%run_scoped3A : memref<!tpu.dma_semaphore, #tpu.memory_space<semaphore_mem>>)
      %dma_wait3A = arith.constant 0 : i32
      %dma_wait3A_106 = tpu.memref_slice %arg11[%add3A_16, %dma_wait3A] : memref<10240x128xf32, #tpu.memory_space<vmem_shared>> -> memref<80x128xf32, #tpu.memory_space<vmem_shared>>
      %dma_wait3A_107 = arith.constant 0 : i32
      %dma_wait3A_108 = tpu.memref_slice %arg11[%add3A_16, %dma_wait3A_107] : memref<10240x128xf32, #tpu.memory_space<vmem_shared>> -> memref<80x128xf32, #tpu.memory_space<vmem_shared>>
      tpu.wait_dma2 semaphore(%run_scoped3A : memref<!tpu.dma_semaphore, #tpu.memory_space<semaphore_mem>>) src(%arg9 : memref<80x128xf32, #tpu.memory_space<vmem>>) dst(%dma_wait3A_108 : memref<80x128xf32, #tpu.memory_space<vmem_shared>>)
      tpu.yield
    }) : () -> ()
    %mul3A_17 = arith.constant 640 : i32
    %mul3A_18 = arith.muli %arg1, %mul3A_17 : i32
    %add3A_19 = arith.constant 320 : i32
    %add3A_20 = arith.addi %mul3A_18, %add3A_19 : i32
    "tpu.region"() ({
      %run_scoped3A = tpu.sem_alloc : memref<!tpu.dma_semaphore, #tpu.memory_space<semaphore_mem>>
      %dma_start3A = arith.constant 0 : i32
      %dma_start3A_103 = tpu.memref_slice %arg11[%add3A_20, %dma_start3A] : memref<10240x128xf32, #tpu.memory_space<vmem_shared>> -> memref<80x128xf32, #tpu.memory_space<vmem_shared>>
      %dma_start3A_104 = arith.constant 0 : i32
      %dma_start3A_105 = tpu.memref_slice %arg11[%add3A_20, %dma_start3A_104] : memref<10240x128xf32, #tpu.memory_space<vmem_shared>> -> memref<80x128xf32, #tpu.memory_space<vmem_shared>>
      tpu.enqueue_dma source(%arg9 : memref<80x128xf32, #tpu.memory_space<vmem>>) target(%dma_start3A_105 : memref<80x128xf32, #tpu.memory_space<vmem_shared>>) target_semaphore(%run_scoped3A : memref<!tpu.dma_semaphore, #tpu.memory_space<semaphore_mem>>)
      %dma_wait3A = arith.constant 0 : i32
      %dma_wait3A_106 = tpu.memref_slice %arg11[%add3A_20, %dma_wait3A] : memref<10240x128xf32, #tpu.memory_space<vmem_shared>> -> memref<80x128xf32, #tpu.memory_space<vmem_shared>>
      %dma_wait3A_107 = arith.constant 0 : i32
      %dma_wait3A_108 = tpu.memref_slice %arg11[%add3A_20, %dma_wait3A_107] : memref<10240x128xf32, #tpu.memory_space<vmem_shared>> -> memref<80x128xf32, #tpu.memory_space<vmem_shared>>
      tpu.wait_dma2 semaphore(%run_scoped3A : memref<!tpu.dma_semaphore, #tpu.memory_space<semaphore_mem>>) src(%arg9 : memref<80x128xf32, #tpu.memory_space<vmem>>) dst(%dma_wait3A_108 : memref<80x128xf32, #tpu.memory_space<vmem_shared>>)
      tpu.yield
    }) : () -> ()
    %mul3A_21 = arith.constant 640 : i32
    %mul3A_22 = arith.muli %arg1, %mul3A_21 : i32
    %add3A_23 = arith.constant 400 : i32
    %add3A_24 = arith.addi %mul3A_22, %add3A_23 : i32
    "tpu.region"() ({
      %run_scoped3A = tpu.sem_alloc : memref<!tpu.dma_semaphore, #tpu.memory_space<semaphore_mem>>
      %dma_start3A = arith.constant 0 : i32
      %dma_start3A_103 = tpu.memref_slice %arg11[%add3A_24, %dma_start3A] : memref<10240x128xf32, #tpu.memory_space<vmem_shared>> -> memref<80x128xf32, #tpu.memory_space<vmem_shared>>
      %dma_start3A_104 = arith.constant 0 : i32
      %dma_start3A_105 = tpu.memref_slice %arg11[%add3A_24, %dma_start3A_104] : memref<10240x128xf32, #tpu.memory_space<vmem_shared>> -> memref<80x128xf32, #tpu.memory_space<vmem_shared>>
      tpu.enqueue_dma source(%arg9 : memref<80x128xf32, #tpu.memory_space<vmem>>) target(%dma_start3A_105 : memref<80x128xf32, #tpu.memory_space<vmem_shared>>) target_semaphore(%run_scoped3A : memref<!tpu.dma_semaphore, #tpu.memory_space<semaphore_mem>>)
      %dma_wait3A = arith.constant 0 : i32
      %dma_wait3A_106 = tpu.memref_slice %arg11[%add3A_24, %dma_wait3A] : memref<10240x128xf32, #tpu.memory_space<vmem_shared>> -> memref<80x128xf32, #tpu.memory_space<vmem_shared>>
      %dma_wait3A_107 = arith.constant 0 : i32
      %dma_wait3A_108 = tpu.memref_slice %arg11[%add3A_24, %dma_wait3A_107] : memref<10240x128xf32, #tpu.memory_space<vmem_shared>> -> memref<80x128xf32, #tpu.memory_space<vmem_shared>>
      tpu.wait_dma2 semaphore(%run_scoped3A : memref<!tpu.dma_semaphore, #tpu.memory_space<semaphore_mem>>) src(%arg9 : memref<80x128xf32, #tpu.memory_space<vmem>>) dst(%dma_wait3A_108 : memref<80x128xf32, #tpu.memory_space<vmem_shared>>)
      tpu.yield
    }) : () -> ()
    %mul3A_25 = arith.constant 640 : i32
    %mul3A_26 = arith.muli %arg1, %mul3A_25 : i32
    %add3A_27 = arith.constant 480 : i32
    %add3A_28 = arith.addi %mul3A_26, %add3A_27 : i32
    "tpu.region"() ({
      %run_scoped3A = tpu.sem_alloc : memref<!tpu.dma_semaphore, #tpu.memory_space<semaphore_mem>>
      %dma_start3A = arith.constant 0 : i32
      %dma_start3A_103 = tpu.memref_slice %arg11[%add3A_28, %dma_start3A] : memref<10240x128xf32, #tpu.memory_space<vmem_shared>> -> memref<80x128xf32, #tpu.memory_space<vmem_shared>>
      %dma_start3A_104 = arith.constant 0 : i32
      %dma_start3A_105 = tpu.memref_slice %arg11[%add3A_28, %dma_start3A_104] : memref<10240x128xf32, #tpu.memory_space<vmem_shared>> -> memref<80x128xf32, #tpu.memory_space<vmem_shared>>
      tpu.enqueue_dma source(%arg9 : memref<80x128xf32, #tpu.memory_space<vmem>>) target(%dma_start3A_105 : memref<80x128xf32, #tpu.memory_space<vmem_shared>>) target_semaphore(%run_scoped3A : memref<!tpu.dma_semaphore, #tpu.memory_space<semaphore_mem>>)
      %dma_wait3A = arith.constant 0 : i32
      %dma_wait3A_106 = tpu.memref_slice %arg11[%add3A_28, %dma_wait3A] : memref<10240x128xf32, #tpu.memory_space<vmem_shared>> -> memref<80x128xf32, #tpu.memory_space<vmem_shared>>
      %dma_wait3A_107 = arith.constant 0 : i32
      %dma_wait3A_108 = tpu.memref_slice %arg11[%add3A_28, %dma_wait3A_107] : memref<10240x128xf32, #tpu.memory_space<vmem_shared>> -> memref<80x128xf32, #tpu.memory_space<vmem_shared>>
      tpu.wait_dma2 semaphore(%run_scoped3A : memref<!tpu.dma_semaphore, #tpu.memory_space<semaphore_mem>>) src(%arg9 : memref<80x128xf32, #tpu.memory_space<vmem>>) dst(%dma_wait3A_108 : memref<80x128xf32, #tpu.memory_space<vmem_shared>>)
      tpu.yield
    }) : () -> ()
    %mul3A_29 = arith.constant 640 : i32
    %mul3A_30 = arith.muli %arg1, %mul3A_29 : i32
    %add3A_31 = arith.constant 560 : i32
    %add3A_32 = arith.addi %mul3A_30, %add3A_31 : i32
    "tpu.region"() ({
      %run_scoped3A = tpu.sem_alloc : memref<!tpu.dma_semaphore, #tpu.memory_space<semaphore_mem>>
      %dma_start3A = arith.constant 0 : i32
      %dma_start3A_103 = tpu.memref_slice %arg11[%add3A_32, %dma_start3A] : memref<10240x128xf32, #tpu.memory_space<vmem_shared>> -> memref<80x128xf32, #tpu.memory_space<vmem_shared>>
      %dma_start3A_104 = arith.constant 0 : i32
      %dma_start3A_105 = tpu.memref_slice %arg11[%add3A_32, %dma_start3A_104] : memref<10240x128xf32, #tpu.memory_space<vmem_shared>> -> memref<80x128xf32, #tpu.memory_space<vmem_shared>>
      tpu.enqueue_dma source(%arg9 : memref<80x128xf32, #tpu.memory_space<vmem>>) target(%dma_start3A_105 : memref<80x128xf32, #tpu.memory_space<vmem_shared>>) target_semaphore(%run_scoped3A : memref<!tpu.dma_semaphore, #tpu.memory_space<semaphore_mem>>)
      %dma_wait3A = arith.constant 0 : i32
      %dma_wait3A_106 = tpu.memref_slice %arg11[%add3A_32, %dma_wait3A] : memref<10240x128xf32, #tpu.memory_space<vmem_shared>> -> memref<80x128xf32, #tpu.memory_space<vmem_shared>>
      %dma_wait3A_107 = arith.constant 0 : i32
      %dma_wait3A_108 = tpu.memref_slice %arg11[%add3A_32, %dma_wait3A_107] : memref<10240x128xf32, #tpu.memory_space<vmem_shared>> -> memref<80x128xf32, #tpu.memory_space<vmem_shared>>
      tpu.wait_dma2 semaphore(%run_scoped3A : memref<!tpu.dma_semaphore, #tpu.memory_space<semaphore_mem>>) src(%arg9 : memref<80x128xf32, #tpu.memory_space<vmem>>) dst(%dma_wait3A_108 : memref<80x128xf32, #tpu.memory_space<vmem_shared>>)
      tpu.yield
    }) : () -> ()
    %barrier3A = arith.constant 0 : index
    tpu.barrier barrier_id(%barrier3A)
    %scan3A = arith.constant 0 : i32
    %scan3A_33 = arith.constant 0 : i32
    %scan3A_34 = arith.constant 5 : i32
    %scan3A_35 = arith.addi %scan3A_33, %scan3A_34 : i32
    %scan3A_36 = arith.constant 1 : i32
    scf.for %scan3A_103 = %scan3A_33 to %scan3A_35 step %scan3A_36  : i32 {
      "tpu.region"() ({
        %run_scoped3A = tpu.sem_alloc : memref<!tpu.dma_semaphore, #tpu.memory_space<semaphore_mem>>
        %dma_start3A_115 = arith.constant 0 : i32
        %dma_start3A_116 = arith.constant 0 : i32
        %dma_start3A_117 = tpu.memref_slice %arg3[%add3A, %scan3A_103, %dma_start3A_115, %dma_start3A_116] : memref<32x5x25x80xi32, #tpu.memory_space<hbm>> -> memref<1x1x25x80xi32, #tpu.memory_space<hbm>>
        %dma_start3A_118 = tpu.memref_squeeze %dma_start3A_117 : memref<1x1x25x80xi32, #tpu.memory_space<hbm>> -> memref<25x80xi32, #tpu.memory_space<hbm>>
        %dma_start3A_119 = arith.constant 0 : i32
        %dma_start3A_120 = arith.constant 0 : i32
        %dma_start3A_121 = tpu.memref_slice %arg3[%add3A, %scan3A_103, %dma_start3A_119, %dma_start3A_120] : memref<32x5x25x80xi32, #tpu.memory_space<hbm>> -> memref<1x1x25x80xi32, #tpu.memory_space<hbm>>
        %dma_start3A_122 = tpu.memref_squeeze %dma_start3A_121 : memref<1x1x25x80xi32, #tpu.memory_space<hbm>> -> memref<25x80xi32, #tpu.memory_space<hbm>>
        tpu.enqueue_dma source(%dma_start3A_122 : memref<25x80xi32, #tpu.memory_space<hbm>>) target(%arg7 : memref<25x80xi32, #tpu.memory_space<vmem>>) target_semaphore(%run_scoped3A : memref<!tpu.dma_semaphore, #tpu.memory_space<semaphore_mem>>)
        %dma_wait3A = arith.constant 0 : i32
        %dma_wait3A_123 = arith.constant 0 : i32
        %dma_wait3A_124 = tpu.memref_slice %arg3[%add3A, %scan3A_103, %dma_wait3A, %dma_wait3A_123] : memref<32x5x25x80xi32, #tpu.memory_space<hbm>> -> memref<1x1x25x80xi32, #tpu.memory_space<hbm>>
        %dma_wait3A_125 = tpu.memref_squeeze %dma_wait3A_124 : memref<1x1x25x80xi32, #tpu.memory_space<hbm>> -> memref<25x80xi32, #tpu.memory_space<hbm>>
        %dma_wait3A_126 = arith.constant 0 : i32
        %dma_wait3A_127 = arith.constant 0 : i32
        %dma_wait3A_128 = tpu.memref_slice %arg3[%add3A, %scan3A_103, %dma_wait3A_126, %dma_wait3A_127] : memref<32x5x25x80xi32, #tpu.memory_space<hbm>> -> memref<1x1x25x80xi32, #tpu.memory_space<hbm>>
        %dma_wait3A_129 = tpu.memref_squeeze %dma_wait3A_128 : memref<1x1x25x80xi32, #tpu.memory_space<hbm>> -> memref<25x80xi32, #tpu.memory_space<hbm>>
        tpu.wait_dma2 semaphore(%run_scoped3A : memref<!tpu.dma_semaphore, #tpu.memory_space<semaphore_mem>>) src(%dma_wait3A_129 : memref<25x80xi32, #tpu.memory_space<hbm>>) dst(%arg7 : memref<25x80xi32, #tpu.memory_space<vmem>>)
        tpu.yield
      }) : () -> ()
      "tpu.region"() ({
        %run_scoped3A = tpu.sem_alloc : memref<!tpu.dma_semaphore, #tpu.memory_space<semaphore_mem>>
        %dma_start3A_115 = arith.constant 0 : i32
        %dma_start3A_116 = arith.constant 0 : i32
        %dma_start3A_117 = tpu.memref_slice %arg4[%add3A, %scan3A_103, %dma_start3A_115, %dma_start3A_116] : memref<32x5x25x80xi32, #tpu.memory_space<hbm>> -> memref<1x1x25x80xi32, #tpu.memory_space<hbm>>
        %dma_start3A_118 = tpu.memref_squeeze %dma_start3A_117 : memref<1x1x25x80xi32, #tpu.memory_space<hbm>> -> memref<25x80xi32, #tpu.memory_space<hbm>>
        %dma_start3A_119 = arith.constant 0 : i32
        %dma_start3A_120 = arith.constant 0 : i32
        %dma_start3A_121 = tpu.memref_slice %arg4[%add3A, %scan3A_103, %dma_start3A_119, %dma_start3A_120] : memref<32x5x25x80xi32, #tpu.memory_space<hbm>> -> memref<1x1x25x80xi32, #tpu.memory_space<hbm>>
        %dma_start3A_122 = tpu.memref_squeeze %dma_start3A_121 : memref<1x1x25x80xi32, #tpu.memory_space<hbm>> -> memref<25x80xi32, #tpu.memory_space<hbm>>
        tpu.enqueue_dma source(%dma_start3A_122 : memref<25x80xi32, #tpu.memory_space<hbm>>) target(%arg8 : memref<25x80xi32, #tpu.memory_space<vmem>>) target_semaphore(%run_scoped3A : memref<!tpu.dma_semaphore, #tpu.memory_space<semaphore_mem>>)
        %dma_wait3A = arith.constant 0 : i32
        %dma_wait3A_123 = arith.constant 0 : i32
        %dma_wait3A_124 = tpu.memref_slice %arg4[%add3A, %scan3A_103, %dma_wait3A, %dma_wait3A_123] : memref<32x5x25x80xi32, #tpu.memory_space<hbm>> -> memref<1x1x25x80xi32, #tpu.memory_space<hbm>>
        %dma_wait3A_125 = tpu.memref_squeeze %dma_wait3A_124 : memref<1x1x25x80xi32, #tpu.memory_space<hbm>> -> memref<25x80xi32, #tpu.memory_space<hbm>>
        %dma_wait3A_126 = arith.constant 0 : i32
        %dma_wait3A_127 = arith.constant 0 : i32
        %dma_wait3A_128 = tpu.memref_slice %arg4[%add3A, %scan3A_103, %dma_wait3A_126, %dma_wait3A_127] : memref<32x5x25x80xi32, #tpu.memory_space<hbm>> -> memref<1x1x25x80xi32, #tpu.memory_space<hbm>>
        %dma_wait3A_129 = tpu.memref_squeeze %dma_wait3A_128 : memref<1x1x25x80xi32, #tpu.memory_space<hbm>> -> memref<25x80xi32, #tpu.memory_space<hbm>>
        tpu.wait_dma2 semaphore(%run_scoped3A : memref<!tpu.dma_semaphore, #tpu.memory_space<semaphore_mem>>) src(%dma_wait3A_129 : memref<25x80xi32, #tpu.memory_space<hbm>>) dst(%arg8 : memref<25x80xi32, #tpu.memory_space<vmem>>)
        tpu.yield
      }) : () -> ()
      %dma_start3A = arith.constant 0 : i32
      %dma_start3A_104 = arith.constant 0 : i32
      %dma_start3A_105 = tpu.memref_slice %arg7[%dma_start3A, %dma_start3A_104] : memref<25x80xi32, #tpu.memory_space<vmem>> -> memref<1x80xi32, #tpu.memory_space<vmem>>
      %dma_start3A_106 = tpu.memref_squeeze %dma_start3A_105 : memref<1x80xi32, #tpu.memory_space<vmem>> -> memref<80xi32, #tpu.memory_space<vmem>>
      %dma_start3A_107 = arith.constant 0 : i32
      %dma_start3A_108 = arith.constant 0 : i32
      %dma_start3A_109 = tpu.memref_slice %arg2[%dma_start3A_107, %dma_start3A_108] : memref<10240x128xf32, #tpu.memory_space<hbm>> -> memref<10240x128xf32, #tpu.memory_space<hbm>>
      tpu.enqueue_indirect_dma source(%dma_start3A_109 : memref<10240x128xf32, #tpu.memory_space<hbm>>) target(%arg9 : memref<80x128xf32, #tpu.memory_space<vmem>>) offsets(%dma_start3A_106 : memref<80xi32, #tpu.memory_space<vmem>>) semaphore(%arg12 : memref<!tpu.dma_semaphore, #tpu.memory_space<semaphore_mem>>)
      %scan3A_110 = arith.constant 0 : i32
      %scan3A_111 = arith.constant 25 : i32
      %scan3A_112 = arith.addi %scan3A_110, %scan3A_111 : i32
      %scan3A_113 = arith.constant 1 : i32
      scf.for %scan3A_115 = %scan3A_110 to %scan3A_112 step %scan3A_113  : i32 {
        %jit3A = arith.constant 2 : i32
        %eq3A = arith.constant 0 : i32
        %eq3A_116 = arith.cmpi eq, %jit3A, %eq3A : i32
        %jit3A_117 = arith.constant 1 : i32
        %select_n3A = arith.select %eq3A_116, %jit3A_117, %jit3A : i32
        %rem3A = arith.remsi %scan3A_115, %select_n3A : i32
        %ne3A = arith.constant 0 : i32
        %ne3A_118 = arith.cmpi ne, %rem3A, %ne3A : i32
        %lt3A = arith.constant 0 : i32
        %lt3A_119 = arith.cmpi slt, %rem3A, %lt3A : i32
        %lt3A_120 = arith.constant 0 : i32
        %lt3A_121 = arith.cmpi slt, %select_n3A, %lt3A_120 : i32
        %ne3A_122 = arith.xori %lt3A_119, %lt3A_121 : i1
        %and3A = arith.andi %ne3A_122, %ne3A_118 : i1
        %add3A_123 = arith.addi %rem3A, %select_n3A : i32
        %select_n3A_124 = arith.select %and3A, %add3A_123, %rem3A : i32
        %eq3A_125 = arith.constant 0 : i32
        %eq3A_126 = arith.cmpi eq, %select_n3A_124, %eq3A_125 : i32
        %convert_element_type3A = arith.extui %eq3A_126 : i1 to i32
        %cond3A = arith.constant 0 : i32
        %cond3A_127 = arith.cmpi ne, %convert_element_type3A, %cond3A : i32
        scf.if %cond3A_127 {
          %dma_wait3A = arith.constant 0 : i32
          %dma_wait3A_149 = tpu.memref_slice %arg7[%scan3A_115, %dma_wait3A] : memref<25x80xi32, #tpu.memory_space<vmem>> -> memref<1x80xi32, #tpu.memory_space<vmem>>
          %dma_wait3A_150 = tpu.memref_squeeze %dma_wait3A_149 : memref<1x80xi32, #tpu.memory_space<vmem>> -> memref<80xi32, #tpu.memory_space<vmem>>
          %dma_wait3A_151 = arith.constant 0 : i32
          %dma_wait3A_152 = arith.constant 0 : i32
          %dma_wait3A_153 = tpu.memref_slice %arg2[%dma_wait3A_151, %dma_wait3A_152] : memref<10240x128xf32, #tpu.memory_space<hbm>> -> memref<10240x128xf32, #tpu.memory_space<hbm>>
          tpu.wait_indirect_dma semaphore(%arg12 : memref<!tpu.dma_semaphore, #tpu.memory_space<semaphore_mem>>) src(%dma_wait3A_153 : memref<10240x128xf32, #tpu.memory_space<hbm>>) dst(%arg9 : memref<80x128xf32, #tpu.memory_space<vmem>>)
          %lt3A_154 = arith.constant 24 : i32
          %lt3A_155 = arith.cmpi slt, %scan3A_115, %lt3A_154 : i32
          %convert_element_type3A_156 = arith.extui %lt3A_155 : i1 to i32
          %cond3A_157 = arith.constant 0 : i32
          %cond3A_158 = arith.cmpi ne, %convert_element_type3A_156, %cond3A_157 : i32
          scf.if %cond3A_158 {
            %add3A_159 = arith.constant 1 : i32
            %add3A_160 = arith.addi %scan3A_115, %add3A_159 : i32
            %dma_start3A_161 = arith.constant 0 : i32
            %dma_start3A_162 = tpu.memref_slice %arg7[%add3A_160, %dma_start3A_161] : memref<25x80xi32, #tpu.memory_space<vmem>> -> memref<1x80xi32, #tpu.memory_space<vmem>>
            %dma_start3A_163 = tpu.memref_squeeze %dma_start3A_162 : memref<1x80xi32, #tpu.memory_space<vmem>> -> memref<80xi32, #tpu.memory_space<vmem>>
            %dma_start3A_164 = arith.constant 0 : i32
            %dma_start3A_165 = arith.constant 0 : i32
            %dma_start3A_166 = tpu.memref_slice %arg2[%dma_start3A_164, %dma_start3A_165] : memref<10240x128xf32, #tpu.memory_space<hbm>> -> memref<10240x128xf32, #tpu.memory_space<hbm>>
            tpu.enqueue_indirect_dma source(%dma_start3A_166 : memref<10240x128xf32, #tpu.memory_space<hbm>>) target(%arg10 : memref<80x128xf32, #tpu.memory_space<vmem>>) offsets(%dma_start3A_163 : memref<80xi32, #tpu.memory_space<vmem>>) semaphore(%arg13 : memref<!tpu.dma_semaphore, #tpu.memory_space<semaphore_mem>>)
          } else {
          }
          "tpu.region"() ({
            %run_scoped3A = tpu.sem_alloc : memref<!tpu.dma_semaphore, #tpu.memory_space<semaphore_mem>>
            %dma_start3A_159 = arith.constant 0 : i32
            %dma_start3A_160 = tpu.memref_slice %arg8[%scan3A_115, %dma_start3A_159] : memref<25x80xi32, #tpu.memory_space<vmem>> -> memref<1x80xi32, #tpu.memory_space<vmem>>
            %dma_start3A_161 = tpu.memref_squeeze %dma_start3A_160 : memref<1x80xi32, #tpu.memory_space<vmem>> -> memref<80xi32, #tpu.memory_space<vmem>>
            %dma_start3A_162 = arith.constant 0 : i32
            %dma_start3A_163 = arith.constant 0 : i32
            %dma_start3A_164 = tpu.memref_slice %arg11[%dma_start3A_162, %dma_start3A_163] : memref<10240x128xf32, #tpu.memory_space<vmem_shared>> -> memref<10240x128xf32, #tpu.memory_space<vmem_shared>>
            tpu.enqueue_indirect_dma source(%arg9 : memref<80x128xf32, #tpu.memory_space<vmem>>) target(%dma_start3A_164 : memref<10240x128xf32, #tpu.memory_space<vmem_shared>>) offsets(%dma_start3A_161 : memref<80xi32, #tpu.memory_space<vmem>>) semaphore(%run_scoped3A : memref<!tpu.dma_semaphore, #tpu.memory_space<semaphore_mem>>) {add = true}
            %dma_wait3A_165 = arith.constant 0 : i32
            %dma_wait3A_166 = tpu.memref_slice %arg8[%scan3A_115, %dma_wait3A_165] : memref<25x80xi32, #tpu.memory_space<vmem>> -> memref<1x80xi32, #tpu.memory_space<vmem>>
            %dma_wait3A_167 = tpu.memref_squeeze %dma_wait3A_166 : memref<1x80xi32, #tpu.memory_space<vmem>> -> memref<80xi32, #tpu.memory_space<vmem>>
            %dma_wait3A_168 = arith.constant 0 : i32
            %dma_wait3A_169 = arith.constant 0 : i32
            %dma_wait3A_170 = tpu.memref_slice %arg11[%dma_wait3A_168, %dma_wait3A_169] : memref<10240x128xf32, #tpu.memory_space<vmem_shared>> -> memref<10240x128xf32, #tpu.memory_space<vmem_shared>>
            tpu.wait_indirect_dma semaphore(%run_scoped3A : memref<!tpu.dma_semaphore, #tpu.memory_space<semaphore_mem>>) src(%arg9 : memref<80x128xf32, #tpu.memory_space<vmem>>) dst(%dma_wait3A_170 : memref<10240x128xf32, #tpu.memory_space<vmem_shared>>)
            tpu.yield
          }) : () -> ()
        } else {
        }
        %jit3A_128 = arith.constant 2 : i32
        %eq3A_129 = arith.constant 0 : i32
        %eq3A_130 = arith.cmpi eq, %jit3A_128, %eq3A_129 : i32
        %jit3A_131 = arith.constant 1 : i32
        %select_n3A_132 = arith.select %eq3A_130, %jit3A_131, %jit3A_128 : i32
        %rem3A_133 = arith.remsi %scan3A_115, %select_n3A_132 : i32
        %ne3A_134 = arith.constant 0 : i32
        %ne3A_135 = arith.cmpi ne, %rem3A_133, %ne3A_134 : i32
        %lt3A_136 = arith.constant 0 : i32
        %lt3A_137 = arith.cmpi slt, %rem3A_133, %lt3A_136 : i32
        %lt3A_138 = arith.constant 0 : i32
        %lt3A_139 = arith.cmpi slt, %select_n3A_132, %lt3A_138 : i32
        %ne3A_140 = arith.xori %lt3A_137, %lt3A_139 : i1
        %and3A_141 = arith.andi %ne3A_140, %ne3A_135 : i1
        %add3A_142 = arith.addi %rem3A_133, %select_n3A_132 : i32
        %select_n3A_143 = arith.select %and3A_141, %add3A_142, %rem3A_133 : i32
        %eq3A_144 = arith.constant 1 : i32
        %eq3A_145 = arith.cmpi eq, %select_n3A_143, %eq3A_144 : i32
        %convert_element_type3A_146 = arith.extui %eq3A_145 : i1 to i32
        %cond3A_147 = arith.constant 0 : i32
        %cond3A_148 = arith.cmpi ne, %convert_element_type3A_146, %cond3A_147 : i32
        scf.if %cond3A_148 {
          %dma_wait3A = arith.constant 0 : i32
          %dma_wait3A_149 = tpu.memref_slice %arg7[%scan3A_115, %dma_wait3A] : memref<25x80xi32, #tpu.memory_space<vmem>> -> memref<1x80xi32, #tpu.memory_space<vmem>>
          %dma_wait3A_150 = tpu.memref_squeeze %dma_wait3A_149 : memref<1x80xi32, #tpu.memory_space<vmem>> -> memref<80xi32, #tpu.memory_space<vmem>>
          %dma_wait3A_151 = arith.constant 0 : i32
          %dma_wait3A_152 = arith.constant 0 : i32
          %dma_wait3A_153 = tpu.memref_slice %arg2[%dma_wait3A_151, %dma_wait3A_152] : memref<10240x128xf32, #tpu.memory_space<hbm>> -> memref<10240x128xf32, #tpu.memory_space<hbm>>
          tpu.wait_indirect_dma semaphore(%arg13 : memref<!tpu.dma_semaphore, #tpu.memory_space<semaphore_mem>>) src(%dma_wait3A_153 : memref<10240x128xf32, #tpu.memory_space<hbm>>) dst(%arg10 : memref<80x128xf32, #tpu.memory_space<vmem>>)
          %lt3A_154 = arith.constant 24 : i32
          %lt3A_155 = arith.cmpi slt, %scan3A_115, %lt3A_154 : i32
          %convert_element_type3A_156 = arith.extui %lt3A_155 : i1 to i32
          %cond3A_157 = arith.constant 0 : i32
          %cond3A_158 = arith.cmpi ne, %convert_element_type3A_156, %cond3A_157 : i32
          scf.if %cond3A_158 {
            %add3A_159 = arith.constant 1 : i32
            %add3A_160 = arith.addi %scan3A_115, %add3A_159 : i32
            %dma_start3A_161 = arith.constant 0 : i32
            %dma_start3A_162 = tpu.memref_slice %arg7[%add3A_160, %dma_start3A_161] : memref<25x80xi32, #tpu.memory_space<vmem>> -> memref<1x80xi32, #tpu.memory_space<vmem>>
            %dma_start3A_163 = tpu.memref_squeeze %dma_start3A_162 : memref<1x80xi32, #tpu.memory_space<vmem>> -> memref<80xi32, #tpu.memory_space<vmem>>
            %dma_start3A_164 = arith.constant 0 : i32
            %dma_start3A_165 = arith.constant 0 : i32
            %dma_start3A_166 = tpu.memref_slice %arg2[%dma_start3A_164, %dma_start3A_165] : memref<10240x128xf32, #tpu.memory_space<hbm>> -> memref<10240x128xf32, #tpu.memory_space<hbm>>
            tpu.enqueue_indirect_dma source(%dma_start3A_166 : memref<10240x128xf32, #tpu.memory_space<hbm>>) target(%arg9 : memref<80x128xf32, #tpu.memory_space<vmem>>) offsets(%dma_start3A_163 : memref<80xi32, #tpu.memory_space<vmem>>) semaphore(%arg12 : memref<!tpu.dma_semaphore, #tpu.memory_space<semaphore_mem>>)
          } else {
          }
          "tpu.region"() ({
            %run_scoped3A = tpu.sem_alloc : memref<!tpu.dma_semaphore, #tpu.memory_space<semaphore_mem>>
            %dma_start3A_159 = arith.constant 0 : i32
            %dma_start3A_160 = tpu.memref_slice %arg8[%scan3A_115, %dma_start3A_159] : memref<25x80xi32, #tpu.memory_space<vmem>> -> memref<1x80xi32, #tpu.memory_space<vmem>>
            %dma_start3A_161 = tpu.memref_squeeze %dma_start3A_160 : memref<1x80xi32, #tpu.memory_space<vmem>> -> memref<80xi32, #tpu.memory_space<vmem>>
            %dma_start3A_162 = arith.constant 0 : i32
            %dma_start3A_163 = arith.constant 0 : i32
            %dma_start3A_164 = tpu.memref_slice %arg11[%dma_start3A_162, %dma_start3A_163] : memref<10240x128xf32, #tpu.memory_space<vmem_shared>> -> memref<10240x128xf32, #tpu.memory_space<vmem_shared>>
            tpu.enqueue_indirect_dma source(%arg10 : memref<80x128xf32, #tpu.memory_space<vmem>>) target(%dma_start3A_164 : memref<10240x128xf32, #tpu.memory_space<vmem_shared>>) offsets(%dma_start3A_161 : memref<80xi32, #tpu.memory_space<vmem>>) semaphore(%run_scoped3A : memref<!tpu.dma_semaphore, #tpu.memory_space<semaphore_mem>>) {add = true}
            %dma_wait3A_165 = arith.constant 0 : i32
            %dma_wait3A_166 = tpu.memref_slice %arg8[%scan3A_115, %dma_wait3A_165] : memref<25x80xi32, #tpu.memory_space<vmem>> -> memref<1x80xi32, #tpu.memory_space<vmem>>
            %dma_wait3A_167 = tpu.memref_squeeze %dma_wait3A_166 : memref<1x80xi32, #tpu.memory_space<vmem>> -> memref<80xi32, #tpu.memory_space<vmem>>
            %dma_wait3A_168 = arith.constant 0 : i32
            %dma_wait3A_169 = arith.constant 0 : i32
            %dma_wait3A_170 = tpu.memref_slice %arg11[%dma_wait3A_168, %dma_wait3A_169] : memref<10240x128xf32, #tpu.memory_space<vmem_shared>> -> memref<10240x128xf32, #tpu.memory_space<vmem_shared>>
            tpu.wait_indirect_dma semaphore(%run_scoped3A : memref<!tpu.dma_semaphore, #tpu.memory_space<semaphore_mem>>) src(%arg10 : memref<80x128xf32, #tpu.memory_space<vmem>>) dst(%dma_wait3A_170 : memref<10240x128xf32, #tpu.memory_space<vmem_shared>>)
            tpu.yield
          }) : () -> ()
        } else {
        }
      }
      %scan3A_114 = arith.constant 25 : i32
    }
    %scan3A_37 = arith.constant 5 : i32
    %barrier3A_38 = arith.constant 0 : index
    tpu.barrier barrier_id(%barrier3A_38)
    %mul3A_39 = arith.constant 640 : i32
    %mul3A_40 = arith.muli %arg1, %mul3A_39 : i32
    %add3A_41 = arith.constant 0 : i32
    %add3A_42 = arith.addi %mul3A_40, %add3A_41 : i32
    "tpu.region"() ({
      %run_scoped3A = tpu.sem_alloc : memref<!tpu.dma_semaphore, #tpu.memory_space<semaphore_mem>>
      %dma_start3A = arith.constant 0 : i32
      %dma_start3A_103 = tpu.memref_slice %arg11[%add3A_42, %dma_start3A] : memref<10240x128xf32, #tpu.memory_space<vmem_shared>> -> memref<80x128xf32, #tpu.memory_space<vmem_shared>>
      %dma_start3A_104 = arith.constant 0 : i32
      %dma_start3A_105 = tpu.memref_slice %arg11[%add3A_42, %dma_start3A_104] : memref<10240x128xf32, #tpu.memory_space<vmem_shared>> -> memref<80x128xf32, #tpu.memory_space<vmem_shared>>
      tpu.enqueue_dma source(%dma_start3A_105 : memref<80x128xf32, #tpu.memory_space<vmem_shared>>) target(%arg9 : memref<80x128xf32, #tpu.memory_space<vmem>>) target_semaphore(%run_scoped3A : memref<!tpu.dma_semaphore, #tpu.memory_space<semaphore_mem>>)
      %dma_wait3A = arith.constant 0 : i32
      %dma_wait3A_106 = tpu.memref_slice %arg11[%add3A_42, %dma_wait3A] : memref<10240x128xf32, #tpu.memory_space<vmem_shared>> -> memref<80x128xf32, #tpu.memory_space<vmem_shared>>
      %dma_wait3A_107 = arith.constant 0 : i32
      %dma_wait3A_108 = tpu.memref_slice %arg11[%add3A_42, %dma_wait3A_107] : memref<10240x128xf32, #tpu.memory_space<vmem_shared>> -> memref<80x128xf32, #tpu.memory_space<vmem_shared>>
      tpu.wait_dma2 semaphore(%run_scoped3A : memref<!tpu.dma_semaphore, #tpu.memory_space<semaphore_mem>>) src(%dma_wait3A_108 : memref<80x128xf32, #tpu.memory_space<vmem_shared>>) dst(%arg9 : memref<80x128xf32, #tpu.memory_space<vmem>>)
      tpu.yield
    }) : () -> ()
    %mul3A_43 = arith.constant 640 : i32
    %mul3A_44 = arith.muli %arg1, %mul3A_43 : i32
    %add3A_45 = arith.constant 0 : i32
    %add3A_46 = arith.addi %mul3A_44, %add3A_45 : i32
    "tpu.region"() ({
      %run_scoped3A = tpu.sem_alloc : memref<!tpu.dma_semaphore, #tpu.memory_space<semaphore_mem>>
      %dma_start3A = arith.constant 0 : i32
      %dma_start3A_103 = tpu.memref_slice %arg6[%arg0, %add3A_46, %dma_start3A] : memref<2x10240x128xf32, #tpu.memory_space<hbm>> -> memref<1x80x128xf32, #tpu.memory_space<hbm>>
      %dma_start3A_104 = tpu.memref_squeeze %dma_start3A_103 : memref<1x80x128xf32, #tpu.memory_space<hbm>> -> memref<80x128xf32, #tpu.memory_space<hbm>>
      %dma_start3A_105 = arith.constant 0 : i32
      %dma_start3A_106 = tpu.memref_slice %arg6[%arg0, %add3A_46, %dma_start3A_105] : memref<2x10240x128xf32, #tpu.memory_space<hbm>> -> memref<1x80x128xf32, #tpu.memory_space<hbm>>
      %dma_start3A_107 = tpu.memref_squeeze %dma_start3A_106 : memref<1x80x128xf32, #tpu.memory_space<hbm>> -> memref<80x128xf32, #tpu.memory_space<hbm>>
      tpu.enqueue_dma source(%arg9 : memref<80x128xf32, #tpu.memory_space<vmem>>) target(%dma_start3A_107 : memref<80x128xf32, #tpu.memory_space<hbm>>) target_semaphore(%run_scoped3A : memref<!tpu.dma_semaphore, #tpu.memory_space<semaphore_mem>>)
      %dma_wait3A = arith.constant 0 : i32
      %dma_wait3A_108 = tpu.memref_slice %arg6[%arg0, %add3A_46, %dma_wait3A] : memref<2x10240x128xf32, #tpu.memory_space<hbm>> -> memref<1x80x128xf32, #tpu.memory_space<hbm>>
      %dma_wait3A_109 = tpu.memref_squeeze %dma_wait3A_108 : memref<1x80x128xf32, #tpu.memory_space<hbm>> -> memref<80x128xf32, #tpu.memory_space<hbm>>
      %dma_wait3A_110 = arith.constant 0 : i32
      %dma_wait3A_111 = tpu.memref_slice %arg6[%arg0, %add3A_46, %dma_wait3A_110] : memref<2x10240x128xf32, #tpu.memory_space<hbm>> -> memref<1x80x128xf32, #tpu.memory_space<hbm>>
      %dma_wait3A_112 = tpu.memref_squeeze %dma_wait3A_111 : memref<1x80x128xf32, #tpu.memory_space<hbm>> -> memref<80x128xf32, #tpu.memory_space<hbm>>
      tpu.wait_dma2 semaphore(%run_scoped3A : memref<!tpu.dma_semaphore, #tpu.memory_space<semaphore_mem>>) src(%arg9 : memref<80x128xf32, #tpu.memory_space<vmem>>) dst(%dma_wait3A_112 : memref<80x128xf32, #tpu.memory_space<hbm>>)
      tpu.yield
    }) : () -> ()
    %mul3A_47 = arith.constant 640 : i32
    %mul3A_48 = arith.muli %arg1, %mul3A_47 : i32
    %add3A_49 = arith.constant 80 : i32
    %add3A_50 = arith.addi %mul3A_48, %add3A_49 : i32
    "tpu.region"() ({
      %run_scoped3A = tpu.sem_alloc : memref<!tpu.dma_semaphore, #tpu.memory_space<semaphore_mem>>
      %dma_start3A = arith.constant 0 : i32
      %dma_start3A_103 = tpu.memref_slice %arg11[%add3A_50, %dma_start3A] : memref<10240x128xf32, #tpu.memory_space<vmem_shared>> -> memref<80x128xf32, #tpu.memory_space<vmem_shared>>
      %dma_start3A_104 = arith.constant 0 : i32
      %dma_start3A_105 = tpu.memref_slice %arg11[%add3A_50, %dma_start3A_104] : memref<10240x128xf32, #tpu.memory_space<vmem_shared>> -> memref<80x128xf32, #tpu.memory_space<vmem_shared>>
      tpu.enqueue_dma source(%dma_start3A_105 : memref<80x128xf32, #tpu.memory_space<vmem_shared>>) target(%arg9 : memref<80x128xf32, #tpu.memory_space<vmem>>) target_semaphore(%run_scoped3A : memref<!tpu.dma_semaphore, #tpu.memory_space<semaphore_mem>>)
      %dma_wait3A = arith.constant 0 : i32
      %dma_wait3A_106 = tpu.memref_slice %arg11[%add3A_50, %dma_wait3A] : memref<10240x128xf32, #tpu.memory_space<vmem_shared>> -> memref<80x128xf32, #tpu.memory_space<vmem_shared>>
      %dma_wait3A_107 = arith.constant 0 : i32
      %dma_wait3A_108 = tpu.memref_slice %arg11[%add3A_50, %dma_wait3A_107] : memref<10240x128xf32, #tpu.memory_space<vmem_shared>> -> memref<80x128xf32, #tpu.memory_space<vmem_shared>>
      tpu.wait_dma2 semaphore(%run_scoped3A : memref<!tpu.dma_semaphore, #tpu.memory_space<semaphore_mem>>) src(%dma_wait3A_108 : memref<80x128xf32, #tpu.memory_space<vmem_shared>>) dst(%arg9 : memref<80x128xf32, #tpu.memory_space<vmem>>)
      tpu.yield
    }) : () -> ()
    %mul3A_51 = arith.constant 640 : i32
    %mul3A_52 = arith.muli %arg1, %mul3A_51 : i32
    %add3A_53 = arith.constant 80 : i32
    %add3A_54 = arith.addi %mul3A_52, %add3A_53 : i32
    "tpu.region"() ({
      %run_scoped3A = tpu.sem_alloc : memref<!tpu.dma_semaphore, #tpu.memory_space<semaphore_mem>>
      %dma_start3A = arith.constant 0 : i32
      %dma_start3A_103 = tpu.memref_slice %arg6[%arg0, %add3A_54, %dma_start3A] : memref<2x10240x128xf32, #tpu.memory_space<hbm>> -> memref<1x80x128xf32, #tpu.memory_space<hbm>>
      %dma_start3A_104 = tpu.memref_squeeze %dma_start3A_103 : memref<1x80x128xf32, #tpu.memory_space<hbm>> -> memref<80x128xf32, #tpu.memory_space<hbm>>
      %dma_start3A_105 = arith.constant 0 : i32
      %dma_start3A_106 = tpu.memref_slice %arg6[%arg0, %add3A_54, %dma_start3A_105] : memref<2x10240x128xf32, #tpu.memory_space<hbm>> -> memref<1x80x128xf32, #tpu.memory_space<hbm>>
      %dma_start3A_107 = tpu.memref_squeeze %dma_start3A_106 : memref<1x80x128xf32, #tpu.memory_space<hbm>> -> memref<80x128xf32, #tpu.memory_space<hbm>>
      tpu.enqueue_dma source(%arg9 : memref<80x128xf32, #tpu.memory_space<vmem>>) target(%dma_start3A_107 : memref<80x128xf32, #tpu.memory_space<hbm>>) target_semaphore(%run_scoped3A : memref<!tpu.dma_semaphore, #tpu.memory_space<semaphore_mem>>)
      %dma_wait3A = arith.constant 0 : i32
      %dma_wait3A_108 = tpu.memref_slice %arg6[%arg0, %add3A_54, %dma_wait3A] : memref<2x10240x128xf32, #tpu.memory_space<hbm>> -> memref<1x80x128xf32, #tpu.memory_space<hbm>>
      %dma_wait3A_109 = tpu.memref_squeeze %dma_wait3A_108 : memref<1x80x128xf32, #tpu.memory_space<hbm>> -> memref<80x128xf32, #tpu.memory_space<hbm>>
      %dma_wait3A_110 = arith.constant 0 : i32
      %dma_wait3A_111 = tpu.memref_slice %arg6[%arg0, %add3A_54, %dma_wait3A_110] : memref<2x10240x128xf32, #tpu.memory_space<hbm>> -> memref<1x80x128xf32, #tpu.memory_space<hbm>>
      %dma_wait3A_112 = tpu.memref_squeeze %dma_wait3A_111 : memref<1x80x128xf32, #tpu.memory_space<hbm>> -> memref<80x128xf32, #tpu.memory_space<hbm>>
      tpu.wait_dma2 semaphore(%run_scoped3A : memref<!tpu.dma_semaphore, #tpu.memory_space<semaphore_mem>>) src(%arg9 : memref<80x128xf32, #tpu.memory_space<vmem>>) dst(%dma_wait3A_112 : memref<80x128xf32, #tpu.memory_space<hbm>>)
      tpu.yield
    }) : () -> ()
    %mul3A_55 = arith.constant 640 : i32
    %mul3A_56 = arith.muli %arg1, %mul3A_55 : i32
    %add3A_57 = arith.constant 160 : i32
    %add3A_58 = arith.addi %mul3A_56, %add3A_57 : i32
    "tpu.region"() ({
      %run_scoped3A = tpu.sem_alloc : memref<!tpu.dma_semaphore, #tpu.memory_space<semaphore_mem>>
      %dma_start3A = arith.constant 0 : i32
      %dma_start3A_103 = tpu.memref_slice %arg11[%add3A_58, %dma_start3A] : memref<10240x128xf32, #tpu.memory_space<vmem_shared>> -> memref<80x128xf32, #tpu.memory_space<vmem_shared>>
      %dma_start3A_104 = arith.constant 0 : i32
      %dma_start3A_105 = tpu.memref_slice %arg11[%add3A_58, %dma_start3A_104] : memref<10240x128xf32, #tpu.memory_space<vmem_shared>> -> memref<80x128xf32, #tpu.memory_space<vmem_shared>>
      tpu.enqueue_dma source(%dma_start3A_105 : memref<80x128xf32, #tpu.memory_space<vmem_shared>>) target(%arg9 : memref<80x128xf32, #tpu.memory_space<vmem>>) target_semaphore(%run_scoped3A : memref<!tpu.dma_semaphore, #tpu.memory_space<semaphore_mem>>)
      %dma_wait3A = arith.constant 0 : i32
      %dma_wait3A_106 = tpu.memref_slice %arg11[%add3A_58, %dma_wait3A] : memref<10240x128xf32, #tpu.memory_space<vmem_shared>> -> memref<80x128xf32, #tpu.memory_space<vmem_shared>>
      %dma_wait3A_107 = arith.constant 0 : i32
      %dma_wait3A_108 = tpu.memref_slice %arg11[%add3A_58, %dma_wait3A_107] : memref<10240x128xf32, #tpu.memory_space<vmem_shared>> -> memref<80x128xf32, #tpu.memory_space<vmem_shared>>
      tpu.wait_dma2 semaphore(%run_scoped3A : memref<!tpu.dma_semaphore, #tpu.memory_space<semaphore_mem>>) src(%dma_wait3A_108 : memref<80x128xf32, #tpu.memory_space<vmem_shared>>) dst(%arg9 : memref<80x128xf32, #tpu.memory_space<vmem>>)
      tpu.yield
    }) : () -> ()
    %mul3A_59 = arith.constant 640 : i32
    %mul3A_60 = arith.muli %arg1, %mul3A_59 : i32
    %add3A_61 = arith.constant 160 : i32
    %add3A_62 = arith.addi %mul3A_60, %add3A_61 : i32
    "tpu.region"() ({
      %run_scoped3A = tpu.sem_alloc : memref<!tpu.dma_semaphore, #tpu.memory_space<semaphore_mem>>
      %dma_start3A = arith.constant 0 : i32
      %dma_start3A_103 = tpu.memref_slice %arg6[%arg0, %add3A_62, %dma_start3A] : memref<2x10240x128xf32, #tpu.memory_space<hbm>> -> memref<1x80x128xf32, #tpu.memory_space<hbm>>
      %dma_start3A_104 = tpu.memref_squeeze %dma_start3A_103 : memref<1x80x128xf32, #tpu.memory_space<hbm>> -> memref<80x128xf32, #tpu.memory_space<hbm>>
      %dma_start3A_105 = arith.constant 0 : i32
      %dma_start3A_106 = tpu.memref_slice %arg6[%arg0, %add3A_62, %dma_start3A_105] : memref<2x10240x128xf32, #tpu.memory_space<hbm>> -> memref<1x80x128xf32, #tpu.memory_space<hbm>>
      %dma_start3A_107 = tpu.memref_squeeze %dma_start3A_106 : memref<1x80x128xf32, #tpu.memory_space<hbm>> -> memref<80x128xf32, #tpu.memory_space<hbm>>
      tpu.enqueue_dma source(%arg9 : memref<80x128xf32, #tpu.memory_space<vmem>>) target(%dma_start3A_107 : memref<80x128xf32, #tpu.memory_space<hbm>>) target_semaphore(%run_scoped3A : memref<!tpu.dma_semaphore, #tpu.memory_space<semaphore_mem>>)
      %dma_wait3A = arith.constant 0 : i32
      %dma_wait3A_108 = tpu.memref_slice %arg6[%arg0, %add3A_62, %dma_wait3A] : memref<2x10240x128xf32, #tpu.memory_space<hbm>> -> memref<1x80x128xf32, #tpu.memory_space<hbm>>
      %dma_wait3A_109 = tpu.memref_squeeze %dma_wait3A_108 : memref<1x80x128xf32, #tpu.memory_space<hbm>> -> memref<80x128xf32, #tpu.memory_space<hbm>>
      %dma_wait3A_110 = arith.constant 0 : i32
      %dma_wait3A_111 = tpu.memref_slice %arg6[%arg0, %add3A_62, %dma_wait3A_110] : memref<2x10240x128xf32, #tpu.memory_space<hbm>> -> memref<1x80x128xf32, #tpu.memory_space<hbm>>
      %dma_wait3A_112 = tpu.memref_squeeze %dma_wait3A_111 : memref<1x80x128xf32, #tpu.memory_space<hbm>> -> memref<80x128xf32, #tpu.memory_space<hbm>>
      tpu.wait_dma2 semaphore(%run_scoped3A : memref<!tpu.dma_semaphore, #tpu.memory_space<semaphore_mem>>) src(%arg9 : memref<80x128xf32, #tpu.memory_space<vmem>>) dst(%dma_wait3A_112 : memref<80x128xf32, #tpu.memory_space<hbm>>)
      tpu.yield
    }) : () -> ()
    %mul3A_63 = arith.constant 640 : i32
    %mul3A_64 = arith.muli %arg1, %mul3A_63 : i32
    %add3A_65 = arith.constant 240 : i32
    %add3A_66 = arith.addi %mul3A_64, %add3A_65 : i32
    "tpu.region"() ({
      %run_scoped3A = tpu.sem_alloc : memref<!tpu.dma_semaphore, #tpu.memory_space<semaphore_mem>>
      %dma_start3A = arith.constant 0 : i32
      %dma_start3A_103 = tpu.memref_slice %arg11[%add3A_66, %dma_start3A] : memref<10240x128xf32, #tpu.memory_space<vmem_shared>> -> memref<80x128xf32, #tpu.memory_space<vmem_shared>>
      %dma_start3A_104 = arith.constant 0 : i32
      %dma_start3A_105 = tpu.memref_slice %arg11[%add3A_66, %dma_start3A_104] : memref<10240x128xf32, #tpu.memory_space<vmem_shared>> -> memref<80x128xf32, #tpu.memory_space<vmem_shared>>
      tpu.enqueue_dma source(%dma_start3A_105 : memref<80x128xf32, #tpu.memory_space<vmem_shared>>) target(%arg9 : memref<80x128xf32, #tpu.memory_space<vmem>>) target_semaphore(%run_scoped3A : memref<!tpu.dma_semaphore, #tpu.memory_space<semaphore_mem>>)
      %dma_wait3A = arith.constant 0 : i32
      %dma_wait3A_106 = tpu.memref_slice %arg11[%add3A_66, %dma_wait3A] : memref<10240x128xf32, #tpu.memory_space<vmem_shared>> -> memref<80x128xf32, #tpu.memory_space<vmem_shared>>
      %dma_wait3A_107 = arith.constant 0 : i32
      %dma_wait3A_108 = tpu.memref_slice %arg11[%add3A_66, %dma_wait3A_107] : memref<10240x128xf32, #tpu.memory_space<vmem_shared>> -> memref<80x128xf32, #tpu.memory_space<vmem_shared>>
      tpu.wait_dma2 semaphore(%run_scoped3A : memref<!tpu.dma_semaphore, #tpu.memory_space<semaphore_mem>>) src(%dma_wait3A_108 : memref<80x128xf32, #tpu.memory_space<vmem_shared>>) dst(%arg9 : memref<80x128xf32, #tpu.memory_space<vmem>>)
      tpu.yield
    }) : () -> ()
    %mul3A_67 = arith.constant 640 : i32
    %mul3A_68 = arith.muli %arg1, %mul3A_67 : i32
    %add3A_69 = arith.constant 240 : i32
    %add3A_70 = arith.addi %mul3A_68, %add3A_69 : i32
    "tpu.region"() ({
      %run_scoped3A = tpu.sem_alloc : memref<!tpu.dma_semaphore, #tpu.memory_space<semaphore_mem>>
      %dma_start3A = arith.constant 0 : i32
      %dma_start3A_103 = tpu.memref_slice %arg6[%arg0, %add3A_70, %dma_start3A] : memref<2x10240x128xf32, #tpu.memory_space<hbm>> -> memref<1x80x128xf32, #tpu.memory_space<hbm>>
      %dma_start3A_104 = tpu.memref_squeeze %dma_start3A_103 : memref<1x80x128xf32, #tpu.memory_space<hbm>> -> memref<80x128xf32, #tpu.memory_space<hbm>>
      %dma_start3A_105 = arith.constant 0 : i32
      %dma_start3A_106 = tpu.memref_slice %arg6[%arg0, %add3A_70, %dma_start3A_105] : memref<2x10240x128xf32, #tpu.memory_space<hbm>> -> memref<1x80x128xf32, #tpu.memory_space<hbm>>
      %dma_start3A_107 = tpu.memref_squeeze %dma_start3A_106 : memref<1x80x128xf32, #tpu.memory_space<hbm>> -> memref<80x128xf32, #tpu.memory_space<hbm>>
      tpu.enqueue_dma source(%arg9 : memref<80x128xf32, #tpu.memory_space<vmem>>) target(%dma_start3A_107 : memref<80x128xf32, #tpu.memory_space<hbm>>) target_semaphore(%run_scoped3A : memref<!tpu.dma_semaphore, #tpu.memory_space<semaphore_mem>>)
      %dma_wait3A = arith.constant 0 : i32
      %dma_wait3A_108 = tpu.memref_slice %arg6[%arg0, %add3A_70, %dma_wait3A] : memref<2x10240x128xf32, #tpu.memory_space<hbm>> -> memref<1x80x128xf32, #tpu.memory_space<hbm>>
      %dma_wait3A_109 = tpu.memref_squeeze %dma_wait3A_108 : memref<1x80x128xf32, #tpu.memory_space<hbm>> -> memref<80x128xf32, #tpu.memory_space<hbm>>
      %dma_wait3A_110 = arith.constant 0 : i32
      %dma_wait3A_111 = tpu.memref_slice %arg6[%arg0, %add3A_70, %dma_wait3A_110] : memref<2x10240x128xf32, #tpu.memory_space<hbm>> -> memref<1x80x128xf32, #tpu.memory_space<hbm>>
      %dma_wait3A_112 = tpu.memref_squeeze %dma_wait3A_111 : memref<1x80x128xf32, #tpu.memory_space<hbm>> -> memref<80x128xf32, #tpu.memory_space<hbm>>
      tpu.wait_dma2 semaphore(%run_scoped3A : memref<!tpu.dma_semaphore, #tpu.memory_space<semaphore_mem>>) src(%arg9 : memref<80x128xf32, #tpu.memory_space<vmem>>) dst(%dma_wait3A_112 : memref<80x128xf32, #tpu.memory_space<hbm>>)
      tpu.yield
    }) : () -> ()
    %mul3A_71 = arith.constant 640 : i32
    %mul3A_72 = arith.muli %arg1, %mul3A_71 : i32
    %add3A_73 = arith.constant 320 : i32
    %add3A_74 = arith.addi %mul3A_72, %add3A_73 : i32
    "tpu.region"() ({
      %run_scoped3A = tpu.sem_alloc : memref<!tpu.dma_semaphore, #tpu.memory_space<semaphore_mem>>
      %dma_start3A = arith.constant 0 : i32
      %dma_start3A_103 = tpu.memref_slice %arg11[%add3A_74, %dma_start3A] : memref<10240x128xf32, #tpu.memory_space<vmem_shared>> -> memref<80x128xf32, #tpu.memory_space<vmem_shared>>
      %dma_start3A_104 = arith.constant 0 : i32
      %dma_start3A_105 = tpu.memref_slice %arg11[%add3A_74, %dma_start3A_104] : memref<10240x128xf32, #tpu.memory_space<vmem_shared>> -> memref<80x128xf32, #tpu.memory_space<vmem_shared>>
      tpu.enqueue_dma source(%dma_start3A_105 : memref<80x128xf32, #tpu.memory_space<vmem_shared>>) target(%arg9 : memref<80x128xf32, #tpu.memory_space<vmem>>) target_semaphore(%run_scoped3A : memref<!tpu.dma_semaphore, #tpu.memory_space<semaphore_mem>>)
      %dma_wait3A = arith.constant 0 : i32
      %dma_wait3A_106 = tpu.memref_slice %arg11[%add3A_74, %dma_wait3A] : memref<10240x128xf32, #tpu.memory_space<vmem_shared>> -> memref<80x128xf32, #tpu.memory_space<vmem_shared>>
      %dma_wait3A_107 = arith.constant 0 : i32
      %dma_wait3A_108 = tpu.memref_slice %arg11[%add3A_74, %dma_wait3A_107] : memref<10240x128xf32, #tpu.memory_space<vmem_shared>> -> memref<80x128xf32, #tpu.memory_space<vmem_shared>>
      tpu.wait_dma2 semaphore(%run_scoped3A : memref<!tpu.dma_semaphore, #tpu.memory_space<semaphore_mem>>) src(%dma_wait3A_108 : memref<80x128xf32, #tpu.memory_space<vmem_shared>>) dst(%arg9 : memref<80x128xf32, #tpu.memory_space<vmem>>)
      tpu.yield
    }) : () -> ()
    %mul3A_75 = arith.constant 640 : i32
    %mul3A_76 = arith.muli %arg1, %mul3A_75 : i32
    %add3A_77 = arith.constant 320 : i32
    %add3A_78 = arith.addi %mul3A_76, %add3A_77 : i32
    "tpu.region"() ({
      %run_scoped3A = tpu.sem_alloc : memref<!tpu.dma_semaphore, #tpu.memory_space<semaphore_mem>>
      %dma_start3A = arith.constant 0 : i32
      %dma_start3A_103 = tpu.memref_slice %arg6[%arg0, %add3A_78, %dma_start3A] : memref<2x10240x128xf32, #tpu.memory_space<hbm>> -> memref<1x80x128xf32, #tpu.memory_space<hbm>>
      %dma_start3A_104 = tpu.memref_squeeze %dma_start3A_103 : memref<1x80x128xf32, #tpu.memory_space<hbm>> -> memref<80x128xf32, #tpu.memory_space<hbm>>
      %dma_start3A_105 = arith.constant 0 : i32
      %dma_start3A_106 = tpu.memref_slice %arg6[%arg0, %add3A_78, %dma_start3A_105] : memref<2x10240x128xf32, #tpu.memory_space<hbm>> -> memref<1x80x128xf32, #tpu.memory_space<hbm>>
      %dma_start3A_107 = tpu.memref_squeeze %dma_start3A_106 : memref<1x80x128xf32, #tpu.memory_space<hbm>> -> memref<80x128xf32, #tpu.memory_space<hbm>>
      tpu.enqueue_dma source(%arg9 : memref<80x128xf32, #tpu.memory_space<vmem>>) target(%dma_start3A_107 : memref<80x128xf32, #tpu.memory_space<hbm>>) target_semaphore(%run_scoped3A : memref<!tpu.dma_semaphore, #tpu.memory_space<semaphore_mem>>)
      %dma_wait3A = arith.constant 0 : i32
      %dma_wait3A_108 = tpu.memref_slice %arg6[%arg0, %add3A_78, %dma_wait3A] : memref<2x10240x128xf32, #tpu.memory_space<hbm>> -> memref<1x80x128xf32, #tpu.memory_space<hbm>>
      %dma_wait3A_109 = tpu.memref_squeeze %dma_wait3A_108 : memref<1x80x128xf32, #tpu.memory_space<hbm>> -> memref<80x128xf32, #tpu.memory_space<hbm>>
      %dma_wait3A_110 = arith.constant 0 : i32
      %dma_wait3A_111 = tpu.memref_slice %arg6[%arg0, %add3A_78, %dma_wait3A_110] : memref<2x10240x128xf32, #tpu.memory_space<hbm>> -> memref<1x80x128xf32, #tpu.memory_space<hbm>>
      %dma_wait3A_112 = tpu.memref_squeeze %dma_wait3A_111 : memref<1x80x128xf32, #tpu.memory_space<hbm>> -> memref<80x128xf32, #tpu.memory_space<hbm>>
      tpu.wait_dma2 semaphore(%run_scoped3A : memref<!tpu.dma_semaphore, #tpu.memory_space<semaphore_mem>>) src(%arg9 : memref<80x128xf32, #tpu.memory_space<vmem>>) dst(%dma_wait3A_112 : memref<80x128xf32, #tpu.memory_space<hbm>>)
      tpu.yield
    }) : () -> ()
    %mul3A_79 = arith.constant 640 : i32
    %mul3A_80 = arith.muli %arg1, %mul3A_79 : i32
    %add3A_81 = arith.constant 400 : i32
    %add3A_82 = arith.addi %mul3A_80, %add3A_81 : i32
    "tpu.region"() ({
      %run_scoped3A = tpu.sem_alloc : memref<!tpu.dma_semaphore, #tpu.memory_space<semaphore_mem>>
      %dma_start3A = arith.constant 0 : i32
      %dma_start3A_103 = tpu.memref_slice %arg11[%add3A_82, %dma_start3A] : memref<10240x128xf32, #tpu.memory_space<vmem_shared>> -> memref<80x128xf32, #tpu.memory_space<vmem_shared>>
      %dma_start3A_104 = arith.constant 0 : i32
      %dma_start3A_105 = tpu.memref_slice %arg11[%add3A_82, %dma_start3A_104] : memref<10240x128xf32, #tpu.memory_space<vmem_shared>> -> memref<80x128xf32, #tpu.memory_space<vmem_shared>>
      tpu.enqueue_dma source(%dma_start3A_105 : memref<80x128xf32, #tpu.memory_space<vmem_shared>>) target(%arg9 : memref<80x128xf32, #tpu.memory_space<vmem>>) target_semaphore(%run_scoped3A : memref<!tpu.dma_semaphore, #tpu.memory_space<semaphore_mem>>)
      %dma_wait3A = arith.constant 0 : i32
      %dma_wait3A_106 = tpu.memref_slice %arg11[%add3A_82, %dma_wait3A] : memref<10240x128xf32, #tpu.memory_space<vmem_shared>> -> memref<80x128xf32, #tpu.memory_space<vmem_shared>>
      %dma_wait3A_107 = arith.constant 0 : i32
      %dma_wait3A_108 = tpu.memref_slice %arg11[%add3A_82, %dma_wait3A_107] : memref<10240x128xf32, #tpu.memory_space<vmem_shared>> -> memref<80x128xf32, #tpu.memory_space<vmem_shared>>
      tpu.wait_dma2 semaphore(%run_scoped3A : memref<!tpu.dma_semaphore, #tpu.memory_space<semaphore_mem>>) src(%dma_wait3A_108 : memref<80x128xf32, #tpu.memory_space<vmem_shared>>) dst(%arg9 : memref<80x128xf32, #tpu.memory_space<vmem>>)
      tpu.yield
    }) : () -> ()
    %mul3A_83 = arith.constant 640 : i32
    %mul3A_84 = arith.muli %arg1, %mul3A_83 : i32
    %add3A_85 = arith.constant 400 : i32
    %add3A_86 = arith.addi %mul3A_84, %add3A_85 : i32
    "tpu.region"() ({
      %run_scoped3A = tpu.sem_alloc : memref<!tpu.dma_semaphore, #tpu.memory_space<semaphore_mem>>
      %dma_start3A = arith.constant 0 : i32
      %dma_start3A_103 = tpu.memref_slice %arg6[%arg0, %add3A_86, %dma_start3A] : memref<2x10240x128xf32, #tpu.memory_space<hbm>> -> memref<1x80x128xf32, #tpu.memory_space<hbm>>
      %dma_start3A_104 = tpu.memref_squeeze %dma_start3A_103 : memref<1x80x128xf32, #tpu.memory_space<hbm>> -> memref<80x128xf32, #tpu.memory_space<hbm>>
      %dma_start3A_105 = arith.constant 0 : i32
      %dma_start3A_106 = tpu.memref_slice %arg6[%arg0, %add3A_86, %dma_start3A_105] : memref<2x10240x128xf32, #tpu.memory_space<hbm>> -> memref<1x80x128xf32, #tpu.memory_space<hbm>>
      %dma_start3A_107 = tpu.memref_squeeze %dma_start3A_106 : memref<1x80x128xf32, #tpu.memory_space<hbm>> -> memref<80x128xf32, #tpu.memory_space<hbm>>
      tpu.enqueue_dma source(%arg9 : memref<80x128xf32, #tpu.memory_space<vmem>>) target(%dma_start3A_107 : memref<80x128xf32, #tpu.memory_space<hbm>>) target_semaphore(%run_scoped3A : memref<!tpu.dma_semaphore, #tpu.memory_space<semaphore_mem>>)
      %dma_wait3A = arith.constant 0 : i32
      %dma_wait3A_108 = tpu.memref_slice %arg6[%arg0, %add3A_86, %dma_wait3A] : memref<2x10240x128xf32, #tpu.memory_space<hbm>> -> memref<1x80x128xf32, #tpu.memory_space<hbm>>
      %dma_wait3A_109 = tpu.memref_squeeze %dma_wait3A_108 : memref<1x80x128xf32, #tpu.memory_space<hbm>> -> memref<80x128xf32, #tpu.memory_space<hbm>>
      %dma_wait3A_110 = arith.constant 0 : i32
      %dma_wait3A_111 = tpu.memref_slice %arg6[%arg0, %add3A_86, %dma_wait3A_110] : memref<2x10240x128xf32, #tpu.memory_space<hbm>> -> memref<1x80x128xf32, #tpu.memory_space<hbm>>
      %dma_wait3A_112 = tpu.memref_squeeze %dma_wait3A_111 : memref<1x80x128xf32, #tpu.memory_space<hbm>> -> memref<80x128xf32, #tpu.memory_space<hbm>>
      tpu.wait_dma2 semaphore(%run_scoped3A : memref<!tpu.dma_semaphore, #tpu.memory_space<semaphore_mem>>) src(%arg9 : memref<80x128xf32, #tpu.memory_space<vmem>>) dst(%dma_wait3A_112 : memref<80x128xf32, #tpu.memory_space<hbm>>)
      tpu.yield
    }) : () -> ()
    %mul3A_87 = arith.constant 640 : i32
    %mul3A_88 = arith.muli %arg1, %mul3A_87 : i32
    %add3A_89 = arith.constant 480 : i32
    %add3A_90 = arith.addi %mul3A_88, %add3A_89 : i32
    "tpu.region"() ({
      %run_scoped3A = tpu.sem_alloc : memref<!tpu.dma_semaphore, #tpu.memory_space<semaphore_mem>>
      %dma_start3A = arith.constant 0 : i32
      %dma_start3A_103 = tpu.memref_slice %arg11[%add3A_90, %dma_start3A] : memref<10240x128xf32, #tpu.memory_space<vmem_shared>> -> memref<80x128xf32, #tpu.memory_space<vmem_shared>>
      %dma_start3A_104 = arith.constant 0 : i32
      %dma_start3A_105 = tpu.memref_slice %arg11[%add3A_90, %dma_start3A_104] : memref<10240x128xf32, #tpu.memory_space<vmem_shared>> -> memref<80x128xf32, #tpu.memory_space<vmem_shared>>
      tpu.enqueue_dma source(%dma_start3A_105 : memref<80x128xf32, #tpu.memory_space<vmem_shared>>) target(%arg9 : memref<80x128xf32, #tpu.memory_space<vmem>>) target_semaphore(%run_scoped3A : memref<!tpu.dma_semaphore, #tpu.memory_space<semaphore_mem>>)
      %dma_wait3A = arith.constant 0 : i32
      %dma_wait3A_106 = tpu.memref_slice %arg11[%add3A_90, %dma_wait3A] : memref<10240x128xf32, #tpu.memory_space<vmem_shared>> -> memref<80x128xf32, #tpu.memory_space<vmem_shared>>
      %dma_wait3A_107 = arith.constant 0 : i32
      %dma_wait3A_108 = tpu.memref_slice %arg11[%add3A_90, %dma_wait3A_107] : memref<10240x128xf32, #tpu.memory_space<vmem_shared>> -> memref<80x128xf32, #tpu.memory_space<vmem_shared>>
      tpu.wait_dma2 semaphore(%run_scoped3A : memref<!tpu.dma_semaphore, #tpu.memory_space<semaphore_mem>>) src(%dma_wait3A_108 : memref<80x128xf32, #tpu.memory_space<vmem_shared>>) dst(%arg9 : memref<80x128xf32, #tpu.memory_space<vmem>>)
      tpu.yield
    }) : () -> ()
    %mul3A_91 = arith.constant 640 : i32
    %mul3A_92 = arith.muli %arg1, %mul3A_91 : i32
    %add3A_93 = arith.constant 480 : i32
    %add3A_94 = arith.addi %mul3A_92, %add3A_93 : i32
    "tpu.region"() ({
      %run_scoped3A = tpu.sem_alloc : memref<!tpu.dma_semaphore, #tpu.memory_space<semaphore_mem>>
      %dma_start3A = arith.constant 0 : i32
      %dma_start3A_103 = tpu.memref_slice %arg6[%arg0, %add3A_94, %dma_start3A] : memref<2x10240x128xf32, #tpu.memory_space<hbm>> -> memref<1x80x128xf32, #tpu.memory_space<hbm>>
      %dma_start3A_104 = tpu.memref_squeeze %dma_start3A_103 : memref<1x80x128xf32, #tpu.memory_space<hbm>> -> memref<80x128xf32, #tpu.memory_space<hbm>>
      %dma_start3A_105 = arith.constant 0 : i32
      %dma_start3A_106 = tpu.memref_slice %arg6[%arg0, %add3A_94, %dma_start3A_105] : memref<2x10240x128xf32, #tpu.memory_space<hbm>> -> memref<1x80x128xf32, #tpu.memory_space<hbm>>
      %dma_start3A_107 = tpu.memref_squeeze %dma_start3A_106 : memref<1x80x128xf32, #tpu.memory_space<hbm>> -> memref<80x128xf32, #tpu.memory_space<hbm>>
      tpu.enqueue_dma source(%arg9 : memref<80x128xf32, #tpu.memory_space<vmem>>) target(%dma_start3A_107 : memref<80x128xf32, #tpu.memory_space<hbm>>) target_semaphore(%run_scoped3A : memref<!tpu.dma_semaphore, #tpu.memory_space<semaphore_mem>>)
      %dma_wait3A = arith.constant 0 : i32
      %dma_wait3A_108 = tpu.memref_slice %arg6[%arg0, %add3A_94, %dma_wait3A] : memref<2x10240x128xf32, #tpu.memory_space<hbm>> -> memref<1x80x128xf32, #tpu.memory_space<hbm>>
      %dma_wait3A_109 = tpu.memref_squeeze %dma_wait3A_108 : memref<1x80x128xf32, #tpu.memory_space<hbm>> -> memref<80x128xf32, #tpu.memory_space<hbm>>
      %dma_wait3A_110 = arith.constant 0 : i32
      %dma_wait3A_111 = tpu.memref_slice %arg6[%arg0, %add3A_94, %dma_wait3A_110] : memref<2x10240x128xf32, #tpu.memory_space<hbm>> -> memref<1x80x128xf32, #tpu.memory_space<hbm>>
      %dma_wait3A_112 = tpu.memref_squeeze %dma_wait3A_111 : memref<1x80x128xf32, #tpu.memory_space<hbm>> -> memref<80x128xf32, #tpu.memory_space<hbm>>
      tpu.wait_dma2 semaphore(%run_scoped3A : memref<!tpu.dma_semaphore, #tpu.memory_space<semaphore_mem>>) src(%arg9 : memref<80x128xf32, #tpu.memory_space<vmem>>) dst(%dma_wait3A_112 : memref<80x128xf32, #tpu.memory_space<hbm>>)
      tpu.yield
    }) : () -> ()
    %mul3A_95 = arith.constant 640 : i32
    %mul3A_96 = arith.muli %arg1, %mul3A_95 : i32
    %add3A_97 = arith.constant 560 : i32
    %add3A_98 = arith.addi %mul3A_96, %add3A_97 : i32
    "tpu.region"() ({
      %run_scoped3A = tpu.sem_alloc : memref<!tpu.dma_semaphore, #tpu.memory_space<semaphore_mem>>
      %dma_start3A = arith.constant 0 : i32
      %dma_start3A_103 = tpu.memref_slice %arg11[%add3A_98, %dma_start3A] : memref<10240x128xf32, #tpu.memory_space<vmem_shared>> -> memref<80x128xf32, #tpu.memory_space<vmem_shared>>
      %dma_start3A_104 = arith.constant 0 : i32
      %dma_start3A_105 = tpu.memref_slice %arg11[%add3A_98, %dma_start3A_104] : memref<10240x128xf32, #tpu.memory_space<vmem_shared>> -> memref<80x128xf32, #tpu.memory_space<vmem_shared>>
      tpu.enqueue_dma source(%dma_start3A_105 : memref<80x128xf32, #tpu.memory_space<vmem_shared>>) target(%arg9 : memref<80x128xf32, #tpu.memory_space<vmem>>) target_semaphore(%run_scoped3A : memref<!tpu.dma_semaphore, #tpu.memory_space<semaphore_mem>>)
      %dma_wait3A = arith.constant 0 : i32
      %dma_wait3A_106 = tpu.memref_slice %arg11[%add3A_98, %dma_wait3A] : memref<10240x128xf32, #tpu.memory_space<vmem_shared>> -> memref<80x128xf32, #tpu.memory_space<vmem_shared>>
      %dma_wait3A_107 = arith.constant 0 : i32
      %dma_wait3A_108 = tpu.memref_slice %arg11[%add3A_98, %dma_wait3A_107] : memref<10240x128xf32, #tpu.memory_space<vmem_shared>> -> memref<80x128xf32, #tpu.memory_space<vmem_shared>>
      tpu.wait_dma2 semaphore(%run_scoped3A : memref<!tpu.dma_semaphore, #tpu.memory_space<semaphore_mem>>) src(%dma_wait3A_108 : memref<80x128xf32, #tpu.memory_space<vmem_shared>>) dst(%arg9 : memref<80x128xf32, #tpu.memory_space<vmem>>)
      tpu.yield
    }) : () -> ()
    %mul3A_99 = arith.constant 640 : i32
    %mul3A_100 = arith.muli %arg1, %mul3A_99 : i32
    %add3A_101 = arith.constant 560 : i32
    %add3A_102 = arith.addi %mul3A_100, %add3A_101 : i32
    "tpu.region"() ({
      %run_scoped3A = tpu.sem_alloc : memref<!tpu.dma_semaphore, #tpu.memory_space<semaphore_mem>>
      %dma_start3A = arith.constant 0 : i32
      %dma_start3A_103 = tpu.memref_slice %arg6[%arg0, %add3A_102, %dma_start3A] : memref<2x10240x128xf32, #tpu.memory_space<hbm>> -> memref<1x80x128xf32, #tpu.memory_space<hbm>>
      %dma_start3A_104 = tpu.memref_squeeze %dma_start3A_103 : memref<1x80x128xf32, #tpu.memory_space<hbm>> -> memref<80x128xf32, #tpu.memory_space<hbm>>
      %dma_start3A_105 = arith.constant 0 : i32
      %dma_start3A_106 = tpu.memref_slice %arg6[%arg0, %add3A_102, %dma_start3A_105] : memref<2x10240x128xf32, #tpu.memory_space<hbm>> -> memref<1x80x128xf32, #tpu.memory_space<hbm>>
      %dma_start3A_107 = tpu.memref_squeeze %dma_start3A_106 : memref<1x80x128xf32, #tpu.memory_space<hbm>> -> memref<80x128xf32, #tpu.memory_space<hbm>>
      tpu.enqueue_dma source(%arg9 : memref<80x128xf32, #tpu.memory_space<vmem>>) target(%dma_start3A_107 : memref<80x128xf32, #tpu.memory_space<hbm>>) target_semaphore(%run_scoped3A : memref<!tpu.dma_semaphore, #tpu.memory_space<semaphore_mem>>)
      %dma_wait3A = arith.constant 0 : i32
      %dma_wait3A_108 = tpu.memref_slice %arg6[%arg0, %add3A_102, %dma_wait3A] : memref<2x10240x128xf32, #tpu.memory_space<hbm>> -> memref<1x80x128xf32, #tpu.memory_space<hbm>>
      %dma_wait3A_109 = tpu.memref_squeeze %dma_wait3A_108 : memref<1x80x128xf32, #tpu.memory_space<hbm>> -> memref<80x128xf32, #tpu.memory_space<hbm>>
      %dma_wait3A_110 = arith.constant 0 : i32
      %dma_wait3A_111 = tpu.memref_slice %arg6[%arg0, %add3A_102, %dma_wait3A_110] : memref<2x10240x128xf32, #tpu.memory_space<hbm>> -> memref<1x80x128xf32, #tpu.memory_space<hbm>>
      %dma_wait3A_112 = tpu.memref_squeeze %dma_wait3A_111 : memref<1x80x128xf32, #tpu.memory_space<hbm>> -> memref<80x128xf32, #tpu.memory_space<hbm>>
      tpu.wait_dma2 semaphore(%run_scoped3A : memref<!tpu.dma_semaphore, #tpu.memory_space<semaphore_mem>>) src(%arg9 : memref<80x128xf32, #tpu.memory_space<vmem>>) dst(%dma_wait3A_112 : memref<80x128xf32, #tpu.memory_space<hbm>>)
      tpu.yield
    }) : () -> ()
    return
  }
}

module attributes {stable_mosaic.version = 14 : i64} {
  func.func @_linear_body(%arg0: i32, %arg1: memref<1024x128xf32, #tpu.memory_space<vmem>>, %arg2: memref<128x128xf32, #tpu.memory_space<vmem>>, %arg3: memref<1x128xf32, #tpu.memory_space<vmem>>, %arg4: memref<1024x128xf32, #tpu.memory_space<vmem>>) attributes {dimension_semantics = [#tpu.dimension_semantics<arbitrary>], iteration_bounds = array<i64: 10>, scalar_prefetch = 0 : i64, scratch_operands = 0 : i64, tpu.core_type = #tpu.core_type<tc>, window_params = [{transform_indices = @transform_0, window_bounds = array<i64: 1024, 128>}, {pipeline_mode = #tpu.pipeline_mode<synchronous>, transform_indices = @transform_1, window_bounds = array<i64: 128, 128>}, {pipeline_mode = #tpu.pipeline_mode<synchronous>, transform_indices = @transform_2, window_bounds = array<i64: 1, 128>}, {transform_indices = @transform_3, window_bounds = array<i64: 1024, 128>}]} {
    %get3A = arith.constant 0 : index
    %get3A_0 = arith.constant 0 : index
    %get3A_1 = vector.load %arg1[%get3A, %get3A_0] : memref<1024x128xf32, #tpu.memory_space<vmem>>, vector<1024x128xf32>
    %get3A_2 = arith.constant 0 : index
    %get3A_3 = arith.constant 0 : index
    %get3A_4 = vector.load %arg2[%get3A_2, %get3A_3] : memref<128x128xf32, #tpu.memory_space<vmem>>, vector<128x128xf32>
    %dot_general3A = arith.constant dense<0.000000e+00> : vector<1024x128xf32>
    %dot_general3A_5 = tpu.matmul %get3A_1, %get3A_4, %dot_general3A {dimension_numbers = #tpu.dot_dimension_numbers<[1], [0], [0], [1], [0, 0, 1, 1], [], []>, transpose_lhs_hint = false} : vector<1024x128xf32>, vector<128x128xf32>, vector<1024x128xf32> -> vector<1024x128xf32>
    %get3A_6 = arith.constant 0 : index
    %get3A_7 = arith.constant 0 : index
    %get3A_8 = vector.load %arg3[%get3A_6, %get3A_7] : memref<1x128xf32, #tpu.memory_space<vmem>>, vector<1x128xf32>
    %add3A = vector.broadcast %get3A_8 : vector<1x128xf32> to vector<1024x128xf32>
    %add3A_9 = arith.addf %dot_general3A_5, %add3A : vector<1024x128xf32>
    %swap3A = arith.constant 0 : index
    %swap3A_10 = arith.constant 0 : index
    %swap3A_11 = vector.load %arg4[%swap3A, %swap3A_10] : memref<1024x128xf32, #tpu.memory_space<vmem>>, vector<1024x128xf32>
    tpu.vector_store %arg4[%swap3A, %swap3A_10], %add3A_9 {strides = array<i32>} : memref<1024x128xf32, #tpu.memory_space<vmem>>, vector<1024x128xf32>,
    return
  }
  func.func @transform_0(%arg0: i32) -> (i32, i32) {
    %c0_i32 = arith.constant 0 : i32
    %c0_i32_0 = arith.constant 0 : i32
    return %arg0, %c0_i32 : i32, i32
  }
  func.func @transform_1(%arg0: i32) -> (i32, i32) {
    %c0_i32 = arith.constant 0 : i32
    %c0_i32_0 = arith.constant 0 : i32
    %c0_i32_1 = arith.constant 0 : i32
    return %c0_i32, %c0_i32_0 : i32, i32
  }
  func.func @transform_2(%arg0: i32) -> (i32, i32) {
    %c0_i32 = arith.constant 0 : i32
    %c0_i32_0 = arith.constant 0 : i32
    %c0_i32_1 = arith.constant 0 : i32
    return %c0_i32, %c0_i32_0 : i32, i32
  }
  func.func @transform_3(%arg0: i32) -> (i32, i32) {
    %c0_i32 = arith.constant 0 : i32
    %c0_i32_0 = arith.constant 0 : i32
    return %arg0, %c0_i32 : i32, i32
  }
}

module attributes {stable_mosaic.version = 14 : i64} {
  func.func @_combine_mid_body(%arg0: i32, %arg1: memref<2x1024x128xf32, #tpu.memory_space<vmem>>, %arg2: memref<2x1024xf32, #tpu.memory_space<vmem>>, %arg3: memref<1024x128xf32, #tpu.memory_space<vmem>>, %arg4: memref<128x128xf32, #tpu.memory_space<vmem>>, %arg5: memref<1x128xf32, #tpu.memory_space<vmem>>, %arg6: memref<128x128xf32, #tpu.memory_space<vmem>>, %arg7: memref<1024x128xf32, #tpu.memory_space<vmem>>) attributes {dimension_semantics = [#tpu.dimension_semantics<arbitrary>], iteration_bounds = array<i64: 10>, scalar_prefetch = 0 : i64, scratch_operands = 0 : i64, tpu.core_type = #tpu.core_type<tc>, window_params = [{transform_indices = @transform_0, window_bounds = array<i64: 2, 1024, 128>}, {transform_indices = @transform_1, window_bounds = array<i64: 2, 1024>}, {transform_indices = @transform_2, window_bounds = array<i64: 1024, 128>}, {pipeline_mode = #tpu.pipeline_mode<synchronous>, transform_indices = @transform_3, window_bounds = array<i64: 128, 128>}, {pipeline_mode = #tpu.pipeline_mode<synchronous>, transform_indices = @transform_4, window_bounds = array<i64: 1, 128>}, {pipeline_mode = #tpu.pipeline_mode<synchronous>, transform_indices = @transform_5, window_bounds = array<i64: 128, 128>}, {transform_indices = @transform_6, window_bounds = array<i64: 1024, 128>}]} {
    %get3A = arith.constant 0 : index
    %get3A_0 = arith.constant 0 : index
    %get3A_1 = arith.constant 0 : index
    %get3A_2 = vector.load %arg1[%get3A, %get3A_0, %get3A_1] : memref<2x1024x128xf32, #tpu.memory_space<vmem>>, vector<2x1024x128xf32>
    %get3A_3 = arith.constant 0 : index
    %get3A_4 = arith.constant 0 : index
    %get3A_5 = vector.load %arg2[%get3A_3, %get3A_4] : memref<2x1024xf32, #tpu.memory_space<vmem>>, vector<2x1024xf32>
    %slice3A = vector.extract_strided_slice %get3A_5 {offsets = [0, 0], sizes = [1, 1024], strides = [1, 1]} : vector<2x1024xf32> to vector<1x1024xf32>
    %squeeze3A = vector.shape_cast %slice3A : vector<1x1024xf32> to vector<1024xf32>
    %slice3A_6 = vector.extract_strided_slice %get3A_5 {offsets = [1, 0], sizes = [1, 1024], strides = [1, 1]} : vector<2x1024xf32> to vector<1x1024xf32>
    %squeeze3A_7 = vector.shape_cast %slice3A_6 : vector<1x1024xf32> to vector<1024xf32>
    %add3A = arith.addf %squeeze3A, %squeeze3A_7 : vector<1024xf32>
    %broadcast_in_dim3A = vector.shape_cast %add3A : vector<1024xf32> to vector<1024x1xf32>
    %slice3A_8 = vector.extract_strided_slice %get3A_2 {offsets = [0, 0, 0], sizes = [1, 1024, 128], strides = [1, 1, 1]} : vector<2x1024x128xf32> to vector<1x1024x128xf32>
    %squeeze3A_9 = vector.shape_cast %slice3A_8 : vector<1x1024x128xf32> to vector<1024x128xf32>
    %slice3A_10 = vector.extract_strided_slice %get3A_2 {offsets = [1, 0, 0], sizes = [1, 1024, 128], strides = [1, 1, 1]} : vector<2x1024x128xf32> to vector<1x1024x128xf32>
    %squeeze3A_11 = vector.shape_cast %slice3A_10 : vector<1x1024x128xf32> to vector<1024x128xf32>
    %add3A_12 = arith.addf %squeeze3A_9, %squeeze3A_11 : vector<1024x128xf32>
    %jit3A = arith.constant 1.000000e+00 : f32
    %max3A = vector.broadcast %jit3A : f32 to vector<1024x1xf32>
    %max3A_13 = arith.maximumf %max3A, %broadcast_in_dim3A : vector<1024x1xf32>
    %div3A = vector.broadcast %max3A_13 : vector<1024x1xf32> to vector<1024x128xf32>
    %div3A_14 = arith.divf %add3A_12, %div3A : vector<1024x128xf32>
    %get3A_15 = arith.constant 0 : index
    %get3A_16 = arith.constant 0 : index
    %get3A_17 = vector.load %arg4[%get3A_15, %get3A_16] : memref<128x128xf32, #tpu.memory_space<vmem>>, vector<128x128xf32>
    %dot_general3A = arith.constant dense<0.000000e+00> : vector<1024x128xf32>
    %dot_general3A_18 = tpu.matmul %div3A_14, %get3A_17, %dot_general3A {dimension_numbers = #tpu.dot_dimension_numbers<[1], [0], [0], [1], [0, 0, 1, 1], [], []>, transpose_lhs_hint = false} : vector<1024x128xf32>, vector<128x128xf32>, vector<1024x128xf32> -> vector<1024x128xf32>
    %get3A_19 = arith.constant 0 : index
    %get3A_20 = arith.constant 0 : index
    %get3A_21 = vector.load %arg5[%get3A_19, %get3A_20] : memref<1x128xf32, #tpu.memory_space<vmem>>, vector<1x128xf32>
    %add3A_22 = vector.broadcast %get3A_21 : vector<1x128xf32> to vector<1024x128xf32>
    %add3A_23 = arith.addf %dot_general3A_18, %add3A_22 : vector<1024x128xf32>
    %get3A_24 = arith.constant 0 : index
    %get3A_25 = arith.constant 0 : index
    %get3A_26 = vector.load %arg3[%get3A_24, %get3A_25] : memref<1024x128xf32, #tpu.memory_space<vmem>>, vector<1024x128xf32>
    %get3A_27 = arith.constant 0 : index
    %get3A_28 = arith.constant 0 : index
    %get3A_29 = vector.load %arg6[%get3A_27, %get3A_28] : memref<128x128xf32, #tpu.memory_space<vmem>>, vector<128x128xf32>
    %dot_general3A_30 = arith.constant dense<0.000000e+00> : vector<1024x128xf32>
    %dot_general3A_31 = tpu.matmul %get3A_26, %get3A_29, %dot_general3A_30 {dimension_numbers = #tpu.dot_dimension_numbers<[1], [0], [0], [1], [0, 0, 1, 1], [], []>, transpose_lhs_hint = false} : vector<1024x128xf32>, vector<128x128xf32>, vector<1024x128xf32> -> vector<1024x128xf32>
    %add3A_32 = arith.addf %add3A_23, %dot_general3A_31 : vector<1024x128xf32>
    %max3A_33 = arith.constant 0.000000e+00 : f32
    %max3A_34 = vector.broadcast %max3A_33 : f32 to vector<1024x128xf32>
    %max3A_35 = arith.maximumf %add3A_32, %max3A_34 : vector<1024x128xf32>
    %swap3A = arith.constant 0 : index
    %swap3A_36 = arith.constant 0 : index
    %swap3A_37 = vector.load %arg7[%swap3A, %swap3A_36] : memref<1024x128xf32, #tpu.memory_space<vmem>>, vector<1024x128xf32>
    tpu.vector_store %arg7[%swap3A, %swap3A_36], %max3A_35 {strides = array<i32>} : memref<1024x128xf32, #tpu.memory_space<vmem>>, vector<1024x128xf32>,
    return
  }
  func.func @transform_0(%arg0: i32) -> (i32, i32, i32) {
    %c0_i32 = arith.constant 0 : i32
    %c0_i32_0 = arith.constant 0 : i32
    %c0_i32_1 = arith.constant 0 : i32
    return %c0_i32, %arg0, %c0_i32_0 : i32, i32, i32
  }
  func.func @transform_1(%arg0: i32) -> (i32, i32) {
    %c0_i32 = arith.constant 0 : i32
    %c0_i32_0 = arith.constant 0 : i32
    return %c0_i32, %arg0 : i32, i32
  }
  func.func @transform_2(%arg0: i32) -> (i32, i32) {
    %c0_i32 = arith.constant 0 : i32
    %c0_i32_0 = arith.constant 0 : i32
    return %arg0, %c0_i32 : i32, i32
  }
  func.func @transform_3(%arg0: i32) -> (i32, i32) {
    %c0_i32 = arith.constant 0 : i32
    %c0_i32_0 = arith.constant 0 : i32
    %c0_i32_1 = arith.constant 0 : i32
    return %c0_i32, %c0_i32_0 : i32, i32
  }
  func.func @transform_4(%arg0: i32) -> (i32, i32) {
    %c0_i32 = arith.constant 0 : i32
    %c0_i32_0 = arith.constant 0 : i32
    %c0_i32_1 = arith.constant 0 : i32
    return %c0_i32, %c0_i32_0 : i32, i32
  }
  func.func @transform_5(%arg0: i32) -> (i32, i32) {
    %c0_i32 = arith.constant 0 : i32
    %c0_i32_0 = arith.constant 0 : i32
    %c0_i32_1 = arith.constant 0 : i32
    return %c0_i32, %c0_i32_0 : i32, i32
  }
  func.func @transform_6(%arg0: i32) -> (i32, i32) {
    %c0_i32 = arith.constant 0 : i32
    %c0_i32_0 = arith.constant 0 : i32
    return %arg0, %c0_i32 : i32, i32
  }
}

module attributes {stable_mosaic.version = 14 : i64} {
  func.func @_combine_last_body(%arg0: i32, %arg1: memref<2x1024x128xf32, #tpu.memory_space<vmem>>, %arg2: memref<2x1024xf32, #tpu.memory_space<vmem>>, %arg3: memref<1024x128xf32, #tpu.memory_space<vmem>>, %arg4: memref<128x128xf32, #tpu.memory_space<vmem>>, %arg5: memref<1x128xf32, #tpu.memory_space<vmem>>, %arg6: memref<128x128xf32, #tpu.memory_space<vmem>>, %arg7: memref<128x128xf32, #tpu.memory_space<vmem>>, %arg8: memref<1x128xf32, #tpu.memory_space<vmem>>, %arg9: memref<1024x128xf32, #tpu.memory_space<vmem>>) attributes {dimension_semantics = [#tpu.dimension_semantics<arbitrary>], iteration_bounds = array<i64: 10>, scalar_prefetch = 0 : i64, scratch_operands = 0 : i64, tpu.core_type = #tpu.core_type<tc>, window_params = [{transform_indices = @transform_0, window_bounds = array<i64: 2, 1024, 128>}, {transform_indices = @transform_1, window_bounds = array<i64: 2, 1024>}, {transform_indices = @transform_2, window_bounds = array<i64: 1024, 128>}, {pipeline_mode = #tpu.pipeline_mode<synchronous>, transform_indices = @transform_3, window_bounds = array<i64: 128, 128>}, {pipeline_mode = #tpu.pipeline_mode<synchronous>, transform_indices = @transform_4, window_bounds = array<i64: 1, 128>}, {pipeline_mode = #tpu.pipeline_mode<synchronous>, transform_indices = @transform_5, window_bounds = array<i64: 128, 128>}, {pipeline_mode = #tpu.pipeline_mode<synchronous>, transform_indices = @transform_6, window_bounds = array<i64: 128, 128>}, {pipeline_mode = #tpu.pipeline_mode<synchronous>, transform_indices = @transform_7, window_bounds = array<i64: 1, 128>}, {transform_indices = @transform_8, window_bounds = array<i64: 1024, 128>}]} {
    %get3A = arith.constant 0 : index
    %get3A_0 = arith.constant 0 : index
    %get3A_1 = arith.constant 0 : index
    %get3A_2 = vector.load %arg1[%get3A, %get3A_0, %get3A_1] : memref<2x1024x128xf32, #tpu.memory_space<vmem>>, vector<2x1024x128xf32>
    %get3A_3 = arith.constant 0 : index
    %get3A_4 = arith.constant 0 : index
    %get3A_5 = vector.load %arg2[%get3A_3, %get3A_4] : memref<2x1024xf32, #tpu.memory_space<vmem>>, vector<2x1024xf32>
    %slice3A = vector.extract_strided_slice %get3A_5 {offsets = [0, 0], sizes = [1, 1024], strides = [1, 1]} : vector<2x1024xf32> to vector<1x1024xf32>
    %squeeze3A = vector.shape_cast %slice3A : vector<1x1024xf32> to vector<1024xf32>
    %slice3A_6 = vector.extract_strided_slice %get3A_5 {offsets = [1, 0], sizes = [1, 1024], strides = [1, 1]} : vector<2x1024xf32> to vector<1x1024xf32>
    %squeeze3A_7 = vector.shape_cast %slice3A_6 : vector<1x1024xf32> to vector<1024xf32>
    %add3A = arith.addf %squeeze3A, %squeeze3A_7 : vector<1024xf32>
    %broadcast_in_dim3A = vector.shape_cast %add3A : vector<1024xf32> to vector<1024x1xf32>
    %slice3A_8 = vector.extract_strided_slice %get3A_2 {offsets = [0, 0, 0], sizes = [1, 1024, 128], strides = [1, 1, 1]} : vector<2x1024x128xf32> to vector<1x1024x128xf32>
    %squeeze3A_9 = vector.shape_cast %slice3A_8 : vector<1x1024x128xf32> to vector<1024x128xf32>
    %slice3A_10 = vector.extract_strided_slice %get3A_2 {offsets = [1, 0, 0], sizes = [1, 1024, 128], strides = [1, 1, 1]} : vector<2x1024x128xf32> to vector<1x1024x128xf32>
    %squeeze3A_11 = vector.shape_cast %slice3A_10 : vector<1x1024x128xf32> to vector<1024x128xf32>
    %add3A_12 = arith.addf %squeeze3A_9, %squeeze3A_11 : vector<1024x128xf32>
    %jit3A = arith.constant 1.000000e+00 : f32
    %max3A = vector.broadcast %jit3A : f32 to vector<1024x1xf32>
    %max3A_13 = arith.maximumf %max3A, %broadcast_in_dim3A : vector<1024x1xf32>
    %div3A = vector.broadcast %max3A_13 : vector<1024x1xf32> to vector<1024x128xf32>
    %div3A_14 = arith.divf %add3A_12, %div3A : vector<1024x128xf32>
    %get3A_15 = arith.constant 0 : index
    %get3A_16 = arith.constant 0 : index
    %get3A_17 = vector.load %arg4[%get3A_15, %get3A_16] : memref<128x128xf32, #tpu.memory_space<vmem>>, vector<128x128xf32>
    %dot_general3A = arith.constant dense<0.000000e+00> : vector<1024x128xf32>
    %dot_general3A_18 = tpu.matmul %div3A_14, %get3A_17, %dot_general3A {dimension_numbers = #tpu.dot_dimension_numbers<[1], [0], [0], [1], [0, 0, 1, 1], [], []>, transpose_lhs_hint = false} : vector<1024x128xf32>, vector<128x128xf32>, vector<1024x128xf32> -> vector<1024x128xf32>
    %get3A_19 = arith.constant 0 : index
    %get3A_20 = arith.constant 0 : index
    %get3A_21 = vector.load %arg5[%get3A_19, %get3A_20] : memref<1x128xf32, #tpu.memory_space<vmem>>, vector<1x128xf32>
    %add3A_22 = vector.broadcast %get3A_21 : vector<1x128xf32> to vector<1024x128xf32>
    %add3A_23 = arith.addf %dot_general3A_18, %add3A_22 : vector<1024x128xf32>
    %get3A_24 = arith.constant 0 : index
    %get3A_25 = arith.constant 0 : index
    %get3A_26 = vector.load %arg3[%get3A_24, %get3A_25] : memref<1024x128xf32, #tpu.memory_space<vmem>>, vector<1024x128xf32>
    %get3A_27 = arith.constant 0 : index
    %get3A_28 = arith.constant 0 : index
    %get3A_29 = vector.load %arg6[%get3A_27, %get3A_28] : memref<128x128xf32, #tpu.memory_space<vmem>>, vector<128x128xf32>
    %dot_general3A_30 = arith.constant dense<0.000000e+00> : vector<1024x128xf32>
    %dot_general3A_31 = tpu.matmul %get3A_26, %get3A_29, %dot_general3A_30 {dimension_numbers = #tpu.dot_dimension_numbers<[1], [0], [0], [1], [0, 0, 1, 1], [], []>, transpose_lhs_hint = false} : vector<1024x128xf32>, vector<128x128xf32>, vector<1024x128xf32> -> vector<1024x128xf32>
    %add3A_32 = arith.addf %add3A_23, %dot_general3A_31 : vector<1024x128xf32>
    %max3A_33 = arith.constant 0.000000e+00 : f32
    %max3A_34 = vector.broadcast %max3A_33 : f32 to vector<1024x128xf32>
    %max3A_35 = arith.maximumf %add3A_32, %max3A_34 : vector<1024x128xf32>
    %get3A_36 = arith.constant 0 : index
    %get3A_37 = arith.constant 0 : index
    %get3A_38 = vector.load %arg7[%get3A_36, %get3A_37] : memref<128x128xf32, #tpu.memory_space<vmem>>, vector<128x128xf32>
    %dot_general3A_39 = arith.constant dense<0.000000e+00> : vector<1024x128xf32>
    %dot_general3A_40 = tpu.matmul %max3A_35, %get3A_38, %dot_general3A_39 {dimension_numbers = #tpu.dot_dimension_numbers<[1], [0], [0], [1], [0, 0, 1, 1], [], []>, transpose_lhs_hint = false} : vector<1024x128xf32>, vector<128x128xf32>, vector<1024x128xf32> -> vector<1024x128xf32>
    %get3A_41 = arith.constant 0 : index
    %get3A_42 = arith.constant 0 : index
    %get3A_43 = vector.load %arg8[%get3A_41, %get3A_42] : memref<1x128xf32, #tpu.memory_space<vmem>>, vector<1x128xf32>
    %add3A_44 = vector.broadcast %get3A_43 : vector<1x128xf32> to vector<1024x128xf32>
    %add3A_45 = arith.addf %dot_general3A_40, %add3A_44 : vector<1024x128xf32>
    %reduce_max3A = arith.constant dense<0xFF800000> : vector<1024xf32>
    %reduce_max3A_46 = vector.multi_reduction <maximumf>, %add3A_45, %reduce_max3A [1] : vector<1024x128xf32> to vector<1024xf32>
    %broadcast_in_dim3A_47 = vector.shape_cast %reduce_max3A_46 : vector<1024xf32> to vector<1024x1xf32>
    %sub3A = vector.broadcast %broadcast_in_dim3A_47 : vector<1024x1xf32> to vector<1024x128xf32>
    %sub3A_48 = arith.subf %add3A_45, %sub3A : vector<1024x128xf32>
    %exp3A = math.exp %sub3A_48 : vector<1024x128xf32>
    %reduce_sum3A = arith.constant dense<0.000000e+00> : vector<1024xf32>
    %reduce_sum3A_49 = vector.multi_reduction <add>, %exp3A, %reduce_sum3A [1] : vector<1024x128xf32> to vector<1024xf32>
    %broadcast_in_dim3A_50 = vector.shape_cast %reduce_sum3A_49 : vector<1024xf32> to vector<1024x1xf32>
    %log3A = math.log %broadcast_in_dim3A_50 : vector<1024x1xf32>
    %sub3A_51 = vector.broadcast %log3A : vector<1024x1xf32> to vector<1024x128xf32>
    %sub3A_52 = arith.subf %sub3A_48, %sub3A_51 : vector<1024x128xf32>
    %swap3A = arith.constant 0 : index
    %swap3A_53 = arith.constant 0 : index
    %swap3A_54 = vector.load %arg9[%swap3A, %swap3A_53] : memref<1024x128xf32, #tpu.memory_space<vmem>>, vector<1024x128xf32>
    tpu.vector_store %arg9[%swap3A, %swap3A_53], %sub3A_52 {strides = array<i32>} : memref<1024x128xf32, #tpu.memory_space<vmem>>, vector<1024x128xf32>,
    return
  }
  func.func @transform_0(%arg0: i32) -> (i32, i32, i32) {
    %c0_i32 = arith.constant 0 : i32
    %c0_i32_0 = arith.constant 0 : i32
    %c0_i32_1 = arith.constant 0 : i32
    return %c0_i32, %arg0, %c0_i32_0 : i32, i32, i32
  }
  func.func @transform_1(%arg0: i32) -> (i32, i32) {
    %c0_i32 = arith.constant 0 : i32
    %c0_i32_0 = arith.constant 0 : i32
    return %c0_i32, %arg0 : i32, i32
  }
  func.func @transform_2(%arg0: i32) -> (i32, i32) {
    %c0_i32 = arith.constant 0 : i32
    %c0_i32_0 = arith.constant 0 : i32
    return %arg0, %c0_i32 : i32, i32
  }
  func.func @transform_3(%arg0: i32) -> (i32, i32) {
    %c0_i32 = arith.constant 0 : i32
    %c0_i32_0 = arith.constant 0 : i32
    %c0_i32_1 = arith.constant 0 : i32
    return %c0_i32, %c0_i32_0 : i32, i32
  }
  func.func @transform_4(%arg0: i32) -> (i32, i32) {
    %c0_i32 = arith.constant 0 : i32
    %c0_i32_0 = arith.constant 0 : i32
    %c0_i32_1 = arith.constant 0 : i32
    return %c0_i32, %c0_i32_0 : i32, i32
  }
  func.func @transform_5(%arg0: i32) -> (i32, i32) {
    %c0_i32 = arith.constant 0 : i32
    %c0_i32_0 = arith.constant 0 : i32
    %c0_i32_1 = arith.constant 0 : i32
    return %c0_i32, %c0_i32_0 : i32, i32
  }
  func.func @transform_6(%arg0: i32) -> (i32, i32) {
    %c0_i32 = arith.constant 0 : i32
    %c0_i32_0 = arith.constant 0 : i32
    %c0_i32_1 = arith.constant 0 : i32
    return %c0_i32, %c0_i32_0 : i32, i32
  }
  func.func @transform_7(%arg0: i32) -> (i32, i32) {
    %c0_i32 = arith.constant 0 : i32
    %c0_i32_0 = arith.constant 0 : i32
    %c0_i32_1 = arith.constant 0 : i32
    return %c0_i32, %c0_i32_0 : i32, i32
  }
  func.func @transform_8(%arg0: i32) -> (i32, i32) {
    %c0_i32 = arith.constant 0 : i32
    %c0_i32_0 = arith.constant 0 : i32
    return %arg0, %c0_i32 : i32, i32
  }
}

</mosaic_0001>

<sc_bundles>
// kernel: kernel.11.cloned.1.call-start
scs
__scs_entry_jumppad:
0x0: {  	(pc) =	sbr.rel $0x88, $3  }
0x1: {  	(tag) =	ssettag $0x0;
	lr =	simm.s32 $0x1  }
0x2: {  	[smem:$0x3F95] =	sst lr;
	_ =	strace $0xD0000000  }
0x3: {  	_ = 	snop  }
0x4: {  	_ = 	snop  }
0x5: {  	_ = 	snop  }
0x6: {  	_ = 	snop  }
0x7: {  	_ = 	snop  }
__scs_overlays_trampoline_lowered:
0x8: {  	[smem:$0x3FA4] =	sst s0  }
0x9: {  	[smem:$0x3FA5] =	sst s1  }
0xa: {  	[smem:$0x3FA6] =	sst s2  }
0xb: {  	[smem:$0x3FA7] =	sst s3  }
0xc: {  	[smem:$0x3FA8] =	sst s4  }
0xd: {  	[smem:$0x3FA9] =	sst s5  }
0xe: {  	[smem:$0x3FAA] =	sst s6  }
0xf: {  	[smem:$0x3FAB] =	sst s7  }
0x10: {  	[smem:$0x3FAC] =	sst s8  }
0x11: {  	[smem:$0x3FAD] =	sst s9;
	s0 =	simm.s32 @!p0 $0x0  }
0x12: {  	s1 =	sld [smem:$0x3F93];
	s0 =	simm.s32 @p0 $0x1  }
0x13: {  	[smem:$0x3FAE] =	sst s0;
	s0 =	simm.s32 @!p1 $0x0  }
0x14: {  	s2 =	sld [smem:$0x3F92];
	s0 =	simm.s32 @p1 $0x1  }
0x15: {  	[smem:$0x3FAF] =	sst s0;
	s0 =	simm.s32 @!p2 $0x0  }
0x16: {  	s3 =	sld [smem:$0x3FDB];
	s0 =	simm.s32 @p2 $0x1  }
0x17: {  	s4 =	simm.s32 $0x1BF5;
	[smem:$0x3FB1] =	sst s0  }
0x18: {  	s0 =	sld [smem:$0x3F94];
	_ =	swait.ge [sflag:s4], $0x0  }
0x19: {  	s7 =	sld [smem:$0x3F95]  }
0x1a: {  	s8 =	sadd.s32 $0xFFFFE003, lr  }
0x1b: {  	s9 =	sadd.s32 $0xFFFFFEF7, lr;
	s5 =	simm.s32 $0xFFFFFFFF;
	p2 =	slt.u32 s8, $0xFFFFF086  }
0x1c: {  	p1 =	slt.u32 s9, $0xF7A;
	s5 =	simm.s32 @!p2 $0x0  }
0x1d: {  	s5 =	simm.s32 @p1 $0x1;
	p0 =	seq.s32 s7, s2  }
0x1e: {  	s7 =	smul.u32 @!p0 $0xF7A, s2;
	p2 =	seq.s32 @!p0 s5, $0x0  }
0x1f: {  	s9 =	smul.u32 $0xF7A, s1;
	s8 =	simm.s32 @!p0 $0x1BF5;
	p2 =	por !p2, p0  }
0x20: {  	[sflag:s8] =	ssyncset.s32 @!p0 $0xFFFFF086;
	s6 =	sadd.s32 @!p0 s3, s7;
	s7 =	simm.s32 @!p0 $0x108  }
0x21: {  	s3 =	sadd.s32 s3, s9;
	s6 =	sadd.s32 @!p0 $0x88, s6;
	s7 =	simm.s32 @p2 $0x1082  }
0x22: {  	[simem:s7], [sflag:s8] =	dma.local @!p0 [hbm:s6], $0xF7A  }
0x23: {  	s9 =	sor.u32 $0xD0000000, s2;
	s6 =	simm.s32 $0x108;
	_ =	swait.ge @!p0 [sflag:s8], $0x0  }
0x24: {  	s3 =	sadd.s32 $0x88, s3;
	s6 =	simm.s32 @!p1 $0x1082;
	[sflag:s4] =	ssyncset.s32 $0xFFFFF086  }
0x25: {  	[simem:s6], [sflag:s4] =	dma.local [hbm:s3], $0xF7A  }
0x26: {  	[smem:$0x3F95] =	sst s1;
	(tag) =	ssettag s2;
	_ =	strace s9  }
0x27: {  	s1 =	sld [smem:$0x3FA5]  }
0x28: {  	s2 =	sld [smem:$0x3FA6]  }
0x29: {  	s4 =	sld [smem:$0x3FA8]  }
0x2a: {  	p0 =	seq.s32 s5, $0x0;
	s5 =	sld [smem:$0x3FA9]  }
0x2b: {  	s6 =	sld [smem:$0x3FAA]  }
0x2c: {  	s7 =	sld [smem:$0x3FAB]  }
0x2d: {  	s3 =	simm.s32 $0x108;
	s8 =	sld [smem:$0x3FAC]  }
0x2e: {  	s3 =	simm.s32 @!p0 $0x1082;
	s9 =	sld [smem:$0x3FAD]  }
0x2f: {  	lr =	sadd.s32 s0, s3;
	s0 =	sld [smem:$0x3FA4]  }
0x30: {  	s3 =	sld [smem:$0x3FA7]  }
0x31: {  	[smem:$0x3FB0] =	sst s10  }
0x32: {  	s10 =	sld [smem:$0x3FAE];
	_ =	sdelay $0x3  }
0x33: {  	p0 =	seq.s32 s10, $0x1;
	s10 =	sld [smem:$0x3FB0];
	_ =	sdelay $0x3  }
0x34: {  	[smem:$0x3FB0] =	sst s10  }
0x35: {  	s10 =	sld [smem:$0x3FAF];
	_ =	sdelay $0x3  }
0x36: {  	p1 =	seq.s32 s10, $0x1;
	s10 =	sld [smem:$0x3FB0];
	_ =	sdelay $0x3  }
0x37: {  	[smem:$0x3FB0] =	sst s10  }
0x38: {  	s10 =	sld [smem:$0x3FB1]  }
0x39: {  	_ = 	snop;
	(pc) =	sbr.ind lr, $3  }
0x3a: {  	_ = 	snop  }
0x3b: {  	_ = 	snop  }
0x3c: {  	p2 =	seq.s32 s10, $0x1;
	s10 =	sld [smem:$0x3FB0]  }
0x3d: {  	_ =	shalt  }
0x3e: {  	_ =	shalt  }
0x3f: {  	_ =	shalt  }
0x40: {  	_ =	shalt  }
0x41: {  	_ =	shalt  }
0x42: {  	_ =	shalt  }
0x43: {  	_ =	shalt  }
0x44: {  	_ =	shalt  }
0x45: {  	_ =	shalt  }
0x46: {  	_ =	shalt  }
0x47: {  	_ =	shalt  }
0x48: {  	_ =	shalt  }
0x49: {  	_ =	shalt  }
0x4a: {  	_ =	shalt  }
0x4b: {  	_ =	shalt  }
0x4c: {  	_ =	shalt  }
0x4d: {  	_ =	shalt  }
0x4e: {  	_ =	shalt  }
0x4f: {  	_ =	shalt  }
0x50: {  	_ =	shalt  }
0x51: {  	_ =	shalt  }
0x52: {  	_ =	shalt  }
0x53: {  	_ =	shalt  }
0x54: {  	_ =	shalt  }
0x55: {  	_ =	shalt  }
0x56: {  	_ =	shalt  }
0x57: {  	_ =	shalt  }
0x58: {  	_ =	shalt  }
0x59: {  	_ =	shalt  }
0x5a: {  	_ =	shalt  }
0x5b: {  	_ =	shalt  }
0x5c: {  	_ =	shalt  }
0x5d: {  	_ =	shalt  }
0x5e: {  	_ =	shalt  }
0x5f: {  	_ =	shalt  }
0x60: {  	_ =	shalt  }
0x61: {  	_ =	shalt  }
0x62: {  	_ =	shalt  }
0x63: {  	_ =	shalt  }
0x64: {  	_ =	shalt  }
0x65: {  	_ =	shalt  }
0x66: {  	_ =	shalt  }
0x67: {  	_ =	shalt  }
0x68: {  	_ =	shalt  }
0x69: {  	_ =	shalt  }
0x6a: {  	_ =	shalt  }
0x6b: {  	_ =	shalt  }
0x6c: {  	_ =	shalt  }
0x6d: {  	_ =	shalt  }
0x6e: {  	_ =	shalt  }
0x6f: {  	_ =	shalt  }
0x70: {  	_ =	shalt  }
0x71: {  	_ =	shalt  }
0x72: {  	_ =	shalt  }
0x73: {  	_ =	shalt  }
0x74: {  	_ =	shalt  }
0x75: {  	_ =	shalt  }
0x76: {  	_ =	shalt  }
0x77: {  	_ =	shalt  }
0x78: {  	_ =	shalt  }
0x79: {  	_ =	shalt  }
0x7a: {  	_ =	shalt  }
0x7b: {  	_ =	shalt  }
0x7c: {  	_ =	shalt  }
0x7d: {  	_ =	shalt  }
0x7e: {  	_ =	shalt  }
0x7f: {  	_ =	shalt  }
0x80: {  	_ =	shalt  }
0x81: {  	_ =	shalt  }
0x82: {  	_ =	shalt  }
0x83: {  	_ =	shalt  }
0x84: {  	_ =	shalt  }
0x85: {  	_ =	shalt  }
0x86: {  	_ =	shalt  }
0x87: {  	_ =	shalt  }
.Lfunc_end0:
.L_simem_size_0:
called_computation.1_lowered:
.L_overlay_start_0:
0x88: {  	s2 =	sld [smem:$0x3FD9]  }
0x89: {  	s3 =	sld [smem:$0x3FFE];
	_ =	sdelay $0x1  }
0x8a: {  	s1 =	srdreg.scid  }
0x8b: {  	s0 =	sand.u32 $0x1, s1  }
0x8c: {  	s17 =	sshll.u32 s0, $0xA;
	s2 =	sadd.s32 s3, s2  }
0x8d: {  	s2 =	sadd.s32 s2, s17  }
0x8e: {  	[smem:$0x3FBC] =	sst s2  }
0x8f: {  	_ = 	snop  }
0x90: {  	(tm) =	ssettm $0x1  }
0x91: {  	s18 =	sld [smem:$0x3FFB];
	_ =	sdelay $0x3  }
0x92: {  	_ =	strace s18  }
0x93: {  	s2 =	sld [smem:$0x3FFC];
	_ =	sdelay $0x3  }
0x94: {  	_ =	strace s2  }
0x95: {  	s2 =	sld [smem:$0x3FFD];
	_ =	sdelay $0x3  }
0x96: {  	_ =	strace s2  }
0x97: {  	_ =	strace $0x8FFFFFFF  }
0x98: {  	s19 =	sld [smem:$0x3FDB];
	_ =	sdelay $0x1  }
0x99: {  	s20 =	simm.s32 $_scs_section_size  }
0x9a: {  	s4 =	simm.s32 $_size__tile_overlayer_lowered;
	s5 =	simm.s32 $_tile_overlayer_lowered  }
0x9b: {  	s6 =	simm.s32 $0x1BFF;
	s21 =	sshll.u32 s5, $0x1;
	s3 =	sadd.s32 s20, s19  }
0x9c: {  	s22 =	simm.s32 $0x0;
	s4 =	sshll.u32 s4, $0x1;
	s5 =	sadd.s32 s21, s3  }
0x9d: {  	[timem:s22], [sflag:s6] =	dma.local [hbm:s5], s4  }
0x9e: {  	_ =	swait.ge [sflag:s6], s4  }
0x9f: {  	s4 =	ssub.s32 $0x0, s4;
	[sflag:s6] =	ssyncset.done $0x0  }
0xa0: {  	[sflag:s6] =	ssyncadd.s32 s4;
	_ =	sdelay $0x1  }
0xa1: {  	s23 =	simm.s32 $0x1B8B  }
0xa2: {  	_ =	swait.ge [sflag:s23], $0x1  }
0xa3: {  	[sflag:s23] =	ssyncset.done $0x0  }
0xa4: {  	[sflag:s23] =	ssyncadd.s32 $0xFFFFFFFF  }
0xa5: {  	s4 =	sld [smem:$0x0]  }
0xa6: {  	s5 =	sand.u32 $0xFFFFFFFE, s1  }
0xa7: {  	p0 =	sne.s32 s1, s5  }
0xa8: {  	s5 =	sshll.u32 @p0 s5, $0xE  }
0xa9: {  	s5 =	sadd.s32 @p0 $0x11B8D, s5;
	s6 =	sshll.u32 @p0 s4, $0x11  }
0xaa: {  	s5 =	sor.u32 @p0 s6, s5  }
0xab: {  	[sflag:s5] =	ssyncadd.remote.s32 @p0 $0x1;
	_ =	sdelay $0x1  }
0xac: {  	s5 =	simm.s32 @p0 $0x1B8D  }
0xad: {  	_ =	swait.eq @p0 [sflag:s5], $0x1  }
0xae: {  	[sflag:s5] =	ssyncadd.s32 @p0 $0xFFFFFFFF  }
0xaf: {  	s6 =	sshll.u32 @!p0 s1, $0xE  }
0xb0: {  	s6 =	sor.u32 @!p0 $0x4000, s6;
	s5 =	simm.s32 @!p0 $0x1B8D  }
0xb1: {  	s4 =	sshll.u32 @!p0 s4, $0x11;
	s6 =	sadd.s32 @!p0 $0x11B8D, s6;
	_ =	swait.eq @!p0 [sflag:s5], $0x1  }
0xb2: {  	s4 =	sor.u32 @!p0 s4, s6;
	[sflag:s5] =	ssyncadd.s32 @!p0 $0xFFFFFFFF  }
0xb3: {  	s25 =	simm.s32 $0x1B8E;
	s24 =	sld [smem:$0x3FFE];
	[sflag:s4] =	ssyncadd.remote.s32 @!p0 $0x1  }
0xb4: {  	s26 =	simm.s32 $execute0_lowered;
	[smem:$0x3FD2] =	sst s25  }
0xb5: {  	s5 =	sshll.u32 s26, $0x1;
	_ =	strace $0x80000049;
	[dreg:$0x1] =	wrdreg $0xFFFFFFFF  }
0xb6: {  	s28 =	simm.s32 $_size_execute0_lowered;
	s3 =	sadd.s32 s3, s5;
	[dreg:$0x0] =	wrdreg $0x0  }
0xb7: {  	s5 =	sshll.u32 s28, $0x1;
	[dreg:$0x2] =	wrdreg s3  }
0xb8: {  	[dreg:$0x3] =	wrdreg s5  }
0xb9: {  	[dreg:$0x4] =	wrdreg $0xC0  }
0xba: {  	_ =	task [dreg:s22], $0x5FFFF  }
0xbb: {  	[dreg:$0x1] =	wrdreg $0xFFFFFFFF  }
0xbc: {  	[dreg:$0x0] =	wrdreg $0x60  }
0xbd: {  	[dreg:$0x2] =	wrdreg s24  }
0xbe: {  	[dreg:$0x3] =	wrdreg $0x70000  }
0xbf: {  	[dreg:$0x4] =	wrdreg $0xA  }
0xc0: {  	_ =	task.clear_ibuf [dreg:s22], $0x5FFFF;
	_ =	strace $0x90000049  }
0xc1: {  	s29 =	simm.s32 $0xA;
	_ =	strace $0x8000004B  }
0xc2: {  	_ =	swait.ge [sflag:s29], $0x1  }
0xc3: {  	[sflag:s29] =	ssyncadd.s32 $0xFFFFFFFF  }
0xc4: {  	_ =	strace $0x9000004B  }
0xc5: {  	_ =	sfence  }
0xc6: {  	s30 =	sld [smem:$0x0];
	_ =	sdelay $0x2  }
0xc7: {  	s31 =	sshll.u32 s1, $0xD;
	s1 =	sshrl.u32 s1, $0x2  }
0xc8: {  	s4 =	sand.u32 $0x4000, s31;
	s1 =	sadd.s32 s1, s30  }
0xc9: {  	s0 =	sor.u32 s4, s0;
	s1 =	sshll.u32 s1, $0x11  }
0xca: {  	s0 =	sor.u32 s1, s0  }
0xcb: {  	s0 =	sadd.s32 $0x8F2B, s0  }
0xcc: {  	[sflag:s0] =	ssyncadd.remote.s32 $0x1  }
0xcd: {  	_ =	sfence.sel $0xFFFF  }
0xce: {  	[dreg:$0x0] =	wrdreg $0xFFFFFFFF;
	(pc) =	sbr.abs _section_cstart, $3  }
0xcf: {  	[dreg:$0x1] =	wrdreg $0xFFFFFFFF  }
0xd0: {  	_ =	task.clear_ibuf [dreg:s22], $0x2FFFF;
	_ =	strace $0x9FFFFFFF  }
0xd1: {  	(tm) =	ssettm $0x7FFFFFFF  }
tec
execute0_lowered:
.L_overlay_start_1:
0x0: {  	(tag) =	ssettag $0x1  }
0x1: {  	s0 =	rddreg [dreg:$0x0]  }
0x2: {  	s1 =	rddreg [dreg:$0x1];
	s2 =	simm.s32 $0x0;
	s3 =	srdreg.scid  }
0x3: {  	s16 =	stileid.u32;
	s28 =	simm.s32 $0x3;
	s29 =	simm.s32 $0x50  }
0x4: {  	s30 =	simm.s32 $0x1;
	s31 =	simm.s32 $0x1C00;
	[smem:$0x7FF] =	sst s2  }
0x5: {  	s3 =	sand.u32 $0x1, s3;
	s4 =	sadd.s32 $0x2C400, s0;
	s5 =	sadd.s32 $0x18400, s0  }
0x6: {  	s8 =	smul.u32 $0x14000, s16;
	s9 =	sadd.s32 $0x54A00, s0;
	s6 =	ssub.s32 $0x2, s3  }
0x7: {  	_ =	strace $0x8000004A;
	s12 =	smul.u32 $0x140000, s3;
	s7 =	sshrl.u32 s6, $0x1  }
0x8: {  	s10 =	sor.u32 $0x2800, s8;
	s11 =	sadd.s32 $0x5000, s8;
	s19 =	sadd.s32 $0x7800, s8  }
0x9: {  	s20 =	sadd.s32 $0xA000, s8;
	s21 =	sadd.s32 $0xC800, s8;
	s22 =	sadd.s32 $0xF000, s8  }
0xa: {  	s6 =	ssub.s32 s6, s7;
	s7 =	smul.u32 $0x50000, s16;
	s13 =	sadd.s32 s8, s12  }
0xb: {  	s14 =	sadd.s32 s12, s10;
	s8 =	sadd.s32 $0x11800, s8;
	s23 =	sadd.s32 s12, s11  }
0xc: {  	s24 =	sadd.s32 s12, s19;
	s15 =	sadd.s32 s12, s20;
	s17 =	sadd.s32 s12, s22  }
0xd: {  	s19 =	sadd.s32 s19, s1;
	s20 =	sadd.s32 s20, s1;
	s22 =	sadd.s32 s22, s1  }
0xe: {  	s13 =	sshrl.u32 s13, $0x3;
	s14 =	sshrl.u32 s14, $0x3;
	s25 =	sshrl.u32 s24, $0x3  }
0xf: {  	s26 =	sshrl.u32 s15, $0x3;
	s15 =	sadd.s32 s12, s21;
	s13 =	sadd.s32 s9, s13  }
0x10: {  	s12 =	sadd.s32 s12, s8;
	s18 =	sadd.s32 s9, s14;
	[dreg:$0x3] =	wrdreg s13  }
0x11: {  	s21 =	sadd.s32 s21, s1;
	s14 =	sadd.s32 s9, s26;
	[dreg:$0x4] =	wrdreg s18  }
0x12: {  	s26 =	sshrl.u32 s7, $0x2;
	s13 =	sshrl.u32 s23, $0x3;
	[dreg:$0x7] =	wrdreg s14  }
0x13: {  	s18 =	sshrl.u32 s17, $0x3;
	s14 =	sadd.s32 $0x4400, s0;
	s0 =	sadd.s32 $0x54400, s0  }
0x14: {  	s23 =	sshrl.u32 s12, $0x3;
	s13 =	sadd.s32 s9, s13;
	[dreg:$0xb] =	wrdreg s0  }
0x15: {  	s17 =	sadd.s32 s10, s1;
	s24 =	sadd.s32 s9, s18;
	[dreg:$0x5] =	wrdreg s13  }
0x16: {  	s18 =	sadd.s32 s11, s1;
	s13 =	sadd.s32 s9, s25;
	[dreg:$0x9] =	wrdreg s24  }
0x17: {  	s25 =	sshll.u32 s3, $0x4;
	s3 =	simm.s32 $0x0;
	[dreg:$0x6] =	wrdreg s13  }
0x18: {  	s13 =	sshrl.u32 s15, $0x3;
	s0 =	sor.u32 s16, s25;
	s16 =	sadd.s32 s26, s1  }
0x19: {  	s25 =	smax.u32 s6, $0x1;
	s26 =	simm.s32 $0x2000;
	s13 =	sadd.s32 s9, s13  }
0x1a: {  	s9 =	sadd.s32 s9, s23;
	s23 =	sadd.s32 s8, s1;
	[dreg:$0x8] =	wrdreg s13  }
0x1b: {  	s24 =	smul.u32 $0x5000, s0;
	s0 =	simm.s32 $0x4;
	[dreg:$0xa] =	wrdreg s9  }
.LBB2_1:
0x1c: {  	s6 =	rddreg [dreg:$0xb]  }
0x1d: {  	[tilespmem:s26], [sflag:$0x3] =	stream.linear.gather [hbm4b:s6+s2], $0x2800, $0x38;
	[tilespmem:$0x1B000] =	vst v63  }
0x1e: {  	_ =	swait.ge [sflag:s28], $0x2800  }
0x1f: {  	[sflag:s28] =	ssyncset.done $0x0  }
0x20: {  	[sflag:s28] =	ssyncadd.s32 $0xFFFFD800  }
0x21: {  	[spmem:s16] =	stream.linear.scatter [tilespmem:s26], [sflag:$0x3], $0x2800, $0x38;
	[tilespmem:$0x1B000] =	vst v63  }
0x22: {  	_ =	swait.ge [sflag:s28], $0x2800  }
0x23: {  	[sflag:s28] =	ssyncset.done $0x0  }
0x24: {  	[sflag:s28] =	ssyncadd.s32 $0xFFFFD800  }
0x25: {  	[spmem:s17] =	stream.linear.scatter [tilespmem:s26], [sflag:$0x3], $0x2800, $0x38;
	[tilespmem:$0x1B000] =	vst v63  }
0x26: {  	_ =	swait.ge [sflag:s28], $0x2800  }
0x27: {  	[sflag:s28] =	ssyncset.done $0x0  }
0x28: {  	[sflag:s28] =	ssyncadd.s32 $0xFFFFD800  }
0x29: {  	[spmem:s18] =	stream.linear.scatter [tilespmem:s26], [sflag:$0x3], $0x2800, $0x38;
	[tilespmem:$0x1B000] =	vst v63  }
0x2a: {  	_ =	swait.ge [sflag:s28], $0x2800  }
0x2b: {  	[sflag:s28] =	ssyncset.done $0x0  }
0x2c: {  	[sflag:s28] =	ssyncadd.s32 $0xFFFFD800  }
0x2d: {  	[spmem:s19] =	stream.linear.scatter [tilespmem:s26], [sflag:$0x3], $0x2800, $0x38;
	[tilespmem:$0x1B000] =	vst v63  }
0x2e: {  	_ =	swait.ge [sflag:s28], $0x2800  }
0x2f: {  	[sflag:s28] =	ssyncset.done $0x0  }
0x30: {  	[sflag:s28] =	ssyncadd.s32 $0xFFFFD800  }
0x31: {  	[spmem:s20] =	stream.linear.scatter [tilespmem:s26], [sflag:$0x3], $0x2800, $0x38;
	[tilespmem:$0x1B000] =	vst v63  }
0x32: {  	_ =	swait.ge [sflag:s28], $0x2800  }
0x33: {  	[sflag:s28] =	ssyncset.done $0x0  }
0x34: {  	[sflag:s28] =	ssyncadd.s32 $0xFFFFD800  }
0x35: {  	[spmem:s21] =	stream.linear.scatter [tilespmem:s26], [sflag:$0x3], $0x2800, $0x38;
	[tilespmem:$0x1B000] =	vst v63  }
0x36: {  	_ =	swait.ge [sflag:s28], $0x2800  }
0x37: {  	[sflag:s28] =	ssyncset.done $0x0  }
0x38: {  	[sflag:s28] =	ssyncadd.s32 $0xFFFFD800  }
0x39: {  	[spmem:s22] =	stream.linear.scatter [tilespmem:s26], [sflag:$0x3], $0x2800, $0x38;
	[tilespmem:$0x1B000] =	vst v63  }
0x3a: {  	_ =	swait.ge [sflag:s28], $0x2800  }
0x3b: {  	[sflag:s28] =	ssyncset.done $0x0  }
0x3c: {  	[sflag:s28] =	ssyncadd.s32 $0xFFFFD800  }
0x3d: {  	[spmem:s23] =	stream.linear.scatter [tilespmem:s26], [sflag:$0x3], $0x2800, $0x38;
	[tilespmem:$0x1B000] =	vst v63  }
0x3e: {  	_ =	swait.ge [sflag:s28], $0x2800  }
0x3f: {  	[sflag:s28] =	ssyncset.done $0x0  }
0x40: {  	[sflag:s28] =	ssyncadd.s32 $0xFFFFD800  }
0x41: {  	s6 =	simm.s32 $0x0;
	[bflag:$0x0] =	sbarrier.arrive $0xFFFF  }
.LBB2_2:
0x42: {  	s7 =	sshll.u32 s6, $0xC  }
0x43: {  	s7 =	sadd.s32 s24, s7  }
0x44: {  	s7 =	sshrl.u32 s7, $0x3  }
0x45: {  	s9 =	simm.s32 $0x0;
	s8 =	sadd.s32 s5, s7  }
0x46: {  	[tilespmem:s9], [sflag:$0x3] =	stream.linear.gather [hbm4b:s8+s9], $0xC80, $0x38;
	[tilespmem:$0x1B000] =	vst v63  }
0x47: {  	_ =	swait.ge [sflag:s28], $0xC80  }
0x48: {  	[sflag:s28] =	ssyncset.done $0x0  }
0x49: {  	s7 =	sadd.s32 s14, s7;
	s8 =	simm.s32 $0x1000;
	[sflag:s28] =	ssyncadd.s32 $0xFFFFF380  }
0x4a: {  	[tilespmem:s8], [sflag:$0x3] =	stream.linear.gather [hbm4b:s7+s9], $0xC80, $0x38;
	[tilespmem:$0x1B000] =	vst v63  }
0x4b: {  	s13 =	sand.u32 $0x1, s9;
	_ =	swait.ge [sflag:s28], $0xC80  }
0x4c: {  	p0 =	seq.s32 s13, $0x1;
	[sflag:s28] =	ssyncset.done $0x0  }
0x4d: {  	s7 =	simm.s32 @p0 $0x2;
	[sflag:s28] =	ssyncadd.s32 $0xFFFFF380  }
0x4e: {  	[tilespmem:s26], [sflag:$0x1] =	stream.indirect.gather [hbm4b:s4+s29], $0x80, s9, s29, $0xb8;
	[tilespmem:$0x1B000] =	vst v63  }
0x4f: {  	_ =	swait.ge @p0 [sflag:s7], $0x2800  }
0x50: {  	s10 =	simm.s32 $0x80;
	[sflag:s7] =	ssyncset.done @p0 $0x0  }
0x51: {  	s9 =	simm.s32 @p0 $0x2000;
	[sflag:s7] =	ssyncadd.s32 @p0 $0xFFFFD800;
	s7 =	simm.s32 @p0 $0x50  }
0x52: {  	[tilespmem:s9], [sflag:$0x1] =	stream.indirect.gather @p0 [hbm4b:s4+s7], $0x80, s10, s7, $0xb8;
	[tilespmem:$0x1B000] =	vst v63  }
0x53: {  	s11 =	simm.s32 @!p0 $0x1;
	s9 =	simm.s32 @p0 $0x4800  }
0x54: {  	[spmem:s1] =	stream.indirect.scatter.add.f32 @p0 [tilespmem:s9], [sflag:$0x3], $0x80, s8, s7, $0xb8;
	[tilespmem:$0x1B000] =	vst v63  }
0x55: {  	_ =	swait.ge @!p0 [sflag:s11], $0x2800  }
0x56: {  	s9 =	simm.s32 @!p0 $0x4;
	[sflag:s11] =	ssyncset.done @!p0 $0x0  }
0x57: {  	s7 =	simm.s32 @!p0 $0x50;
	[sflag:s11] =	ssyncadd.s32 @!p0 $0xFFFFD800;
	s11 =	simm.s32 @!p0 $0x4800  }
0x58: {  	[tilespmem:s11], [sflag:$0x2] =	stream.indirect.gather @!p0 [hbm4b:s4+s7], $0x80, s10, s7, $0xb8;
	[tilespmem:$0x1B000] =	vst v63  }
0x59: {  	s15 =	simm.s32 $0x1;
	s9 =	simm.s32 @p0 $0x3;
	s10 =	simm.s32 @!p0 $0x2000  }
0x5a: {  	[spmem:s1] =	stream.indirect.scatter.add.f32 @!p0 [tilespmem:s10], [sflag:$0x4], $0x80, s8, s7, $0xb8;
	[tilespmem:$0x1B000] =	vst v63  }
0x5b: {  	s11 =	sand.u32 $0x1, s15;
	s10 =	simm.s32 $0x2;
	_ =	swait.ge [sflag:s9], $0x2800  }
0x5c: {  	s7 =	simm.s32 $0x100;
	s8 =	simm.s32 $0x1080;
	[sflag:s9] =	ssyncset.done $0x0  }
.LBB2_3:
0x5d: {  	p1 =	seq.s32 s11, $0x1  }
0x5e: {  	[sflag:s9] =	ssyncadd.s32 $0xFFFFD800;
	s11 =	smov.u32 s10;
	s10 =	sadd.s32 $0x1, s10  }
0x5f: {  	p0 =	sne.s32 s10, $0x18;
	s12 =	simm.s32 @p1 $0x2;
	s9 =	simm.s32 @!p1 $0x4  }
0x60: {  	_ =	swait.ge @p1 [sflag:s12], $0x2800  }
0x61: {  	[sflag:s12] =	ssyncset.done @p1 $0x0  }
0x62: {  	s13 =	simm.s32 @p1 $0x2000;
	[sflag:s12] =	ssyncadd.s32 @p1 $0xFFFFD800;
	s12 =	simm.s32 @p1 $0x50  }
0x63: {  	[tilespmem:s13], [sflag:$0x1] =	stream.indirect.gather @p1 [hbm4b:s4+s12], $0x80, s7, s12, $0xb8;
	[tilespmem:$0x1B000] =	vst v63  }
0x64: {  	s15 =	simm.s32 @!p1 $0x1;
	s13 =	simm.s32 @p1 $0x4800  }
0x65: {  	[spmem:s1] =	stream.indirect.scatter.add.f32 @p1 [tilespmem:s13], [sflag:$0x3], $0x80, s8, s12, $0xb8;
	[tilespmem:$0x1B000] =	vst v63  }
0x66: {  	_ =	swait.ge @!p1 [sflag:s15], $0x2800  }
0x67: {  	[sflag:s15] =	ssyncset.done @!p1 $0x0  }
0x68: {  	s12 =	simm.s32 @!p1 $0x50;
	s13 =	simm.s32 @!p1 $0x4800;
	[sflag:s15] =	ssyncadd.s32 @!p1 $0xFFFFD800  }
0x69: {  	[tilespmem:s13], [sflag:$0x2] =	stream.indirect.gather @!p1 [hbm4b:s4+s12], $0x80, s7, s12, $0xb8;
	[tilespmem:$0x1B000] =	vst v63  }
.Ltmp0:
0x6a: {  	_ = 	snop;
	(pc) =	sbr.rel @p0 .LBB2_3-.Ltmp0, $4  }
0x6b: {  	s9 =	simm.s32 @p1 $0x3;
	s13 =	simm.s32 @!p1 $0x2000  }
0x6c: {  	[spmem:s1] =	stream.indirect.scatter.add.f32 @!p1 [tilespmem:s13], [sflag:$0x4], $0x80, s8, s12, $0xb8;
	[tilespmem:$0x1B000] =	vst v63  }
0x6d: {  	s7 =	sadd.s32 $0x80, s7;
	_ =	swait.ge [sflag:s9], $0x2800  }
0x6e: {  	s11 =	sand.u32 $0x1, s11;
	s8 =	sadd.s32 $0x80, s8;
	[sflag:s9] =	ssyncset.done $0x0  }
0x6f: {  	p0 =	seq.s32 s11, $0x1  }
0x70: {  	[sflag:s9] =	ssyncadd.s32 $0xFFFFD800;
	s9 =	simm.s32 @p0 $0x2  }
0x71: {  	_ =	swait.ge @p0 [sflag:s9], $0x2800  }
0x72: {  	[sflag:s9] =	ssyncset.done @p0 $0x0  }
0x73: {  	s10 =	simm.s32 @p0 $0x2000;
	[sflag:s9] =	ssyncadd.s32 @p0 $0xFFFFD800;
	s9 =	simm.s32 @p0 $0x50  }
0x74: {  	[tilespmem:s10], [sflag:$0x1] =	stream.indirect.gather @p0 [hbm4b:s4+s9], $0x80, s7, s9, $0xb8;
	[tilespmem:$0x1B000] =	vst v63  }
0x75: {  	s11 =	simm.s32 @!p0 $0x1;
	s10 =	simm.s32 @p0 $0x4800  }
0x76: {  	[spmem:s1] =	stream.indirect.scatter.add.f32 @p0 [tilespmem:s10], [sflag:$0x3], $0x80, s8, s9, $0xb8;
	[tilespmem:$0x1B000] =	vst v63  }
0x77: {  	_ =	swait.ge @!p0 [sflag:s11], $0x2800  }
0x78: {  	s9 =	simm.s32 @!p0 $0x4;
	[sflag:s11] =	ssyncset.done @!p0 $0x0  }
0x79: {  	s10 =	simm.s32 @!p0 $0x50;
	[sflag:s11] =	ssyncadd.s32 @!p0 $0xFFFFD800;
	s11 =	simm.s32 @!p0 $0x4800  }
0x7a: {  	[tilespmem:s11], [sflag:$0x2] =	stream.indirect.gather @!p0 [hbm4b:s4+s10], $0x80, s7, s10, $0xb8;
	[tilespmem:$0x1B000] =	vst v63  }
0x7b: {  	s9 =	simm.s32 @p0 $0x3;
	s7 =	simm.s32 @!p0 $0x2000  }
0x7c: {  	[spmem:s1] =	stream.indirect.scatter.add.f32 @!p0 [tilespmem:s7], [sflag:$0x4], $0x80, s8, s10, $0xb8;
	[tilespmem:$0x1B000] =	vst v63  }
0x7d: {  	_ =	swait.ge [sflag:s9], $0x2800  }
0x7e: {  	[sflag:s9] =	ssyncset.done $0x0  }
0x7f: {  	[sflag:s9] =	ssyncadd.s32 $0xFFFFD800  }
0x80: {  	s6 =	sadd.s32 $0x1, s6;
	_ =	swait.ge [sflag:s30], $0x2800  }
0x81: {  	p0 =	sne.s32 s6, $0x5;
	[sflag:s30] =	ssyncset.done $0x0  }
.Ltmp1:
0x82: {  	[sflag:s30] =	ssyncadd.s32 $0xFFFFD800;
	(pc) =	sbr.rel @p0 .LBB2_2-.Ltmp1, $4  }
0x83: {  	[spmem:s1] =	stream.indirect.scatter.add.f32 [tilespmem:s26], [sflag:$0x4], $0x80, s31, s29, $0xb8;
	[tilespmem:$0x1B000] =	vst v63  }
0x84: {  	_ =	swait.ge [sflag:s0], $0x2800  }
0x85: {  	[sflag:s0] =	ssyncset.done $0x0  }
0x86: {  	[sflag:s0] =	ssyncadd.s32 $0xFFFFD800  }
0x87: {  	[bflag:$0x0] =	sbarrier.arrive $0xFFFF  }
0x88: {  	[tilespmem:s26], [sflag:$0x3] =	stream.linear.gather [spmem:s16], $0x2800, $0x38;
	[tilespmem:$0x1B000] =	vst v63  }
0x89: {  	_ =	swait.ge [sflag:s28], $0x2800  }
0x8a: {  	[sflag:s28] =	ssyncset.done $0x0  }
0x8b: {  	s6 =	rddreg [dreg:$0x3];
	[sflag:s28] =	ssyncadd.s32 $0xFFFFD800  }
0x8c: {  	[hbm4b:s6+s2] =	stream.linear.scatter [tilespmem:s26], [sflag:$0x3], $0x2800, $0x38;
	[tilespmem:$0x1B000] =	vst v63  }
0x8d: {  	_ =	swait.ge [sflag:s28], $0x2800  }
0x8e: {  	[sflag:s28] =	ssyncset.done $0x0  }
0x8f: {  	[sflag:s28] =	ssyncadd.s32 $0xFFFFD800  }
0x90: {  	[tilespmem:s26], [sflag:$0x3] =	stream.linear.gather [spmem:s17], $0x2800, $0x38;
	[tilespmem:$0x1B000] =	vst v63  }
0x91: {  	_ =	swait.ge [sflag:s28], $0x2800  }
0x92: {  	[sflag:s28] =	ssyncset.done $0x0  }
0x93: {  	s8 =	rddreg [dreg:$0x4];
	[sflag:s28] =	ssyncadd.s32 $0xFFFFD800  }
0x94: {  	[hbm4b:s8+s2] =	stream.linear.scatter [tilespmem:s26], [sflag:$0x3], $0x2800, $0x38;
	[tilespmem:$0x1B000] =	vst v63  }
0x95: {  	_ =	swait.ge [sflag:s28], $0x2800  }
0x96: {  	[sflag:s28] =	ssyncset.done $0x0  }
0x97: {  	[sflag:s28] =	ssyncadd.s32 $0xFFFFD800  }
0x98: {  	[tilespmem:s26], [sflag:$0x3] =	stream.linear.gather [spmem:s18], $0x2800, $0x38;
	[tilespmem:$0x1B000] =	vst v63  }
0x99: {  	_ =	swait.ge [sflag:s28], $0x2800  }
0x9a: {  	[sflag:s28] =	ssyncset.done $0x0  }
0x9b: {  	s9 =	rddreg [dreg:$0x5];
	[sflag:s28] =	ssyncadd.s32 $0xFFFFD800  }
0x9c: {  	[hbm4b:s9+s2] =	stream.linear.scatter [tilespmem:s26], [sflag:$0x3], $0x2800, $0x38;
	[tilespmem:$0x1B000] =	vst v63  }
0x9d: {  	_ =	swait.ge [sflag:s28], $0x2800  }
0x9e: {  	[sflag:s28] =	ssyncset.done $0x0  }
0x9f: {  	[sflag:s28] =	ssyncadd.s32 $0xFFFFD800  }
0xa0: {  	[tilespmem:s26], [sflag:$0x3] =	stream.linear.gather [spmem:s19], $0x2800, $0x38;
	[tilespmem:$0x1B000] =	vst v63  }
0xa1: {  	_ =	swait.ge [sflag:s28], $0x2800  }
0xa2: {  	[sflag:s28] =	ssyncset.done $0x0  }
0xa3: {  	s10 =	rddreg [dreg:$0x6];
	[sflag:s28] =	ssyncadd.s32 $0xFFFFD800  }
0xa4: {  	[hbm4b:s10+s2] =	stream.linear.scatter [tilespmem:s26], [sflag:$0x3], $0x2800, $0x38;
	[tilespmem:$0x1B000] =	vst v63  }
0xa5: {  	_ =	swait.ge [sflag:s28], $0x2800  }
0xa6: {  	[sflag:s28] =	ssyncset.done $0x0  }
0xa7: {  	[sflag:s28] =	ssyncadd.s32 $0xFFFFD800  }
0xa8: {  	[tilespmem:s26], [sflag:$0x3] =	stream.linear.gather [spmem:s20], $0x2800, $0x38;
	[tilespmem:$0x1B000] =	vst v63  }
0xa9: {  	_ =	swait.ge [sflag:s28], $0x2800  }
0xaa: {  	[sflag:s28] =	ssyncset.done $0x0  }
0xab: {  	s11 =	rddreg [dreg:$0x7];
	[sflag:s28] =	ssyncadd.s32 $0xFFFFD800  }
0xac: {  	[hbm4b:s11+s2] =	stream.linear.scatter [tilespmem:s26], [sflag:$0x3], $0x2800, $0x38;
	[tilespmem:$0x1B000] =	vst v63  }
0xad: {  	_ =	swait.ge [sflag:s28], $0x2800  }
0xae: {  	[sflag:s28] =	ssyncset.done $0x0  }
0xaf: {  	[sflag:s28] =	ssyncadd.s32 $0xFFFFD800  }
0xb0: {  	[tilespmem:s26], [sflag:$0x3] =	stream.linear.gather [spmem:s21], $0x2800, $0x38;
	[tilespmem:$0x1B000] =	vst v63  }
0xb1: {  	_ =	swait.ge [sflag:s28], $0x2800  }
0xb2: {  	[sflag:s28] =	ssyncset.done $0x0  }
0xb3: {  	s12 =	rddreg [dreg:$0x8];
	[sflag:s28] =	ssyncadd.s32 $0xFFFFD800  }
0xb4: {  	[hbm4b:s12+s2] =	stream.linear.scatter [tilespmem:s26], [sflag:$0x3], $0x2800, $0x38;
	[tilespmem:$0x1B000] =	vst v63  }
0xb5: {  	_ =	swait.ge [sflag:s28], $0x2800  }
0xb6: {  	[sflag:s28] =	ssyncset.done $0x0  }
0xb7: {  	[sflag:s28] =	ssyncadd.s32 $0xFFFFD800  }
0xb8: {  	[tilespmem:s26], [sflag:$0x3] =	stream.linear.gather [spmem:s22], $0x2800, $0x38;
	[tilespmem:$0x1B000] =	vst v63  }
0xb9: {  	_ =	swait.ge [sflag:s28], $0x2800  }
0xba: {  	[sflag:s28] =	ssyncset.done $0x0  }
0xbb: {  	s13 =	rddreg [dreg:$0x9];
	[sflag:s28] =	ssyncadd.s32 $0xFFFFD800  }
0xbc: {  	[hbm4b:s13+s2] =	stream.linear.scatter [tilespmem:s26], [sflag:$0x3], $0x2800, $0x38;
	[tilespmem:$0x1B000] =	vst v63  }
0xbd: {  	_ =	swait.ge [sflag:s28], $0x2800  }
0xbe: {  	[sflag:s28] =	ssyncset.done $0x0  }
0xbf: {  	[sflag:s28] =	ssyncadd.s32 $0xFFFFD800  }
0xc0: {  	[tilespmem:s26], [sflag:$0x3] =	stream.linear.gather [spmem:s23], $0x2800, $0x38;
	[tilespmem:$0x1B000] =	vst v63  }
0xc1: {  	s3 =	sadd.s32 $0x1, s3;
	_ =	swait.ge [sflag:s28], $0x2800  }
0xc2: {  	p0 =	sne.s32 s3, s25;
	[sflag:s28] =	ssyncset.done $0x0  }
.Ltmp2:
0xc3: {  	s15 =	rddreg [dreg:$0xa];
	[sflag:s28] =	ssyncadd.s32 $0xFFFFD800;
	(pc) =	sbr.rel @p0 .LBB2_1-.Ltmp2, $4  }
0xc4: {  	[hbm4b:s15+s2] =	stream.linear.scatter [tilespmem:s26], [sflag:$0x3], $0x2800, $0x38;
	[tilespmem:$0x1B000] =	vst v63  }
0xc5: {  	_ =	swait.ge [sflag:s28], $0x2800  }
0xc6: {  	[sflag:s28] =	ssyncset.done $0x0  }
0xc7: {  	[sflag:s28] =	ssyncadd.s32 $0xFFFFD800  }
0xc8: {  	_ =	sfence.sel $0x180000  }
0xc9: {  	[bflag:$0x0] =	sbarrier.arrive $0xFFFF  }
0xca: {  	_ =	strace $0x9000004A  }
0xcb: {  	s0 =	stileid.u32;
	[bflag:$0x2] =	sbarrier.arrive $0xFFFF  }
0xcc: {  	p0 =	sne.s32 s0, $0x0;
	s0 =	rddreg [dreg:$0x2]  }
0xcd: {  	s0 =	sadd.s32 @!p0 $0x100000, s0  }
0xce: {  	[sflag:s0] =	ssyncadd.tile.s32 @!p0 $0x1;
	_ =	shalt  }
.Lfunc_end2:
_tile_overlayer_lowered:
.L_overlay_start_2:
0xcf: {  	(tag) =	ssettag $0x2  }
0xd0: {  	s0 =	rddreg [dreg:$0x0];
	s2 =	stileid.u32  }
0xd1: {  	s1 =	rddreg [dreg:$0x1];
	p0 =	sne.s32 s2, $0x0  }
0xd2: {  	s3 =	rddreg [dreg:$0x2];
	[bflag:$0x3] =	sbarrier.arrive $0xFFFF;
	s2 =	simm.s32 @!p0 $0x1C03  }
0xd3: {  	[timem:s3], [sflag:s2] =	dma.local @!p0 [hbm:s0], s1  }
0xd4: {  	s0 =	simm.s32 @!p0 $0x3  }
0xd5: {  	_ =	swait.ge @!p0 [sflag:s0], s1  }
0xd6: {  	s1 =	ssub.s32 @!p0 $0x0, s1;
	[sflag:s0] =	ssyncset.done @!p0 $0x0  }
0xd7: {  	[sflag:s0] =	ssyncadd.s32 @!p0 s1  }
0xd8: {  	[bflag:$0x3] =	sbarrier.arrive $0xFFFF  }
0xd9: {  	_ =	shalt  }

// kernel: kernel.14.cloned.1.call-start
scs
__scs_entry_jumppad:
0x0: {  	(pc) =	sbr.rel $0x88, $3  }
0x1: {  	(tag) =	ssettag $0x0;
	lr =	simm.s32 $0x1  }
0x2: {  	[smem:$0x3F95] =	sst lr;
	_ =	strace $0xD0000000  }
0x3: {  	_ = 	snop  }
0x4: {  	_ = 	snop  }
0x5: {  	_ = 	snop  }
0x6: {  	_ = 	snop  }
0x7: {  	_ = 	snop  }
__scs_overlays_trampoline_lowered:
0x8: {  	[smem:$0x3FA4] =	sst s0  }
0x9: {  	[smem:$0x3FA5] =	sst s1  }
0xa: {  	[smem:$0x3FA6] =	sst s2  }
0xb: {  	[smem:$0x3FA7] =	sst s3  }
0xc: {  	[smem:$0x3FA8] =	sst s4  }
0xd: {  	[smem:$0x3FA9] =	sst s5  }
0xe: {  	[smem:$0x3FAA] =	sst s6  }
0xf: {  	[smem:$0x3FAB] =	sst s7  }
0x10: {  	[smem:$0x3FAC] =	sst s8  }
0x11: {  	[smem:$0x3FAD] =	sst s9;
	s0 =	simm.s32 @!p0 $0x0  }
0x12: {  	s1 =	sld [smem:$0x3F93];
	s0 =	simm.s32 @p0 $0x1  }
0x13: {  	[smem:$0x3FAE] =	sst s0;
	s0 =	simm.s32 @!p1 $0x0  }
0x14: {  	s2 =	sld [smem:$0x3F92];
	s0 =	simm.s32 @p1 $0x1  }
0x15: {  	[smem:$0x3FAF] =	sst s0;
	s0 =	simm.s32 @!p2 $0x0  }
0x16: {  	s3 =	sld [smem:$0x3FDB];
	s0 =	simm.s32 @p2 $0x1  }
0x17: {  	s4 =	simm.s32 $0x1BF5;
	[smem:$0x3FB1] =	sst s0  }
0x18: {  	s0 =	sld [smem:$0x3F94];
	_ =	swait.ge [sflag:s4], $0x0  }
0x19: {  	s7 =	sld [smem:$0x3F95]  }
0x1a: {  	s8 =	sadd.s32 $0xFFFFE003, lr  }
0x1b: {  	s9 =	sadd.s32 $0xFFFFFEF7, lr;
	s5 =	simm.s32 $0xFFFFFFFF;
	p2 =	slt.u32 s8, $0xFFFFF086  }
0x1c: {  	p1 =	slt.u32 s9, $0xF7A;
	s5 =	simm.s32 @!p2 $0x0  }
0x1d: {  	s5 =	simm.s32 @p1 $0x1;
	p0 =	seq.s32 s7, s2  }
0x1e: {  	s7 =	smul.u32 @!p0 $0xF7A, s2;
	p2 =	seq.s32 @!p0 s5, $0x0  }
0x1f: {  	s9 =	smul.u32 $0xF7A, s1;
	s8 =	simm.s32 @!p0 $0x1BF5;
	p2 =	por !p2, p0  }
0x20: {  	[sflag:s8] =	ssyncset.s32 @!p0 $0xFFFFF086;
	s6 =	sadd.s32 @!p0 s3, s7;
	s7 =	simm.s32 @!p0 $0x108  }
0x21: {  	s3 =	sadd.s32 s3, s9;
	s6 =	sadd.s32 @!p0 $0x88, s6;
	s7 =	simm.s32 @p2 $0x1082  }
0x22: {  	[simem:s7], [sflag:s8] =	dma.local @!p0 [hbm:s6], $0xF7A  }
0x23: {  	s9 =	sor.u32 $0xD0000000, s2;
	s6 =	simm.s32 $0x108;
	_ =	swait.ge @!p0 [sflag:s8], $0x0  }
0x24: {  	s3 =	sadd.s32 $0x88, s3;
	s6 =	simm.s32 @!p1 $0x1082;
	[sflag:s4] =	ssyncset.s32 $0xFFFFF086  }
0x25: {  	[simem:s6], [sflag:s4] =	dma.local [hbm:s3], $0xF7A  }
0x26: {  	[smem:$0x3F95] =	sst s1;
	(tag) =	ssettag s2;
	_ =	strace s9  }
0x27: {  	s1 =	sld [smem:$0x3FA5]  }
0x28: {  	s2 =	sld [smem:$0x3FA6]  }
0x29: {  	s4 =	sld [smem:$0x3FA8]  }
0x2a: {  	p0 =	seq.s32 s5, $0x0;
	s5 =	sld [smem:$0x3FA9]  }
0x2b: {  	s6 =	sld [smem:$0x3FAA]  }
0x2c: {  	s7 =	sld [smem:$0x3FAB]  }
0x2d: {  	s3 =	simm.s32 $0x108;
	s8 =	sld [smem:$0x3FAC]  }
0x2e: {  	s3 =	simm.s32 @!p0 $0x1082;
	s9 =	sld [smem:$0x3FAD]  }
0x2f: {  	lr =	sadd.s32 s0, s3;
	s0 =	sld [smem:$0x3FA4]  }
0x30: {  	s3 =	sld [smem:$0x3FA7]  }
0x31: {  	[smem:$0x3FB0] =	sst s10  }
0x32: {  	s10 =	sld [smem:$0x3FAE];
	_ =	sdelay $0x3  }
0x33: {  	p0 =	seq.s32 s10, $0x1;
	s10 =	sld [smem:$0x3FB0];
	_ =	sdelay $0x3  }
0x34: {  	[smem:$0x3FB0] =	sst s10  }
0x35: {  	s10 =	sld [smem:$0x3FAF];
	_ =	sdelay $0x3  }
0x36: {  	p1 =	seq.s32 s10, $0x1;
	s10 =	sld [smem:$0x3FB0];
	_ =	sdelay $0x3  }
0x37: {  	[smem:$0x3FB0] =	sst s10  }
0x38: {  	s10 =	sld [smem:$0x3FB1]  }
0x39: {  	_ = 	snop;
	(pc) =	sbr.ind lr, $3  }
0x3a: {  	_ = 	snop  }
0x3b: {  	_ = 	snop  }
0x3c: {  	p2 =	seq.s32 s10, $0x1;
	s10 =	sld [smem:$0x3FB0]  }
0x3d: {  	_ =	shalt  }
0x3e: {  	_ =	shalt  }
0x3f: {  	_ =	shalt  }
0x40: {  	_ =	shalt  }
0x41: {  	_ =	shalt  }
0x42: {  	_ =	shalt  }
0x43: {  	_ =	shalt  }
0x44: {  	_ =	shalt  }
0x45: {  	_ =	shalt  }
0x46: {  	_ =	shalt  }
0x47: {  	_ =	shalt  }
0x48: {  	_ =	shalt  }
0x49: {  	_ =	shalt  }
0x4a: {  	_ =	shalt  }
0x4b: {  	_ =	shalt  }
0x4c: {  	_ =	shalt  }
0x4d: {  	_ =	shalt  }
0x4e: {  	_ =	shalt  }
0x4f: {  	_ =	shalt  }
0x50: {  	_ =	shalt  }
0x51: {  	_ =	shalt  }
0x52: {  	_ =	shalt  }
0x53: {  	_ =	shalt  }
0x54: {  	_ =	shalt  }
0x55: {  	_ =	shalt  }
0x56: {  	_ =	shalt  }
0x57: {  	_ =	shalt  }
0x58: {  	_ =	shalt  }
0x59: {  	_ =	shalt  }
0x5a: {  	_ =	shalt  }
0x5b: {  	_ =	shalt  }
0x5c: {  	_ =	shalt  }
0x5d: {  	_ =	shalt  }
0x5e: {  	_ =	shalt  }
0x5f: {  	_ =	shalt  }
0x60: {  	_ =	shalt  }
0x61: {  	_ =	shalt  }
0x62: {  	_ =	shalt  }
0x63: {  	_ =	shalt  }
0x64: {  	_ =	shalt  }
0x65: {  	_ =	shalt  }
0x66: {  	_ =	shalt  }
0x67: {  	_ =	shalt  }
0x68: {  	_ =	shalt  }
0x69: {  	_ =	shalt  }
0x6a: {  	_ =	shalt  }
0x6b: {  	_ =	shalt  }
0x6c: {  	_ =	shalt  }
0x6d: {  	_ =	shalt  }
0x6e: {  	_ =	shalt  }
0x6f: {  	_ =	shalt  }
0x70: {  	_ =	shalt  }
0x71: {  	_ =	shalt  }
0x72: {  	_ =	shalt  }
0x73: {  	_ =	shalt  }
0x74: {  	_ =	shalt  }
0x75: {  	_ =	shalt  }
0x76: {  	_ =	shalt  }
0x77: {  	_ =	shalt  }
0x78: {  	_ =	shalt  }
0x79: {  	_ =	shalt  }
0x7a: {  	_ =	shalt  }
0x7b: {  	_ =	shalt  }
0x7c: {  	_ =	shalt  }
0x7d: {  	_ =	shalt  }
0x7e: {  	_ =	shalt  }
0x7f: {  	_ =	shalt  }
0x80: {  	_ =	shalt  }
0x81: {  	_ =	shalt  }
0x82: {  	_ =	shalt  }
0x83: {  	_ =	shalt  }
0x84: {  	_ =	shalt  }
0x85: {  	_ =	shalt  }
0x86: {  	_ =	shalt  }
0x87: {  	_ =	shalt  }
.Lfunc_end0:
.L_simem_size_0:
called_computation.2_lowered:
.L_overlay_start_0:
0x88: {  	s2 =	sld [smem:$0x3FD9]  }
0x89: {  	s3 =	sld [smem:$0x3FFE];
	_ =	sdelay $0x1  }
0x8a: {  	s1 =	srdreg.scid  }
0x8b: {  	s0 =	sand.u32 $0x1, s1  }
0x8c: {  	s16 =	sshll.u32 s0, $0xA;
	s2 =	sadd.s32 s3, s2  }
0x8d: {  	s2 =	sadd.s32 s2, s16  }
0x8e: {  	[smem:$0x3FBC] =	sst s2  }
0x8f: {  	_ = 	snop  }
0x90: {  	(tm) =	ssettm $0x1  }
0x91: {  	s17 =	sld [smem:$0x3FFB];
	_ =	sdelay $0x3  }
0x92: {  	_ =	strace s17  }
0x93: {  	s2 =	sld [smem:$0x3FFC];
	_ =	sdelay $0x3  }
0x94: {  	_ =	strace s2  }
0x95: {  	s2 =	sld [smem:$0x3FFD];
	_ =	sdelay $0x3  }
0x96: {  	_ =	strace s2  }
0x97: {  	_ =	strace $0x8FFFFFFF  }
0x98: {  	s18 =	sld [smem:$0x3FDB];
	_ =	sdelay $0x1  }
0x99: {  	s19 =	simm.s32 $_scs_section_size  }
0x9a: {  	s4 =	simm.s32 $_size__tile_overlayer_lowered;
	s5 =	simm.s32 $_tile_overlayer_lowered  }
0x9b: {  	s22 =	simm.s32 $0x1BFF;
	s21 =	sshll.u32 s5, $0x1;
	s2 =	sadd.s32 s19, s18  }
0x9c: {  	s6 =	simm.s32 $0x0;
	s20 =	sshll.u32 s4, $0x1;
	s4 =	sadd.s32 s21, s2  }
0x9d: {  	[timem:s6], [sflag:s22] =	dma.local [hbm:s4], s20  }
0x9e: {  	_ =	swait.ge [sflag:s22], s20  }
0x9f: {  	s3 =	ssub.s32 $0x0, s20;
	[sflag:s22] =	ssyncset.done $0x0  }
0xa0: {  	[sflag:s22] =	ssyncadd.s32 s3;
	_ =	sdelay $0x1  }
0xa1: {  	s23 =	simm.s32 $0x1B8B  }
0xa2: {  	_ =	swait.ge [sflag:s23], $0x1  }
0xa3: {  	[sflag:s23] =	ssyncset.done $0x0  }
0xa4: {  	s25 =	simm.s32 $0x1B8E;
	s24 =	sld [smem:$0x3FFE];
	[sflag:s23] =	ssyncadd.s32 $0xFFFFFFFF  }
0xa5: {  	s26 =	simm.s32 $execute0_lowered;
	[smem:$0x3FD2] =	sst s25  }
0xa6: {  	s4 =	sshll.u32 s26, $0x1;
	_ =	strace $0x8000004C;
	[dreg:$0x1] =	wrdreg $0xFFFFFFFF  }
0xa7: {  	s28 =	simm.s32 $_size_execute0_lowered;
	s2 =	sadd.s32 s2, s4;
	[dreg:$0x0] =	wrdreg $0x0  }
0xa8: {  	s4 =	sshll.u32 s28, $0x1;
	[dreg:$0x2] =	wrdreg s2  }
0xa9: {  	[dreg:$0x3] =	wrdreg s4  }
0xaa: {  	[dreg:$0x4] =	wrdreg $0xC0  }
0xab: {  	_ =	task [dreg:s6], $0x5FFFF  }
0xac: {  	[dreg:$0x1] =	wrdreg $0xFFFFFFFF  }
0xad: {  	[dreg:$0x0] =	wrdreg $0x60  }
0xae: {  	[dreg:$0x2] =	wrdreg s24  }
0xaf: {  	[dreg:$0x3] =	wrdreg $0x70000  }
0xb0: {  	[dreg:$0x4] =	wrdreg $0x9  }
0xb1: {  	_ =	task.clear_ibuf [dreg:s6], $0x5FFFF;
	_ =	strace $0x9000004C  }
0xb2: {  	s29 =	simm.s32 $0x9;
	_ =	strace $0x8000004E  }
0xb3: {  	_ =	swait.ge [sflag:s29], $0x1  }
0xb4: {  	[sflag:s29] =	ssyncadd.s32 $0xFFFFFFFF  }
0xb5: {  	_ =	strace $0x9000004E  }
0xb6: {  	_ =	sfence  }
0xb7: {  	s30 =	sld [smem:$0x0];
	_ =	sdelay $0x2  }
0xb8: {  	s31 =	sshll.u32 s1, $0xD;
	s1 =	sshrl.u32 s1, $0x2  }
0xb9: {  	s3 =	sand.u32 $0x4000, s31;
	s1 =	sadd.s32 s1, s30  }
0xba: {  	s0 =	sor.u32 s3, s0;
	s1 =	sshll.u32 s1, $0x11  }
0xbb: {  	s0 =	sor.u32 s1, s0  }
0xbc: {  	s0 =	sadd.s32 $0x8F2B, s0  }
0xbd: {  	[sflag:s0] =	ssyncadd.remote.s32 $0x1  }
0xbe: {  	_ =	sfence.sel $0xFFFF  }
0xbf: {  	[dreg:$0x0] =	wrdreg $0xFFFFFFFF;
	(pc) =	sbr.abs _section_cstart, $3  }
0xc0: {  	[dreg:$0x1] =	wrdreg $0xFFFFFFFF  }
0xc1: {  	_ =	task.clear_ibuf [dreg:s6], $0x2FFFF;
	_ =	strace $0x9FFFFFFF  }
0xc2: {  	(tm) =	ssettm $0x7FFFFFFF  }
0xc3: {  	_ =	shalt  }
tec
execute0_lowered:
.L_overlay_start_1:
0x0: {  	(tag) =	ssettag $0x1  }
0x1: {  	s0 =	rddreg [dreg:$0x0]  }
0x2: {  	s1 =	rddreg [dreg:$0x1];
	s2 =	simm.s32 $0x0;
	s3 =	srdreg.scid  }
0x3: {  	s16 =	stileid.u32;
	s28 =	simm.s32 $0x3;
	s29 =	simm.s32 $0x50  }
0x4: {  	s30 =	simm.s32 $0x1;
	s31 =	simm.s32 $0x1C00;
	[smem:$0x7FF] =	sst s2  }
0x5: {  	s3 =	sand.u32 $0x1, s3;
	s4 =	sadd.s32 $0x2C400, s0;
	s5 =	sadd.s32 $0x18400, s0  }
0x6: {  	s8 =	smul.u32 $0x14000, s16;
	s9 =	sadd.s32 $0x54A00, s0;
	s6 =	ssub.s32 $0x2, s3  }
0x7: {  	_ =	strace $0x8000004D;
	s12 =	smul.u32 $0x140000, s3;
	s7 =	sshrl.u32 s6, $0x1  }
0x8: {  	s10 =	sor.u32 $0x2800, s8;
	s11 =	sadd.s32 $0x5000, s8;
	s19 =	sadd.s32 $0x7800, s8  }
0x9: {  	s20 =	sadd.s32 $0xA000, s8;
	s21 =	sadd.s32 $0xC800, s8;
	s22 =	sadd.s32 $0xF000, s8  }
0xa: {  	s6 =	ssub.s32 s6, s7;
	s7 =	smul.u32 $0x50000, s16;
	s13 =	sadd.s32 s8, s12  }
0xb: {  	s14 =	sadd.s32 s12, s10;
	s8 =	sadd.s32 $0x11800, s8;
	s23 =	sadd.s32 s12, s11  }
0xc: {  	s24 =	sadd.s32 s12, s19;
	s15 =	sadd.s32 s12, s20;
	s17 =	sadd.s32 s12, s22  }
0xd: {  	s19 =	sadd.s32 s19, s1;
	s20 =	sadd.s32 s20, s1;
	s22 =	sadd.s32 s22, s1  }
0xe: {  	s13 =	sshrl.u32 s13, $0x3;
	s14 =	sshrl.u32 s14, $0x3;
	s25 =	sshrl.u32 s24, $0x3  }
0xf: {  	s26 =	sshrl.u32 s15, $0x3;
	s15 =	sadd.s32 s12, s21;
	s13 =	sadd.s32 s9, s13  }
0x10: {  	s12 =	sadd.s32 s12, s8;
	s18 =	sadd.s32 s9, s14;
	[dreg:$0x3] =	wrdreg s13  }
0x11: {  	s21 =	sadd.s32 s21, s1;
	s14 =	sadd.s32 s9, s26;
	[dreg:$0x4] =	wrdreg s18  }
0x12: {  	s26 =	sshrl.u32 s7, $0x2;
	s13 =	sshrl.u32 s23, $0x3;
	[dreg:$0x7] =	wrdreg s14  }
0x13: {  	s18 =	sshrl.u32 s17, $0x3;
	s14 =	sadd.s32 $0x4400, s0;
	s0 =	sadd.s32 $0x54400, s0  }
0x14: {  	s23 =	sshrl.u32 s12, $0x3;
	s13 =	sadd.s32 s9, s13;
	[dreg:$0xb] =	wrdreg s0  }
0x15: {  	s17 =	sadd.s32 s10, s1;
	s24 =	sadd.s32 s9, s18;
	[dreg:$0x5] =	wrdreg s13  }
0x16: {  	s18 =	sadd.s32 s11, s1;
	s13 =	sadd.s32 s9, s25;
	[dreg:$0x9] =	wrdreg s24  }
0x17: {  	s25 =	sshll.u32 s3, $0x4;
	s3 =	simm.s32 $0x0;
	[dreg:$0x6] =	wrdreg s13  }
0x18: {  	s13 =	sshrl.u32 s15, $0x3;
	s0 =	sor.u32 s16, s25;
	s16 =	sadd.s32 s26, s1  }
0x19: {  	s25 =	smax.u32 s6, $0x1;
	s26 =	simm.s32 $0x2000;
	s13 =	sadd.s32 s9, s13  }
0x1a: {  	s9 =	sadd.s32 s9, s23;
	s23 =	sadd.s32 s8, s1;
	[dreg:$0x8] =	wrdreg s13  }
0x1b: {  	s24 =	smul.u32 $0x5000, s0;
	s0 =	simm.s32 $0x4;
	[dreg:$0xa] =	wrdreg s9  }
.LBB2_1:
0x1c: {  	s6 =	rddreg [dreg:$0xb]  }
0x1d: {  	[tilespmem:s26], [sflag:$0x3] =	stream.linear.gather [hbm4b:s6+s2], $0x2800, $0x38;
	[tilespmem:$0x1B000] =	vst v63  }
0x1e: {  	_ =	swait.ge [sflag:s28], $0x2800  }
0x1f: {  	[sflag:s28] =	ssyncset.done $0x0  }
0x20: {  	[sflag:s28] =	ssyncadd.s32 $0xFFFFD800  }
0x21: {  	[spmem:s16] =	stream.linear.scatter [tilespmem:s26], [sflag:$0x3], $0x2800, $0x38;
	[tilespmem:$0x1B000] =	vst v63  }
0x22: {  	_ =	swait.ge [sflag:s28], $0x2800  }
0x23: {  	[sflag:s28] =	ssyncset.done $0x0  }
0x24: {  	[sflag:s28] =	ssyncadd.s32 $0xFFFFD800  }
0x25: {  	[spmem:s17] =	stream.linear.scatter [tilespmem:s26], [sflag:$0x3], $0x2800, $0x38;
	[tilespmem:$0x1B000] =	vst v63  }
0x26: {  	_ =	swait.ge [sflag:s28], $0x2800  }
0x27: {  	[sflag:s28] =	ssyncset.done $0x0  }
0x28: {  	[sflag:s28] =	ssyncadd.s32 $0xFFFFD800  }
0x29: {  	[spmem:s18] =	stream.linear.scatter [tilespmem:s26], [sflag:$0x3], $0x2800, $0x38;
	[tilespmem:$0x1B000] =	vst v63  }
0x2a: {  	_ =	swait.ge [sflag:s28], $0x2800  }
0x2b: {  	[sflag:s28] =	ssyncset.done $0x0  }
0x2c: {  	[sflag:s28] =	ssyncadd.s32 $0xFFFFD800  }
0x2d: {  	[spmem:s19] =	stream.linear.scatter [tilespmem:s26], [sflag:$0x3], $0x2800, $0x38;
	[tilespmem:$0x1B000] =	vst v63  }
0x2e: {  	_ =	swait.ge [sflag:s28], $0x2800  }
0x2f: {  	[sflag:s28] =	ssyncset.done $0x0  }
0x30: {  	[sflag:s28] =	ssyncadd.s32 $0xFFFFD800  }
0x31: {  	[spmem:s20] =	stream.linear.scatter [tilespmem:s26], [sflag:$0x3], $0x2800, $0x38;
	[tilespmem:$0x1B000] =	vst v63  }
0x32: {  	_ =	swait.ge [sflag:s28], $0x2800  }
0x33: {  	[sflag:s28] =	ssyncset.done $0x0  }
0x34: {  	[sflag:s28] =	ssyncadd.s32 $0xFFFFD800  }
0x35: {  	[spmem:s21] =	stream.linear.scatter [tilespmem:s26], [sflag:$0x3], $0x2800, $0x38;
	[tilespmem:$0x1B000] =	vst v63  }
0x36: {  	_ =	swait.ge [sflag:s28], $0x2800  }
0x37: {  	[sflag:s28] =	ssyncset.done $0x0  }
0x38: {  	[sflag:s28] =	ssyncadd.s32 $0xFFFFD800  }
0x39: {  	[spmem:s22] =	stream.linear.scatter [tilespmem:s26], [sflag:$0x3], $0x2800, $0x38;
	[tilespmem:$0x1B000] =	vst v63  }
0x3a: {  	_ =	swait.ge [sflag:s28], $0x2800  }
0x3b: {  	[sflag:s28] =	ssyncset.done $0x0  }
0x3c: {  	[sflag:s28] =	ssyncadd.s32 $0xFFFFD800  }
0x3d: {  	[spmem:s23] =	stream.linear.scatter [tilespmem:s26], [sflag:$0x3], $0x2800, $0x38;
	[tilespmem:$0x1B000] =	vst v63  }
0x3e: {  	_ =	swait.ge [sflag:s28], $0x2800  }
0x3f: {  	[sflag:s28] =	ssyncset.done $0x0  }
0x40: {  	[sflag:s28] =	ssyncadd.s32 $0xFFFFD800  }
0x41: {  	s6 =	simm.s32 $0x0;
	[bflag:$0x0] =	sbarrier.arrive $0xFFFF  }
.LBB2_2:
0x42: {  	s7 =	sshll.u32 s6, $0xC  }
0x43: {  	s7 =	sadd.s32 s24, s7  }
0x44: {  	s7 =	sshrl.u32 s7, $0x3  }
0x45: {  	s9 =	simm.s32 $0x0;
	s8 =	sadd.s32 s5, s7  }
0x46: {  	[tilespmem:s9], [sflag:$0x3] =	stream.linear.gather [hbm4b:s8+s9], $0xC80, $0x38;
	[tilespmem:$0x1B000] =	vst v63  }
0x47: {  	_ =	swait.ge [sflag:s28], $0xC80  }
0x48: {  	[sflag:s28] =	ssyncset.done $0x0  }
0x49: {  	s7 =	sadd.s32 s14, s7;
	s8 =	simm.s32 $0x1000;
	[sflag:s28] =	ssyncadd.s32 $0xFFFFF380  }
0x4a: {  	[tilespmem:s8], [sflag:$0x3] =	stream.linear.gather [hbm4b:s7+s9], $0xC80, $0x38;
	[tilespmem:$0x1B000] =	vst v63  }
0x4b: {  	s13 =	sand.u32 $0x1, s9;
	_ =	swait.ge [sflag:s28], $0xC80  }
0x4c: {  	p0 =	seq.s32 s13, $0x1;
	[sflag:s28] =	ssyncset.done $0x0  }
0x4d: {  	s7 =	simm.s32 @p0 $0x2;
	[sflag:s28] =	ssyncadd.s32 $0xFFFFF380  }
0x4e: {  	[tilespmem:s26], [sflag:$0x1] =	stream.indirect.gather [hbm4b:s4+s29], $0x80, s9, s29, $0xb8;
	[tilespmem:$0x1B000] =	vst v63  }
0x4f: {  	_ =	swait.ge @p0 [sflag:s7], $0x2800  }
0x50: {  	s10 =	simm.s32 $0x80;
	[sflag:s7] =	ssyncset.done @p0 $0x0  }
0x51: {  	s9 =	simm.s32 @p0 $0x2000;
	[sflag:s7] =	ssyncadd.s32 @p0 $0xFFFFD800;
	s7 =	simm.s32 @p0 $0x50  }
0x52: {  	[tilespmem:s9], [sflag:$0x1] =	stream.indirect.gather @p0 [hbm4b:s4+s7], $0x80, s10, s7, $0xb8;
	[tilespmem:$0x1B000] =	vst v63  }
0x53: {  	s11 =	simm.s32 @!p0 $0x1;
	s9 =	simm.s32 @p0 $0x4800  }
0x54: {  	[spmem:s1] =	stream.indirect.scatter.add.f32 @p0 [tilespmem:s9], [sflag:$0x3], $0x80, s8, s7, $0xb8;
	[tilespmem:$0x1B000] =	vst v63  }
0x55: {  	_ =	swait.ge @!p0 [sflag:s11], $0x2800  }
0x56: {  	s9 =	simm.s32 @!p0 $0x4;
	[sflag:s11] =	ssyncset.done @!p0 $0x0  }
0x57: {  	s7 =	simm.s32 @!p0 $0x50;
	[sflag:s11] =	ssyncadd.s32 @!p0 $0xFFFFD800;
	s11 =	simm.s32 @!p0 $0x4800  }
0x58: {  	[tilespmem:s11], [sflag:$0x2] =	stream.indirect.gather @!p0 [hbm4b:s4+s7], $0x80, s10, s7, $0xb8;
	[tilespmem:$0x1B000] =	vst v63  }
0x59: {  	s15 =	simm.s32 $0x1;
	s9 =	simm.s32 @p0 $0x3;
	s10 =	simm.s32 @!p0 $0x2000  }
0x5a: {  	[spmem:s1] =	stream.indirect.scatter.add.f32 @!p0 [tilespmem:s10], [sflag:$0x4], $0x80, s8, s7, $0xb8;
	[tilespmem:$0x1B000] =	vst v63  }
0x5b: {  	s11 =	sand.u32 $0x1, s15;
	s10 =	simm.s32 $0x2;
	_ =	swait.ge [sflag:s9], $0x2800  }
0x5c: {  	s7 =	simm.s32 $0x100;
	s8 =	simm.s32 $0x1080;
	[sflag:s9] =	ssyncset.done $0x0  }
.LBB2_3:
0x5d: {  	p1 =	seq.s32 s11, $0x1  }
0x5e: {  	[sflag:s9] =	ssyncadd.s32 $0xFFFFD800;
	s11 =	smov.u32 s10;
	s10 =	sadd.s32 $0x1, s10  }
0x5f: {  	p0 =	sne.s32 s10, $0x18;
	s12 =	simm.s32 @p1 $0x2;
	s9 =	simm.s32 @!p1 $0x4  }
0x60: {  	_ =	swait.ge @p1 [sflag:s12], $0x2800  }
0x61: {  	[sflag:s12] =	ssyncset.done @p1 $0x0  }
0x62: {  	s13 =	simm.s32 @p1 $0x2000;
	[sflag:s12] =	ssyncadd.s32 @p1 $0xFFFFD800;
	s12 =	simm.s32 @p1 $0x50  }
0x63: {  	[tilespmem:s13], [sflag:$0x1] =	stream.indirect.gather @p1 [hbm4b:s4+s12], $0x80, s7, s12, $0xb8;
	[tilespmem:$0x1B000] =	vst v63  }
0x64: {  	s15 =	simm.s32 @!p1 $0x1;
	s13 =	simm.s32 @p1 $0x4800  }
0x65: {  	[spmem:s1] =	stream.indirect.scatter.add.f32 @p1 [tilespmem:s13], [sflag:$0x3], $0x80, s8, s12, $0xb8;
	[tilespmem:$0x1B000] =	vst v63  }
0x66: {  	_ =	swait.ge @!p1 [sflag:s15], $0x2800  }
0x67: {  	[sflag:s15] =	ssyncset.done @!p1 $0x0  }
0x68: {  	s12 =	simm.s32 @!p1 $0x50;
	s13 =	simm.s32 @!p1 $0x4800;
	[sflag:s15] =	ssyncadd.s32 @!p1 $0xFFFFD800  }
0x69: {  	[tilespmem:s13], [sflag:$0x2] =	stream.indirect.gather @!p1 [hbm4b:s4+s12], $0x80, s7, s12, $0xb8;
	[tilespmem:$0x1B000] =	vst v63  }
.Ltmp0:
0x6a: {  	_ = 	snop;
	(pc) =	sbr.rel @p0 .LBB2_3-.Ltmp0, $4  }
0x6b: {  	s9 =	simm.s32 @p1 $0x3;
	s13 =	simm.s32 @!p1 $0x2000  }
0x6c: {  	[spmem:s1] =	stream.indirect.scatter.add.f32 @!p1 [tilespmem:s13], [sflag:$0x4], $0x80, s8, s12, $0xb8;
	[tilespmem:$0x1B000] =	vst v63  }
0x6d: {  	s7 =	sadd.s32 $0x80, s7;
	_ =	swait.ge [sflag:s9], $0x2800  }
0x6e: {  	s11 =	sand.u32 $0x1, s11;
	s8 =	sadd.s32 $0x80, s8;
	[sflag:s9] =	ssyncset.done $0x0  }
0x6f: {  	p0 =	seq.s32 s11, $0x1  }
0x70: {  	[sflag:s9] =	ssyncadd.s32 $0xFFFFD800;
	s9 =	simm.s32 @p0 $0x2  }
0x71: {  	_ =	swait.ge @p0 [sflag:s9], $0x2800  }
0x72: {  	[sflag:s9] =	ssyncset.done @p0 $0x0  }
0x73: {  	s10 =	simm.s32 @p0 $0x2000;
	[sflag:s9] =	ssyncadd.s32 @p0 $0xFFFFD800;
	s9 =	simm.s32 @p0 $0x50  }
0x74: {  	[tilespmem:s10], [sflag:$0x1] =	stream.indirect.gather @p0 [hbm4b:s4+s9], $0x80, s7, s9, $0xb8;
	[tilespmem:$0x1B000] =	vst v63  }
0x75: {  	s11 =	simm.s32 @!p0 $0x1;
	s10 =	simm.s32 @p0 $0x4800  }
0x76: {  	[spmem:s1] =	stream.indirect.scatter.add.f32 @p0 [tilespmem:s10], [sflag:$0x3], $0x80, s8, s9, $0xb8;
	[tilespmem:$0x1B000] =	vst v63  }
0x77: {  	_ =	swait.ge @!p0 [sflag:s11], $0x2800  }
0x78: {  	s9 =	simm.s32 @!p0 $0x4;
	[sflag:s11] =	ssyncset.done @!p0 $0x0  }
0x79: {  	s10 =	simm.s32 @!p0 $0x50;
	[sflag:s11] =	ssyncadd.s32 @!p0 $0xFFFFD800;
	s11 =	simm.s32 @!p0 $0x4800  }
0x7a: {  	[tilespmem:s11], [sflag:$0x2] =	stream.indirect.gather @!p0 [hbm4b:s4+s10], $0x80, s7, s10, $0xb8;
	[tilespmem:$0x1B000] =	vst v63  }
0x7b: {  	s9 =	simm.s32 @p0 $0x3;
	s7 =	simm.s32 @!p0 $0x2000  }
0x7c: {  	[spmem:s1] =	stream.indirect.scatter.add.f32 @!p0 [tilespmem:s7], [sflag:$0x4], $0x80, s8, s10, $0xb8;
	[tilespmem:$0x1B000] =	vst v63  }
0x7d: {  	_ =	swait.ge [sflag:s9], $0x2800  }
0x7e: {  	[sflag:s9] =	ssyncset.done $0x0  }
0x7f: {  	[sflag:s9] =	ssyncadd.s32 $0xFFFFD800  }
0x80: {  	s6 =	sadd.s32 $0x1, s6;
	_ =	swait.ge [sflag:s30], $0x2800  }
0x81: {  	p0 =	sne.s32 s6, $0x5;
	[sflag:s30] =	ssyncset.done $0x0  }
.Ltmp1:
0x82: {  	[sflag:s30] =	ssyncadd.s32 $0xFFFFD800;
	(pc) =	sbr.rel @p0 .LBB2_2-.Ltmp1, $4  }
0x83: {  	[spmem:s1] =	stream.indirect.scatter.add.f32 [tilespmem:s26], [sflag:$0x4], $0x80, s31, s29, $0xb8;
	[tilespmem:$0x1B000] =	vst v63  }
0x84: {  	_ =	swait.ge [sflag:s0], $0x2800  }
0x85: {  	[sflag:s0] =	ssyncset.done $0x0  }
0x86: {  	[sflag:s0] =	ssyncadd.s32 $0xFFFFD800  }
0x87: {  	[bflag:$0x0] =	sbarrier.arrive $0xFFFF  }
0x88: {  	[tilespmem:s26], [sflag:$0x3] =	stream.linear.gather [spmem:s16], $0x2800, $0x38;
	[tilespmem:$0x1B000] =	vst v63  }
0x89: {  	_ =	swait.ge [sflag:s28], $0x2800  }
0x8a: {  	[sflag:s28] =	ssyncset.done $0x0  }
0x8b: {  	s6 =	rddreg [dreg:$0x3];
	[sflag:s28] =	ssyncadd.s32 $0xFFFFD800  }
0x8c: {  	[hbm4b:s6+s2] =	stream.linear.scatter [tilespmem:s26], [sflag:$0x3], $0x2800, $0x38;
	[tilespmem:$0x1B000] =	vst v63  }
0x8d: {  	_ =	swait.ge [sflag:s28], $0x2800  }
0x8e: {  	[sflag:s28] =	ssyncset.done $0x0  }
0x8f: {  	[sflag:s28] =	ssyncadd.s32 $0xFFFFD800  }
0x90: {  	[tilespmem:s26], [sflag:$0x3] =	stream.linear.gather [spmem:s17], $0x2800, $0x38;
	[tilespmem:$0x1B000] =	vst v63  }
0x91: {  	_ =	swait.ge [sflag:s28], $0x2800  }
0x92: {  	[sflag:s28] =	ssyncset.done $0x0  }
0x93: {  	s8 =	rddreg [dreg:$0x4];
	[sflag:s28] =	ssyncadd.s32 $0xFFFFD800  }
0x94: {  	[hbm4b:s8+s2] =	stream.linear.scatter [tilespmem:s26], [sflag:$0x3], $0x2800, $0x38;
	[tilespmem:$0x1B000] =	vst v63  }
0x95: {  	_ =	swait.ge [sflag:s28], $0x2800  }
0x96: {  	[sflag:s28] =	ssyncset.done $0x0  }
0x97: {  	[sflag:s28] =	ssyncadd.s32 $0xFFFFD800  }
0x98: {  	[tilespmem:s26], [sflag:$0x3] =	stream.linear.gather [spmem:s18], $0x2800, $0x38;
	[tilespmem:$0x1B000] =	vst v63  }
0x99: {  	_ =	swait.ge [sflag:s28], $0x2800  }
0x9a: {  	[sflag:s28] =	ssyncset.done $0x0  }
0x9b: {  	s9 =	rddreg [dreg:$0x5];
	[sflag:s28] =	ssyncadd.s32 $0xFFFFD800  }
0x9c: {  	[hbm4b:s9+s2] =	stream.linear.scatter [tilespmem:s26], [sflag:$0x3], $0x2800, $0x38;
	[tilespmem:$0x1B000] =	vst v63  }
0x9d: {  	_ =	swait.ge [sflag:s28], $0x2800  }
0x9e: {  	[sflag:s28] =	ssyncset.done $0x0  }
0x9f: {  	[sflag:s28] =	ssyncadd.s32 $0xFFFFD800  }
0xa0: {  	[tilespmem:s26], [sflag:$0x3] =	stream.linear.gather [spmem:s19], $0x2800, $0x38;
	[tilespmem:$0x1B000] =	vst v63  }
0xa1: {  	_ =	swait.ge [sflag:s28], $0x2800  }
0xa2: {  	[sflag:s28] =	ssyncset.done $0x0  }
0xa3: {  	s10 =	rddreg [dreg:$0x6];
	[sflag:s28] =	ssyncadd.s32 $0xFFFFD800  }
0xa4: {  	[hbm4b:s10+s2] =	stream.linear.scatter [tilespmem:s26], [sflag:$0x3], $0x2800, $0x38;
	[tilespmem:$0x1B000] =	vst v63  }
0xa5: {  	_ =	swait.ge [sflag:s28], $0x2800  }
0xa6: {  	[sflag:s28] =	ssyncset.done $0x0  }
0xa7: {  	[sflag:s28] =	ssyncadd.s32 $0xFFFFD800  }
0xa8: {  	[tilespmem:s26], [sflag:$0x3] =	stream.linear.gather [spmem:s20], $0x2800, $0x38;
	[tilespmem:$0x1B000] =	vst v63  }
0xa9: {  	_ =	swait.ge [sflag:s28], $0x2800  }
0xaa: {  	[sflag:s28] =	ssyncset.done $0x0  }
0xab: {  	s11 =	rddreg [dreg:$0x7];
	[sflag:s28] =	ssyncadd.s32 $0xFFFFD800  }
0xac: {  	[hbm4b:s11+s2] =	stream.linear.scatter [tilespmem:s26], [sflag:$0x3], $0x2800, $0x38;
	[tilespmem:$0x1B000] =	vst v63  }
0xad: {  	_ =	swait.ge [sflag:s28], $0x2800  }
0xae: {  	[sflag:s28] =	ssyncset.done $0x0  }
0xaf: {  	[sflag:s28] =	ssyncadd.s32 $0xFFFFD800  }
0xb0: {  	[tilespmem:s26], [sflag:$0x3] =	stream.linear.gather [spmem:s21], $0x2800, $0x38;
	[tilespmem:$0x1B000] =	vst v63  }
0xb1: {  	_ =	swait.ge [sflag:s28], $0x2800  }
0xb2: {  	[sflag:s28] =	ssyncset.done $0x0  }
0xb3: {  	s12 =	rddreg [dreg:$0x8];
	[sflag:s28] =	ssyncadd.s32 $0xFFFFD800  }
0xb4: {  	[hbm4b:s12+s2] =	stream.linear.scatter [tilespmem:s26], [sflag:$0x3], $0x2800, $0x38;
	[tilespmem:$0x1B000] =	vst v63  }
0xb5: {  	_ =	swait.ge [sflag:s28], $0x2800  }
0xb6: {  	[sflag:s28] =	ssyncset.done $0x0  }
0xb7: {  	[sflag:s28] =	ssyncadd.s32 $0xFFFFD800  }
0xb8: {  	[tilespmem:s26], [sflag:$0x3] =	stream.linear.gather [spmem:s22], $0x2800, $0x38;
	[tilespmem:$0x1B000] =	vst v63  }
0xb9: {  	_ =	swait.ge [sflag:s28], $0x2800  }
0xba: {  	[sflag:s28] =	ssyncset.done $0x0  }
0xbb: {  	s13 =	rddreg [dreg:$0x9];
	[sflag:s28] =	ssyncadd.s32 $0xFFFFD800  }
0xbc: {  	[hbm4b:s13+s2] =	stream.linear.scatter [tilespmem:s26], [sflag:$0x3], $0x2800, $0x38;
	[tilespmem:$0x1B000] =	vst v63  }
0xbd: {  	_ =	swait.ge [sflag:s28], $0x2800  }
0xbe: {  	[sflag:s28] =	ssyncset.done $0x0  }
0xbf: {  	[sflag:s28] =	ssyncadd.s32 $0xFFFFD800  }
0xc0: {  	[tilespmem:s26], [sflag:$0x3] =	stream.linear.gather [spmem:s23], $0x2800, $0x38;
	[tilespmem:$0x1B000] =	vst v63  }
0xc1: {  	s3 =	sadd.s32 $0x1, s3;
	_ =	swait.ge [sflag:s28], $0x2800  }
0xc2: {  	p0 =	sne.s32 s3, s25;
	[sflag:s28] =	ssyncset.done $0x0  }
.Ltmp2:
0xc3: {  	s15 =	rddreg [dreg:$0xa];
	[sflag:s28] =	ssyncadd.s32 $0xFFFFD800;
	(pc) =	sbr.rel @p0 .LBB2_1-.Ltmp2, $4  }
0xc4: {  	[hbm4b:s15+s2] =	stream.linear.scatter [tilespmem:s26], [sflag:$0x3], $0x2800, $0x38;
	[tilespmem:$0x1B000] =	vst v63  }
0xc5: {  	_ =	swait.ge [sflag:s28], $0x2800  }
0xc6: {  	[sflag:s28] =	ssyncset.done $0x0  }
0xc7: {  	[sflag:s28] =	ssyncadd.s32 $0xFFFFD800  }
0xc8: {  	_ =	sfence.sel $0x180000  }
0xc9: {  	[bflag:$0x0] =	sbarrier.arrive $0xFFFF  }
0xca: {  	_ =	strace $0x9000004D  }
0xcb: {  	s0 =	stileid.u32;
	[bflag:$0x2] =	sbarrier.arrive $0xFFFF  }
0xcc: {  	p0 =	sne.s32 s0, $0x0;
	s0 =	rddreg [dreg:$0x2]  }
0xcd: {  	s0 =	sadd.s32 @!p0 $0x100000, s0  }
0xce: {  	[sflag:s0] =	ssyncadd.tile.s32 @!p0 $0x1;
	_ =	shalt  }
.Lfunc_end2:
_tile_overlayer_lowered:
.L_overlay_start_2:
0xcf: {  	(tag) =	ssettag $0x2  }
0xd0: {  	s0 =	rddreg [dreg:$0x0];
	s2 =	stileid.u32  }
0xd1: {  	s1 =	rddreg [dreg:$0x1];
	p0 =	sne.s32 s2, $0x0  }
0xd2: {  	s3 =	rddreg [dreg:$0x2];
	[bflag:$0x3] =	sbarrier.arrive $0xFFFF;
	s2 =	simm.s32 @!p0 $0x1C03  }
0xd3: {  	[timem:s3], [sflag:s2] =	dma.local @!p0 [hbm:s0], s1  }
0xd4: {  	s0 =	simm.s32 @!p0 $0x3  }
0xd5: {  	_ =	swait.ge @!p0 [sflag:s0], s1  }
0xd6: {  	s1 =	ssub.s32 @!p0 $0x0, s1;
	[sflag:s0] =	ssyncset.done @!p0 $0x0  }
0xd7: {  	[sflag:s0] =	ssyncadd.s32 @!p0 s1  }
0xd8: {  	[bflag:$0x3] =	sbarrier.arrive $0xFFFF  }
0xd9: {  	_ =	shalt  }

// kernel: kernel.8.cloned.1.call-start
scs
__scs_entry_jumppad:
0x0: {  	(pc) =	sbr.rel $0x88, $3  }
0x1: {  	(tag) =	ssettag $0x0;
	lr =	simm.s32 $0x1  }
0x2: {  	[smem:$0x3F95] =	sst lr;
	_ =	strace $0xD0000000  }
0x3: {  	_ = 	snop  }
0x4: {  	_ = 	snop  }
0x5: {  	_ = 	snop  }
0x6: {  	_ = 	snop  }
0x7: {  	_ = 	snop  }
__scs_overlays_trampoline_lowered:
0x8: {  	[smem:$0x3FA4] =	sst s0  }
0x9: {  	[smem:$0x3FA5] =	sst s1  }
0xa: {  	[smem:$0x3FA6] =	sst s2  }
0xb: {  	[smem:$0x3FA7] =	sst s3  }
0xc: {  	[smem:$0x3FA8] =	sst s4  }
0xd: {  	[smem:$0x3FA9] =	sst s5  }
0xe: {  	[smem:$0x3FAA] =	sst s6  }
0xf: {  	[smem:$0x3FAB] =	sst s7  }
0x10: {  	[smem:$0x3FAC] =	sst s8  }
0x11: {  	[smem:$0x3FAD] =	sst s9;
	s0 =	simm.s32 @!p0 $0x0  }
0x12: {  	s1 =	sld [smem:$0x3F93];
	s0 =	simm.s32 @p0 $0x1  }
0x13: {  	[smem:$0x3FAE] =	sst s0;
	s0 =	simm.s32 @!p1 $0x0  }
0x14: {  	s2 =	sld [smem:$0x3F92];
	s0 =	simm.s32 @p1 $0x1  }
0x15: {  	[smem:$0x3FAF] =	sst s0;
	s0 =	simm.s32 @!p2 $0x0  }
0x16: {  	s3 =	sld [smem:$0x3FDB];
	s0 =	simm.s32 @p2 $0x1  }
0x17: {  	s4 =	simm.s32 $0x1BF5;
	[smem:$0x3FB1] =	sst s0  }
0x18: {  	s0 =	sld [smem:$0x3F94];
	_ =	swait.ge [sflag:s4], $0x0  }
0x19: {  	s7 =	sld [smem:$0x3F95]  }
0x1a: {  	s8 =	sadd.s32 $0xFFFFE003, lr  }
0x1b: {  	s9 =	sadd.s32 $0xFFFFFEF7, lr;
	s5 =	simm.s32 $0xFFFFFFFF;
	p2 =	slt.u32 s8, $0xFFFFF086  }
0x1c: {  	p1 =	slt.u32 s9, $0xF7A;
	s5 =	simm.s32 @!p2 $0x0  }
0x1d: {  	s5 =	simm.s32 @p1 $0x1;
	p0 =	seq.s32 s7, s2  }
0x1e: {  	s7 =	smul.u32 @!p0 $0xF7A, s2;
	p2 =	seq.s32 @!p0 s5, $0x0  }
0x1f: {  	s9 =	smul.u32 $0xF7A, s1;
	s8 =	simm.s32 @!p0 $0x1BF5;
	p2 =	por !p2, p0  }
0x20: {  	[sflag:s8] =	ssyncset.s32 @!p0 $0xFFFFF086;
	s6 =	sadd.s32 @!p0 s3, s7;
	s7 =	simm.s32 @!p0 $0x108  }
0x21: {  	s3 =	sadd.s32 s3, s9;
	s6 =	sadd.s32 @!p0 $0x88, s6;
	s7 =	simm.s32 @p2 $0x1082  }
0x22: {  	[simem:s7], [sflag:s8] =	dma.local @!p0 [hbm:s6], $0xF7A  }
0x23: {  	s9 =	sor.u32 $0xD0000000, s2;
	s6 =	simm.s32 $0x108;
	_ =	swait.ge @!p0 [sflag:s8], $0x0  }
0x24: {  	s3 =	sadd.s32 $0x88, s3;
	s6 =	simm.s32 @!p1 $0x1082;
	[sflag:s4] =	ssyncset.s32 $0xFFFFF086  }
0x25: {  	[simem:s6], [sflag:s4] =	dma.local [hbm:s3], $0xF7A  }
0x26: {  	[smem:$0x3F95] =	sst s1;
	(tag) =	ssettag s2;
	_ =	strace s9  }
0x27: {  	s1 =	sld [smem:$0x3FA5]  }
0x28: {  	s2 =	sld [smem:$0x3FA6]  }
0x29: {  	s4 =	sld [smem:$0x3FA8]  }
0x2a: {  	p0 =	seq.s32 s5, $0x0;
	s5 =	sld [smem:$0x3FA9]  }
0x2b: {  	s6 =	sld [smem:$0x3FAA]  }
0x2c: {  	s7 =	sld [smem:$0x3FAB]  }
0x2d: {  	s3 =	simm.s32 $0x108;
	s8 =	sld [smem:$0x3FAC]  }
0x2e: {  	s3 =	simm.s32 @!p0 $0x1082;
	s9 =	sld [smem:$0x3FAD]  }
0x2f: {  	lr =	sadd.s32 s0, s3;
	s0 =	sld [smem:$0x3FA4]  }
0x30: {  	s3 =	sld [smem:$0x3FA7]  }
0x31: {  	[smem:$0x3FB0] =	sst s10  }
0x32: {  	s10 =	sld [smem:$0x3FAE];
	_ =	sdelay $0x3  }
0x33: {  	p0 =	seq.s32 s10, $0x1;
	s10 =	sld [smem:$0x3FB0];
	_ =	sdelay $0x3  }
0x34: {  	[smem:$0x3FB0] =	sst s10  }
0x35: {  	s10 =	sld [smem:$0x3FAF];
	_ =	sdelay $0x3  }
0x36: {  	p1 =	seq.s32 s10, $0x1;
	s10 =	sld [smem:$0x3FB0];
	_ =	sdelay $0x3  }
0x37: {  	[smem:$0x3FB0] =	sst s10  }
0x38: {  	s10 =	sld [smem:$0x3FB1]  }
0x39: {  	_ = 	snop;
	(pc) =	sbr.ind lr, $3  }
0x3a: {  	_ = 	snop  }
0x3b: {  	_ = 	snop  }
0x3c: {  	p2 =	seq.s32 s10, $0x1;
	s10 =	sld [smem:$0x3FB0]  }
0x3d: {  	_ =	shalt  }
0x3e: {  	_ =	shalt  }
0x3f: {  	_ =	shalt  }
0x40: {  	_ =	shalt  }
0x41: {  	_ =	shalt  }
0x42: {  	_ =	shalt  }
0x43: {  	_ =	shalt  }
0x44: {  	_ =	shalt  }
0x45: {  	_ =	shalt  }
0x46: {  	_ =	shalt  }
0x47: {  	_ =	shalt  }
0x48: {  	_ =	shalt  }
0x49: {  	_ =	shalt  }
0x4a: {  	_ =	shalt  }
0x4b: {  	_ =	shalt  }
0x4c: {  	_ =	shalt  }
0x4d: {  	_ =	shalt  }
0x4e: {  	_ =	shalt  }
0x4f: {  	_ =	shalt  }
0x50: {  	_ =	shalt  }
0x51: {  	_ =	shalt  }
0x52: {  	_ =	shalt  }
0x53: {  	_ =	shalt  }
0x54: {  	_ =	shalt  }
0x55: {  	_ =	shalt  }
0x56: {  	_ =	shalt  }
0x57: {  	_ =	shalt  }
0x58: {  	_ =	shalt  }
0x59: {  	_ =	shalt  }
0x5a: {  	_ =	shalt  }
0x5b: {  	_ =	shalt  }
0x5c: {  	_ =	shalt  }
0x5d: {  	_ =	shalt  }
0x5e: {  	_ =	shalt  }
0x5f: {  	_ =	shalt  }
0x60: {  	_ =	shalt  }
0x61: {  	_ =	shalt  }
0x62: {  	_ =	shalt  }
0x63: {  	_ =	shalt  }
0x64: {  	_ =	shalt  }
0x65: {  	_ =	shalt  }
0x66: {  	_ =	shalt  }
0x67: {  	_ =	shalt  }
0x68: {  	_ =	shalt  }
0x69: {  	_ =	shalt  }
0x6a: {  	_ =	shalt  }
0x6b: {  	_ =	shalt  }
0x6c: {  	_ =	shalt  }
0x6d: {  	_ =	shalt  }
0x6e: {  	_ =	shalt  }
0x6f: {  	_ =	shalt  }
0x70: {  	_ =	shalt  }
0x71: {  	_ =	shalt  }
0x72: {  	_ =	shalt  }
0x73: {  	_ =	shalt  }
0x74: {  	_ =	shalt  }
0x75: {  	_ =	shalt  }
0x76: {  	_ =	shalt  }
0x77: {  	_ =	shalt  }
0x78: {  	_ =	shalt  }
0x79: {  	_ =	shalt  }
0x7a: {  	_ =	shalt  }
0x7b: {  	_ =	shalt  }
0x7c: {  	_ =	shalt  }
0x7d: {  	_ =	shalt  }
0x7e: {  	_ =	shalt  }
0x7f: {  	_ =	shalt  }
0x80: {  	_ =	shalt  }
0x81: {  	_ =	shalt  }
0x82: {  	_ =	shalt  }
0x83: {  	_ =	shalt  }
0x84: {  	_ =	shalt  }
0x85: {  	_ =	shalt  }
0x86: {  	_ =	shalt  }
0x87: {  	_ =	shalt  }
.Lfunc_end0:
.L_simem_size_0:
called_computation_lowered:
.L_overlay_start_0:
0x88: {  	s2 =	sld [smem:$0x3FD9]  }
0x89: {  	s3 =	sld [smem:$0x3FFE];
	_ =	sdelay $0x1  }
0x8a: {  	s1 =	srdreg.scid  }
0x8b: {  	s0 =	sand.u32 $0x1, s1  }
0x8c: {  	s17 =	sshll.u32 s0, $0xA;
	s2 =	sadd.s32 s3, s2  }
0x8d: {  	s2 =	sadd.s32 s2, s17  }
0x8e: {  	[smem:$0x3FBC] =	sst s2  }
0x8f: {  	_ = 	snop  }
0x90: {  	s2 =	sld [smem:$0x3FD0];
	(tm) =	ssettm $0x1  }
0x91: {  	s18 =	sld [smem:$0x3FFB];
	_ =	sdelay $0x3  }
0x92: {  	_ =	strace s18  }
0x93: {  	s3 =	sld [smem:$0x3FFC];
	_ =	sdelay $0x3  }
0x94: {  	_ =	strace s3  }
0x95: {  	s3 =	sld [smem:$0x3FFD];
	_ =	sdelay $0x3  }
0x96: {  	_ =	strace s3  }
0x97: {  	_ =	strace $0x8FFFFFFF  }
0x98: {  	s19 =	sld [smem:$0x3FDB];
	_ =	sdelay $0x1  }
0x99: {  	s4 =	simm.s32 $_scs_section_size  }
0x9a: {  	s5 =	simm.s32 $_size__tile_overlayer_lowered;
	s6 =	simm.s32 $_tile_overlayer_lowered  }
0x9b: {  	s22 =	simm.s32 $0x1BFF;
	s21 =	sshll.u32 s6, $0x1;
	s3 =	sadd.s32 s4, s19  }
0x9c: {  	s7 =	simm.s32 $0x0;
	s20 =	sshll.u32 s5, $0x1;
	s5 =	sadd.s32 s21, s3  }
0x9d: {  	[timem:s7], [sflag:s22] =	dma.local [hbm:s5], s20  }
0x9e: {  	_ =	swait.ge [sflag:s22], s20  }
0x9f: {  	s4 =	ssub.s32 $0x0, s20;
	[sflag:s22] =	ssyncset.done $0x0  }
0xa0: {  	[sflag:s22] =	ssyncadd.s32 s4;
	_ =	sdelay $0x1  }
0xa1: {  	s23 =	simm.s32 $0x1B8B  }
0xa2: {  	_ =	swait.ge [sflag:s23], $0x1  }
0xa3: {  	[sflag:s23] =	ssyncset.done $0x0  }
0xa4: {  	s25 =	simm.s32 $0x1B8E;
	s24 =	sld [smem:$0x3FFE];
	[sflag:s23] =	ssyncadd.s32 $0xFFFFFFFF  }
0xa5: {  	s26 =	simm.s32 $execute0_lowered;
	[smem:$0x3FD2] =	sst s25  }
0xa6: {  	s5 =	sshll.u32 s26, $0x1;
	_ =	strace $0x80000046;
	[dreg:$0x1] =	wrdreg $0xFFFFFFFF  }
0xa7: {  	s28 =	simm.s32 $_size_execute0_lowered;
	s3 =	sadd.s32 s3, s5;
	[dreg:$0x0] =	wrdreg $0x0  }
0xa8: {  	s5 =	sshll.u32 s28, $0x1;
	[dreg:$0x2] =	wrdreg s3  }
0xa9: {  	[dreg:$0x3] =	wrdreg s5  }
0xaa: {  	[dreg:$0x4] =	wrdreg $0xC0  }
0xab: {  	_ =	task [dreg:s7], $0x5FFFF  }
0xac: {  	[dreg:$0x1] =	wrdreg $0xFFFFFFFF  }
0xad: {  	[dreg:$0x0] =	wrdreg $0x60  }
0xae: {  	[dreg:$0x2] =	wrdreg s2  }
0xaf: {  	[dreg:$0x3] =	wrdreg s24  }
0xb0: {  	[dreg:$0x4] =	wrdreg $0x58000  }
0xb1: {  	[dreg:$0x5] =	wrdreg $0x9  }
0xb2: {  	_ =	task.clear_ibuf [dreg:s7], $0x6FFFF;
	_ =	strace $0x90000046  }
0xb3: {  	s29 =	simm.s32 $0x9;
	_ =	strace $0x80000048  }
0xb4: {  	_ =	swait.ge [sflag:s29], $0x1  }
0xb5: {  	[sflag:s29] =	ssyncadd.s32 $0xFFFFFFFF  }
0xb6: {  	_ =	strace $0x90000048  }
0xb7: {  	_ =	sfence  }
0xb8: {  	s30 =	sld [smem:$0x0];
	_ =	sdelay $0x2  }
0xb9: {  	s31 =	sshll.u32 s1, $0xD;
	s1 =	sshrl.u32 s1, $0x2  }
0xba: {  	s3 =	sand.u32 $0x4000, s31;
	s1 =	sadd.s32 s1, s30  }
0xbb: {  	s0 =	sor.u32 s3, s0;
	s1 =	sshll.u32 s1, $0x11  }
0xbc: {  	s0 =	sor.u32 s1, s0  }
0xbd: {  	s0 =	sadd.s32 $0x8F2B, s0  }
0xbe: {  	[sflag:s0] =	ssyncadd.remote.s32 $0x1  }
0xbf: {  	_ =	sfence.sel $0xFFFF  }
0xc0: {  	[dreg:$0x0] =	wrdreg $0xFFFFFFFF;
	(pc) =	sbr.abs _section_cstart, $3  }
0xc1: {  	[dreg:$0x1] =	wrdreg $0xFFFFFFFF  }
0xc2: {  	_ =	task.clear_ibuf [dreg:s7], $0x2FFFF;
	_ =	strace $0x9FFFFFFF  }
0xc3: {  	(tm) =	ssettm $0x7FFFFFFF  }
tec
execute0_lowered:
.L_overlay_start_1:
0x0: {  	(tag) =	ssettag $0x1  }
0x1: {  	s0 =	rddreg [dreg:$0x0]  }
0x2: {  	s1 =	rddreg [dreg:$0x1];
	s10 =	stileid.u32  }
0x3: {  	s2 =	srdreg.scid;
	s5 =	smul.u32 $0x280, s10  }
0x4: {  	s3 =	rddreg [dreg:$0x2];
	s8 =	smul.u32 $0xA000, s10  }
0x5: {  	s4 =	sand.u32 $0x1, s2;
	s2 =	simm.s32 $0x0;
	s26 =	smul.u32 $0xA00, s10  }
0x6: {  	s9 =	sadd.s32 $0x3400, s1;
	s6 =	smul.u32 $0x2800, s4;
	[smem:$0x7FF] =	sst s2  }
0x7: {  	s7 =	ssub.s32 $0x2, s4;
	s4 =	sshll.u32 s4, $0x4;
	_ =	strace $0x80000047  }
0x8: {  	[dreg:$0x4] =	wrdreg s9;
	s8 =	sshrl.u32 s8, $0x2;
	s10 =	sor.u32 s10, s4  }
0x9: {  	s6 =	sadd.s32 s5, s6;
	s4 =	sadd.s32 s8, s3;
	s5 =	sadd.s32 s5, s3  }
0xa: {  	s11 =	sshrl.u32 s26, $0x2;
	s8 =	sadd.s32 $0x280, s4;
	[dreg:$0x7] =	wrdreg s5  }
0xb: {  	s3 =	sadd.s32 s11, s3;
	s12 =	sadd.s32 $0x500, s4;
	[dreg:$0x5] =	wrdreg s8  }
0xc: {  	s13 =	sadd.s32 $0x2800, s3;
	[dreg:$0x6] =	wrdreg s12  }
0xd: {  	s14 =	sadd.s32 $0x5000, s3;
	[dreg:$0x8] =	wrdreg s13  }
0xe: {  	s25 =	sshrl.u32 s7, $0x1;
	s15 =	sadd.s32 $0x7800, s3;
	[dreg:$0x9] =	wrdreg s14  }
0xf: {  	s6 =	sshrl.u32 s6, $0x3;
	s16 =	sadd.s32 $0xA000, s3;
	[dreg:$0xa] =	wrdreg s15  }
0x10: {  	s17 =	sadd.s32 $0xC800, s3;
	s18 =	sadd.s32 $0xF000, s3;
	[dreg:$0xb] =	wrdreg s16  }
0x11: {  	s19 =	sadd.s32 $0x11800, s3;
	s20 =	sadd.s32 $0x14000, s3;
	[dreg:$0xc] =	wrdreg s17  }
0x12: {  	s21 =	sadd.s32 $0x16800, s3;
	s22 =	sadd.s32 $0x19000, s3;
	[dreg:$0xd] =	wrdreg s18  }
0x13: {  	s23 =	sadd.s32 $0x1B800, s3;
	s26 =	sadd.s32 $0x20800, s3;
	[dreg:$0xe] =	wrdreg s19  }
0x14: {  	s28 =	sadd.s32 $0xA00, s4;
	s29 =	sadd.s32 $0xC80, s4;
	[dreg:$0xf] =	wrdreg s20  }
0x15: {  	s30 =	sadd.s32 $0xF00, s4;
	s31 =	sadd.s32 $0x1180, s4;
	[dreg:$0x10] =	wrdreg s21  }
0x16: {  	s5 =	sadd.s32 $0x1B80, s4;
	s9 =	sadd.s32 $0x2580, s4;
	[dreg:$0x11] =	wrdreg s22  }
0x17: {  	s1 =	sadd.s32 s6, s1;
	s6 =	ssub.s32 s7, s25;
	[dreg:$0x12] =	wrdreg s23  }
0x18: {  	s7 =	smul.u32 $0x2710, s10;
	s25 =	sadd.s32 $0x1E000, s3;
	[dreg:$0x14] =	wrdreg s26  }
0x19: {  	s22 =	sadd.s32 $0x23000, s3;
	s23 =	sadd.s32 $0x25800, s3;
	s26 =	sadd.s32 $0x780, s4  }
0x1a: {  	s3 =	sadd.s32 $0x1900, s4;
	s8 =	sadd.s32 $0x2300, s4;
	s14 =	simm.s32 $0x800  }
0x1b: {  	s15 =	simm.s32 $0x1;
	s16 =	simm.s32 $0x0;
	[dreg:$0x13] =	wrdreg s25  }
0x1c: {  	s25 =	smax.u32 s6, $0x1;
	s6 =	sadd.s32 $0x1E00, s4;
	s24 =	sshrl.u32 s7, $0x3  }
0x1d: {  	s7 =	sadd.s32 $0x2080, s4;
	s21 =	sadd.s32 s0, s24;
	s24 =	sadd.s32 $0x3A00, s1  }
0x1e: {  	s1 =	sadd.s32 $0x1400, s4;
	s0 =	sadd.s32 $0x1680, s4;
	s10 =	sadd.s32 $0xFA, s21  }
0x1f: {  	v0 =	vimm.f32 $1.000000000e+00;
	s11 =	sadd.s32 $0x1F4, s21;
	s12 =	sadd.s32 $0x2EE, s21;
	s13 =	sadd.s32 $0x3E8, s21  }
.LBB2_1:
0x20: {  	s17 =	rddreg [dreg:$0x4]  }
0x21: {  	[tilespmem:s14], [sflag:$0x1] =	stream.linear.gather [hbm4b:s17+s2], $0x2800, $0x38;
	[tilespmem:$0x8000] =	vst v63  }
0x22: {  	_ =	swait.ge [sflag:s15], $0x2800  }
0x23: {  	[sflag:s15] =	ssyncset.done $0x0  }
0x24: {  	[sflag:s15] =	ssyncadd.s32 $0xFFFFD800  }
0x25: {  	[tilespmem:s2], [sflag:$0x1] =	stream.linear.gather [hbm4b:s21+s2], $0x7D0, $0x38;
	[tilespmem:$0x8000] =	vst v63  }
0x26: {  	_ =	swait.ge [sflag:s15], $0x7D0  }
0x27: {  	[sflag:s15] =	ssyncset.done $0x0  }
0x28: {  	s18 =	simm.s32 $0x0;
	s17 =	simm.s32 $0x40;
	[sflag:s15] =	ssyncadd.s32 $0xFFFFF830  }
.LBB2_2:
0x29: {  	p0 =	sne.s32 s17, $0x1F00;
	v1 =	vld [tilespmem:s18+$0x0];
	_ =	sdelay $0x3  }
.Ltmp0:
0x2a: {  	(pc) =	sbr.rel @p0 .LBB2_2-.Ltmp0, $2  }
0x2b: {  	_ =	sdelay $0x2  }
0x2c: {  	s18 =	sshra.s32 s17, $0x2;
	s17 =	sadd.s32 $0x40, s17;
	[tilespmem:v1+s14+$0x0] =	vst.idx.add.f32.msk $0xffff, v0  }
0x2d: {  	v1 =	vld [tilespmem:s18+$0x0];
	_ =	sdelay $0x7  }
0x2e: {  	s17 =	simm.s32 $0x0;
	[tilespmem:v1+s14+$0x0] =	vst.idx.add.f32.msk $0xffff, v0  }
0x2f: {  	[tilespmem:s17], [sflag:$0x1] =	stream.linear.gather [hbm4b:s10+s17], $0x7D0, $0x38;
	[tilespmem:$0x8000] =	vst v63  }
0x30: {  	_ =	swait.ge [sflag:s15], $0x7D0  }
0x31: {  	[sflag:s15] =	ssyncset.done $0x0  }
0x32: {  	s18 =	simm.s32 $0x0;
	s17 =	simm.s32 $0x40;
	[sflag:s15] =	ssyncadd.s32 $0xFFFFF830  }
.LBB2_4:
0x33: {  	p0 =	sne.s32 s17, $0x1F00;
	v1 =	vld [tilespmem:s18+$0x0];
	_ =	sdelay $0x3  }
.Ltmp1:
0x34: {  	(pc) =	sbr.rel @p0 .LBB2_4-.Ltmp1, $2  }
0x35: {  	_ =	sdelay $0x2  }
0x36: {  	s18 =	sshra.s32 s17, $0x2;
	s17 =	sadd.s32 $0x40, s17;
	[tilespmem:v1+s14+$0x0] =	vst.idx.add.f32.msk $0xffff, v0  }
0x37: {  	v1 =	vld [tilespmem:s18+$0x0];
	_ =	sdelay $0x7  }
0x38: {  	s17 =	simm.s32 $0x0;
	[tilespmem:v1+s14+$0x0] =	vst.idx.add.f32.msk $0xffff, v0  }
0x39: {  	[tilespmem:s17], [sflag:$0x1] =	stream.linear.gather [hbm4b:s11+s17], $0x7D0, $0x38;
	[tilespmem:$0x8000] =	vst v63  }
0x3a: {  	_ =	swait.ge [sflag:s15], $0x7D0  }
0x3b: {  	[sflag:s15] =	ssyncset.done $0x0  }
0x3c: {  	s18 =	simm.s32 $0x0;
	s17 =	simm.s32 $0x40;
	[sflag:s15] =	ssyncadd.s32 $0xFFFFF830  }
.LBB2_6:
0x3d: {  	p0 =	sne.s32 s17, $0x1F00;
	v1 =	vld [tilespmem:s18+$0x0];
	_ =	sdelay $0x3  }
.Ltmp2:
0x3e: {  	(pc) =	sbr.rel @p0 .LBB2_6-.Ltmp2, $2  }
0x3f: {  	_ =	sdelay $0x2  }
0x40: {  	s18 =	sshra.s32 s17, $0x2;
	s17 =	sadd.s32 $0x40, s17;
	[tilespmem:v1+s14+$0x0] =	vst.idx.add.f32.msk $0xffff, v0  }
0x41: {  	v1 =	vld [tilespmem:s18+$0x0];
	_ =	sdelay $0x7  }
0x42: {  	s17 =	simm.s32 $0x0;
	[tilespmem:v1+s14+$0x0] =	vst.idx.add.f32.msk $0xffff, v0  }
0x43: {  	[tilespmem:s17], [sflag:$0x1] =	stream.linear.gather [hbm4b:s12+s17], $0x7D0, $0x38;
	[tilespmem:$0x8000] =	vst v63  }
0x44: {  	_ =	swait.ge [sflag:s15], $0x7D0  }
0x45: {  	[sflag:s15] =	ssyncset.done $0x0  }
0x46: {  	s18 =	simm.s32 $0x0;
	s17 =	simm.s32 $0x40;
	[sflag:s15] =	ssyncadd.s32 $0xFFFFF830  }
.LBB2_8:
0x47: {  	p0 =	sne.s32 s17, $0x1F00;
	v1 =	vld [tilespmem:s18+$0x0];
	_ =	sdelay $0x3  }
.Ltmp3:
0x48: {  	(pc) =	sbr.rel @p0 .LBB2_8-.Ltmp3, $2  }
0x49: {  	_ =	sdelay $0x2  }
0x4a: {  	s18 =	sshra.s32 s17, $0x2;
	s17 =	sadd.s32 $0x40, s17;
	[tilespmem:v1+s14+$0x0] =	vst.idx.add.f32.msk $0xffff, v0  }
0x4b: {  	v1 =	vld [tilespmem:s18+$0x0];
	_ =	sdelay $0x7  }
0x4c: {  	s17 =	simm.s32 $0x0;
	[tilespmem:v1+s14+$0x0] =	vst.idx.add.f32.msk $0xffff, v0  }
0x4d: {  	[tilespmem:s17], [sflag:$0x1] =	stream.linear.gather [hbm4b:s13+s17], $0x7D0, $0x38;
	[tilespmem:$0x8000] =	vst v63  }
0x4e: {  	_ =	swait.ge [sflag:s15], $0x7D0  }
0x4f: {  	[sflag:s15] =	ssyncset.done $0x0  }
0x50: {  	s18 =	simm.s32 $0x0;
	s17 =	simm.s32 $0x40;
	[sflag:s15] =	ssyncadd.s32 $0xFFFFF830  }
.LBB2_10:
0x51: {  	p0 =	sne.s32 s17, $0x1F00;
	v1 =	vld [tilespmem:s18+$0x0];
	_ =	sdelay $0x3  }
.Ltmp4:
0x52: {  	(pc) =	sbr.rel @p0 .LBB2_10-.Ltmp4, $2  }
0x53: {  	_ =	sdelay $0x2  }
0x54: {  	s18 =	sshra.s32 s17, $0x2;
	s17 =	sadd.s32 $0x40, s17;
	[tilespmem:v1+s14+$0x0] =	vst.idx.add.f32.msk $0xffff, v0  }
0x55: {  	v1 =	vld [tilespmem:s18+$0x0];
	_ =	sdelay $0x7  }
0x56: {  	s17 =	simm.s32 $0x800;
	[tilespmem:v1+s14+$0x0] =	vst.idx.add.f32.msk $0xffff, v0  }
0x57: {  	[spmem:s4] =	stream.linear.scatter [tilespmem:s17], [sflag:$0x1], $0x280, $0x38;
	[tilespmem:$0x8000] =	vst v63  }
0x58: {  	_ =	swait.ge [sflag:s15], $0x280  }
0x59: {  	[sflag:s15] =	ssyncset.done $0x0  }
0x5a: {  	s19 =	simm.s32 $0xA80;
	s20 =	rddreg [dreg:$0x5];
	[sflag:s15] =	ssyncadd.s32 $0xFFFFFD80  }
0x5b: {  	[spmem:s20] =	stream.linear.scatter [tilespmem:s19], [sflag:$0x1], $0x280, $0x38;
	[tilespmem:$0x8000] =	vst v63  }
0x5c: {  	_ =	swait.ge [sflag:s15], $0x280  }
0x5d: {  	[sflag:s15] =	ssyncset.done $0x0  }
0x5e: {  	s20 =	simm.s32 $0xD00;
	s19 =	rddreg [dreg:$0x6];
	[sflag:s15] =	ssyncadd.s32 $0xFFFFFD80  }
0x5f: {  	[spmem:s19] =	stream.linear.scatter [tilespmem:s20], [sflag:$0x1], $0x280, $0x38;
	[tilespmem:$0x8000] =	vst v63  }
0x60: {  	_ =	swait.ge [sflag:s15], $0x280  }
0x61: {  	[sflag:s15] =	ssyncset.done $0x0  }
0x62: {  	s19 =	simm.s32 $0xF80;
	[sflag:s15] =	ssyncadd.s32 $0xFFFFFD80  }
0x63: {  	[spmem:s26] =	stream.linear.scatter [tilespmem:s19], [sflag:$0x1], $0x280, $0x38;
	[tilespmem:$0x8000] =	vst v63  }
0x64: {  	_ =	swait.ge [sflag:s15], $0x280  }
0x65: {  	[sflag:s15] =	ssyncset.done $0x0  }
0x66: {  	s20 =	simm.s32 $0x1200;
	[sflag:s15] =	ssyncadd.s32 $0xFFFFFD80  }
0x67: {  	[spmem:s28] =	stream.linear.scatter [tilespmem:s20], [sflag:$0x1], $0x280, $0x38;
	[tilespmem:$0x8000] =	vst v63  }
0x68: {  	_ =	swait.ge [sflag:s15], $0x280  }
0x69: {  	[sflag:s15] =	ssyncset.done $0x0  }
0x6a: {  	s19 =	simm.s32 $0x1480;
	[sflag:s15] =	ssyncadd.s32 $0xFFFFFD80  }
0x6b: {  	[spmem:s29] =	stream.linear.scatter [tilespmem:s19], [sflag:$0x1], $0x280, $0x38;
	[tilespmem:$0x8000] =	vst v63  }
0x6c: {  	_ =	swait.ge [sflag:s15], $0x280  }
0x6d: {  	[sflag:s15] =	ssyncset.done $0x0  }
0x6e: {  	s20 =	simm.s32 $0x1700;
	[sflag:s15] =	ssyncadd.s32 $0xFFFFFD80  }
0x6f: {  	[spmem:s30] =	stream.linear.scatter [tilespmem:s20], [sflag:$0x1], $0x280, $0x38;
	[tilespmem:$0x8000] =	vst v63  }
0x70: {  	_ =	swait.ge [sflag:s15], $0x280  }
0x71: {  	[sflag:s15] =	ssyncset.done $0x0  }
0x72: {  	s19 =	simm.s32 $0x1980;
	[sflag:s15] =	ssyncadd.s32 $0xFFFFFD80  }
0x73: {  	[spmem:s31] =	stream.linear.scatter [tilespmem:s19], [sflag:$0x1], $0x280, $0x38;
	[tilespmem:$0x8000] =	vst v63  }
0x74: {  	_ =	swait.ge [sflag:s15], $0x280  }
0x75: {  	[sflag:s15] =	ssyncset.done $0x0  }
0x76: {  	s20 =	simm.s32 $0x1C00;
	[sflag:s15] =	ssyncadd.s32 $0xFFFFFD80  }
0x77: {  	[spmem:s1] =	stream.linear.scatter [tilespmem:s20], [sflag:$0x1], $0x280, $0x38;
	[tilespmem:$0x8000] =	vst v63  }
0x78: {  	_ =	swait.ge [sflag:s15], $0x280  }
0x79: {  	[sflag:s15] =	ssyncset.done $0x0  }
0x7a: {  	s19 =	simm.s32 $0x1E80;
	[sflag:s15] =	ssyncadd.s32 $0xFFFFFD80  }
0x7b: {  	[spmem:s0] =	stream.linear.scatter [tilespmem:s19], [sflag:$0x1], $0x280, $0x38;
	[tilespmem:$0x8000] =	vst v63  }
0x7c: {  	_ =	swait.ge [sflag:s15], $0x280  }
0x7d: {  	[sflag:s15] =	ssyncset.done $0x0  }
0x7e: {  	s20 =	simm.s32 $0x2100;
	[sflag:s15] =	ssyncadd.s32 $0xFFFFFD80  }
0x7f: {  	[spmem:s3] =	stream.linear.scatter [tilespmem:s20], [sflag:$0x1], $0x280, $0x38;
	[tilespmem:$0x8000] =	vst v63  }
0x80: {  	_ =	swait.ge [sflag:s15], $0x280  }
0x81: {  	[sflag:s15] =	ssyncset.done $0x0  }
0x82: {  	s19 =	simm.s32 $0x2380;
	[sflag:s15] =	ssyncadd.s32 $0xFFFFFD80  }
0x83: {  	[spmem:s5] =	stream.linear.scatter [tilespmem:s19], [sflag:$0x1], $0x280, $0x38;
	[tilespmem:$0x8000] =	vst v63  }
0x84: {  	_ =	swait.ge [sflag:s15], $0x280  }
0x85: {  	[sflag:s15] =	ssyncset.done $0x0  }
0x86: {  	s20 =	simm.s32 $0x2600;
	[sflag:s15] =	ssyncadd.s32 $0xFFFFFD80  }
0x87: {  	[spmem:s6] =	stream.linear.scatter [tilespmem:s20], [sflag:$0x1], $0x280, $0x38;
	[tilespmem:$0x8000] =	vst v63  }
0x88: {  	_ =	swait.ge [sflag:s15], $0x280  }
0x89: {  	[sflag:s15] =	ssyncset.done $0x0  }
0x8a: {  	s19 =	simm.s32 $0x2880;
	[sflag:s15] =	ssyncadd.s32 $0xFFFFFD80  }
0x8b: {  	[spmem:s7] =	stream.linear.scatter [tilespmem:s19], [sflag:$0x1], $0x280, $0x38;
	[tilespmem:$0x8000] =	vst v63  }
0x8c: {  	_ =	swait.ge [sflag:s15], $0x280  }
0x8d: {  	[sflag:s15] =	ssyncset.done $0x0  }
0x8e: {  	s20 =	simm.s32 $0x2B00;
	[sflag:s15] =	ssyncadd.s32 $0xFFFFFD80  }
0x8f: {  	[spmem:s8] =	stream.linear.scatter [tilespmem:s20], [sflag:$0x1], $0x280, $0x38;
	[tilespmem:$0x8000] =	vst v63  }
0x90: {  	_ =	swait.ge [sflag:s15], $0x280  }
0x91: {  	[sflag:s15] =	ssyncset.done $0x0  }
0x92: {  	s19 =	simm.s32 $0x2D80;
	[sflag:s15] =	ssyncadd.s32 $0xFFFFFD80  }
0x93: {  	[spmem:s9] =	stream.linear.scatter [tilespmem:s19], [sflag:$0x1], $0x280, $0x38;
	[tilespmem:$0x8000] =	vst v63  }
0x94: {  	_ =	swait.ge [sflag:s15], $0x280  }
0x95: {  	[sflag:s15] =	ssyncset.done $0x0  }
0x96: {  	[sflag:s15] =	ssyncadd.s32 $0xFFFFFD80  }
0x97: {  	[bflag:$0x0] =	sbarrier.arrive $0xFFFF  }
0x98: {  	s18 =	simm.s32 $0x3000;
	s20 =	rddreg [dreg:$0x7]  }
0x99: {  	[tilespmem:s18], [sflag:$0x1] =	stream.linear.gather [spmem:s20], $0x280, $0x38;
	[tilespmem:$0x8000] =	vst v63  }
0x9a: {  	_ =	swait.ge [sflag:s15], $0x280  }
0x9b: {  	[sflag:s15] =	ssyncset.done $0x0  }
0x9c: {  	s20 =	simm.s32 $0x3280;
	s19 =	rddreg [dreg:$0x8];
	[sflag:s15] =	ssyncadd.s32 $0xFFFFFD80  }
0x9d: {  	[tilespmem:s20], [sflag:$0x1] =	stream.linear.gather [spmem:s19], $0x280, $0x38;
	[tilespmem:$0x8000] =	vst v63  }
0x9e: {  	_ =	swait.ge [sflag:s15], $0x280  }
0x9f: {  	[sflag:s15] =	ssyncset.done $0x0  }
0xa0: {  	s20 =	simm.s32 $0x3500;
	s19 =	rddreg [dreg:$0x9];
	[sflag:s15] =	ssyncadd.s32 $0xFFFFFD80  }
0xa1: {  	[tilespmem:s20], [sflag:$0x1] =	stream.linear.gather [spmem:s19], $0x280, $0x38;
	[tilespmem:$0x8000] =	vst v63  }
0xa2: {  	_ =	swait.ge [sflag:s15], $0x280  }
0xa3: {  	[sflag:s15] =	ssyncset.done $0x0  }
0xa4: {  	s20 =	simm.s32 $0x3780;
	s19 =	rddreg [dreg:$0xa];
	[sflag:s15] =	ssyncadd.s32 $0xFFFFFD80  }
0xa5: {  	[tilespmem:s20], [sflag:$0x1] =	stream.linear.gather [spmem:s19], $0x280, $0x38;
	[tilespmem:$0x8000] =	vst v63  }
0xa6: {  	_ =	swait.ge [sflag:s15], $0x280  }
0xa7: {  	[sflag:s15] =	ssyncset.done $0x0  }
0xa8: {  	s20 =	simm.s32 $0x3A00;
	s19 =	rddreg [dreg:$0xb];
	[sflag:s15] =	ssyncadd.s32 $0xFFFFFD80  }
0xa9: {  	[tilespmem:s20], [sflag:$0x1] =	stream.linear.gather [spmem:s19], $0x280, $0x38;
	[tilespmem:$0x8000] =	vst v63  }
0xaa: {  	_ =	swait.ge [sflag:s15], $0x280  }
0xab: {  	[sflag:s15] =	ssyncset.done $0x0  }
0xac: {  	s20 =	simm.s32 $0x3C80;
	s19 =	rddreg [dreg:$0xc];
	[sflag:s15] =	ssyncadd.s32 $0xFFFFFD80  }
0xad: {  	[tilespmem:s20], [sflag:$0x1] =	stream.linear.gather [spmem:s19], $0x280, $0x38;
	[tilespmem:$0x8000] =	vst v63  }
0xae: {  	_ =	swait.ge [sflag:s15], $0x280  }
0xaf: {  	[sflag:s15] =	ssyncset.done $0x0  }
0xb0: {  	s20 =	simm.s32 $0x3F00;
	s19 =	rddreg [dreg:$0xd];
	[sflag:s15] =	ssyncadd.s32 $0xFFFFFD80  }
0xb1: {  	[tilespmem:s20], [sflag:$0x1] =	stream.linear.gather [spmem:s19], $0x280, $0x38;
	[tilespmem:$0x8000] =	vst v63  }
0xb2: {  	_ =	swait.ge [sflag:s15], $0x280  }
0xb3: {  	[sflag:s15] =	ssyncset.done $0x0  }
0xb4: {  	s20 =	simm.s32 $0x4180;
	s19 =	rddreg [dreg:$0xe];
	[sflag:s15] =	ssyncadd.s32 $0xFFFFFD80  }
0xb5: {  	[tilespmem:s20], [sflag:$0x1] =	stream.linear.gather [spmem:s19], $0x280, $0x38;
	[tilespmem:$0x8000] =	vst v63  }
0xb6: {  	_ =	swait.ge [sflag:s15], $0x280  }
0xb7: {  	[sflag:s15] =	ssyncset.done $0x0  }
0xb8: {  	s20 =	simm.s32 $0x4400;
	s19 =	rddreg [dreg:$0xf];
	[sflag:s15] =	ssyncadd.s32 $0xFFFFFD80  }
0xb9: {  	[tilespmem:s20], [sflag:$0x1] =	stream.linear.gather [spmem:s19], $0x280, $0x38;
	[tilespmem:$0x8000] =	vst v63  }
0xba: {  	_ =	swait.ge [sflag:s15], $0x280  }
0xbb: {  	[sflag:s15] =	ssyncset.done $0x0  }
0xbc: {  	s20 =	simm.s32 $0x4680;
	s19 =	rddreg [dreg:$0x10];
	[sflag:s15] =	ssyncadd.s32 $0xFFFFFD80  }
0xbd: {  	[tilespmem:s20], [sflag:$0x1] =	stream.linear.gather [spmem:s19], $0x280, $0x38;
	[tilespmem:$0x8000] =	vst v63  }
0xbe: {  	_ =	swait.ge [sflag:s15], $0x280  }
0xbf: {  	[sflag:s15] =	ssyncset.done $0x0  }
0xc0: {  	s20 =	simm.s32 $0x4900;
	s19 =	rddreg [dreg:$0x11];
	[sflag:s15] =	ssyncadd.s32 $0xFFFFFD80  }
0xc1: {  	[tilespmem:s20], [sflag:$0x1] =	stream.linear.gather [spmem:s19], $0x280, $0x38;
	[tilespmem:$0x8000] =	vst v63  }
0xc2: {  	_ =	swait.ge [sflag:s15], $0x280  }
0xc3: {  	[sflag:s15] =	ssyncset.done $0x0  }
0xc4: {  	s20 =	simm.s32 $0x4B80;
	s19 =	rddreg [dreg:$0x12];
	[sflag:s15] =	ssyncadd.s32 $0xFFFFFD80  }
0xc5: {  	[tilespmem:s20], [sflag:$0x1] =	stream.linear.gather [spmem:s19], $0x280, $0x38;
	[tilespmem:$0x8000] =	vst v63  }
0xc6: {  	_ =	swait.ge [sflag:s15], $0x280  }
0xc7: {  	[sflag:s15] =	ssyncset.done $0x0  }
0xc8: {  	s20 =	simm.s32 $0x4E00;
	s19 =	rddreg [dreg:$0x13];
	[sflag:s15] =	ssyncadd.s32 $0xFFFFFD80  }
0xc9: {  	[tilespmem:s20], [sflag:$0x1] =	stream.linear.gather [spmem:s19], $0x280, $0x38;
	[tilespmem:$0x8000] =	vst v63  }
0xca: {  	_ =	swait.ge [sflag:s15], $0x280  }
0xcb: {  	[sflag:s15] =	ssyncset.done $0x0  }
0xcc: {  	s20 =	simm.s32 $0x5080;
	s19 =	rddreg [dreg:$0x14];
	[sflag:s15] =	ssyncadd.s32 $0xFFFFFD80  }
0xcd: {  	[tilespmem:s20], [sflag:$0x1] =	stream.linear.gather [spmem:s19], $0x280, $0x38;
	[tilespmem:$0x8000] =	vst v63  }
0xce: {  	_ =	swait.ge [sflag:s15], $0x280  }
0xcf: {  	[sflag:s15] =	ssyncset.done $0x0  }
0xd0: {  	s20 =	simm.s32 $0x5300;
	[sflag:s15] =	ssyncadd.s32 $0xFFFFFD80  }
0xd1: {  	[tilespmem:s20], [sflag:$0x1] =	stream.linear.gather [spmem:s22], $0x280, $0x38;
	[tilespmem:$0x8000] =	vst v63  }
0xd2: {  	_ =	swait.ge [sflag:s15], $0x280  }
0xd3: {  	[sflag:s15] =	ssyncset.done $0x0  }
0xd4: {  	s20 =	simm.s32 $0x5580;
	[sflag:s15] =	ssyncadd.s32 $0xFFFFFD80  }
0xd5: {  	[tilespmem:s20], [sflag:$0x1] =	stream.linear.gather [spmem:s23], $0x280, $0x38;
	[tilespmem:$0x8000] =	vst v63  }
0xd6: {  	_ =	swait.ge [sflag:s15], $0x280  }
0xd7: {  	s20 =	simm.s32 $0x0;
	[sflag:s15] =	ssyncset.done $0x0  }
0xd8: {  	s19 =	sand.u32 $0x3F0, s20;
	[sflag:s15] =	ssyncadd.s32 $0xFFFFFD80  }
0xd9: {  	v1 =	vld [tilespmem:s19+$0x3280]  }
0xda: {  	v2 =	vld [tilespmem:s18+$0x0];
	_ =	sdelay $0x1  }
0xdb: {  	v3 =	vld [tilespmem:s19+$0x3500];
	_ =	sdelay $0x1  }
0xdc: {  	v4 =	vld [tilespmem:s19+$0x3780]  }
0xdd: {  	v1 =	vadd.f32 v1, v2  }
0xde: {  	v2 =	vld [tilespmem:s19+$0x3A00]  }
0xdf: {  	v1 =	vadd.f32 v3, v1  }
0xe0: {  	v3 =	vld [tilespmem:s19+$0x3C80]  }
0xe1: {  	v1 =	vadd.f32 v4, v1  }
0xe2: {  	v60 =	vld [tilespmem:s19+$0x3F00]  }
0xe3: {  	v1 =	vadd.f32 v2, v1  }
0xe4: {  	v2 =	vld [tilespmem:s19+$0x4180]  }
0xe5: {  	v1 =	vadd.f32 v3, v1  }
0xe6: {  	v3 =	vld [tilespmem:s19+$0x4400]  }
0xe7: {  	v1 =	vadd.f32 v60, v1  }
0xe8: {  	v61 =	vld [tilespmem:s19+$0x4680]  }
0xe9: {  	v1 =	vadd.f32 v2, v1  }
0xea: {  	v2 =	vld [tilespmem:s19+$0x4900]  }
0xeb: {  	v1 =	vadd.f32 v3, v1  }
0xec: {  	v3 =	vld [tilespmem:s19+$0x4B80]  }
0xed: {  	v1 =	vadd.f32 v61, v1  }
0xee: {  	v62 =	vld [tilespmem:s19+$0x4E00]  }
0xef: {  	v1 =	vadd.f32 v2, v1  }
0xf0: {  	v2 =	vld [tilespmem:s19+$0x5080]  }
0xf1: {  	v1 =	vadd.f32 v3, v1  }
0xf2: {  	v3 =	vld [tilespmem:s19+$0x5300]  }
0xf3: {  	v1 =	vadd.f32 v62, v1  }
0xf4: {  	v63 =	vld [tilespmem:s19+$0x5580]  }
0xf5: {  	v1 =	vadd.f32 v2, v1;
	_ =	sdelay $0x1  }
0xf6: {  	v1 =	vadd.f32 v3, v1;
	_ =	sdelay $0x1  }
0xf7: {  	v1 =	vadd.f32 v63, v1  }
0xf8: {  	s20 =	simm.s32 $0x10  }
0xf9: {  	s18 =	sand.u32 $0x3F0, s20;
	[tilespmem:s17+$0x0] =	vst v1  }
0xfa: {  	s20 =	simm.s32 $0x20;
	s19 =	simm.s32 $0x3010;
	v1 =	vld [tilespmem:s18+$0x3280]  }
.LBB2_12:
0xfb: {  	p0 =	sne.s32 s20, $0x270;
	v2 =	vld [tilespmem:s19+$0x0];
	_ =	sdelay $0x1  }
0xfc: {  	v3 =	vld [tilespmem:s18+$0x3500];
	_ =	sdelay $0x1  }
0xfd: {  	v4 =	vld [tilespmem:s18+$0x3780]  }
0xfe: {  	v1 =	vadd.f32 v1, v2  }
0xff: {  	v2 =	vld [tilespmem:s18+$0x3A00]  }
0x100: {  	v1 =	vadd.f32 v3, v1  }
0x101: {  	v3 =	vld [tilespmem:s18+$0x3C80]  }
0x102: {  	v1 =	vadd.f32 v4, v1  }
0x103: {  	v4 =	vld [tilespmem:s18+$0x3F00]  }
0x104: {  	v1 =	vadd.f32 v2, v1  }
0x105: {  	v2 =	vld [tilespmem:s18+$0x4180]  }
0x106: {  	v1 =	vadd.f32 v3, v1  }
0x107: {  	v3 =	vld [tilespmem:s18+$0x4400]  }
0x108: {  	v1 =	vadd.f32 v4, v1  }
0x109: {  	v4 =	vld [tilespmem:s18+$0x4680]  }
0x10a: {  	v1 =	vadd.f32 v2, v1  }
0x10b: {  	v2 =	vld [tilespmem:s18+$0x4900]  }
0x10c: {  	v1 =	vadd.f32 v3, v1  }
0x10d: {  	v3 =	vld [tilespmem:s18+$0x4B80]  }
0x10e: {  	v1 =	vadd.f32 v4, v1  }
0x10f: {  	v4 =	vld [tilespmem:s18+$0x4E00]  }
0x110: {  	v1 =	vadd.f32 v2, v1  }
0x111: {  	v2 =	vld [tilespmem:s18+$0x5080]  }
0x112: {  	v1 =	vadd.f32 v3, v1  }
0x113: {  	v3 =	vld [tilespmem:s18+$0x5300]  }
0x114: {  	v1 =	vadd.f32 v4, v1  }
0x115: {  	v4 =	vld [tilespmem:s18+$0x5580]  }
0x116: {  	v1 =	vadd.f32 v2, v1;
	_ =	sdelay $0x1  }
0x117: {  	v1 =	vadd.f32 v3, v1  }
.Ltmp5:
0x118: {  	(pc) =	sbr.rel @p0 .LBB2_12-.Ltmp5, $4  }
0x119: {  	v1 =	vadd.f32 v4, v1  }
0x11a: {  	s17 =	sadd.s32 $0x10, s17  }
0x11b: {  	s18 =	sand.u32 $0x3F0, s20;
	[tilespmem:s17+$0x0] =	vst v1  }
0x11c: {  	s19 =	sadd.s32 $0x10, s19;
	s20 =	sadd.s32 $0x10, s20;
	v1 =	vld [tilespmem:s18+$0x3280]  }
0x11d: {  	v2 =	vld [tilespmem:s19+$0x0];
	_ =	sdelay $0x1  }
0x11e: {  	v3 =	vld [tilespmem:s18+$0x3500];
	_ =	sdelay $0x1  }
0x11f: {  	v4 =	vld [tilespmem:s18+$0x3780]  }
0x120: {  	v1 =	vadd.f32 v1, v2  }
0x121: {  	v2 =	vld [tilespmem:s18+$0x3A00]  }
0x122: {  	v1 =	vadd.f32 v3, v1  }
0x123: {  	v3 =	vld [tilespmem:s18+$0x3C80]  }
0x124: {  	v1 =	vadd.f32 v4, v1  }
0x125: {  	v60 =	vld [tilespmem:s18+$0x3F00]  }
0x126: {  	v1 =	vadd.f32 v2, v1  }
0x127: {  	v2 =	vld [tilespmem:s18+$0x4180]  }
0x128: {  	v1 =	vadd.f32 v3, v1  }
0x129: {  	v3 =	vld [tilespmem:s18+$0x4400]  }
0x12a: {  	v1 =	vadd.f32 v60, v1  }
0x12b: {  	v61 =	vld [tilespmem:s18+$0x4680]  }
0x12c: {  	v1 =	vadd.f32 v2, v1  }
0x12d: {  	v2 =	vld [tilespmem:s18+$0x4900]  }
0x12e: {  	v1 =	vadd.f32 v3, v1  }
0x12f: {  	v3 =	vld [tilespmem:s18+$0x4B80]  }
0x130: {  	v1 =	vadd.f32 v61, v1  }
0x131: {  	v62 =	vld [tilespmem:s18+$0x4E00]  }
0x132: {  	v1 =	vadd.f32 v2, v1  }
0x133: {  	v2 =	vld [tilespmem:s18+$0x5080]  }
0x134: {  	v1 =	vadd.f32 v3, v1  }
0x135: {  	v3 =	vld [tilespmem:s18+$0x5300]  }
0x136: {  	v1 =	vadd.f32 v62, v1  }
0x137: {  	v63 =	vld [tilespmem:s18+$0x5580]  }
0x138: {  	v1 =	vadd.f32 v2, v1;
	_ =	sdelay $0x1  }
0x139: {  	v1 =	vadd.f32 v3, v1;
	_ =	sdelay $0x1  }
0x13a: {  	s16 =	sadd.s32 $0x1, s16;
	v1 =	vadd.f32 v63, v1  }
0x13b: {  	s17 =	sadd.s32 $0x10, s17;
	p0 =	sne.s32 s16, s25  }
.Ltmp6:
0x13c: {  	[tilespmem:s17+$0x0] =	vst v1;
	(pc) =	sbr.rel @p0 .LBB2_1-.Ltmp6, $4  }
0x13d: {  	[hbm4b:s24+s2] =	stream.linear.scatter [tilespmem:s14], [sflag:$0x1], $0x280, $0x38;
	[tilespmem:$0x8000] =	vst v63  }
0x13e: {  	_ =	swait.ge [sflag:s15], $0x280  }
0x13f: {  	[sflag:s15] =	ssyncset.done $0x0  }
0x140: {  	[sflag:s15] =	ssyncadd.s32 $0xFFFFFD80  }
0x141: {  	_ =	sfence.sel $0x180000  }
0x142: {  	[bflag:$0x0] =	sbarrier.arrive $0xFFFF  }
0x143: {  	_ =	strace $0x90000047  }
0x144: {  	s0 =	stileid.u32;
	[bflag:$0x2] =	sbarrier.arrive $0xFFFF  }
0x145: {  	p0 =	sne.s32 s0, $0x0;
	s0 =	rddreg [dreg:$0x3]  }
0x146: {  	s0 =	sadd.s32 @!p0 $0x100000, s0  }
0x147: {  	[sflag:s0] =	ssyncadd.tile.s32 @!p0 $0x1;
	_ =	shalt  }
.Lfunc_end2:
_tile_overlayer_lowered:
.L_overlay_start_2:
0x148: {  	(tag) =	ssettag $0x2  }
0x149: {  	s0 =	rddreg [dreg:$0x0];
	s2 =	stileid.u32  }
0x14a: {  	s1 =	rddreg [dreg:$0x1];
	p0 =	sne.s32 s2, $0x0  }
0x14b: {  	s3 =	rddreg [dreg:$0x2];
	[bflag:$0x3] =	sbarrier.arrive $0xFFFF;
	s2 =	simm.s32 @!p0 $0x1C01  }
0x14c: {  	[timem:s3], [sflag:s2] =	dma.local @!p0 [hbm:s0], s1  }
0x14d: {  	s0 =	simm.s32 @!p0 $0x1  }
0x14e: {  	_ =	swait.ge @!p0 [sflag:s0], s1  }
0x14f: {  	s1 =	ssub.s32 @!p0 $0x0, s1;
	[sflag:s0] =	ssyncset.done @!p0 $0x0  }
0x150: {  	[sflag:s0] =	ssyncadd.s32 @!p0 s1  }
0x151: {  	[bflag:$0x3] =	sbarrier.arrive $0xFFFF  }
0x152: {  	_ =	shalt  }

</sc_bundles>
